<compile_context>
chip_gen: v7x
topology: tpu7x:2x2x1
jax: 0.10.2.dev20260603
libtpu: 0.0.44.dev20260713+nightly
codegen_flags: <defaults>
</compile_context>

<pallas_src>
import functools

import jax
import jax.numpy as jnp
from jax import lax
from jax.experimental import pallas as pl
from jax.experimental.pallas import tpu as pltpu
from jax.experimental.pallas import tpu_sc as plsc

_VOCAB = 1000000
_MOD = _VOCAB - 1
_FOLD = 48577
_D = 64
_B = 4096
_S = 200
_NCHUNK = 13

_NC, _NS = 2, 16
_NW = _NC * _NS
_ROWS_PER_W = _B // _NW

_G = 2
_GIDX = _G * _S
_NG = _ROWS_PER_W // _G
_GCHUNKS = [(o, min(128, _GIDX - o)) for o in range(0, _GIDX, 128)]


def _fold_mod(x):
    for _ in range(3):
        x = (x >> 20) * jnp.int32(_FOLD) + (x & jnp.int32(0xFFFFF))
    x = jnp.where(x < 0, x + jnp.int32(_MOD), x)
    x = jnp.where(x >= jnp.int32(_MOD), x - jnp.int32(_MOD), x)
    return x


@functools.partial(
    pl.kernel,
    out_type=jax.ShapeDtypeStruct((_B * _S * _D,), jnp.float32),
    mesh=plsc.VectorSubcoreMesh(core_axis_name="c", subcore_axis_name="s"),
    compiler_params=pltpu.CompilerParams(use_tc_tiling_on_sc=False),
    scratch_types=[
        pltpu.VMEM((16 + _GIDX,), jnp.int32),
        pltpu.VMEM((_GIDX + 8,), jnp.int32),
        pltpu.VMEM((_GIDX + 8,), jnp.int32),
        pltpu.VMEM((_GIDX, _D), jnp.float32),
        pltpu.VMEM((_GIDX, _D), jnp.float32),
        pltpu.VMEM((_GIDX * _D,), jnp.float32),
        pltpu.VMEM((_GIDX * _D,), jnp.float32),
        pltpu.VMEM((16,), jnp.float32),
        pltpu.SemaphoreType.DMA,
        pltpu.SemaphoreType.DMA,
        pltpu.SemaphoreType.DMA,
        pltpu.SemaphoreType.DMA,
    ],
)
def _sc_embed(tok_hbm, table_hbm, scale_hbm, out_hbm,
              tok_v, idx_v0, idx_v1, rows_v0, rows_v1, cmp_v0, cmp_v1,
              scale_v, gsem0, gsem1, wsem0, wsem1):
    wid = lax.axis_index("s") * _NC + lax.axis_index("c")
    base_row = wid * _ROWS_PER_W
    table2d = table_hbm

    idx_bufs = (idx_v0, idx_v1)
    row_bufs = (rows_v0, rows_v1)
    cmp_bufs = (cmp_v0, cmp_v1)
    gsems = (gsem0, gsem1)
    wsems = (wsem0, wsem1)

    pltpu.sync_copy(scale_hbm, scale_v)
    sval = scale_v[...]
    tok_v[pl.ds(0, 16)] = jnp.zeros((16,), jnp.int32)

    def hash_group(g, idx_ref):
        t0 = (base_row + g * _G) * _S
        pltpu.sync_copy(tok_hbm.at[pl.ds(t0, _GIDX)], tok_v.at[pl.ds(8, _GIDX)])

        def row_body(ri, carry):
            toff = ri * _S
            for j in range(_NCHUNK):
                a = tok_v[pl.ds(toff + 16 * j + 8, 16)]
                b = tok_v[pl.ds(toff + 16 * j + 7, 16)]
                c = tok_v[pl.ds(toff + 16 * j + 6, 16)]
                x2 = (a * jnp.int32(36313)) ^ (b * jnp.int32(27191))
                x3 = x2 ^ (c * jnp.int32(51647))
                if j == 0:
                    lane = lax.iota(jnp.int32, 16)
                    h = jnp.where(lane == 0, jnp.int32(_MOD),
                                  jnp.where(lane == 1, _fold_mod(x2),
                                            _fold_mod(x3)))
                else:
                    h = _fold_mod(x3)
                idx_ref[pl.ds(toff + 16 * j, 16)] = h
            return carry

        lax.fori_loop(0, _G, row_body, 0)

    def fire_gathers(idx_ref, rows_ref, sem):
        for o, n in _GCHUNKS:
            pltpu.async_copy(table2d.at[idx_ref.at[pl.ds(o, n)]],
                             rows_ref.at[pl.ds(o, n)], sem)

    def wait_gathers(idx_ref, rows_ref, sem):
        for o, n in _GCHUNKS:
            pltpu.make_async_copy(table2d.at[idx_ref.at[pl.ds(o, n)]],
                                  rows_ref.at[pl.ds(o, n)], sem).wait()

    def scale_compact(rows_ref, cmp_ref):
        def body(i, carry):
            for k in range(_D // 16):
                cmp_ref[pl.ds(i * _D + 16 * k, 16)] = (
                    rows_ref[i, pl.ds(16 * k, 16)] * sval)
            return carry
        lax.fori_loop(0, _GIDX, body, 0, unroll=4)

    def fire_writeback(g, cmp_ref, sem):
        o0 = (base_row + g * _G) * _S * _D
        pltpu.async_copy(cmp_ref, out_hbm.at[pl.ds(o0, _GIDX * _D)], sem)

    def wait_writeback(g, cmp_ref, sem):
        o0 = (base_row + g * _G) * _S * _D
        pltpu.make_async_copy(cmp_ref, out_hbm.at[pl.ds(o0, _GIDX * _D)],
                              sem).wait()

    hash_group(jnp.int32(0), idx_bufs[0])
    fire_gathers(idx_bufs[0], row_bufs[0], gsems[0])

    def body(i2, carry):
        for half in range(2):
            g = 2 * i2 + half
            ng = g + 1
            other = 1 - half

            def launch_next():
                hash_group(ng, idx_bufs[other])
                fire_gathers(idx_bufs[other], row_bufs[other], gsems[other])

            if half == 0:
                launch_next()
            else:
                pl.when(ng < _NG)(launch_next)

            wait_gathers(idx_bufs[half], row_bufs[half], gsems[half])

            def free_cmp():
                wait_writeback(g - 2, cmp_bufs[half], wsems[half])
            pl.when(g >= 2)(free_cmp)
            scale_compact(row_bufs[half], cmp_bufs[half])
            fire_writeback(g, cmp_bufs[half], wsems[half])
        return carry

    lax.fori_loop(0, _NG // 2, body, 0)
    wait_writeback(_NG - 2, cmp_bufs[0], wsems[0])
    wait_writeback(_NG - 1, cmp_bufs[1], wsems[1])


def kernel(token_ids, embed_table, scale):
    scale_vec = jnp.full((16,), scale, dtype=jnp.float32)
    out = _sc_embed(token_ids.reshape(-1), embed_table, scale_vec)
    return out.reshape(_B, _S, _D)

# --- scband reference (transcript-rebuilt; emitter-appended) ---
"""Pipeline reference for scband-trigram-hash-embedding-68247030333719 (READ-ONLY COPY).

The authoritative reference and input builder live on the scoring server;
editing this copy changes nothing except your own understanding.
"""

import jax, jax.numpy as jnp
import numpy as np

VOCAB_SIZE = 1000000
EMBED_DIM = 64
BATCH = 4096
SEQ = 200


def trigram_hash(tokens):
    # Faithful port of TrigramHashEmbedding.trigram_hash.
    # torch casts to int32 and relies on int32 wraparound for the
    # multiplicative hashes; jnp int32 arithmetic wraps identically, and
    # both torch's % and jnp's % return results with the sign of the
    # divisor (nonnegative here).
    t = tokens.astype(jnp.int32)
    mod = VOCAB_SIZE - 1
    h0 = jnp.full(t.shape[:-1] + (1,), mod, dtype=jnp.int32)
    h1 = jnp.bitwise_xor(36313 * t[..., 1:2], 27191 * t[..., 0:1]) % mod
    h2 = jnp.bitwise_xor(
        jnp.bitwise_xor(36313 * t[..., 2:], 27191 * t[..., 1:-1]),
        51647 * t[..., :-2],
    ) % mod
    return jnp.concatenate([h0, h1, h2], axis=-1)


def setup_inputs(seed: int = 0) -> dict:
    key = jax.random.key(seed)
    k1, k2 = jax.random.split(key)
    token_ids = jax.random.randint(k1, (BATCH, SEQ), 0, VOCAB_SIZE, dtype=jnp.int32)
    # Learned params. The torch module zero-inits; we use small random values
    # so the benchmark exercises real data movement.
    embed_table = jax.random.normal(k2, (VOCAB_SIZE, EMBED_DIM), dtype=jnp.float32) * 0.02
    scale = jnp.asarray(0.05, dtype=jnp.float32)
    return {"token_ids": token_ids, "embed_table": embed_table, "scale": scale}


def reference(token_ids, embed_table, scale):
    h = trigram_hash(token_ids)                 # [B, S] int32 bucket ids
    out = jnp.take(embed_table, h, axis=0)      # gather -> [B, S, D]
    # embed_dim == model_dim, so proj is None in the torch module
    return out * scale

if __name__ == "__main__":
    import jax
    _d = setup_inputs()
    print(jax.jit(kernel)(*tuple(_d.values())))

</pallas_src>

<mosaic_0001>
#map = affine_map<(d0, d1) -> (0)>
#map1 = affine_map<(d0, d1) -> (0, 0)>
module attributes {stable_mosaic.version = 14 : i64} {
  func.func @_sc_embed(%arg0: i32, %arg1: i32, %arg2: memref<819200xi32, #tpu.memory_space<hbm>>, %arg3: memref<1000000x64xf32, #tpu.memory_space<hbm>>, %arg4: memref<16xf32, #tpu.memory_space<hbm>>, %arg5: memref<52428800xf32, #tpu.memory_space<hbm>>, %arg6: memref<416xi32, #tpu.memory_space<vmem>>, %arg7: memref<408xi32, #tpu.memory_space<vmem>>, %arg8: memref<408xi32, #tpu.memory_space<vmem>>, %arg9: memref<400x64xf32, #tpu.memory_space<vmem>>, %arg10: memref<400x64xf32, #tpu.memory_space<vmem>>, %arg11: memref<25600xf32, #tpu.memory_space<vmem>>, %arg12: memref<25600xf32, #tpu.memory_space<vmem>>, %arg13: memref<16xf32, #tpu.memory_space<vmem>>, %arg14: memref<!tpu.dma_semaphore, #tpu.memory_space<semaphore_mem>>, %arg15: memref<!tpu.dma_semaphore, #tpu.memory_space<semaphore_mem>>, %arg16: memref<!tpu.dma_semaphore, #tpu.memory_space<semaphore_mem>>, %arg17: memref<!tpu.dma_semaphore, #tpu.memory_space<semaphore_mem>>) attributes {dimension_semantics = [#tpu.dimension_semantics<core_parallel>, #tpu.dimension_semantics<subcore_parallel>], iteration_bounds = array<i64: 2, 16>, scalar_prefetch = 0 : i64, scratch_operands = 12 : i64, tpu.core_type = #tpu.core_type<sc_vector_subcore>, window_params = [{transform_indices = #map}, {transform_indices = #map1}, {transform_indices = #map}, {transform_indices = #map}]} {
    %mul3A = arith.constant 2 : i32
    %mul3A_0 = arith.muli %arg1, %mul3A : i32
    %add3A = arith.addi %mul3A_0, %arg0 : i32
    %mul3A_1 = arith.constant 128 : i32
    %mul3A_2 = arith.muli %add3A, %mul3A_1 : i32
    "tpu.region"() ({
      %run_scoped3A = tpu.sem_alloc : memref<!tpu.dma_semaphore, #tpu.memory_space<semaphore_mem>>
      tpu.enqueue_dma source(%arg4 : memref<16xf32, #tpu.memory_space<hbm>>) target(%arg13 : memref<16xf32, #tpu.memory_space<vmem>>) target_semaphore(%run_scoped3A : memref<!tpu.dma_semaphore, #tpu.memory_space<semaphore_mem>>)
      tpu.wait_dma2 semaphore(%run_scoped3A : memref<!tpu.dma_semaphore, #tpu.memory_space<semaphore_mem>>) src(%arg4 : memref<16xf32, #tpu.memory_space<hbm>>) dst(%arg13 : memref<16xf32, #tpu.memory_space<vmem>>)
      tpu.yield
    }) : () -> ()
    %get3A = arith.constant 0 : index
    %get3A_3 = tpu.vector_load %arg13[%get3A] {strides = array<i32>} : memref<16xf32, #tpu.memory_space<vmem>>, vector<16xf32>,
    %get3A_4 = vector.shape_cast %get3A_3 : vector<16xf32> to vector<16xf32>
    %broadcast_in_dim3A = arith.constant 0 : i32
    %broadcast_in_dim3A_5 = vector.broadcast %broadcast_in_dim3A : i32 to vector<16xi32>
    %swap3A = arith.constant 0 : index
    %swap3A_6 = tpu.vector_load %arg6[%swap3A] {strides = array<i32>} : memref<416xi32, #tpu.memory_space<vmem>>, vector<16xi32>,
    %swap3A_7 = vector.shape_cast %swap3A_6 : vector<16xi32> to vector<16xi32>
    %swap3A_8 = vector.shape_cast %broadcast_in_dim3A_5 : vector<16xi32> to vector<16xi32>
    tpu.vector_store %arg6[%swap3A], %swap3A_8 {strides = array<i32>} : memref<416xi32, #tpu.memory_space<vmem>>, vector<16xi32>,
    %mul3A_9 = arith.constant 0 : i32
    %mul3A_10 = arith.constant 2 : i32
    %mul3A_11 = arith.muli %mul3A_9, %mul3A_10 : i32
    %add3A_12 = arith.addi %mul3A_2, %mul3A_11 : i32
    %mul3A_13 = arith.constant 200 : i32
    %mul3A_14 = arith.muli %add3A_12, %mul3A_13 : i32
    "tpu.region"() ({
      %run_scoped3A = tpu.sem_alloc : memref<!tpu.dma_semaphore, #tpu.memory_space<semaphore_mem>>
      %dma_start3A_72 = arith.constant 8 : i32
      %dma_start3A_73 = tpu.memref_slice %arg6[%dma_start3A_72] : memref<416xi32, #tpu.memory_space<vmem>> -> memref<400xi32, #tpu.memory_space<vmem>>
      %dma_start3A_74 = tpu.memref_slice %arg2[%mul3A_14] : memref<819200xi32, #tpu.memory_space<hbm>> -> memref<400xi32, #tpu.memory_space<hbm>>
      %dma_start3A_75 = arith.constant 8 : i32
      %dma_start3A_76 = tpu.memref_slice %arg6[%dma_start3A_75] : memref<416xi32, #tpu.memory_space<vmem>> -> memref<400xi32, #tpu.memory_space<vmem>>
      %dma_start3A_77 = tpu.memref_slice %arg2[%mul3A_14] : memref<819200xi32, #tpu.memory_space<hbm>> -> memref<400xi32, #tpu.memory_space<hbm>>
      tpu.enqueue_dma source(%dma_start3A_77 : memref<400xi32, #tpu.memory_space<hbm>>) target(%dma_start3A_76 : memref<400xi32, #tpu.memory_space<vmem>>) target_semaphore(%run_scoped3A : memref<!tpu.dma_semaphore, #tpu.memory_space<semaphore_mem>>)
      %dma_wait3A_78 = arith.constant 8 : i32
      %dma_wait3A_79 = tpu.memref_slice %arg6[%dma_wait3A_78] : memref<416xi32, #tpu.memory_space<vmem>> -> memref<400xi32, #tpu.memory_space<vmem>>
      %dma_wait3A_80 = tpu.memref_slice %arg2[%mul3A_14] : memref<819200xi32, #tpu.memory_space<hbm>> -> memref<400xi32, #tpu.memory_space<hbm>>
      %dma_wait3A_81 = arith.constant 8 : i32
      %dma_wait3A_82 = tpu.memref_slice %arg6[%dma_wait3A_81] : memref<416xi32, #tpu.memory_space<vmem>> -> memref<400xi32, #tpu.memory_space<vmem>>
      %dma_wait3A_83 = tpu.memref_slice %arg2[%mul3A_14] : memref<819200xi32, #tpu.memory_space<hbm>> -> memref<400xi32, #tpu.memory_space<hbm>>
      tpu.wait_dma2 semaphore(%run_scoped3A : memref<!tpu.dma_semaphore, #tpu.memory_space<semaphore_mem>>) src(%dma_wait3A_83 : memref<400xi32, #tpu.memory_space<hbm>>) dst(%dma_wait3A_82 : memref<400xi32, #tpu.memory_space<vmem>>)
      tpu.yield
    }) : () -> ()
    %scan3A = arith.constant 0 : i32
    %scan3A_15 = arith.constant 0 : i32
    %scan3A_16 = arith.constant 2 : i32
    %scan3A_17 = arith.addi %scan3A_15, %scan3A_16 : i32
    %scan3A_18 = arith.constant 1 : i32
    scf.for %scan3A_72 = %scan3A_15 to %scan3A_17 step %scan3A_18  : i32 {
      %mul3A_73 = arith.constant 200 : i32
      %mul3A_74 = arith.muli %scan3A_72, %mul3A_73 : i32
      %add3A_75 = arith.constant 0 : i32
      %add3A_76 = arith.addi %mul3A_74, %add3A_75 : i32
      %add3A_77 = arith.constant 8 : i32
      %add3A_78 = arith.addi %add3A_76, %add3A_77 : i32
      %get3A_79 = arith.index_cast %add3A_78 : i32 to index
      %get3A_80 = tpu.vector_load %arg6[%get3A_79] {strides = array<i32>} : memref<416xi32, #tpu.memory_space<vmem>>, vector<16xi32>,
      %get3A_81 = vector.shape_cast %get3A_80 : vector<16xi32> to vector<16xi32>
      %add3A_82 = arith.constant 0 : i32
      %add3A_83 = arith.addi %mul3A_74, %add3A_82 : i32
      %add3A_84 = arith.constant 7 : i32
      %add3A_85 = arith.addi %add3A_83, %add3A_84 : i32
      %get3A_86 = arith.index_cast %add3A_85 : i32 to index
      %get3A_87 = tpu.vector_load %arg6[%get3A_86] {strides = array<i32>} : memref<416xi32, #tpu.memory_space<vmem>>, vector<16xi32>,
      %get3A_88 = vector.shape_cast %get3A_87 : vector<16xi32> to vector<16xi32>
      %add3A_89 = arith.constant 0 : i32
      %add3A_90 = arith.addi %mul3A_74, %add3A_89 : i32
      %add3A_91 = arith.constant 6 : i32
      %add3A_92 = arith.addi %add3A_90, %add3A_91 : i32
      %get3A_93 = arith.index_cast %add3A_92 : i32 to index
      %get3A_94 = tpu.vector_load %arg6[%get3A_93] {strides = array<i32>} : memref<416xi32, #tpu.memory_space<vmem>>, vector<16xi32>,
      %get3A_95 = vector.shape_cast %get3A_94 : vector<16xi32> to vector<16xi32>
      %mul3A_96 = arith.constant 36313 : i32
      %mul3A_97 = vector.broadcast %mul3A_96 : i32 to vector<16xi32>
      %mul3A_98 = arith.muli %get3A_81, %mul3A_97 : vector<16xi32>
      %mul3A_99 = arith.constant 27191 : i32
      %mul3A_100 = vector.broadcast %mul3A_99 : i32 to vector<16xi32>
      %mul3A_101 = arith.muli %get3A_88, %mul3A_100 : vector<16xi32>
      %xor3A = arith.xori %mul3A_98, %mul3A_101 : vector<16xi32>
      %mul3A_102 = arith.constant 51647 : i32
      %mul3A_103 = vector.broadcast %mul3A_102 : i32 to vector<16xi32>
      %mul3A_104 = arith.muli %get3A_95, %mul3A_103 : vector<16xi32>
      %xor3A_105 = arith.xori %xor3A, %mul3A_104 : vector<16xi32>
      %iota3A = tpu.iota {dimensions = array<i32: 0>} : vector<16xi32>
      %eq3A = arith.constant 0 : i32
      %eq3A_106 = vector.broadcast %eq3A : i32 to vector<16xi32>
      %eq3A_107 = arith.cmpi eq, %iota3A, %eq3A_106 : vector<16xi32>
      %eq3A_108 = arith.constant 1 : i32
      %eq3A_109 = vector.broadcast %eq3A_108 : i32 to vector<16xi32>
      %eq3A_110 = arith.cmpi eq, %iota3A, %eq3A_109 : vector<16xi32>
      %shift_right_arithmetic3A = arith.constant 20 : i32
      %shift_right_arithmetic3A_111 = vector.broadcast %shift_right_arithmetic3A : i32 to vector<16xi32>
      %shift_right_arithmetic3A_112 = arith.shrsi %xor3A, %shift_right_arithmetic3A_111 : vector<16xi32>
      %mul3A_113 = arith.constant 48577 : i32
      %mul3A_114 = vector.broadcast %mul3A_113 : i32 to vector<16xi32>
      %mul3A_115 = arith.muli %shift_right_arithmetic3A_112, %mul3A_114 : vector<16xi32>
      %and3A = arith.constant 1048575 : i32
      %and3A_116 = vector.broadcast %and3A : i32 to vector<16xi32>
      %and3A_117 = arith.andi %xor3A, %and3A_116 : vector<16xi32>
      %add3A_118 = arith.addi %mul3A_115, %and3A_117 : vector<16xi32>
      %shift_right_arithmetic3A_119 = arith.constant 20 : i32
      %shift_right_arithmetic3A_120 = vector.broadcast %shift_right_arithmetic3A_119 : i32 to vector<16xi32>
      %shift_right_arithmetic3A_121 = arith.shrsi %add3A_118, %shift_right_arithmetic3A_120 : vector<16xi32>
      %mul3A_122 = arith.constant 48577 : i32
      %mul3A_123 = vector.broadcast %mul3A_122 : i32 to vector<16xi32>
      %mul3A_124 = arith.muli %shift_right_arithmetic3A_121, %mul3A_123 : vector<16xi32>
      %and3A_125 = arith.constant 1048575 : i32
      %and3A_126 = vector.broadcast %and3A_125 : i32 to vector<16xi32>
      %and3A_127 = arith.andi %add3A_118, %and3A_126 : vector<16xi32>
      %add3A_128 = arith.addi %mul3A_124, %and3A_127 : vector<16xi32>
      %shift_right_arithmetic3A_129 = arith.constant 20 : i32
      %shift_right_arithmetic3A_130 = vector.broadcast %shift_right_arithmetic3A_129 : i32 to vector<16xi32>
      %shift_right_arithmetic3A_131 = arith.shrsi %add3A_128, %shift_right_arithmetic3A_130 : vector<16xi32>
      %mul3A_132 = arith.constant 48577 : i32
      %mul3A_133 = vector.broadcast %mul3A_132 : i32 to vector<16xi32>
      %mul3A_134 = arith.muli %shift_right_arithmetic3A_131, %mul3A_133 : vector<16xi32>
      %and3A_135 = arith.constant 1048575 : i32
      %and3A_136 = vector.broadcast %and3A_135 : i32 to vector<16xi32>
      %and3A_137 = arith.andi %add3A_128, %and3A_136 : vector<16xi32>
      %add3A_138 = arith.addi %mul3A_134, %and3A_137 : vector<16xi32>
      %lt3A = arith.constant 0 : i32
      %lt3A_139 = vector.broadcast %lt3A : i32 to vector<16xi32>
      %lt3A_140 = arith.cmpi slt, %add3A_138, %lt3A_139 : vector<16xi32>
      %add3A_141 = arith.constant 999999 : i32
      %add3A_142 = vector.broadcast %add3A_141 : i32 to vector<16xi32>
      %add3A_143 = arith.addi %add3A_138, %add3A_142 : vector<16xi32>
      %select_n3A = arith.select %lt3A_140, %add3A_143, %add3A_138 : vector<16xi1>, vector<16xi32>
      %ge3A = arith.constant 999999 : i32
      %ge3A_144 = vector.broadcast %ge3A : i32 to vector<16xi32>
      %ge3A_145 = arith.cmpi sge, %select_n3A, %ge3A_144 : vector<16xi32>
      %sub3A = arith.constant 999999 : i32
      %sub3A_146 = vector.broadcast %sub3A : i32 to vector<16xi32>
      %sub3A_147 = arith.subi %select_n3A, %sub3A_146 : vector<16xi32>
      %select_n3A_148 = arith.select %ge3A_145, %sub3A_147, %select_n3A : vector<16xi1>, vector<16xi32>
      %shift_right_arithmetic3A_149 = arith.constant 20 : i32
      %shift_right_arithmetic3A_150 = vector.broadcast %shift_right_arithmetic3A_149 : i32 to vector<16xi32>
      %shift_right_arithmetic3A_151 = arith.shrsi %xor3A_105, %shift_right_arithmetic3A_150 : vector<16xi32>
      %mul3A_152 = arith.constant 48577 : i32
      %mul3A_153 = vector.broadcast %mul3A_152 : i32 to vector<16xi32>
      %mul3A_154 = arith.muli %shift_right_arithmetic3A_151, %mul3A_153 : vector<16xi32>
      %and3A_155 = arith.constant 1048575 : i32
      %and3A_156 = vector.broadcast %and3A_155 : i32 to vector<16xi32>
      %and3A_157 = arith.andi %xor3A_105, %and3A_156 : vector<16xi32>
      %add3A_158 = arith.addi %mul3A_154, %and3A_157 : vector<16xi32>
      %shift_right_arithmetic3A_159 = arith.constant 20 : i32
      %shift_right_arithmetic3A_160 = vector.broadcast %shift_right_arithmetic3A_159 : i32 to vector<16xi32>
      %shift_right_arithmetic3A_161 = arith.shrsi %add3A_158, %shift_right_arithmetic3A_160 : vector<16xi32>
      %mul3A_162 = arith.constant 48577 : i32
      %mul3A_163 = vector.broadcast %mul3A_162 : i32 to vector<16xi32>
      %mul3A_164 = arith.muli %shift_right_arithmetic3A_161, %mul3A_163 : vector<16xi32>
      %and3A_165 = arith.constant 1048575 : i32
      %and3A_166 = vector.broadcast %and3A_165 : i32 to vector<16xi32>
      %and3A_167 = arith.andi %add3A_158, %and3A_166 : vector<16xi32>
      %add3A_168 = arith.addi %mul3A_164, %and3A_167 : vector<16xi32>
      %shift_right_arithmetic3A_169 = arith.constant 20 : i32
      %shift_right_arithmetic3A_170 = vector.broadcast %shift_right_arithmetic3A_169 : i32 to vector<16xi32>
      %shift_right_arithmetic3A_171 = arith.shrsi %add3A_168, %shift_right_arithmetic3A_170 : vector<16xi32>
      %mul3A_172 = arith.constant 48577 : i32
      %mul3A_173 = vector.broadcast %mul3A_172 : i32 to vector<16xi32>
      %mul3A_174 = arith.muli %shift_right_arithmetic3A_171, %mul3A_173 : vector<16xi32>
      %and3A_175 = arith.constant 1048575 : i32
      %and3A_176 = vector.broadcast %and3A_175 : i32 to vector<16xi32>
      %and3A_177 = arith.andi %add3A_168, %and3A_176 : vector<16xi32>
      %add3A_178 = arith.addi %mul3A_174, %and3A_177 : vector<16xi32>
      %lt3A_179 = arith.constant 0 : i32
      %lt3A_180 = vector.broadcast %lt3A_179 : i32 to vector<16xi32>
      %lt3A_181 = arith.cmpi slt, %add3A_178, %lt3A_180 : vector<16xi32>
      %add3A_182 = arith.constant 999999 : i32
      %add3A_183 = vector.broadcast %add3A_182 : i32 to vector<16xi32>
      %add3A_184 = arith.addi %add3A_178, %add3A_183 : vector<16xi32>
      %select_n3A_185 = arith.select %lt3A_181, %add3A_184, %add3A_178 : vector<16xi1>, vector<16xi32>
      %ge3A_186 = arith.constant 999999 : i32
      %ge3A_187 = vector.broadcast %ge3A_186 : i32 to vector<16xi32>
      %ge3A_188 = arith.cmpi sge, %select_n3A_185, %ge3A_187 : vector<16xi32>
      %sub3A_189 = arith.constant 999999 : i32
      %sub3A_190 = vector.broadcast %sub3A_189 : i32 to vector<16xi32>
      %sub3A_191 = arith.subi %select_n3A_185, %sub3A_190 : vector<16xi32>
      %select_n3A_192 = arith.select %ge3A_188, %sub3A_191, %select_n3A_185 : vector<16xi1>, vector<16xi32>
      %select_n3A_193 = arith.select %eq3A_110, %select_n3A_148, %select_n3A_192 : vector<16xi1>, vector<16xi32>
      %jit3A = arith.constant 999999 : i32
      %broadcast_in_dim3A_194 = vector.broadcast %jit3A : i32 to vector<16xi32>
      %select_n3A_195 = arith.select %eq3A_107, %broadcast_in_dim3A_194, %select_n3A_193 : vector<16xi1>, vector<16xi32>
      %add3A_196 = arith.constant 0 : i32
      %add3A_197 = arith.addi %mul3A_74, %add3A_196 : i32
      %swap3A_198 = arith.index_cast %add3A_197 : i32 to index
      %swap3A_199 = tpu.vector_load %arg7[%swap3A_198] {strides = array<i32>} : memref<408xi32, #tpu.memory_space<vmem>>, vector<16xi32>,
      %swap3A_200 = vector.shape_cast %swap3A_199 : vector<16xi32> to vector<16xi32>
      %swap3A_201 = vector.shape_cast %select_n3A_195 : vector<16xi32> to vector<16xi32>
      tpu.vector_store %arg7[%swap3A_198], %swap3A_201 {strides = array<i32>} : memref<408xi32, #tpu.memory_space<vmem>>, vector<16xi32>,
      %add3A_202 = arith.constant 16 : i32
      %add3A_203 = arith.addi %mul3A_74, %add3A_202 : i32
      %add3A_204 = arith.constant 8 : i32
      %add3A_205 = arith.addi %add3A_203, %add3A_204 : i32
      %get3A_206 = arith.index_cast %add3A_205 : i32 to index
      %get3A_207 = tpu.vector_load %arg6[%get3A_206] {strides = array<i32>} : memref<416xi32, #tpu.memory_space<vmem>>, vector<16xi32>,
      %get3A_208 = vector.shape_cast %get3A_207 : vector<16xi32> to vector<16xi32>
      %add3A_209 = arith.constant 16 : i32
      %add3A_210 = arith.addi %mul3A_74, %add3A_209 : i32
      %add3A_211 = arith.constant 7 : i32
      %add3A_212 = arith.addi %add3A_210, %add3A_211 : i32
      %get3A_213 = arith.index_cast %add3A_212 : i32 to index
      %get3A_214 = tpu.vector_load %arg6[%get3A_213] {strides = array<i32>} : memref<416xi32, #tpu.memory_space<vmem>>, vector<16xi32>,
      %get3A_215 = vector.shape_cast %get3A_214 : vector<16xi32> to vector<16xi32>
      %add3A_216 = arith.constant 16 : i32
      %add3A_217 = arith.addi %mul3A_74, %add3A_216 : i32
      %add3A_218 = arith.constant 6 : i32
      %add3A_219 = arith.addi %add3A_217, %add3A_218 : i32
      %get3A_220 = arith.index_cast %add3A_219 : i32 to index
      %get3A_221 = tpu.vector_load %arg6[%get3A_220] {strides = array<i32>} : memref<416xi32, #tpu.memory_space<vmem>>, vector<16xi32>,
      %get3A_222 = vector.shape_cast %get3A_221 : vector<16xi32> to vector<16xi32>
      %mul3A_223 = arith.constant 36313 : i32
      %mul3A_224 = vector.broadcast %mul3A_223 : i32 to vector<16xi32>
      %mul3A_225 = arith.muli %get3A_208, %mul3A_224 : vector<16xi32>
      %mul3A_226 = arith.constant 27191 : i32
      %mul3A_227 = vector.broadcast %mul3A_226 : i32 to vector<16xi32>
      %mul3A_228 = arith.muli %get3A_215, %mul3A_227 : vector<16xi32>
      %xor3A_229 = arith.xori %mul3A_225, %mul3A_228 : vector<16xi32>
      %mul3A_230 = arith.constant 51647 : i32
      %mul3A_231 = vector.broadcast %mul3A_230 : i32 to vector<16xi32>
      %mul3A_232 = arith.muli %get3A_222, %mul3A_231 : vector<16xi32>
      %xor3A_233 = arith.xori %xor3A_229, %mul3A_232 : vector<16xi32>
      %shift_right_arithmetic3A_234 = arith.constant 20 : i32
      %shift_right_arithmetic3A_235 = vector.broadcast %shift_right_arithmetic3A_234 : i32 to vector<16xi32>
      %shift_right_arithmetic3A_236 = arith.shrsi %xor3A_233, %shift_right_arithmetic3A_235 : vector<16xi32>
      %mul3A_237 = arith.constant 48577 : i32
      %mul3A_238 = vector.broadcast %mul3A_237 : i32 to vector<16xi32>
      %mul3A_239 = arith.muli %shift_right_arithmetic3A_236, %mul3A_238 : vector<16xi32>
      %and3A_240 = arith.constant 1048575 : i32
      %and3A_241 = vector.broadcast %and3A_240 : i32 to vector<16xi32>
      %and3A_242 = arith.andi %xor3A_233, %and3A_241 : vector<16xi32>
      %add3A_243 = arith.addi %mul3A_239, %and3A_242 : vector<16xi32>
      %shift_right_arithmetic3A_244 = arith.constant 20 : i32
      %shift_right_arithmetic3A_245 = vector.broadcast %shift_right_arithmetic3A_244 : i32 to vector<16xi32>
      %shift_right_arithmetic3A_246 = arith.shrsi %add3A_243, %shift_right_arithmetic3A_245 : vector<16xi32>
      %mul3A_247 = arith.constant 48577 : i32
      %mul3A_248 = vector.broadcast %mul3A_247 : i32 to vector<16xi32>
      %mul3A_249 = arith.muli %shift_right_arithmetic3A_246, %mul3A_248 : vector<16xi32>
      %and3A_250 = arith.constant 1048575 : i32
      %and3A_251 = vector.broadcast %and3A_250 : i32 to vector<16xi32>
      %and3A_252 = arith.andi %add3A_243, %and3A_251 : vector<16xi32>
      %add3A_253 = arith.addi %mul3A_249, %and3A_252 : vector<16xi32>
      %shift_right_arithmetic3A_254 = arith.constant 20 : i32
      %shift_right_arithmetic3A_255 = vector.broadcast %shift_right_arithmetic3A_254 : i32 to vector<16xi32>
      %shift_right_arithmetic3A_256 = arith.shrsi %add3A_253, %shift_right_arithmetic3A_255 : vector<16xi32>
      %mul3A_257 = arith.constant 48577 : i32
      %mul3A_258 = vector.broadcast %mul3A_257 : i32 to vector<16xi32>
      %mul3A_259 = arith.muli %shift_right_arithmetic3A_256, %mul3A_258 : vector<16xi32>
      %and3A_260 = arith.constant 1048575 : i32
      %and3A_261 = vector.broadcast %and3A_260 : i32 to vector<16xi32>
      %and3A_262 = arith.andi %add3A_253, %and3A_261 : vector<16xi32>
      %add3A_263 = arith.addi %mul3A_259, %and3A_262 : vector<16xi32>
      %lt3A_264 = arith.constant 0 : i32
      %lt3A_265 = vector.broadcast %lt3A_264 : i32 to vector<16xi32>
      %lt3A_266 = arith.cmpi slt, %add3A_263, %lt3A_265 : vector<16xi32>
      %add3A_267 = arith.constant 999999 : i32
      %add3A_268 = vector.broadcast %add3A_267 : i32 to vector<16xi32>
      %add3A_269 = arith.addi %add3A_263, %add3A_268 : vector<16xi32>
      %select_n3A_270 = arith.select %lt3A_266, %add3A_269, %add3A_263 : vector<16xi1>, vector<16xi32>
      %ge3A_271 = arith.constant 999999 : i32
      %ge3A_272 = vector.broadcast %ge3A_271 : i32 to vector<16xi32>
      %ge3A_273 = arith.cmpi sge, %select_n3A_270, %ge3A_272 : vector<16xi32>
      %sub3A_274 = arith.constant 999999 : i32
      %sub3A_275 = vector.broadcast %sub3A_274 : i32 to vector<16xi32>
      %sub3A_276 = arith.subi %select_n3A_270, %sub3A_275 : vector<16xi32>
      %select_n3A_277 = arith.select %ge3A_273, %sub3A_276, %select_n3A_270 : vector<16xi1>, vector<16xi32>
      %add3A_278 = arith.constant 16 : i32
      %add3A_279 = arith.addi %mul3A_74, %add3A_278 : i32
      %swap3A_280 = arith.index_cast %add3A_279 : i32 to index
      %swap3A_281 = tpu.vector_load %arg7[%swap3A_280] {strides = array<i32>} : memref<408xi32, #tpu.memory_space<vmem>>, vector<16xi32>,
      %swap3A_282 = vector.shape_cast %swap3A_281 : vector<16xi32> to vector<16xi32>
      %swap3A_283 = vector.shape_cast %select_n3A_277 : vector<16xi32> to vector<16xi32>
      tpu.vector_store %arg7[%swap3A_280], %swap3A_283 {strides = array<i32>} : memref<408xi32, #tpu.memory_space<vmem>>, vector<16xi32>,
      %add3A_284 = arith.constant 32 : i32
      %add3A_285 = arith.addi %mul3A_74, %add3A_284 : i32
      %add3A_286 = arith.constant 8 : i32
      %add3A_287 = arith.addi %add3A_285, %add3A_286 : i32
      %get3A_288 = arith.index_cast %add3A_287 : i32 to index
      %get3A_289 = tpu.vector_load %arg6[%get3A_288] {strides = array<i32>} : memref<416xi32, #tpu.memory_space<vmem>>, vector<16xi32>,
      %get3A_290 = vector.shape_cast %get3A_289 : vector<16xi32> to vector<16xi32>
      %add3A_291 = arith.constant 32 : i32
      %add3A_292 = arith.addi %mul3A_74, %add3A_291 : i32
      %add3A_293 = arith.constant 7 : i32
      %add3A_294 = arith.addi %add3A_292, %add3A_293 : i32
      %get3A_295 = arith.index_cast %add3A_294 : i32 to index
      %get3A_296 = tpu.vector_load %arg6[%get3A_295] {strides = array<i32>} : memref<416xi32, #tpu.memory_space<vmem>>, vector<16xi32>,
      %get3A_297 = vector.shape_cast %get3A_296 : vector<16xi32> to vector<16xi32>
      %add3A_298 = arith.constant 32 : i32
      %add3A_299 = arith.addi %mul3A_74, %add3A_298 : i32
      %add3A_300 = arith.constant 6 : i32
      %add3A_301 = arith.addi %add3A_299, %add3A_300 : i32
      %get3A_302 = arith.index_cast %add3A_301 : i32 to index
      %get3A_303 = tpu.vector_load %arg6[%get3A_302] {strides = array<i32>} : memref<416xi32, #tpu.memory_space<vmem>>, vector<16xi32>,
      %get3A_304 = vector.shape_cast %get3A_303 : vector<16xi32> to vector<16xi32>
      %mul3A_305 = arith.constant 36313 : i32
      %mul3A_306 = vector.broadcast %mul3A_305 : i32 to vector<16xi32>
      %mul3A_307 = arith.muli %get3A_290, %mul3A_306 : vector<16xi32>
      %mul3A_308 = arith.constant 27191 : i32
      %mul3A_309 = vector.broadcast %mul3A_308 : i32 to vector<16xi32>
      %mul3A_310 = arith.muli %get3A_297, %mul3A_309 : vector<16xi32>
      %xor3A_311 = arith.xori %mul3A_307, %mul3A_310 : vector<16xi32>
      %mul3A_312 = arith.constant 51647 : i32
      %mul3A_313 = vector.broadcast %mul3A_312 : i32 to vector<16xi32>
      %mul3A_314 = arith.muli %get3A_304, %mul3A_313 : vector<16xi32>
      %xor3A_315 = arith.xori %xor3A_311, %mul3A_314 : vector<16xi32>
      %shift_right_arithmetic3A_316 = arith.constant 20 : i32
      %shift_right_arithmetic3A_317 = vector.broadcast %shift_right_arithmetic3A_316 : i32 to vector<16xi32>
      %shift_right_arithmetic3A_318 = arith.shrsi %xor3A_315, %shift_right_arithmetic3A_317 : vector<16xi32>
      %mul3A_319 = arith.constant 48577 : i32
      %mul3A_320 = vector.broadcast %mul3A_319 : i32 to vector<16xi32>
      %mul3A_321 = arith.muli %shift_right_arithmetic3A_318, %mul3A_320 : vector<16xi32>
      %and3A_322 = arith.constant 1048575 : i32
      %and3A_323 = vector.broadcast %and3A_322 : i32 to vector<16xi32>
      %and3A_324 = arith.andi %xor3A_315, %and3A_323 : vector<16xi32>
      %add3A_325 = arith.addi %mul3A_321, %and3A_324 : vector<16xi32>
      %shift_right_arithmetic3A_326 = arith.constant 20 : i32
      %shift_right_arithmetic3A_327 = vector.broadcast %shift_right_arithmetic3A_326 : i32 to vector<16xi32>
      %shift_right_arithmetic3A_328 = arith.shrsi %add3A_325, %shift_right_arithmetic3A_327 : vector<16xi32>
      %mul3A_329 = arith.constant 48577 : i32
      %mul3A_330 = vector.broadcast %mul3A_329 : i32 to vector<16xi32>
      %mul3A_331 = arith.muli %shift_right_arithmetic3A_328, %mul3A_330 : vector<16xi32>
      %and3A_332 = arith.constant 1048575 : i32
      %and3A_333 = vector.broadcast %and3A_332 : i32 to vector<16xi32>
      %and3A_334 = arith.andi %add3A_325, %and3A_333 : vector<16xi32>
      %add3A_335 = arith.addi %mul3A_331, %and3A_334 : vector<16xi32>
      %shift_right_arithmetic3A_336 = arith.constant 20 : i32
      %shift_right_arithmetic3A_337 = vector.broadcast %shift_right_arithmetic3A_336 : i32 to vector<16xi32>
      %shift_right_arithmetic3A_338 = arith.shrsi %add3A_335, %shift_right_arithmetic3A_337 : vector<16xi32>
      %mul3A_339 = arith.constant 48577 : i32
      %mul3A_340 = vector.broadcast %mul3A_339 : i32 to vector<16xi32>
      %mul3A_341 = arith.muli %shift_right_arithmetic3A_338, %mul3A_340 : vector<16xi32>
      %and3A_342 = arith.constant 1048575 : i32
      %and3A_343 = vector.broadcast %and3A_342 : i32 to vector<16xi32>
      %and3A_344 = arith.andi %add3A_335, %and3A_343 : vector<16xi32>
      %add3A_345 = arith.addi %mul3A_341, %and3A_344 : vector<16xi32>
      %lt3A_346 = arith.constant 0 : i32
      %lt3A_347 = vector.broadcast %lt3A_346 : i32 to vector<16xi32>
      %lt3A_348 = arith.cmpi slt, %add3A_345, %lt3A_347 : vector<16xi32>
      %add3A_349 = arith.constant 999999 : i32
      %add3A_350 = vector.broadcast %add3A_349 : i32 to vector<16xi32>
      %add3A_351 = arith.addi %add3A_345, %add3A_350 : vector<16xi32>
      %select_n3A_352 = arith.select %lt3A_348, %add3A_351, %add3A_345 : vector<16xi1>, vector<16xi32>
      %ge3A_353 = arith.constant 999999 : i32
      %ge3A_354 = vector.broadcast %ge3A_353 : i32 to vector<16xi32>
      %ge3A_355 = arith.cmpi sge, %select_n3A_352, %ge3A_354 : vector<16xi32>
      %sub3A_356 = arith.constant 999999 : i32
      %sub3A_357 = vector.broadcast %sub3A_356 : i32 to vector<16xi32>
      %sub3A_358 = arith.subi %select_n3A_352, %sub3A_357 : vector<16xi32>
      %select_n3A_359 = arith.select %ge3A_355, %sub3A_358, %select_n3A_352 : vector<16xi1>, vector<16xi32>
      %add3A_360 = arith.constant 32 : i32
      %add3A_361 = arith.addi %mul3A_74, %add3A_360 : i32
      %swap3A_362 = arith.index_cast %add3A_361 : i32 to index
      %swap3A_363 = tpu.vector_load %arg7[%swap3A_362] {strides = array<i32>} : memref<408xi32, #tpu.memory_space<vmem>>, vector<16xi32>,
      %swap3A_364 = vector.shape_cast %swap3A_363 : vector<16xi32> to vector<16xi32>
      %swap3A_365 = vector.shape_cast %select_n3A_359 : vector<16xi32> to vector<16xi32>
      tpu.vector_store %arg7[%swap3A_362], %swap3A_365 {strides = array<i32>} : memref<408xi32, #tpu.memory_space<vmem>>, vector<16xi32>,
      %add3A_366 = arith.constant 48 : i32
      %add3A_367 = arith.addi %mul3A_74, %add3A_366 : i32
      %add3A_368 = arith.constant 8 : i32
      %add3A_369 = arith.addi %add3A_367, %add3A_368 : i32
      %get3A_370 = arith.index_cast %add3A_369 : i32 to index
      %get3A_371 = tpu.vector_load %arg6[%get3A_370] {strides = array<i32>} : memref<416xi32, #tpu.memory_space<vmem>>, vector<16xi32>,
      %get3A_372 = vector.shape_cast %get3A_371 : vector<16xi32> to vector<16xi32>
      %add3A_373 = arith.constant 48 : i32
      %add3A_374 = arith.addi %mul3A_74, %add3A_373 : i32
      %add3A_375 = arith.constant 7 : i32
      %add3A_376 = arith.addi %add3A_374, %add3A_375 : i32
      %get3A_377 = arith.index_cast %add3A_376 : i32 to index
      %get3A_378 = tpu.vector_load %arg6[%get3A_377] {strides = array<i32>} : memref<416xi32, #tpu.memory_space<vmem>>, vector<16xi32>,
      %get3A_379 = vector.shape_cast %get3A_378 : vector<16xi32> to vector<16xi32>
      %add3A_380 = arith.constant 48 : i32
      %add3A_381 = arith.addi %mul3A_74, %add3A_380 : i32
      %add3A_382 = arith.constant 6 : i32
      %add3A_383 = arith.addi %add3A_381, %add3A_382 : i32
      %get3A_384 = arith.index_cast %add3A_383 : i32 to index
      %get3A_385 = tpu.vector_load %arg6[%get3A_384] {strides = array<i32>} : memref<416xi32, #tpu.memory_space<vmem>>, vector<16xi32>,
      %get3A_386 = vector.shape_cast %get3A_385 : vector<16xi32> to vector<16xi32>
      %mul3A_387 = arith.constant 36313 : i32
      %mul3A_388 = vector.broadcast %mul3A_387 : i32 to vector<16xi32>
      %mul3A_389 = arith.muli %get3A_372, %mul3A_388 : vector<16xi32>
      %mul3A_390 = arith.constant 27191 : i32
      %mul3A_391 = vector.broadcast %mul3A_390 : i32 to vector<16xi32>
      %mul3A_392 = arith.muli %get3A_379, %mul3A_391 : vector<16xi32>
      %xor3A_393 = arith.xori %mul3A_389, %mul3A_392 : vector<16xi32>
      %mul3A_394 = arith.constant 51647 : i32
      %mul3A_395 = vector.broadcast %mul3A_394 : i32 to vector<16xi32>
      %mul3A_396 = arith.muli %get3A_386, %mul3A_395 : vector<16xi32>
      %xor3A_397 = arith.xori %xor3A_393, %mul3A_396 : vector<16xi32>
      %shift_right_arithmetic3A_398 = arith.constant 20 : i32
      %shift_right_arithmetic3A_399 = vector.broadcast %shift_right_arithmetic3A_398 : i32 to vector<16xi32>
      %shift_right_arithmetic3A_400 = arith.shrsi %xor3A_397, %shift_right_arithmetic3A_399 : vector<16xi32>
      %mul3A_401 = arith.constant 48577 : i32
      %mul3A_402 = vector.broadcast %mul3A_401 : i32 to vector<16xi32>
      %mul3A_403 = arith.muli %shift_right_arithmetic3A_400, %mul3A_402 : vector<16xi32>
      %and3A_404 = arith.constant 1048575 : i32
      %and3A_405 = vector.broadcast %and3A_404 : i32 to vector<16xi32>
      %and3A_406 = arith.andi %xor3A_397, %and3A_405 : vector<16xi32>
      %add3A_407 = arith.addi %mul3A_403, %and3A_406 : vector<16xi32>
      %shift_right_arithmetic3A_408 = arith.constant 20 : i32
      %shift_right_arithmetic3A_409 = vector.broadcast %shift_right_arithmetic3A_408 : i32 to vector<16xi32>
      %shift_right_arithmetic3A_410 = arith.shrsi %add3A_407, %shift_right_arithmetic3A_409 : vector<16xi32>
      %mul3A_411 = arith.constant 48577 : i32
      %mul3A_412 = vector.broadcast %mul3A_411 : i32 to vector<16xi32>
      %mul3A_413 = arith.muli %shift_right_arithmetic3A_410, %mul3A_412 : vector<16xi32>
      %and3A_414 = arith.constant 1048575 : i32
      %and3A_415 = vector.broadcast %and3A_414 : i32 to vector<16xi32>
      %and3A_416 = arith.andi %add3A_407, %and3A_415 : vector<16xi32>
      %add3A_417 = arith.addi %mul3A_413, %and3A_416 : vector<16xi32>
      %shift_right_arithmetic3A_418 = arith.constant 20 : i32
      %shift_right_arithmetic3A_419 = vector.broadcast %shift_right_arithmetic3A_418 : i32 to vector<16xi32>
      %shift_right_arithmetic3A_420 = arith.shrsi %add3A_417, %shift_right_arithmetic3A_419 : vector<16xi32>
      %mul3A_421 = arith.constant 48577 : i32
      %mul3A_422 = vector.broadcast %mul3A_421 : i32 to vector<16xi32>
      %mul3A_423 = arith.muli %shift_right_arithmetic3A_420, %mul3A_422 : vector<16xi32>
      %and3A_424 = arith.constant 1048575 : i32
      %and3A_425 = vector.broadcast %and3A_424 : i32 to vector<16xi32>
      %and3A_426 = arith.andi %add3A_417, %and3A_425 : vector<16xi32>
      %add3A_427 = arith.addi %mul3A_423, %and3A_426 : vector<16xi32>
      %lt3A_428 = arith.constant 0 : i32
      %lt3A_429 = vector.broadcast %lt3A_428 : i32 to vector<16xi32>
      %lt3A_430 = arith.cmpi slt, %add3A_427, %lt3A_429 : vector<16xi32>
      %add3A_431 = arith.constant 999999 : i32
      %add3A_432 = vector.broadcast %add3A_431 : i32 to vector<16xi32>
      %add3A_433 = arith.addi %add3A_427, %add3A_432 : vector<16xi32>
      %select_n3A_434 = arith.select %lt3A_430, %add3A_433, %add3A_427 : vector<16xi1>, vector<16xi32>
      %ge3A_435 = arith.constant 999999 : i32
      %ge3A_436 = vector.broadcast %ge3A_435 : i32 to vector<16xi32>
      %ge3A_437 = arith.cmpi sge, %select_n3A_434, %ge3A_436 : vector<16xi32>
      %sub3A_438 = arith.constant 999999 : i32
      %sub3A_439 = vector.broadcast %sub3A_438 : i32 to vector<16xi32>
      %sub3A_440 = arith.subi %select_n3A_434, %sub3A_439 : vector<16xi32>
      %select_n3A_441 = arith.select %ge3A_437, %sub3A_440, %select_n3A_434 : vector<16xi1>, vector<16xi32>
      %add3A_442 = arith.constant 48 : i32
      %add3A_443 = arith.addi %mul3A_74, %add3A_442 : i32
      %swap3A_444 = arith.index_cast %add3A_443 : i32 to index
      %swap3A_445 = tpu.vector_load %arg7[%swap3A_444] {strides = array<i32>} : memref<408xi32, #tpu.memory_space<vmem>>, vector<16xi32>,
      %swap3A_446 = vector.shape_cast %swap3A_445 : vector<16xi32> to vector<16xi32>
      %swap3A_447 = vector.shape_cast %select_n3A_441 : vector<16xi32> to vector<16xi32>
      tpu.vector_store %arg7[%swap3A_444], %swap3A_447 {strides = array<i32>} : memref<408xi32, #tpu.memory_space<vmem>>, vector<16xi32>,
      %add3A_448 = arith.constant 64 : i32
      %add3A_449 = arith.addi %mul3A_74, %add3A_448 : i32
      %add3A_450 = arith.constant 8 : i32
      %add3A_451 = arith.addi %add3A_449, %add3A_450 : i32
      %get3A_452 = arith.index_cast %add3A_451 : i32 to index
      %get3A_453 = tpu.vector_load %arg6[%get3A_452] {strides = array<i32>} : memref<416xi32, #tpu.memory_space<vmem>>, vector<16xi32>,
      %get3A_454 = vector.shape_cast %get3A_453 : vector<16xi32> to vector<16xi32>
      %add3A_455 = arith.constant 64 : i32
      %add3A_456 = arith.addi %mul3A_74, %add3A_455 : i32
      %add3A_457 = arith.constant 7 : i32
      %add3A_458 = arith.addi %add3A_456, %add3A_457 : i32
      %get3A_459 = arith.index_cast %add3A_458 : i32 to index
      %get3A_460 = tpu.vector_load %arg6[%get3A_459] {strides = array<i32>} : memref<416xi32, #tpu.memory_space<vmem>>, vector<16xi32>,
      %get3A_461 = vector.shape_cast %get3A_460 : vector<16xi32> to vector<16xi32>
      %add3A_462 = arith.constant 64 : i32
      %add3A_463 = arith.addi %mul3A_74, %add3A_462 : i32
      %add3A_464 = arith.constant 6 : i32
      %add3A_465 = arith.addi %add3A_463, %add3A_464 : i32
      %get3A_466 = arith.index_cast %add3A_465 : i32 to index
      %get3A_467 = tpu.vector_load %arg6[%get3A_466] {strides = array<i32>} : memref<416xi32, #tpu.memory_space<vmem>>, vector<16xi32>,
      %get3A_468 = vector.shape_cast %get3A_467 : vector<16xi32> to vector<16xi32>
      %mul3A_469 = arith.constant 36313 : i32
      %mul3A_470 = vector.broadcast %mul3A_469 : i32 to vector<16xi32>
      %mul3A_471 = arith.muli %get3A_454, %mul3A_470 : vector<16xi32>
      %mul3A_472 = arith.constant 27191 : i32
      %mul3A_473 = vector.broadcast %mul3A_472 : i32 to vector<16xi32>
      %mul3A_474 = arith.muli %get3A_461, %mul3A_473 : vector<16xi32>
      %xor3A_475 = arith.xori %mul3A_471, %mul3A_474 : vector<16xi32>
      %mul3A_476 = arith.constant 51647 : i32
      %mul3A_477 = vector.broadcast %mul3A_476 : i32 to vector<16xi32>
      %mul3A_478 = arith.muli %get3A_468, %mul3A_477 : vector<16xi32>
      %xor3A_479 = arith.xori %xor3A_475, %mul3A_478 : vector<16xi32>
      %shift_right_arithmetic3A_480 = arith.constant 20 : i32
      %shift_right_arithmetic3A_481 = vector.broadcast %shift_right_arithmetic3A_480 : i32 to vector<16xi32>
      %shift_right_arithmetic3A_482 = arith.shrsi %xor3A_479, %shift_right_arithmetic3A_481 : vector<16xi32>
      %mul3A_483 = arith.constant 48577 : i32
      %mul3A_484 = vector.broadcast %mul3A_483 : i32 to vector<16xi32>
      %mul3A_485 = arith.muli %shift_right_arithmetic3A_482, %mul3A_484 : vector<16xi32>
      %and3A_486 = arith.constant 1048575 : i32
      %and3A_487 = vector.broadcast %and3A_486 : i32 to vector<16xi32>
      %and3A_488 = arith.andi %xor3A_479, %and3A_487 : vector<16xi32>
      %add3A_489 = arith.addi %mul3A_485, %and3A_488 : vector<16xi32>
      %shift_right_arithmetic3A_490 = arith.constant 20 : i32
      %shift_right_arithmetic3A_491 = vector.broadcast %shift_right_arithmetic3A_490 : i32 to vector<16xi32>
      %shift_right_arithmetic3A_492 = arith.shrsi %add3A_489, %shift_right_arithmetic3A_491 : vector<16xi32>
      %mul3A_493 = arith.constant 48577 : i32
      %mul3A_494 = vector.broadcast %mul3A_493 : i32 to vector<16xi32>
      %mul3A_495 = arith.muli %shift_right_arithmetic3A_492, %mul3A_494 : vector<16xi32>
      %and3A_496 = arith.constant 1048575 : i32
      %and3A_497 = vector.broadcast %and3A_496 : i32 to vector<16xi32>
      %and3A_498 = arith.andi %add3A_489, %and3A_497 : vector<16xi32>
      %add3A_499 = arith.addi %mul3A_495, %and3A_498 : vector<16xi32>
      %shift_right_arithmetic3A_500 = arith.constant 20 : i32
      %shift_right_arithmetic3A_501 = vector.broadcast %shift_right_arithmetic3A_500 : i32 to vector<16xi32>
      %shift_right_arithmetic3A_502 = arith.shrsi %add3A_499, %shift_right_arithmetic3A_501 : vector<16xi32>
      %mul3A_503 = arith.constant 48577 : i32
      %mul3A_504 = vector.broadcast %mul3A_503 : i32 to vector<16xi32>
      %mul3A_505 = arith.muli %shift_right_arithmetic3A_502, %mul3A_504 : vector<16xi32>
      %and3A_506 = arith.constant 1048575 : i32
      %and3A_507 = vector.broadcast %and3A_506 : i32 to vector<16xi32>
      %and3A_508 = arith.andi %add3A_499, %and3A_507 : vector<16xi32>
      %add3A_509 = arith.addi %mul3A_505, %and3A_508 : vector<16xi32>
      %lt3A_510 = arith.constant 0 : i32
      %lt3A_511 = vector.broadcast %lt3A_510 : i32 to vector<16xi32>
      %lt3A_512 = arith.cmpi slt, %add3A_509, %lt3A_511 : vector<16xi32>
      %add3A_513 = arith.constant 999999 : i32
      %add3A_514 = vector.broadcast %add3A_513 : i32 to vector<16xi32>
      %add3A_515 = arith.addi %add3A_509, %add3A_514 : vector<16xi32>
      %select_n3A_516 = arith.select %lt3A_512, %add3A_515, %add3A_509 : vector<16xi1>, vector<16xi32>
      %ge3A_517 = arith.constant 999999 : i32
      %ge3A_518 = vector.broadcast %ge3A_517 : i32 to vector<16xi32>
      %ge3A_519 = arith.cmpi sge, %select_n3A_516, %ge3A_518 : vector<16xi32>
      %sub3A_520 = arith.constant 999999 : i32
      %sub3A_521 = vector.broadcast %sub3A_520 : i32 to vector<16xi32>
      %sub3A_522 = arith.subi %select_n3A_516, %sub3A_521 : vector<16xi32>
      %select_n3A_523 = arith.select %ge3A_519, %sub3A_522, %select_n3A_516 : vector<16xi1>, vector<16xi32>
      %add3A_524 = arith.constant 64 : i32
      %add3A_525 = arith.addi %mul3A_74, %add3A_524 : i32
      %swap3A_526 = arith.index_cast %add3A_525 : i32 to index
      %swap3A_527 = tpu.vector_load %arg7[%swap3A_526] {strides = array<i32>} : memref<408xi32, #tpu.memory_space<vmem>>, vector<16xi32>,
      %swap3A_528 = vector.shape_cast %swap3A_527 : vector<16xi32> to vector<16xi32>
      %swap3A_529 = vector.shape_cast %select_n3A_523 : vector<16xi32> to vector<16xi32>
      tpu.vector_store %arg7[%swap3A_526], %swap3A_529 {strides = array<i32>} : memref<408xi32, #tpu.memory_space<vmem>>, vector<16xi32>,
      %add3A_530 = arith.constant 80 : i32
      %add3A_531 = arith.addi %mul3A_74, %add3A_530 : i32
      %add3A_532 = arith.constant 8 : i32
      %add3A_533 = arith.addi %add3A_531, %add3A_532 : i32
      %get3A_534 = arith.index_cast %add3A_533 : i32 to index
      %get3A_535 = tpu.vector_load %arg6[%get3A_534] {strides = array<i32>} : memref<416xi32, #tpu.memory_space<vmem>>, vector<16xi32>,
      %get3A_536 = vector.shape_cast %get3A_535 : vector<16xi32> to vector<16xi32>
      %add3A_537 = arith.constant 80 : i32
      %add3A_538 = arith.addi %mul3A_74, %add3A_537 : i32
      %add3A_539 = arith.constant 7 : i32
      %add3A_540 = arith.addi %add3A_538, %add3A_539 : i32
      %get3A_541 = arith.index_cast %add3A_540 : i32 to index
      %get3A_542 = tpu.vector_load %arg6[%get3A_541] {strides = array<i32>} : memref<416xi32, #tpu.memory_space<vmem>>, vector<16xi32>,
      %get3A_543 = vector.shape_cast %get3A_542 : vector<16xi32> to vector<16xi32>
      %add3A_544 = arith.constant 80 : i32
      %add3A_545 = arith.addi %mul3A_74, %add3A_544 : i32
      %add3A_546 = arith.constant 6 : i32
      %add3A_547 = arith.addi %add3A_545, %add3A_546 : i32
      %get3A_548 = arith.index_cast %add3A_547 : i32 to index
      %get3A_549 = tpu.vector_load %arg6[%get3A_548] {strides = array<i32>} : memref<416xi32, #tpu.memory_space<vmem>>, vector<16xi32>,
      %get3A_550 = vector.shape_cast %get3A_549 : vector<16xi32> to vector<16xi32>
      %mul3A_551 = arith.constant 36313 : i32
      %mul3A_552 = vector.broadcast %mul3A_551 : i32 to vector<16xi32>
      %mul3A_553 = arith.muli %get3A_536, %mul3A_552 : vector<16xi32>
      %mul3A_554 = arith.constant 27191 : i32
      %mul3A_555 = vector.broadcast %mul3A_554 : i32 to vector<16xi32>
      %mul3A_556 = arith.muli %get3A_543, %mul3A_555 : vector<16xi32>
      %xor3A_557 = arith.xori %mul3A_553, %mul3A_556 : vector<16xi32>
      %mul3A_558 = arith.constant 51647 : i32
      %mul3A_559 = vector.broadcast %mul3A_558 : i32 to vector<16xi32>
      %mul3A_560 = arith.muli %get3A_550, %mul3A_559 : vector<16xi32>
      %xor3A_561 = arith.xori %xor3A_557, %mul3A_560 : vector<16xi32>
      %shift_right_arithmetic3A_562 = arith.constant 20 : i32
      %shift_right_arithmetic3A_563 = vector.broadcast %shift_right_arithmetic3A_562 : i32 to vector<16xi32>
      %shift_right_arithmetic3A_564 = arith.shrsi %xor3A_561, %shift_right_arithmetic3A_563 : vector<16xi32>
      %mul3A_565 = arith.constant 48577 : i32
      %mul3A_566 = vector.broadcast %mul3A_565 : i32 to vector<16xi32>
      %mul3A_567 = arith.muli %shift_right_arithmetic3A_564, %mul3A_566 : vector<16xi32>
      %and3A_568 = arith.constant 1048575 : i32
      %and3A_569 = vector.broadcast %and3A_568 : i32 to vector<16xi32>
      %and3A_570 = arith.andi %xor3A_561, %and3A_569 : vector<16xi32>
      %add3A_571 = arith.addi %mul3A_567, %and3A_570 : vector<16xi32>
      %shift_right_arithmetic3A_572 = arith.constant 20 : i32
      %shift_right_arithmetic3A_573 = vector.broadcast %shift_right_arithmetic3A_572 : i32 to vector<16xi32>
      %shift_right_arithmetic3A_574 = arith.shrsi %add3A_571, %shift_right_arithmetic3A_573 : vector<16xi32>
      %mul3A_575 = arith.constant 48577 : i32
      %mul3A_576 = vector.broadcast %mul3A_575 : i32 to vector<16xi32>
      %mul3A_577 = arith.muli %shift_right_arithmetic3A_574, %mul3A_576 : vector<16xi32>
      %and3A_578 = arith.constant 1048575 : i32
      %and3A_579 = vector.broadcast %and3A_578 : i32 to vector<16xi32>
      %and3A_580 = arith.andi %add3A_571, %and3A_579 : vector<16xi32>
      %add3A_581 = arith.addi %mul3A_577, %and3A_580 : vector<16xi32>
      %shift_right_arithmetic3A_582 = arith.constant 20 : i32
      %shift_right_arithmetic3A_583 = vector.broadcast %shift_right_arithmetic3A_582 : i32 to vector<16xi32>
      %shift_right_arithmetic3A_584 = arith.shrsi %add3A_581, %shift_right_arithmetic3A_583 : vector<16xi32>
      %mul3A_585 = arith.constant 48577 : i32
      %mul3A_586 = vector.broadcast %mul3A_585 : i32 to vector<16xi32>
      %mul3A_587 = arith.muli %shift_right_arithmetic3A_584, %mul3A_586 : vector<16xi32>
      %and3A_588 = arith.constant 1048575 : i32
      %and3A_589 = vector.broadcast %and3A_588 : i32 to vector<16xi32>
      %and3A_590 = arith.andi %add3A_581, %and3A_589 : vector<16xi32>
      %add3A_591 = arith.addi %mul3A_587, %and3A_590 : vector<16xi32>
      %lt3A_592 = arith.constant 0 : i32
      %lt3A_593 = vector.broadcast %lt3A_592 : i32 to vector<16xi32>
      %lt3A_594 = arith.cmpi slt, %add3A_591, %lt3A_593 : vector<16xi32>
      %add3A_595 = arith.constant 999999 : i32
      %add3A_596 = vector.broadcast %add3A_595 : i32 to vector<16xi32>
      %add3A_597 = arith.addi %add3A_591, %add3A_596 : vector<16xi32>
      %select_n3A_598 = arith.select %lt3A_594, %add3A_597, %add3A_591 : vector<16xi1>, vector<16xi32>
      %ge3A_599 = arith.constant 999999 : i32
      %ge3A_600 = vector.broadcast %ge3A_599 : i32 to vector<16xi32>
      %ge3A_601 = arith.cmpi sge, %select_n3A_598, %ge3A_600 : vector<16xi32>
      %sub3A_602 = arith.constant 999999 : i32
      %sub3A_603 = vector.broadcast %sub3A_602 : i32 to vector<16xi32>
      %sub3A_604 = arith.subi %select_n3A_598, %sub3A_603 : vector<16xi32>
      %select_n3A_605 = arith.select %ge3A_601, %sub3A_604, %select_n3A_598 : vector<16xi1>, vector<16xi32>
      %add3A_606 = arith.constant 80 : i32
      %add3A_607 = arith.addi %mul3A_74, %add3A_606 : i32
      %swap3A_608 = arith.index_cast %add3A_607 : i32 to index
      %swap3A_609 = tpu.vector_load %arg7[%swap3A_608] {strides = array<i32>} : memref<408xi32, #tpu.memory_space<vmem>>, vector<16xi32>,
      %swap3A_610 = vector.shape_cast %swap3A_609 : vector<16xi32> to vector<16xi32>
      %swap3A_611 = vector.shape_cast %select_n3A_605 : vector<16xi32> to vector<16xi32>
      tpu.vector_store %arg7[%swap3A_608], %swap3A_611 {strides = array<i32>} : memref<408xi32, #tpu.memory_space<vmem>>, vector<16xi32>,
      %add3A_612 = arith.constant 96 : i32
      %add3A_613 = arith.addi %mul3A_74, %add3A_612 : i32
      %add3A_614 = arith.constant 8 : i32
      %add3A_615 = arith.addi %add3A_613, %add3A_614 : i32
      %get3A_616 = arith.index_cast %add3A_615 : i32 to index
      %get3A_617 = tpu.vector_load %arg6[%get3A_616] {strides = array<i32>} : memref<416xi32, #tpu.memory_space<vmem>>, vector<16xi32>,
      %get3A_618 = vector.shape_cast %get3A_617 : vector<16xi32> to vector<16xi32>
      %add3A_619 = arith.constant 96 : i32
      %add3A_620 = arith.addi %mul3A_74, %add3A_619 : i32
      %add3A_621 = arith.constant 7 : i32
      %add3A_622 = arith.addi %add3A_620, %add3A_621 : i32
      %get3A_623 = arith.index_cast %add3A_622 : i32 to index
      %get3A_624 = tpu.vector_load %arg6[%get3A_623] {strides = array<i32>} : memref<416xi32, #tpu.memory_space<vmem>>, vector<16xi32>,
      %get3A_625 = vector.shape_cast %get3A_624 : vector<16xi32> to vector<16xi32>
      %add3A_626 = arith.constant 96 : i32
      %add3A_627 = arith.addi %mul3A_74, %add3A_626 : i32
      %add3A_628 = arith.constant 6 : i32
      %add3A_629 = arith.addi %add3A_627, %add3A_628 : i32
      %get3A_630 = arith.index_cast %add3A_629 : i32 to index
      %get3A_631 = tpu.vector_load %arg6[%get3A_630] {strides = array<i32>} : memref<416xi32, #tpu.memory_space<vmem>>, vector<16xi32>,
      %get3A_632 = vector.shape_cast %get3A_631 : vector<16xi32> to vector<16xi32>
      %mul3A_633 = arith.constant 36313 : i32
      %mul3A_634 = vector.broadcast %mul3A_633 : i32 to vector<16xi32>
      %mul3A_635 = arith.muli %get3A_618, %mul3A_634 : vector<16xi32>
      %mul3A_636 = arith.constant 27191 : i32
      %mul3A_637 = vector.broadcast %mul3A_636 : i32 to vector<16xi32>
      %mul3A_638 = arith.muli %get3A_625, %mul3A_637 : vector<16xi32>
      %xor3A_639 = arith.xori %mul3A_635, %mul3A_638 : vector<16xi32>
      %mul3A_640 = arith.constant 51647 : i32
      %mul3A_641 = vector.broadcast %mul3A_640 : i32 to vector<16xi32>
      %mul3A_642 = arith.muli %get3A_632, %mul3A_641 : vector<16xi32>
      %xor3A_643 = arith.xori %xor3A_639, %mul3A_642 : vector<16xi32>
      %shift_right_arithmetic3A_644 = arith.constant 20 : i32
      %shift_right_arithmetic3A_645 = vector.broadcast %shift_right_arithmetic3A_644 : i32 to vector<16xi32>
      %shift_right_arithmetic3A_646 = arith.shrsi %xor3A_643, %shift_right_arithmetic3A_645 : vector<16xi32>
      %mul3A_647 = arith.constant 48577 : i32
      %mul3A_648 = vector.broadcast %mul3A_647 : i32 to vector<16xi32>
      %mul3A_649 = arith.muli %shift_right_arithmetic3A_646, %mul3A_648 : vector<16xi32>
      %and3A_650 = arith.constant 1048575 : i32
      %and3A_651 = vector.broadcast %and3A_650 : i32 to vector<16xi32>
      %and3A_652 = arith.andi %xor3A_643, %and3A_651 : vector<16xi32>
      %add3A_653 = arith.addi %mul3A_649, %and3A_652 : vector<16xi32>
      %shift_right_arithmetic3A_654 = arith.constant 20 : i32
      %shift_right_arithmetic3A_655 = vector.broadcast %shift_right_arithmetic3A_654 : i32 to vector<16xi32>
      %shift_right_arithmetic3A_656 = arith.shrsi %add3A_653, %shift_right_arithmetic3A_655 : vector<16xi32>
      %mul3A_657 = arith.constant 48577 : i32
      %mul3A_658 = vector.broadcast %mul3A_657 : i32 to vector<16xi32>
      %mul3A_659 = arith.muli %shift_right_arithmetic3A_656, %mul3A_658 : vector<16xi32>
      %and3A_660 = arith.constant 1048575 : i32
      %and3A_661 = vector.broadcast %and3A_660 : i32 to vector<16xi32>
      %and3A_662 = arith.andi %add3A_653, %and3A_661 : vector<16xi32>
      %add3A_663 = arith.addi %mul3A_659, %and3A_662 : vector<16xi32>
      %shift_right_arithmetic3A_664 = arith.constant 20 : i32
      %shift_right_arithmetic3A_665 = vector.broadcast %shift_right_arithmetic3A_664 : i32 to vector<16xi32>
      %shift_right_arithmetic3A_666 = arith.shrsi %add3A_663, %shift_right_arithmetic3A_665 : vector<16xi32>
      %mul3A_667 = arith.constant 48577 : i32
      %mul3A_668 = vector.broadcast %mul3A_667 : i32 to vector<16xi32>
      %mul3A_669 = arith.muli %shift_right_arithmetic3A_666, %mul3A_668 : vector<16xi32>
      %and3A_670 = arith.constant 1048575 : i32
      %and3A_671 = vector.broadcast %and3A_670 : i32 to vector<16xi32>
      %and3A_672 = arith.andi %add3A_663, %and3A_671 : vector<16xi32>
      %add3A_673 = arith.addi %mul3A_669, %and3A_672 : vector<16xi32>
      %lt3A_674 = arith.constant 0 : i32
      %lt3A_675 = vector.broadcast %lt3A_674 : i32 to vector<16xi32>
      %lt3A_676 = arith.cmpi slt, %add3A_673, %lt3A_675 : vector<16xi32>
      %add3A_677 = arith.constant 999999 : i32
      %add3A_678 = vector.broadcast %add3A_677 : i32 to vector<16xi32>
      %add3A_679 = arith.addi %add3A_673, %add3A_678 : vector<16xi32>
      %select_n3A_680 = arith.select %lt3A_676, %add3A_679, %add3A_673 : vector<16xi1>, vector<16xi32>
      %ge3A_681 = arith.constant 999999 : i32
      %ge3A_682 = vector.broadcast %ge3A_681 : i32 to vector<16xi32>
      %ge3A_683 = arith.cmpi sge, %select_n3A_680, %ge3A_682 : vector<16xi32>
      %sub3A_684 = arith.constant 999999 : i32
      %sub3A_685 = vector.broadcast %sub3A_684 : i32 to vector<16xi32>
      %sub3A_686 = arith.subi %select_n3A_680, %sub3A_685 : vector<16xi32>
      %select_n3A_687 = arith.select %ge3A_683, %sub3A_686, %select_n3A_680 : vector<16xi1>, vector<16xi32>
      %add3A_688 = arith.constant 96 : i32
      %add3A_689 = arith.addi %mul3A_74, %add3A_688 : i32
      %swap3A_690 = arith.index_cast %add3A_689 : i32 to index
      %swap3A_691 = tpu.vector_load %arg7[%swap3A_690] {strides = array<i32>} : memref<408xi32, #tpu.memory_space<vmem>>, vector<16xi32>,
      %swap3A_692 = vector.shape_cast %swap3A_691 : vector<16xi32> to vector<16xi32>
      %swap3A_693 = vector.shape_cast %select_n3A_687 : vector<16xi32> to vector<16xi32>
      tpu.vector_store %arg7[%swap3A_690], %swap3A_693 {strides = array<i32>} : memref<408xi32, #tpu.memory_space<vmem>>, vector<16xi32>,
      %add3A_694 = arith.constant 112 : i32
      %add3A_695 = arith.addi %mul3A_74, %add3A_694 : i32
      %add3A_696 = arith.constant 8 : i32
      %add3A_697 = arith.addi %add3A_695, %add3A_696 : i32
      %get3A_698 = arith.index_cast %add3A_697 : i32 to index
      %get3A_699 = tpu.vector_load %arg6[%get3A_698] {strides = array<i32>} : memref<416xi32, #tpu.memory_space<vmem>>, vector<16xi32>,
      %get3A_700 = vector.shape_cast %get3A_699 : vector<16xi32> to vector<16xi32>
      %add3A_701 = arith.constant 112 : i32
      %add3A_702 = arith.addi %mul3A_74, %add3A_701 : i32
      %add3A_703 = arith.constant 7 : i32
      %add3A_704 = arith.addi %add3A_702, %add3A_703 : i32
      %get3A_705 = arith.index_cast %add3A_704 : i32 to index
      %get3A_706 = tpu.vector_load %arg6[%get3A_705] {strides = array<i32>} : memref<416xi32, #tpu.memory_space<vmem>>, vector<16xi32>,
      %get3A_707 = vector.shape_cast %get3A_706 : vector<16xi32> to vector<16xi32>
      %add3A_708 = arith.constant 112 : i32
      %add3A_709 = arith.addi %mul3A_74, %add3A_708 : i32
      %add3A_710 = arith.constant 6 : i32
      %add3A_711 = arith.addi %add3A_709, %add3A_710 : i32
      %get3A_712 = arith.index_cast %add3A_711 : i32 to index
      %get3A_713 = tpu.vector_load %arg6[%get3A_712] {strides = array<i32>} : memref<416xi32, #tpu.memory_space<vmem>>, vector<16xi32>,
      %get3A_714 = vector.shape_cast %get3A_713 : vector<16xi32> to vector<16xi32>
      %mul3A_715 = arith.constant 36313 : i32
      %mul3A_716 = vector.broadcast %mul3A_715 : i32 to vector<16xi32>
      %mul3A_717 = arith.muli %get3A_700, %mul3A_716 : vector<16xi32>
      %mul3A_718 = arith.constant 27191 : i32
      %mul3A_719 = vector.broadcast %mul3A_718 : i32 to vector<16xi32>
      %mul3A_720 = arith.muli %get3A_707, %mul3A_719 : vector<16xi32>
      %xor3A_721 = arith.xori %mul3A_717, %mul3A_720 : vector<16xi32>
      %mul3A_722 = arith.constant 51647 : i32
      %mul3A_723 = vector.broadcast %mul3A_722 : i32 to vector<16xi32>
      %mul3A_724 = arith.muli %get3A_714, %mul3A_723 : vector<16xi32>
      %xor3A_725 = arith.xori %xor3A_721, %mul3A_724 : vector<16xi32>
      %shift_right_arithmetic3A_726 = arith.constant 20 : i32
      %shift_right_arithmetic3A_727 = vector.broadcast %shift_right_arithmetic3A_726 : i32 to vector<16xi32>
      %shift_right_arithmetic3A_728 = arith.shrsi %xor3A_725, %shift_right_arithmetic3A_727 : vector<16xi32>
      %mul3A_729 = arith.constant 48577 : i32
      %mul3A_730 = vector.broadcast %mul3A_729 : i32 to vector<16xi32>
      %mul3A_731 = arith.muli %shift_right_arithmetic3A_728, %mul3A_730 : vector<16xi32>
      %and3A_732 = arith.constant 1048575 : i32
      %and3A_733 = vector.broadcast %and3A_732 : i32 to vector<16xi32>
      %and3A_734 = arith.andi %xor3A_725, %and3A_733 : vector<16xi32>
      %add3A_735 = arith.addi %mul3A_731, %and3A_734 : vector<16xi32>
      %shift_right_arithmetic3A_736 = arith.constant 20 : i32
      %shift_right_arithmetic3A_737 = vector.broadcast %shift_right_arithmetic3A_736 : i32 to vector<16xi32>
      %shift_right_arithmetic3A_738 = arith.shrsi %add3A_735, %shift_right_arithmetic3A_737 : vector<16xi32>
      %mul3A_739 = arith.constant 48577 : i32
      %mul3A_740 = vector.broadcast %mul3A_739 : i32 to vector<16xi32>
      %mul3A_741 = arith.muli %shift_right_arithmetic3A_738, %mul3A_740 : vector<16xi32>
      %and3A_742 = arith.constant 1048575 : i32
      %and3A_743 = vector.broadcast %and3A_742 : i32 to vector<16xi32>
      %and3A_744 = arith.andi %add3A_735, %and3A_743 : vector<16xi32>
      %add3A_745 = arith.addi %mul3A_741, %and3A_744 : vector<16xi32>
      %shift_right_arithmetic3A_746 = arith.constant 20 : i32
      %shift_right_arithmetic3A_747 = vector.broadcast %shift_right_arithmetic3A_746 : i32 to vector<16xi32>
      %shift_right_arithmetic3A_748 = arith.shrsi %add3A_745, %shift_right_arithmetic3A_747 : vector<16xi32>
      %mul3A_749 = arith.constant 48577 : i32
      %mul3A_750 = vector.broadcast %mul3A_749 : i32 to vector<16xi32>
      %mul3A_751 = arith.muli %shift_right_arithmetic3A_748, %mul3A_750 : vector<16xi32>
      %and3A_752 = arith.constant 1048575 : i32
      %and3A_753 = vector.broadcast %and3A_752 : i32 to vector<16xi32>
      %and3A_754 = arith.andi %add3A_745, %and3A_753 : vector<16xi32>
      %add3A_755 = arith.addi %mul3A_751, %and3A_754 : vector<16xi32>
      %lt3A_756 = arith.constant 0 : i32
      %lt3A_757 = vector.broadcast %lt3A_756 : i32 to vector<16xi32>
      %lt3A_758 = arith.cmpi slt, %add3A_755, %lt3A_757 : vector<16xi32>
      %add3A_759 = arith.constant 999999 : i32
      %add3A_760 = vector.broadcast %add3A_759 : i32 to vector<16xi32>
      %add3A_761 = arith.addi %add3A_755, %add3A_760 : vector<16xi32>
      %select_n3A_762 = arith.select %lt3A_758, %add3A_761, %add3A_755 : vector<16xi1>, vector<16xi32>
      %ge3A_763 = arith.constant 999999 : i32
      %ge3A_764 = vector.broadcast %ge3A_763 : i32 to vector<16xi32>
      %ge3A_765 = arith.cmpi sge, %select_n3A_762, %ge3A_764 : vector<16xi32>
      %sub3A_766 = arith.constant 999999 : i32
      %sub3A_767 = vector.broadcast %sub3A_766 : i32 to vector<16xi32>
      %sub3A_768 = arith.subi %select_n3A_762, %sub3A_767 : vector<16xi32>
      %select_n3A_769 = arith.select %ge3A_765, %sub3A_768, %select_n3A_762 : vector<16xi1>, vector<16xi32>
      %add3A_770 = arith.constant 112 : i32
      %add3A_771 = arith.addi %mul3A_74, %add3A_770 : i32
      %swap3A_772 = arith.index_cast %add3A_771 : i32 to index
      %swap3A_773 = tpu.vector_load %arg7[%swap3A_772] {strides = array<i32>} : memref<408xi32, #tpu.memory_space<vmem>>, vector<16xi32>,
      %swap3A_774 = vector.shape_cast %swap3A_773 : vector<16xi32> to vector<16xi32>
      %swap3A_775 = vector.shape_cast %select_n3A_769 : vector<16xi32> to vector<16xi32>
      tpu.vector_store %arg7[%swap3A_772], %swap3A_775 {strides = array<i32>} : memref<408xi32, #tpu.memory_space<vmem>>, vector<16xi32>,
      %add3A_776 = arith.constant 128 : i32
      %add3A_777 = arith.addi %mul3A_74, %add3A_776 : i32
      %add3A_778 = arith.constant 8 : i32
      %add3A_779 = arith.addi %add3A_777, %add3A_778 : i32
      %get3A_780 = arith.index_cast %add3A_779 : i32 to index
      %get3A_781 = tpu.vector_load %arg6[%get3A_780] {strides = array<i32>} : memref<416xi32, #tpu.memory_space<vmem>>, vector<16xi32>,
      %get3A_782 = vector.shape_cast %get3A_781 : vector<16xi32> to vector<16xi32>
      %add3A_783 = arith.constant 128 : i32
      %add3A_784 = arith.addi %mul3A_74, %add3A_783 : i32
      %add3A_785 = arith.constant 7 : i32
      %add3A_786 = arith.addi %add3A_784, %add3A_785 : i32
      %get3A_787 = arith.index_cast %add3A_786 : i32 to index
      %get3A_788 = tpu.vector_load %arg6[%get3A_787] {strides = array<i32>} : memref<416xi32, #tpu.memory_space<vmem>>, vector<16xi32>,
      %get3A_789 = vector.shape_cast %get3A_788 : vector<16xi32> to vector<16xi32>
      %add3A_790 = arith.constant 128 : i32
      %add3A_791 = arith.addi %mul3A_74, %add3A_790 : i32
      %add3A_792 = arith.constant 6 : i32
      %add3A_793 = arith.addi %add3A_791, %add3A_792 : i32
      %get3A_794 = arith.index_cast %add3A_793 : i32 to index
      %get3A_795 = tpu.vector_load %arg6[%get3A_794] {strides = array<i32>} : memref<416xi32, #tpu.memory_space<vmem>>, vector<16xi32>,
      %get3A_796 = vector.shape_cast %get3A_795 : vector<16xi32> to vector<16xi32>
      %mul3A_797 = arith.constant 36313 : i32
      %mul3A_798 = vector.broadcast %mul3A_797 : i32 to vector<16xi32>
      %mul3A_799 = arith.muli %get3A_782, %mul3A_798 : vector<16xi32>
      %mul3A_800 = arith.constant 27191 : i32
      %mul3A_801 = vector.broadcast %mul3A_800 : i32 to vector<16xi32>
      %mul3A_802 = arith.muli %get3A_789, %mul3A_801 : vector<16xi32>
      %xor3A_803 = arith.xori %mul3A_799, %mul3A_802 : vector<16xi32>
      %mul3A_804 = arith.constant 51647 : i32
      %mul3A_805 = vector.broadcast %mul3A_804 : i32 to vector<16xi32>
      %mul3A_806 = arith.muli %get3A_796, %mul3A_805 : vector<16xi32>
      %xor3A_807 = arith.xori %xor3A_803, %mul3A_806 : vector<16xi32>
      %shift_right_arithmetic3A_808 = arith.constant 20 : i32
      %shift_right_arithmetic3A_809 = vector.broadcast %shift_right_arithmetic3A_808 : i32 to vector<16xi32>
      %shift_right_arithmetic3A_810 = arith.shrsi %xor3A_807, %shift_right_arithmetic3A_809 : vector<16xi32>
      %mul3A_811 = arith.constant 48577 : i32
      %mul3A_812 = vector.broadcast %mul3A_811 : i32 to vector<16xi32>
      %mul3A_813 = arith.muli %shift_right_arithmetic3A_810, %mul3A_812 : vector<16xi32>
      %and3A_814 = arith.constant 1048575 : i32
      %and3A_815 = vector.broadcast %and3A_814 : i32 to vector<16xi32>
      %and3A_816 = arith.andi %xor3A_807, %and3A_815 : vector<16xi32>
      %add3A_817 = arith.addi %mul3A_813, %and3A_816 : vector<16xi32>
      %shift_right_arithmetic3A_818 = arith.constant 20 : i32
      %shift_right_arithmetic3A_819 = vector.broadcast %shift_right_arithmetic3A_818 : i32 to vector<16xi32>
      %shift_right_arithmetic3A_820 = arith.shrsi %add3A_817, %shift_right_arithmetic3A_819 : vector<16xi32>
      %mul3A_821 = arith.constant 48577 : i32
      %mul3A_822 = vector.broadcast %mul3A_821 : i32 to vector<16xi32>
      %mul3A_823 = arith.muli %shift_right_arithmetic3A_820, %mul3A_822 : vector<16xi32>
      %and3A_824 = arith.constant 1048575 : i32
      %and3A_825 = vector.broadcast %and3A_824 : i32 to vector<16xi32>
      %and3A_826 = arith.andi %add3A_817, %and3A_825 : vector<16xi32>
      %add3A_827 = arith.addi %mul3A_823, %and3A_826 : vector<16xi32>
      %shift_right_arithmetic3A_828 = arith.constant 20 : i32
      %shift_right_arithmetic3A_829 = vector.broadcast %shift_right_arithmetic3A_828 : i32 to vector<16xi32>
      %shift_right_arithmetic3A_830 = arith.shrsi %add3A_827, %shift_right_arithmetic3A_829 : vector<16xi32>
      %mul3A_831 = arith.constant 48577 : i32
      %mul3A_832 = vector.broadcast %mul3A_831 : i32 to vector<16xi32>
      %mul3A_833 = arith.muli %shift_right_arithmetic3A_830, %mul3A_832 : vector<16xi32>
      %and3A_834 = arith.constant 1048575 : i32
      %and3A_835 = vector.broadcast %and3A_834 : i32 to vector<16xi32>
      %and3A_836 = arith.andi %add3A_827, %and3A_835 : vector<16xi32>
      %add3A_837 = arith.addi %mul3A_833, %and3A_836 : vector<16xi32>
      %lt3A_838 = arith.constant 0 : i32
      %lt3A_839 = vector.broadcast %lt3A_838 : i32 to vector<16xi32>
      %lt3A_840 = arith.cmpi slt, %add3A_837, %lt3A_839 : vector<16xi32>
      %add3A_841 = arith.constant 999999 : i32
      %add3A_842 = vector.broadcast %add3A_841 : i32 to vector<16xi32>
      %add3A_843 = arith.addi %add3A_837, %add3A_842 : vector<16xi32>
      %select_n3A_844 = arith.select %lt3A_840, %add3A_843, %add3A_837 : vector<16xi1>, vector<16xi32>
      %ge3A_845 = arith.constant 999999 : i32
      %ge3A_846 = vector.broadcast %ge3A_845 : i32 to vector<16xi32>
      %ge3A_847 = arith.cmpi sge, %select_n3A_844, %ge3A_846 : vector<16xi32>
      %sub3A_848 = arith.constant 999999 : i32
      %sub3A_849 = vector.broadcast %sub3A_848 : i32 to vector<16xi32>
      %sub3A_850 = arith.subi %select_n3A_844, %sub3A_849 : vector<16xi32>
      %select_n3A_851 = arith.select %ge3A_847, %sub3A_850, %select_n3A_844 : vector<16xi1>, vector<16xi32>
      %add3A_852 = arith.constant 128 : i32
      %add3A_853 = arith.addi %mul3A_74, %add3A_852 : i32
      %swap3A_854 = arith.index_cast %add3A_853 : i32 to index
      %swap3A_855 = tpu.vector_load %arg7[%swap3A_854] {strides = array<i32>} : memref<408xi32, #tpu.memory_space<vmem>>, vector<16xi32>,
      %swap3A_856 = vector.shape_cast %swap3A_855 : vector<16xi32> to vector<16xi32>
      %swap3A_857 = vector.shape_cast %select_n3A_851 : vector<16xi32> to vector<16xi32>
      tpu.vector_store %arg7[%swap3A_854], %swap3A_857 {strides = array<i32>} : memref<408xi32, #tpu.memory_space<vmem>>, vector<16xi32>,
      %add3A_858 = arith.constant 144 : i32
      %add3A_859 = arith.addi %mul3A_74, %add3A_858 : i32
      %add3A_860 = arith.constant 8 : i32
      %add3A_861 = arith.addi %add3A_859, %add3A_860 : i32
      %get3A_862 = arith.index_cast %add3A_861 : i32 to index
      %get3A_863 = tpu.vector_load %arg6[%get3A_862] {strides = array<i32>} : memref<416xi32, #tpu.memory_space<vmem>>, vector<16xi32>,
      %get3A_864 = vector.shape_cast %get3A_863 : vector<16xi32> to vector<16xi32>
      %add3A_865 = arith.constant 144 : i32
      %add3A_866 = arith.addi %mul3A_74, %add3A_865 : i32
      %add3A_867 = arith.constant 7 : i32
      %add3A_868 = arith.addi %add3A_866, %add3A_867 : i32
      %get3A_869 = arith.index_cast %add3A_868 : i32 to index
      %get3A_870 = tpu.vector_load %arg6[%get3A_869] {strides = array<i32>} : memref<416xi32, #tpu.memory_space<vmem>>, vector<16xi32>,
      %get3A_871 = vector.shape_cast %get3A_870 : vector<16xi32> to vector<16xi32>
      %add3A_872 = arith.constant 144 : i32
      %add3A_873 = arith.addi %mul3A_74, %add3A_872 : i32
      %add3A_874 = arith.constant 6 : i32
      %add3A_875 = arith.addi %add3A_873, %add3A_874 : i32
      %get3A_876 = arith.index_cast %add3A_875 : i32 to index
      %get3A_877 = tpu.vector_load %arg6[%get3A_876] {strides = array<i32>} : memref<416xi32, #tpu.memory_space<vmem>>, vector<16xi32>,
      %get3A_878 = vector.shape_cast %get3A_877 : vector<16xi32> to vector<16xi32>
      %mul3A_879 = arith.constant 36313 : i32
      %mul3A_880 = vector.broadcast %mul3A_879 : i32 to vector<16xi32>
      %mul3A_881 = arith.muli %get3A_864, %mul3A_880 : vector<16xi32>
      %mul3A_882 = arith.constant 27191 : i32
      %mul3A_883 = vector.broadcast %mul3A_882 : i32 to vector<16xi32>
      %mul3A_884 = arith.muli %get3A_871, %mul3A_883 : vector<16xi32>
      %xor3A_885 = arith.xori %mul3A_881, %mul3A_884 : vector<16xi32>
      %mul3A_886 = arith.constant 51647 : i32
      %mul3A_887 = vector.broadcast %mul3A_886 : i32 to vector<16xi32>
      %mul3A_888 = arith.muli %get3A_878, %mul3A_887 : vector<16xi32>
      %xor3A_889 = arith.xori %xor3A_885, %mul3A_888 : vector<16xi32>
      %shift_right_arithmetic3A_890 = arith.constant 20 : i32
      %shift_right_arithmetic3A_891 = vector.broadcast %shift_right_arithmetic3A_890 : i32 to vector<16xi32>
      %shift_right_arithmetic3A_892 = arith.shrsi %xor3A_889, %shift_right_arithmetic3A_891 : vector<16xi32>
      %mul3A_893 = arith.constant 48577 : i32
      %mul3A_894 = vector.broadcast %mul3A_893 : i32 to vector<16xi32>
      %mul3A_895 = arith.muli %shift_right_arithmetic3A_892, %mul3A_894 : vector<16xi32>
      %and3A_896 = arith.constant 1048575 : i32
      %and3A_897 = vector.broadcast %and3A_896 : i32 to vector<16xi32>
      %and3A_898 = arith.andi %xor3A_889, %and3A_897 : vector<16xi32>
      %add3A_899 = arith.addi %mul3A_895, %and3A_898 : vector<16xi32>
      %shift_right_arithmetic3A_900 = arith.constant 20 : i32
      %shift_right_arithmetic3A_901 = vector.broadcast %shift_right_arithmetic3A_900 : i32 to vector<16xi32>
      %shift_right_arithmetic3A_902 = arith.shrsi %add3A_899, %shift_right_arithmetic3A_901 : vector<16xi32>
      %mul3A_903 = arith.constant 48577 : i32
      %mul3A_904 = vector.broadcast %mul3A_903 : i32 to vector<16xi32>
      %mul3A_905 = arith.muli %shift_right_arithmetic3A_902, %mul3A_904 : vector<16xi32>
      %and3A_906 = arith.constant 1048575 : i32
      %and3A_907 = vector.broadcast %and3A_906 : i32 to vector<16xi32>
      %and3A_908 = arith.andi %add3A_899, %and3A_907 : vector<16xi32>
      %add3A_909 = arith.addi %mul3A_905, %and3A_908 : vector<16xi32>
      %shift_right_arithmetic3A_910 = arith.constant 20 : i32
      %shift_right_arithmetic3A_911 = vector.broadcast %shift_right_arithmetic3A_910 : i32 to vector<16xi32>
      %shift_right_arithmetic3A_912 = arith.shrsi %add3A_909, %shift_right_arithmetic3A_911 : vector<16xi32>
      %mul3A_913 = arith.constant 48577 : i32
      %mul3A_914 = vector.broadcast %mul3A_913 : i32 to vector<16xi32>
      %mul3A_915 = arith.muli %shift_right_arithmetic3A_912, %mul3A_914 : vector<16xi32>
      %and3A_916 = arith.constant 1048575 : i32
      %and3A_917 = vector.broadcast %and3A_916 : i32 to vector<16xi32>
      %and3A_918 = arith.andi %add3A_909, %and3A_917 : vector<16xi32>
      %add3A_919 = arith.addi %mul3A_915, %and3A_918 : vector<16xi32>
      %lt3A_920 = arith.constant 0 : i32
      %lt3A_921 = vector.broadcast %lt3A_920 : i32 to vector<16xi32>
      %lt3A_922 = arith.cmpi slt, %add3A_919, %lt3A_921 : vector<16xi32>
      %add3A_923 = arith.constant 999999 : i32
      %add3A_924 = vector.broadcast %add3A_923 : i32 to vector<16xi32>
      %add3A_925 = arith.addi %add3A_919, %add3A_924 : vector<16xi32>
      %select_n3A_926 = arith.select %lt3A_922, %add3A_925, %add3A_919 : vector<16xi1>, vector<16xi32>
      %ge3A_927 = arith.constant 999999 : i32
      %ge3A_928 = vector.broadcast %ge3A_927 : i32 to vector<16xi32>
      %ge3A_929 = arith.cmpi sge, %select_n3A_926, %ge3A_928 : vector<16xi32>
      %sub3A_930 = arith.constant 999999 : i32
      %sub3A_931 = vector.broadcast %sub3A_930 : i32 to vector<16xi32>
      %sub3A_932 = arith.subi %select_n3A_926, %sub3A_931 : vector<16xi32>
      %select_n3A_933 = arith.select %ge3A_929, %sub3A_932, %select_n3A_926 : vector<16xi1>, vector<16xi32>
      %add3A_934 = arith.constant 144 : i32
      %add3A_935 = arith.addi %mul3A_74, %add3A_934 : i32
      %swap3A_936 = arith.index_cast %add3A_935 : i32 to index
      %swap3A_937 = tpu.vector_load %arg7[%swap3A_936] {strides = array<i32>} : memref<408xi32, #tpu.memory_space<vmem>>, vector<16xi32>,
      %swap3A_938 = vector.shape_cast %swap3A_937 : vector<16xi32> to vector<16xi32>
      %swap3A_939 = vector.shape_cast %select_n3A_933 : vector<16xi32> to vector<16xi32>
      tpu.vector_store %arg7[%swap3A_936], %swap3A_939 {strides = array<i32>} : memref<408xi32, #tpu.memory_space<vmem>>, vector<16xi32>,
      %add3A_940 = arith.constant 160 : i32
      %add3A_941 = arith.addi %mul3A_74, %add3A_940 : i32
      %add3A_942 = arith.constant 8 : i32
      %add3A_943 = arith.addi %add3A_941, %add3A_942 : i32
      %get3A_944 = arith.index_cast %add3A_943 : i32 to index
      %get3A_945 = tpu.vector_load %arg6[%get3A_944] {strides = array<i32>} : memref<416xi32, #tpu.memory_space<vmem>>, vector<16xi32>,
      %get3A_946 = vector.shape_cast %get3A_945 : vector<16xi32> to vector<16xi32>
      %add3A_947 = arith.constant 160 : i32
      %add3A_948 = arith.addi %mul3A_74, %add3A_947 : i32
      %add3A_949 = arith.constant 7 : i32
      %add3A_950 = arith.addi %add3A_948, %add3A_949 : i32
      %get3A_951 = arith.index_cast %add3A_950 : i32 to index
      %get3A_952 = tpu.vector_load %arg6[%get3A_951] {strides = array<i32>} : memref<416xi32, #tpu.memory_space<vmem>>, vector<16xi32>,
      %get3A_953 = vector.shape_cast %get3A_952 : vector<16xi32> to vector<16xi32>
      %add3A_954 = arith.constant 160 : i32
      %add3A_955 = arith.addi %mul3A_74, %add3A_954 : i32
      %add3A_956 = arith.constant 6 : i32
      %add3A_957 = arith.addi %add3A_955, %add3A_956 : i32
      %get3A_958 = arith.index_cast %add3A_957 : i32 to index
      %get3A_959 = tpu.vector_load %arg6[%get3A_958] {strides = array<i32>} : memref<416xi32, #tpu.memory_space<vmem>>, vector<16xi32>,
      %get3A_960 = vector.shape_cast %get3A_959 : vector<16xi32> to vector<16xi32>
      %mul3A_961 = arith.constant 36313 : i32
      %mul3A_962 = vector.broadcast %mul3A_961 : i32 to vector<16xi32>
      %mul3A_963 = arith.muli %get3A_946, %mul3A_962 : vector<16xi32>
      %mul3A_964 = arith.constant 27191 : i32
      %mul3A_965 = vector.broadcast %mul3A_964 : i32 to vector<16xi32>
      %mul3A_966 = arith.muli %get3A_953, %mul3A_965 : vector<16xi32>
      %xor3A_967 = arith.xori %mul3A_963, %mul3A_966 : vector<16xi32>
      %mul3A_968 = arith.constant 51647 : i32
      %mul3A_969 = vector.broadcast %mul3A_968 : i32 to vector<16xi32>
      %mul3A_970 = arith.muli %get3A_960, %mul3A_969 : vector<16xi32>
      %xor3A_971 = arith.xori %xor3A_967, %mul3A_970 : vector<16xi32>
      %shift_right_arithmetic3A_972 = arith.constant 20 : i32
      %shift_right_arithmetic3A_973 = vector.broadcast %shift_right_arithmetic3A_972 : i32 to vector<16xi32>
      %shift_right_arithmetic3A_974 = arith.shrsi %xor3A_971, %shift_right_arithmetic3A_973 : vector<16xi32>
      %mul3A_975 = arith.constant 48577 : i32
      %mul3A_976 = vector.broadcast %mul3A_975 : i32 to vector<16xi32>
      %mul3A_977 = arith.muli %shift_right_arithmetic3A_974, %mul3A_976 : vector<16xi32>
      %and3A_978 = arith.constant 1048575 : i32
      %and3A_979 = vector.broadcast %and3A_978 : i32 to vector<16xi32>
      %and3A_980 = arith.andi %xor3A_971, %and3A_979 : vector<16xi32>
      %add3A_981 = arith.addi %mul3A_977, %and3A_980 : vector<16xi32>
      %shift_right_arithmetic3A_982 = arith.constant 20 : i32
      %shift_right_arithmetic3A_983 = vector.broadcast %shift_right_arithmetic3A_982 : i32 to vector<16xi32>
      %shift_right_arithmetic3A_984 = arith.shrsi %add3A_981, %shift_right_arithmetic3A_983 : vector<16xi32>
      %mul3A_985 = arith.constant 48577 : i32
      %mul3A_986 = vector.broadcast %mul3A_985 : i32 to vector<16xi32>
      %mul3A_987 = arith.muli %shift_right_arithmetic3A_984, %mul3A_986 : vector<16xi32>
      %and3A_988 = arith.constant 1048575 : i32
      %and3A_989 = vector.broadcast %and3A_988 : i32 to vector<16xi32>
      %and3A_990 = arith.andi %add3A_981, %and3A_989 : vector<16xi32>
      %add3A_991 = arith.addi %mul3A_987, %and3A_990 : vector<16xi32>
      %shift_right_arithmetic3A_992 = arith.constant 20 : i32
      %shift_right_arithmetic3A_993 = vector.broadcast %shift_right_arithmetic3A_992 : i32 to vector<16xi32>
      %shift_right_arithmetic3A_994 = arith.shrsi %add3A_991, %shift_right_arithmetic3A_993 : vector<16xi32>
      %mul3A_995 = arith.constant 48577 : i32
      %mul3A_996 = vector.broadcast %mul3A_995 : i32 to vector<16xi32>
      %mul3A_997 = arith.muli %shift_right_arithmetic3A_994, %mul3A_996 : vector<16xi32>
      %and3A_998 = arith.constant 1048575 : i32
      %and3A_999 = vector.broadcast %and3A_998 : i32 to vector<16xi32>
      %and3A_1000 = arith.andi %add3A_991, %and3A_999 : vector<16xi32>
      %add3A_1001 = arith.addi %mul3A_997, %and3A_1000 : vector<16xi32>
      %lt3A_1002 = arith.constant 0 : i32
      %lt3A_1003 = vector.broadcast %lt3A_1002 : i32 to vector<16xi32>
      %lt3A_1004 = arith.cmpi slt, %add3A_1001, %lt3A_1003 : vector<16xi32>
      %add3A_1005 = arith.constant 999999 : i32
      %add3A_1006 = vector.broadcast %add3A_1005 : i32 to vector<16xi32>
      %add3A_1007 = arith.addi %add3A_1001, %add3A_1006 : vector<16xi32>
      %select_n3A_1008 = arith.select %lt3A_1004, %add3A_1007, %add3A_1001 : vector<16xi1>, vector<16xi32>
      %ge3A_1009 = arith.constant 999999 : i32
      %ge3A_1010 = vector.broadcast %ge3A_1009 : i32 to vector<16xi32>
      %ge3A_1011 = arith.cmpi sge, %select_n3A_1008, %ge3A_1010 : vector<16xi32>
      %sub3A_1012 = arith.constant 999999 : i32
      %sub3A_1013 = vector.broadcast %sub3A_1012 : i32 to vector<16xi32>
      %sub3A_1014 = arith.subi %select_n3A_1008, %sub3A_1013 : vector<16xi32>
      %select_n3A_1015 = arith.select %ge3A_1011, %sub3A_1014, %select_n3A_1008 : vector<16xi1>, vector<16xi32>
      %add3A_1016 = arith.constant 160 : i32
      %add3A_1017 = arith.addi %mul3A_74, %add3A_1016 : i32
      %swap3A_1018 = arith.index_cast %add3A_1017 : i32 to index
      %swap3A_1019 = tpu.vector_load %arg7[%swap3A_1018] {strides = array<i32>} : memref<408xi32, #tpu.memory_space<vmem>>, vector<16xi32>,
      %swap3A_1020 = vector.shape_cast %swap3A_1019 : vector<16xi32> to vector<16xi32>
      %swap3A_1021 = vector.shape_cast %select_n3A_1015 : vector<16xi32> to vector<16xi32>
      tpu.vector_store %arg7[%swap3A_1018], %swap3A_1021 {strides = array<i32>} : memref<408xi32, #tpu.memory_space<vmem>>, vector<16xi32>,
      %add3A_1022 = arith.constant 176 : i32
      %add3A_1023 = arith.addi %mul3A_74, %add3A_1022 : i32
      %add3A_1024 = arith.constant 8 : i32
      %add3A_1025 = arith.addi %add3A_1023, %add3A_1024 : i32
      %get3A_1026 = arith.index_cast %add3A_1025 : i32 to index
      %get3A_1027 = tpu.vector_load %arg6[%get3A_1026] {strides = array<i32>} : memref<416xi32, #tpu.memory_space<vmem>>, vector<16xi32>,
      %get3A_1028 = vector.shape_cast %get3A_1027 : vector<16xi32> to vector<16xi32>
      %add3A_1029 = arith.constant 176 : i32
      %add3A_1030 = arith.addi %mul3A_74, %add3A_1029 : i32
      %add3A_1031 = arith.constant 7 : i32
      %add3A_1032 = arith.addi %add3A_1030, %add3A_1031 : i32
      %get3A_1033 = arith.index_cast %add3A_1032 : i32 to index
      %get3A_1034 = tpu.vector_load %arg6[%get3A_1033] {strides = array<i32>} : memref<416xi32, #tpu.memory_space<vmem>>, vector<16xi32>,
      %get3A_1035 = vector.shape_cast %get3A_1034 : vector<16xi32> to vector<16xi32>
      %add3A_1036 = arith.constant 176 : i32
      %add3A_1037 = arith.addi %mul3A_74, %add3A_1036 : i32
      %add3A_1038 = arith.constant 6 : i32
      %add3A_1039 = arith.addi %add3A_1037, %add3A_1038 : i32
      %get3A_1040 = arith.index_cast %add3A_1039 : i32 to index
      %get3A_1041 = tpu.vector_load %arg6[%get3A_1040] {strides = array<i32>} : memref<416xi32, #tpu.memory_space<vmem>>, vector<16xi32>,
      %get3A_1042 = vector.shape_cast %get3A_1041 : vector<16xi32> to vector<16xi32>
      %mul3A_1043 = arith.constant 36313 : i32
      %mul3A_1044 = vector.broadcast %mul3A_1043 : i32 to vector<16xi32>
      %mul3A_1045 = arith.muli %get3A_1028, %mul3A_1044 : vector<16xi32>
      %mul3A_1046 = arith.constant 27191 : i32
      %mul3A_1047 = vector.broadcast %mul3A_1046 : i32 to vector<16xi32>
      %mul3A_1048 = arith.muli %get3A_1035, %mul3A_1047 : vector<16xi32>
      %xor3A_1049 = arith.xori %mul3A_1045, %mul3A_1048 : vector<16xi32>
      %mul3A_1050 = arith.constant 51647 : i32
      %mul3A_1051 = vector.broadcast %mul3A_1050 : i32 to vector<16xi32>
      %mul3A_1052 = arith.muli %get3A_1042, %mul3A_1051 : vector<16xi32>
      %xor3A_1053 = arith.xori %xor3A_1049, %mul3A_1052 : vector<16xi32>
      %shift_right_arithmetic3A_1054 = arith.constant 20 : i32
      %shift_right_arithmetic3A_1055 = vector.broadcast %shift_right_arithmetic3A_1054 : i32 to vector<16xi32>
      %shift_right_arithmetic3A_1056 = arith.shrsi %xor3A_1053, %shift_right_arithmetic3A_1055 : vector<16xi32>
      %mul3A_1057 = arith.constant 48577 : i32
      %mul3A_1058 = vector.broadcast %mul3A_1057 : i32 to vector<16xi32>
      %mul3A_1059 = arith.muli %shift_right_arithmetic3A_1056, %mul3A_1058 : vector<16xi32>
      %and3A_1060 = arith.constant 1048575 : i32
      %and3A_1061 = vector.broadcast %and3A_1060 : i32 to vector<16xi32>
      %and3A_1062 = arith.andi %xor3A_1053, %and3A_1061 : vector<16xi32>
      %add3A_1063 = arith.addi %mul3A_1059, %and3A_1062 : vector<16xi32>
      %shift_right_arithmetic3A_1064 = arith.constant 20 : i32
      %shift_right_arithmetic3A_1065 = vector.broadcast %shift_right_arithmetic3A_1064 : i32 to vector<16xi32>
      %shift_right_arithmetic3A_1066 = arith.shrsi %add3A_1063, %shift_right_arithmetic3A_1065 : vector<16xi32>
      %mul3A_1067 = arith.constant 48577 : i32
      %mul3A_1068 = vector.broadcast %mul3A_1067 : i32 to vector<16xi32>
      %mul3A_1069 = arith.muli %shift_right_arithmetic3A_1066, %mul3A_1068 : vector<16xi32>
      %and3A_1070 = arith.constant 1048575 : i32
      %and3A_1071 = vector.broadcast %and3A_1070 : i32 to vector<16xi32>
      %and3A_1072 = arith.andi %add3A_1063, %and3A_1071 : vector<16xi32>
      %add3A_1073 = arith.addi %mul3A_1069, %and3A_1072 : vector<16xi32>
      %shift_right_arithmetic3A_1074 = arith.constant 20 : i32
      %shift_right_arithmetic3A_1075 = vector.broadcast %shift_right_arithmetic3A_1074 : i32 to vector<16xi32>
      %shift_right_arithmetic3A_1076 = arith.shrsi %add3A_1073, %shift_right_arithmetic3A_1075 : vector<16xi32>
      %mul3A_1077 = arith.constant 48577 : i32
      %mul3A_1078 = vector.broadcast %mul3A_1077 : i32 to vector<16xi32>
      %mul3A_1079 = arith.muli %shift_right_arithmetic3A_1076, %mul3A_1078 : vector<16xi32>
      %and3A_1080 = arith.constant 1048575 : i32
      %and3A_1081 = vector.broadcast %and3A_1080 : i32 to vector<16xi32>
      %and3A_1082 = arith.andi %add3A_1073, %and3A_1081 : vector<16xi32>
      %add3A_1083 = arith.addi %mul3A_1079, %and3A_1082 : vector<16xi32>
      %lt3A_1084 = arith.constant 0 : i32
      %lt3A_1085 = vector.broadcast %lt3A_1084 : i32 to vector<16xi32>
      %lt3A_1086 = arith.cmpi slt, %add3A_1083, %lt3A_1085 : vector<16xi32>
      %add3A_1087 = arith.constant 999999 : i32
      %add3A_1088 = vector.broadcast %add3A_1087 : i32 to vector<16xi32>
      %add3A_1089 = arith.addi %add3A_1083, %add3A_1088 : vector<16xi32>
      %select_n3A_1090 = arith.select %lt3A_1086, %add3A_1089, %add3A_1083 : vector<16xi1>, vector<16xi32>
      %ge3A_1091 = arith.constant 999999 : i32
      %ge3A_1092 = vector.broadcast %ge3A_1091 : i32 to vector<16xi32>
      %ge3A_1093 = arith.cmpi sge, %select_n3A_1090, %ge3A_1092 : vector<16xi32>
      %sub3A_1094 = arith.constant 999999 : i32
      %sub3A_1095 = vector.broadcast %sub3A_1094 : i32 to vector<16xi32>
      %sub3A_1096 = arith.subi %select_n3A_1090, %sub3A_1095 : vector<16xi32>
      %select_n3A_1097 = arith.select %ge3A_1093, %sub3A_1096, %select_n3A_1090 : vector<16xi1>, vector<16xi32>
      %add3A_1098 = arith.constant 176 : i32
      %add3A_1099 = arith.addi %mul3A_74, %add3A_1098 : i32
      %swap3A_1100 = arith.index_cast %add3A_1099 : i32 to index
      %swap3A_1101 = tpu.vector_load %arg7[%swap3A_1100] {strides = array<i32>} : memref<408xi32, #tpu.memory_space<vmem>>, vector<16xi32>,
      %swap3A_1102 = vector.shape_cast %swap3A_1101 : vector<16xi32> to vector<16xi32>
      %swap3A_1103 = vector.shape_cast %select_n3A_1097 : vector<16xi32> to vector<16xi32>
      tpu.vector_store %arg7[%swap3A_1100], %swap3A_1103 {strides = array<i32>} : memref<408xi32, #tpu.memory_space<vmem>>, vector<16xi32>,
      %add3A_1104 = arith.constant 192 : i32
      %add3A_1105 = arith.addi %mul3A_74, %add3A_1104 : i32
      %add3A_1106 = arith.constant 8 : i32
      %add3A_1107 = arith.addi %add3A_1105, %add3A_1106 : i32
      %get3A_1108 = arith.index_cast %add3A_1107 : i32 to index
      %get3A_1109 = tpu.vector_load %arg6[%get3A_1108] {strides = array<i32>} : memref<416xi32, #tpu.memory_space<vmem>>, vector<16xi32>,
      %get3A_1110 = vector.shape_cast %get3A_1109 : vector<16xi32> to vector<16xi32>
      %add3A_1111 = arith.constant 192 : i32
      %add3A_1112 = arith.addi %mul3A_74, %add3A_1111 : i32
      %add3A_1113 = arith.constant 7 : i32
      %add3A_1114 = arith.addi %add3A_1112, %add3A_1113 : i32
      %get3A_1115 = arith.index_cast %add3A_1114 : i32 to index
      %get3A_1116 = tpu.vector_load %arg6[%get3A_1115] {strides = array<i32>} : memref<416xi32, #tpu.memory_space<vmem>>, vector<16xi32>,
      %get3A_1117 = vector.shape_cast %get3A_1116 : vector<16xi32> to vector<16xi32>
      %add3A_1118 = arith.constant 192 : i32
      %add3A_1119 = arith.addi %mul3A_74, %add3A_1118 : i32
      %add3A_1120 = arith.constant 6 : i32
      %add3A_1121 = arith.addi %add3A_1119, %add3A_1120 : i32
      %get3A_1122 = arith.index_cast %add3A_1121 : i32 to index
      %get3A_1123 = tpu.vector_load %arg6[%get3A_1122] {strides = array<i32>} : memref<416xi32, #tpu.memory_space<vmem>>, vector<16xi32>,
      %get3A_1124 = vector.shape_cast %get3A_1123 : vector<16xi32> to vector<16xi32>
      %mul3A_1125 = arith.constant 36313 : i32
      %mul3A_1126 = vector.broadcast %mul3A_1125 : i32 to vector<16xi32>
      %mul3A_1127 = arith.muli %get3A_1110, %mul3A_1126 : vector<16xi32>
      %mul3A_1128 = arith.constant 27191 : i32
      %mul3A_1129 = vector.broadcast %mul3A_1128 : i32 to vector<16xi32>
      %mul3A_1130 = arith.muli %get3A_1117, %mul3A_1129 : vector<16xi32>
      %xor3A_1131 = arith.xori %mul3A_1127, %mul3A_1130 : vector<16xi32>
      %mul3A_1132 = arith.constant 51647 : i32
      %mul3A_1133 = vector.broadcast %mul3A_1132 : i32 to vector<16xi32>
      %mul3A_1134 = arith.muli %get3A_1124, %mul3A_1133 : vector<16xi32>
      %xor3A_1135 = arith.xori %xor3A_1131, %mul3A_1134 : vector<16xi32>
      %shift_right_arithmetic3A_1136 = arith.constant 20 : i32
      %shift_right_arithmetic3A_1137 = vector.broadcast %shift_right_arithmetic3A_1136 : i32 to vector<16xi32>
      %shift_right_arithmetic3A_1138 = arith.shrsi %xor3A_1135, %shift_right_arithmetic3A_1137 : vector<16xi32>
      %mul3A_1139 = arith.constant 48577 : i32
      %mul3A_1140 = vector.broadcast %mul3A_1139 : i32 to vector<16xi32>
      %mul3A_1141 = arith.muli %shift_right_arithmetic3A_1138, %mul3A_1140 : vector<16xi32>
      %and3A_1142 = arith.constant 1048575 : i32
      %and3A_1143 = vector.broadcast %and3A_1142 : i32 to vector<16xi32>
      %and3A_1144 = arith.andi %xor3A_1135, %and3A_1143 : vector<16xi32>
      %add3A_1145 = arith.addi %mul3A_1141, %and3A_1144 : vector<16xi32>
      %shift_right_arithmetic3A_1146 = arith.constant 20 : i32
      %shift_right_arithmetic3A_1147 = vector.broadcast %shift_right_arithmetic3A_1146 : i32 to vector<16xi32>
      %shift_right_arithmetic3A_1148 = arith.shrsi %add3A_1145, %shift_right_arithmetic3A_1147 : vector<16xi32>
      %mul3A_1149 = arith.constant 48577 : i32
      %mul3A_1150 = vector.broadcast %mul3A_1149 : i32 to vector<16xi32>
      %mul3A_1151 = arith.muli %shift_right_arithmetic3A_1148, %mul3A_1150 : vector<16xi32>
      %and3A_1152 = arith.constant 1048575 : i32
      %and3A_1153 = vector.broadcast %and3A_1152 : i32 to vector<16xi32>
      %and3A_1154 = arith.andi %add3A_1145, %and3A_1153 : vector<16xi32>
      %add3A_1155 = arith.addi %mul3A_1151, %and3A_1154 : vector<16xi32>
      %shift_right_arithmetic3A_1156 = arith.constant 20 : i32
      %shift_right_arithmetic3A_1157 = vector.broadcast %shift_right_arithmetic3A_1156 : i32 to vector<16xi32>
      %shift_right_arithmetic3A_1158 = arith.shrsi %add3A_1155, %shift_right_arithmetic3A_1157 : vector<16xi32>
      %mul3A_1159 = arith.constant 48577 : i32
      %mul3A_1160 = vector.broadcast %mul3A_1159 : i32 to vector<16xi32>
      %mul3A_1161 = arith.muli %shift_right_arithmetic3A_1158, %mul3A_1160 : vector<16xi32>
      %and3A_1162 = arith.constant 1048575 : i32
      %and3A_1163 = vector.broadcast %and3A_1162 : i32 to vector<16xi32>
      %and3A_1164 = arith.andi %add3A_1155, %and3A_1163 : vector<16xi32>
      %add3A_1165 = arith.addi %mul3A_1161, %and3A_1164 : vector<16xi32>
      %lt3A_1166 = arith.constant 0 : i32
      %lt3A_1167 = vector.broadcast %lt3A_1166 : i32 to vector<16xi32>
      %lt3A_1168 = arith.cmpi slt, %add3A_1165, %lt3A_1167 : vector<16xi32>
      %add3A_1169 = arith.constant 999999 : i32
      %add3A_1170 = vector.broadcast %add3A_1169 : i32 to vector<16xi32>
      %add3A_1171 = arith.addi %add3A_1165, %add3A_1170 : vector<16xi32>
      %select_n3A_1172 = arith.select %lt3A_1168, %add3A_1171, %add3A_1165 : vector<16xi1>, vector<16xi32>
      %ge3A_1173 = arith.constant 999999 : i32
      %ge3A_1174 = vector.broadcast %ge3A_1173 : i32 to vector<16xi32>
      %ge3A_1175 = arith.cmpi sge, %select_n3A_1172, %ge3A_1174 : vector<16xi32>
      %sub3A_1176 = arith.constant 999999 : i32
      %sub3A_1177 = vector.broadcast %sub3A_1176 : i32 to vector<16xi32>
      %sub3A_1178 = arith.subi %select_n3A_1172, %sub3A_1177 : vector<16xi32>
      %select_n3A_1179 = arith.select %ge3A_1175, %sub3A_1178, %select_n3A_1172 : vector<16xi1>, vector<16xi32>
      %add3A_1180 = arith.constant 192 : i32
      %add3A_1181 = arith.addi %mul3A_74, %add3A_1180 : i32
      %swap3A_1182 = arith.index_cast %add3A_1181 : i32 to index
      %swap3A_1183 = tpu.vector_load %arg7[%swap3A_1182] {strides = array<i32>} : memref<408xi32, #tpu.memory_space<vmem>>, vector<16xi32>,
      %swap3A_1184 = vector.shape_cast %swap3A_1183 : vector<16xi32> to vector<16xi32>
      %swap3A_1185 = vector.shape_cast %select_n3A_1179 : vector<16xi32> to vector<16xi32>
      tpu.vector_store %arg7[%swap3A_1182], %swap3A_1185 {strides = array<i32>} : memref<408xi32, #tpu.memory_space<vmem>>, vector<16xi32>,
    }
    %scan3A_19 = arith.constant 2 : i32
    %dma_start3A = arith.constant 0 : i32
    %dma_start3A_20 = arith.constant 0 : i32
    %dma_start3A_21 = tpu.memref_slice %arg9[%dma_start3A, %dma_start3A_20] : memref<400x64xf32, #tpu.memory_space<vmem>> -> memref<128x64xf32, #tpu.memory_space<vmem>>
    %dma_start3A_22 = arith.constant 0 : i32
    %dma_start3A_23 = tpu.memref_slice %arg7[%dma_start3A_22] : memref<408xi32, #tpu.memory_space<vmem>> -> memref<128xi32, #tpu.memory_space<vmem>>
    %dma_start3A_24 = arith.constant 0 : i32
    %dma_start3A_25 = arith.constant 0 : i32
    %dma_start3A_26 = tpu.memref_slice %arg3[%dma_start3A_24, %dma_start3A_25] : memref<1000000x64xf32, #tpu.memory_space<hbm>> -> memref<1000000x64xf32, #tpu.memory_space<hbm>>
    tpu.enqueue_indirect_dma source(%dma_start3A_26 : memref<1000000x64xf32, #tpu.memory_space<hbm>>) target(%dma_start3A_21 : memref<128x64xf32, #tpu.memory_space<vmem>>) offsets(%dma_start3A_23 : memref<128xi32, #tpu.memory_space<vmem>>) semaphore(%arg14 : memref<!tpu.dma_semaphore, #tpu.memory_space<semaphore_mem>>)
    %dma_start3A_27 = arith.constant 128 : i32
    %dma_start3A_28 = arith.constant 0 : i32
    %dma_start3A_29 = tpu.memref_slice %arg9[%dma_start3A_27, %dma_start3A_28] : memref<400x64xf32, #tpu.memory_space<vmem>> -> memref<128x64xf32, #tpu.memory_space<vmem>>
    %dma_start3A_30 = arith.constant 128 : i32
    %dma_start3A_31 = tpu.memref_slice %arg7[%dma_start3A_30] : memref<408xi32, #tpu.memory_space<vmem>> -> memref<128xi32, #tpu.memory_space<vmem>>
    %dma_start3A_32 = arith.constant 0 : i32
    %dma_start3A_33 = arith.constant 0 : i32
    %dma_start3A_34 = tpu.memref_slice %arg3[%dma_start3A_32, %dma_start3A_33] : memref<1000000x64xf32, #tpu.memory_space<hbm>> -> memref<1000000x64xf32, #tpu.memory_space<hbm>>
    tpu.enqueue_indirect_dma source(%dma_start3A_34 : memref<1000000x64xf32, #tpu.memory_space<hbm>>) target(%dma_start3A_29 : memref<128x64xf32, #tpu.memory_space<vmem>>) offsets(%dma_start3A_31 : memref<128xi32, #tpu.memory_space<vmem>>) semaphore(%arg14 : memref<!tpu.dma_semaphore, #tpu.memory_space<semaphore_mem>>)
    %dma_start3A_35 = arith.constant 256 : i32
    %dma_start3A_36 = arith.constant 0 : i32
    %dma_start3A_37 = tpu.memref_slice %arg9[%dma_start3A_35, %dma_start3A_36] : memref<400x64xf32, #tpu.memory_space<vmem>> -> memref<128x64xf32, #tpu.memory_space<vmem>>
    %dma_start3A_38 = arith.constant 256 : i32
    %dma_start3A_39 = tpu.memref_slice %arg7[%dma_start3A_38] : memref<408xi32, #tpu.memory_space<vmem>> -> memref<128xi32, #tpu.memory_space<vmem>>
    %dma_start3A_40 = arith.constant 0 : i32
    %dma_start3A_41 = arith.constant 0 : i32
    %dma_start3A_42 = tpu.memref_slice %arg3[%dma_start3A_40, %dma_start3A_41] : memref<1000000x64xf32, #tpu.memory_space<hbm>> -> memref<1000000x64xf32, #tpu.memory_space<hbm>>
    tpu.enqueue_indirect_dma source(%dma_start3A_42 : memref<1000000x64xf32, #tpu.memory_space<hbm>>) target(%dma_start3A_37 : memref<128x64xf32, #tpu.memory_space<vmem>>) offsets(%dma_start3A_39 : memref<128xi32, #tpu.memory_space<vmem>>) semaphore(%arg14 : memref<!tpu.dma_semaphore, #tpu.memory_space<semaphore_mem>>)
    %dma_start3A_43 = arith.constant 384 : i32
    %dma_start3A_44 = arith.constant 0 : i32
    %dma_start3A_45 = tpu.memref_slice %arg9[%dma_start3A_43, %dma_start3A_44] : memref<400x64xf32, #tpu.memory_space<vmem>> -> memref<16x64xf32, #tpu.memory_space<vmem>>
    %dma_start3A_46 = arith.constant 384 : i32
    %dma_start3A_47 = tpu.memref_slice %arg7[%dma_start3A_46] : memref<408xi32, #tpu.memory_space<vmem>> -> memref<16xi32, #tpu.memory_space<vmem>>
    %dma_start3A_48 = arith.constant 0 : i32
    %dma_start3A_49 = arith.constant 0 : i32
    %dma_start3A_50 = tpu.memref_slice %arg3[%dma_start3A_48, %dma_start3A_49] : memref<1000000x64xf32, #tpu.memory_space<hbm>> -> memref<1000000x64xf32, #tpu.memory_space<hbm>>
    tpu.enqueue_indirect_dma source(%dma_start3A_50 : memref<1000000x64xf32, #tpu.memory_space<hbm>>) target(%dma_start3A_45 : memref<16x64xf32, #tpu.memory_space<vmem>>) offsets(%dma_start3A_47 : memref<16xi32, #tpu.memory_space<vmem>>) semaphore(%arg14 : memref<!tpu.dma_semaphore, #tpu.memory_space<semaphore_mem>>)
    %scan3A_51 = arith.constant 0 : i32
    %scan3A_52 = arith.constant 0 : i32
    %scan3A_53 = arith.constant 32 : i32
    %scan3A_54 = arith.addi %scan3A_52, %scan3A_53 : i32
    %scan3A_55 = arith.constant 1 : i32
    scf.for %scan3A_72 = %scan3A_52 to %scan3A_54 step %scan3A_55  : i32 {
      %mul3A_73 = arith.constant 2 : i32
      %mul3A_74 = arith.muli %mul3A_73, %scan3A_72 : i32
      %add3A_75 = arith.constant 0 : i32
      %add3A_76 = arith.addi %mul3A_74, %add3A_75 : i32
      %add3A_77 = arith.constant 1 : i32
      %add3A_78 = arith.addi %add3A_76, %add3A_77 : i32
      %mul3A_79 = arith.constant 2 : i32
      %mul3A_80 = arith.muli %add3A_78, %mul3A_79 : i32
      %add3A_81 = arith.addi %mul3A_2, %mul3A_80 : i32
      %mul3A_82 = arith.constant 200 : i32
      %mul3A_83 = arith.muli %add3A_81, %mul3A_82 : i32
      "tpu.region"() ({
        %run_scoped3A = tpu.sem_alloc : memref<!tpu.dma_semaphore, #tpu.memory_space<semaphore_mem>>
        %dma_start3A_233 = arith.constant 8 : i32
        %dma_start3A_234 = tpu.memref_slice %arg6[%dma_start3A_233] : memref<416xi32, #tpu.memory_space<vmem>> -> memref<400xi32, #tpu.memory_space<vmem>>
        %dma_start3A_235 = tpu.memref_slice %arg2[%mul3A_83] : memref<819200xi32, #tpu.memory_space<hbm>> -> memref<400xi32, #tpu.memory_space<hbm>>
        %dma_start3A_236 = arith.constant 8 : i32
        %dma_start3A_237 = tpu.memref_slice %arg6[%dma_start3A_236] : memref<416xi32, #tpu.memory_space<vmem>> -> memref<400xi32, #tpu.memory_space<vmem>>
        %dma_start3A_238 = tpu.memref_slice %arg2[%mul3A_83] : memref<819200xi32, #tpu.memory_space<hbm>> -> memref<400xi32, #tpu.memory_space<hbm>>
        tpu.enqueue_dma source(%dma_start3A_238 : memref<400xi32, #tpu.memory_space<hbm>>) target(%dma_start3A_237 : memref<400xi32, #tpu.memory_space<vmem>>) target_semaphore(%run_scoped3A : memref<!tpu.dma_semaphore, #tpu.memory_space<semaphore_mem>>)
        %dma_wait3A_239 = arith.constant 8 : i32
        %dma_wait3A_240 = tpu.memref_slice %arg6[%dma_wait3A_239] : memref<416xi32, #tpu.memory_space<vmem>> -> memref<400xi32, #tpu.memory_space<vmem>>
        %dma_wait3A_241 = tpu.memref_slice %arg2[%mul3A_83] : memref<819200xi32, #tpu.memory_space<hbm>> -> memref<400xi32, #tpu.memory_space<hbm>>
        %dma_wait3A_242 = arith.constant 8 : i32
        %dma_wait3A_243 = tpu.memref_slice %arg6[%dma_wait3A_242] : memref<416xi32, #tpu.memory_space<vmem>> -> memref<400xi32, #tpu.memory_space<vmem>>
        %dma_wait3A_244 = tpu.memref_slice %arg2[%mul3A_83] : memref<819200xi32, #tpu.memory_space<hbm>> -> memref<400xi32, #tpu.memory_space<hbm>>
        tpu.wait_dma2 semaphore(%run_scoped3A : memref<!tpu.dma_semaphore, #tpu.memory_space<semaphore_mem>>) src(%dma_wait3A_244 : memref<400xi32, #tpu.memory_space<hbm>>) dst(%dma_wait3A_243 : memref<400xi32, #tpu.memory_space<vmem>>)
        tpu.yield
      }) : () -> ()
      %scan3A_84 = arith.constant 0 : i32
      %scan3A_85 = arith.constant 0 : i32
      %scan3A_86 = arith.constant 2 : i32
      %scan3A_87 = arith.addi %scan3A_85, %scan3A_86 : i32
      %scan3A_88 = arith.constant 1 : i32
      scf.for %scan3A_233 = %scan3A_85 to %scan3A_87 step %scan3A_88  : i32 {
        %mul3A_234 = arith.constant 200 : i32
        %mul3A_235 = arith.muli %scan3A_233, %mul3A_234 : i32
        %add3A_236 = arith.constant 0 : i32
        %add3A_237 = arith.addi %mul3A_235, %add3A_236 : i32
        %add3A_238 = arith.constant 8 : i32
        %add3A_239 = arith.addi %add3A_237, %add3A_238 : i32
        %get3A_240 = arith.index_cast %add3A_239 : i32 to index
        %get3A_241 = tpu.vector_load %arg6[%get3A_240] {strides = array<i32>} : memref<416xi32, #tpu.memory_space<vmem>>, vector<16xi32>,
        %get3A_242 = vector.shape_cast %get3A_241 : vector<16xi32> to vector<16xi32>
        %add3A_243 = arith.constant 0 : i32
        %add3A_244 = arith.addi %mul3A_235, %add3A_243 : i32
        %add3A_245 = arith.constant 7 : i32
        %add3A_246 = arith.addi %add3A_244, %add3A_245 : i32
        %get3A_247 = arith.index_cast %add3A_246 : i32 to index
        %get3A_248 = tpu.vector_load %arg6[%get3A_247] {strides = array<i32>} : memref<416xi32, #tpu.memory_space<vmem>>, vector<16xi32>,
        %get3A_249 = vector.shape_cast %get3A_248 : vector<16xi32> to vector<16xi32>
        %add3A_250 = arith.constant 0 : i32
        %add3A_251 = arith.addi %mul3A_235, %add3A_250 : i32
        %add3A_252 = arith.constant 6 : i32
        %add3A_253 = arith.addi %add3A_251, %add3A_252 : i32
        %get3A_254 = arith.index_cast %add3A_253 : i32 to index
        %get3A_255 = tpu.vector_load %arg6[%get3A_254] {strides = array<i32>} : memref<416xi32, #tpu.memory_space<vmem>>, vector<16xi32>,
        %get3A_256 = vector.shape_cast %get3A_255 : vector<16xi32> to vector<16xi32>
        %mul3A_257 = arith.constant 36313 : i32
        %mul3A_258 = vector.broadcast %mul3A_257 : i32 to vector<16xi32>
        %mul3A_259 = arith.muli %get3A_242, %mul3A_258 : vector<16xi32>
        %mul3A_260 = arith.constant 27191 : i32
        %mul3A_261 = vector.broadcast %mul3A_260 : i32 to vector<16xi32>
        %mul3A_262 = arith.muli %get3A_249, %mul3A_261 : vector<16xi32>
        %xor3A = arith.xori %mul3A_259, %mul3A_262 : vector<16xi32>
        %mul3A_263 = arith.constant 51647 : i32
        %mul3A_264 = vector.broadcast %mul3A_263 : i32 to vector<16xi32>
        %mul3A_265 = arith.muli %get3A_256, %mul3A_264 : vector<16xi32>
        %xor3A_266 = arith.xori %xor3A, %mul3A_265 : vector<16xi32>
        %iota3A = tpu.iota {dimensions = array<i32: 0>} : vector<16xi32>
        %eq3A = arith.constant 0 : i32
        %eq3A_267 = vector.broadcast %eq3A : i32 to vector<16xi32>
        %eq3A_268 = arith.cmpi eq, %iota3A, %eq3A_267 : vector<16xi32>
        %eq3A_269 = arith.constant 1 : i32
        %eq3A_270 = vector.broadcast %eq3A_269 : i32 to vector<16xi32>
        %eq3A_271 = arith.cmpi eq, %iota3A, %eq3A_270 : vector<16xi32>
        %shift_right_arithmetic3A = arith.constant 20 : i32
        %shift_right_arithmetic3A_272 = vector.broadcast %shift_right_arithmetic3A : i32 to vector<16xi32>
        %shift_right_arithmetic3A_273 = arith.shrsi %xor3A, %shift_right_arithmetic3A_272 : vector<16xi32>
        %mul3A_274 = arith.constant 48577 : i32
        %mul3A_275 = vector.broadcast %mul3A_274 : i32 to vector<16xi32>
        %mul3A_276 = arith.muli %shift_right_arithmetic3A_273, %mul3A_275 : vector<16xi32>
        %and3A = arith.constant 1048575 : i32
        %and3A_277 = vector.broadcast %and3A : i32 to vector<16xi32>
        %and3A_278 = arith.andi %xor3A, %and3A_277 : vector<16xi32>
        %add3A_279 = arith.addi %mul3A_276, %and3A_278 : vector<16xi32>
        %shift_right_arithmetic3A_280 = arith.constant 20 : i32
        %shift_right_arithmetic3A_281 = vector.broadcast %shift_right_arithmetic3A_280 : i32 to vector<16xi32>
        %shift_right_arithmetic3A_282 = arith.shrsi %add3A_279, %shift_right_arithmetic3A_281 : vector<16xi32>
        %mul3A_283 = arith.constant 48577 : i32
        %mul3A_284 = vector.broadcast %mul3A_283 : i32 to vector<16xi32>
        %mul3A_285 = arith.muli %shift_right_arithmetic3A_282, %mul3A_284 : vector<16xi32>
        %and3A_286 = arith.constant 1048575 : i32
        %and3A_287 = vector.broadcast %and3A_286 : i32 to vector<16xi32>
        %and3A_288 = arith.andi %add3A_279, %and3A_287 : vector<16xi32>
        %add3A_289 = arith.addi %mul3A_285, %and3A_288 : vector<16xi32>
        %shift_right_arithmetic3A_290 = arith.constant 20 : i32
        %shift_right_arithmetic3A_291 = vector.broadcast %shift_right_arithmetic3A_290 : i32 to vector<16xi32>
        %shift_right_arithmetic3A_292 = arith.shrsi %add3A_289, %shift_right_arithmetic3A_291 : vector<16xi32>
        %mul3A_293 = arith.constant 48577 : i32
        %mul3A_294 = vector.broadcast %mul3A_293 : i32 to vector<16xi32>
        %mul3A_295 = arith.muli %shift_right_arithmetic3A_292, %mul3A_294 : vector<16xi32>
        %and3A_296 = arith.constant 1048575 : i32
        %and3A_297 = vector.broadcast %and3A_296 : i32 to vector<16xi32>
        %and3A_298 = arith.andi %add3A_289, %and3A_297 : vector<16xi32>
        %add3A_299 = arith.addi %mul3A_295, %and3A_298 : vector<16xi32>
        %lt3A_300 = arith.constant 0 : i32
        %lt3A_301 = vector.broadcast %lt3A_300 : i32 to vector<16xi32>
        %lt3A_302 = arith.cmpi slt, %add3A_299, %lt3A_301 : vector<16xi32>
        %add3A_303 = arith.constant 999999 : i32
        %add3A_304 = vector.broadcast %add3A_303 : i32 to vector<16xi32>
        %add3A_305 = arith.addi %add3A_299, %add3A_304 : vector<16xi32>
        %select_n3A = arith.select %lt3A_302, %add3A_305, %add3A_299 : vector<16xi1>, vector<16xi32>
        %ge3A_306 = arith.constant 999999 : i32
        %ge3A_307 = vector.broadcast %ge3A_306 : i32 to vector<16xi32>
        %ge3A_308 = arith.cmpi sge, %select_n3A, %ge3A_307 : vector<16xi32>
        %sub3A = arith.constant 999999 : i32
        %sub3A_309 = vector.broadcast %sub3A : i32 to vector<16xi32>
        %sub3A_310 = arith.subi %select_n3A, %sub3A_309 : vector<16xi32>
        %select_n3A_311 = arith.select %ge3A_308, %sub3A_310, %select_n3A : vector<16xi1>, vector<16xi32>
        %shift_right_arithmetic3A_312 = arith.constant 20 : i32
        %shift_right_arithmetic3A_313 = vector.broadcast %shift_right_arithmetic3A_312 : i32 to vector<16xi32>
        %shift_right_arithmetic3A_314 = arith.shrsi %xor3A_266, %shift_right_arithmetic3A_313 : vector<16xi32>
        %mul3A_315 = arith.constant 48577 : i32
        %mul3A_316 = vector.broadcast %mul3A_315 : i32 to vector<16xi32>
        %mul3A_317 = arith.muli %shift_right_arithmetic3A_314, %mul3A_316 : vector<16xi32>
        %and3A_318 = arith.constant 1048575 : i32
        %and3A_319 = vector.broadcast %and3A_318 : i32 to vector<16xi32>
        %and3A_320 = arith.andi %xor3A_266, %and3A_319 : vector<16xi32>
        %add3A_321 = arith.addi %mul3A_317, %and3A_320 : vector<16xi32>
        %shift_right_arithmetic3A_322 = arith.constant 20 : i32
        %shift_right_arithmetic3A_323 = vector.broadcast %shift_right_arithmetic3A_322 : i32 to vector<16xi32>
        %shift_right_arithmetic3A_324 = arith.shrsi %add3A_321, %shift_right_arithmetic3A_323 : vector<16xi32>
        %mul3A_325 = arith.constant 48577 : i32
        %mul3A_326 = vector.broadcast %mul3A_325 : i32 to vector<16xi32>
        %mul3A_327 = arith.muli %shift_right_arithmetic3A_324, %mul3A_326 : vector<16xi32>
        %and3A_328 = arith.constant 1048575 : i32
        %and3A_329 = vector.broadcast %and3A_328 : i32 to vector<16xi32>
        %and3A_330 = arith.andi %add3A_321, %and3A_329 : vector<16xi32>
        %add3A_331 = arith.addi %mul3A_327, %and3A_330 : vector<16xi32>
        %shift_right_arithmetic3A_332 = arith.constant 20 : i32
        %shift_right_arithmetic3A_333 = vector.broadcast %shift_right_arithmetic3A_332 : i32 to vector<16xi32>
        %shift_right_arithmetic3A_334 = arith.shrsi %add3A_331, %shift_right_arithmetic3A_333 : vector<16xi32>
        %mul3A_335 = arith.constant 48577 : i32
        %mul3A_336 = vector.broadcast %mul3A_335 : i32 to vector<16xi32>
        %mul3A_337 = arith.muli %shift_right_arithmetic3A_334, %mul3A_336 : vector<16xi32>
        %and3A_338 = arith.constant 1048575 : i32
        %and3A_339 = vector.broadcast %and3A_338 : i32 to vector<16xi32>
        %and3A_340 = arith.andi %add3A_331, %and3A_339 : vector<16xi32>
        %add3A_341 = arith.addi %mul3A_337, %and3A_340 : vector<16xi32>
        %lt3A_342 = arith.constant 0 : i32
        %lt3A_343 = vector.broadcast %lt3A_342 : i32 to vector<16xi32>
        %lt3A_344 = arith.cmpi slt, %add3A_341, %lt3A_343 : vector<16xi32>
        %add3A_345 = arith.constant 999999 : i32
        %add3A_346 = vector.broadcast %add3A_345 : i32 to vector<16xi32>
        %add3A_347 = arith.addi %add3A_341, %add3A_346 : vector<16xi32>
        %select_n3A_348 = arith.select %lt3A_344, %add3A_347, %add3A_341 : vector<16xi1>, vector<16xi32>
        %ge3A_349 = arith.constant 999999 : i32
        %ge3A_350 = vector.broadcast %ge3A_349 : i32 to vector<16xi32>
        %ge3A_351 = arith.cmpi sge, %select_n3A_348, %ge3A_350 : vector<16xi32>
        %sub3A_352 = arith.constant 999999 : i32
        %sub3A_353 = vector.broadcast %sub3A_352 : i32 to vector<16xi32>
        %sub3A_354 = arith.subi %select_n3A_348, %sub3A_353 : vector<16xi32>
        %select_n3A_355 = arith.select %ge3A_351, %sub3A_354, %select_n3A_348 : vector<16xi1>, vector<16xi32>
        %select_n3A_356 = arith.select %eq3A_271, %select_n3A_311, %select_n3A_355 : vector<16xi1>, vector<16xi32>
        %jit3A = arith.constant 999999 : i32
        %broadcast_in_dim3A_357 = vector.broadcast %jit3A : i32 to vector<16xi32>
        %select_n3A_358 = arith.select %eq3A_268, %broadcast_in_dim3A_357, %select_n3A_356 : vector<16xi1>, vector<16xi32>
        %add3A_359 = arith.constant 0 : i32
        %add3A_360 = arith.addi %mul3A_235, %add3A_359 : i32
        %swap3A_361 = arith.index_cast %add3A_360 : i32 to index
        %swap3A_362 = tpu.vector_load %arg8[%swap3A_361] {strides = array<i32>} : memref<408xi32, #tpu.memory_space<vmem>>, vector<16xi32>,
        %swap3A_363 = vector.shape_cast %swap3A_362 : vector<16xi32> to vector<16xi32>
        %swap3A_364 = vector.shape_cast %select_n3A_358 : vector<16xi32> to vector<16xi32>
        tpu.vector_store %arg8[%swap3A_361], %swap3A_364 {strides = array<i32>} : memref<408xi32, #tpu.memory_space<vmem>>, vector<16xi32>,
        %add3A_365 = arith.constant 16 : i32
        %add3A_366 = arith.addi %mul3A_235, %add3A_365 : i32
        %add3A_367 = arith.constant 8 : i32
        %add3A_368 = arith.addi %add3A_366, %add3A_367 : i32
        %get3A_369 = arith.index_cast %add3A_368 : i32 to index
        %get3A_370 = tpu.vector_load %arg6[%get3A_369] {strides = array<i32>} : memref<416xi32, #tpu.memory_space<vmem>>, vector<16xi32>,
        %get3A_371 = vector.shape_cast %get3A_370 : vector<16xi32> to vector<16xi32>
        %add3A_372 = arith.constant 16 : i32
        %add3A_373 = arith.addi %mul3A_235, %add3A_372 : i32
        %add3A_374 = arith.constant 7 : i32
        %add3A_375 = arith.addi %add3A_373, %add3A_374 : i32
        %get3A_376 = arith.index_cast %add3A_375 : i32 to index
        %get3A_377 = tpu.vector_load %arg6[%get3A_376] {strides = array<i32>} : memref<416xi32, #tpu.memory_space<vmem>>, vector<16xi32>,
        %get3A_378 = vector.shape_cast %get3A_377 : vector<16xi32> to vector<16xi32>
        %add3A_379 = arith.constant 16 : i32
        %add3A_380 = arith.addi %mul3A_235, %add3A_379 : i32
        %add3A_381 = arith.constant 6 : i32
        %add3A_382 = arith.addi %add3A_380, %add3A_381 : i32
        %get3A_383 = arith.index_cast %add3A_382 : i32 to index
        %get3A_384 = tpu.vector_load %arg6[%get3A_383] {strides = array<i32>} : memref<416xi32, #tpu.memory_space<vmem>>, vector<16xi32>,
        %get3A_385 = vector.shape_cast %get3A_384 : vector<16xi32> to vector<16xi32>
        %mul3A_386 = arith.constant 36313 : i32
        %mul3A_387 = vector.broadcast %mul3A_386 : i32 to vector<16xi32>
        %mul3A_388 = arith.muli %get3A_371, %mul3A_387 : vector<16xi32>
        %mul3A_389 = arith.constant 27191 : i32
        %mul3A_390 = vector.broadcast %mul3A_389 : i32 to vector<16xi32>
        %mul3A_391 = arith.muli %get3A_378, %mul3A_390 : vector<16xi32>
        %xor3A_392 = arith.xori %mul3A_388, %mul3A_391 : vector<16xi32>
        %mul3A_393 = arith.constant 51647 : i32
        %mul3A_394 = vector.broadcast %mul3A_393 : i32 to vector<16xi32>
        %mul3A_395 = arith.muli %get3A_385, %mul3A_394 : vector<16xi32>
        %xor3A_396 = arith.xori %xor3A_392, %mul3A_395 : vector<16xi32>
        %shift_right_arithmetic3A_397 = arith.constant 20 : i32
        %shift_right_arithmetic3A_398 = vector.broadcast %shift_right_arithmetic3A_397 : i32 to vector<16xi32>
        %shift_right_arithmetic3A_399 = arith.shrsi %xor3A_396, %shift_right_arithmetic3A_398 : vector<16xi32>
        %mul3A_400 = arith.constant 48577 : i32
        %mul3A_401 = vector.broadcast %mul3A_400 : i32 to vector<16xi32>
        %mul3A_402 = arith.muli %shift_right_arithmetic3A_399, %mul3A_401 : vector<16xi32>
        %and3A_403 = arith.constant 1048575 : i32
        %and3A_404 = vector.broadcast %and3A_403 : i32 to vector<16xi32>
        %and3A_405 = arith.andi %xor3A_396, %and3A_404 : vector<16xi32>
        %add3A_406 = arith.addi %mul3A_402, %and3A_405 : vector<16xi32>
        %shift_right_arithmetic3A_407 = arith.constant 20 : i32
        %shift_right_arithmetic3A_408 = vector.broadcast %shift_right_arithmetic3A_407 : i32 to vector<16xi32>
        %shift_right_arithmetic3A_409 = arith.shrsi %add3A_406, %shift_right_arithmetic3A_408 : vector<16xi32>
        %mul3A_410 = arith.constant 48577 : i32
        %mul3A_411 = vector.broadcast %mul3A_410 : i32 to vector<16xi32>
        %mul3A_412 = arith.muli %shift_right_arithmetic3A_409, %mul3A_411 : vector<16xi32>
        %and3A_413 = arith.constant 1048575 : i32
        %and3A_414 = vector.broadcast %and3A_413 : i32 to vector<16xi32>
        %and3A_415 = arith.andi %add3A_406, %and3A_414 : vector<16xi32>
        %add3A_416 = arith.addi %mul3A_412, %and3A_415 : vector<16xi32>
        %shift_right_arithmetic3A_417 = arith.constant 20 : i32
        %shift_right_arithmetic3A_418 = vector.broadcast %shift_right_arithmetic3A_417 : i32 to vector<16xi32>
        %shift_right_arithmetic3A_419 = arith.shrsi %add3A_416, %shift_right_arithmetic3A_418 : vector<16xi32>
        %mul3A_420 = arith.constant 48577 : i32
        %mul3A_421 = vector.broadcast %mul3A_420 : i32 to vector<16xi32>
        %mul3A_422 = arith.muli %shift_right_arithmetic3A_419, %mul3A_421 : vector<16xi32>
        %and3A_423 = arith.constant 1048575 : i32
        %and3A_424 = vector.broadcast %and3A_423 : i32 to vector<16xi32>
        %and3A_425 = arith.andi %add3A_416, %and3A_424 : vector<16xi32>
        %add3A_426 = arith.addi %mul3A_422, %and3A_425 : vector<16xi32>
        %lt3A_427 = arith.constant 0 : i32
        %lt3A_428 = vector.broadcast %lt3A_427 : i32 to vector<16xi32>
        %lt3A_429 = arith.cmpi slt, %add3A_426, %lt3A_428 : vector<16xi32>
        %add3A_430 = arith.constant 999999 : i32
        %add3A_431 = vector.broadcast %add3A_430 : i32 to vector<16xi32>
        %add3A_432 = arith.addi %add3A_426, %add3A_431 : vector<16xi32>
        %select_n3A_433 = arith.select %lt3A_429, %add3A_432, %add3A_426 : vector<16xi1>, vector<16xi32>
        %ge3A_434 = arith.constant 999999 : i32
        %ge3A_435 = vector.broadcast %ge3A_434 : i32 to vector<16xi32>
        %ge3A_436 = arith.cmpi sge, %select_n3A_433, %ge3A_435 : vector<16xi32>
        %sub3A_437 = arith.constant 999999 : i32
        %sub3A_438 = vector.broadcast %sub3A_437 : i32 to vector<16xi32>
        %sub3A_439 = arith.subi %select_n3A_433, %sub3A_438 : vector<16xi32>
        %select_n3A_440 = arith.select %ge3A_436, %sub3A_439, %select_n3A_433 : vector<16xi1>, vector<16xi32>
        %add3A_441 = arith.constant 16 : i32
        %add3A_442 = arith.addi %mul3A_235, %add3A_441 : i32
        %swap3A_443 = arith.index_cast %add3A_442 : i32 to index
        %swap3A_444 = tpu.vector_load %arg8[%swap3A_443] {strides = array<i32>} : memref<408xi32, #tpu.memory_space<vmem>>, vector<16xi32>,
        %swap3A_445 = vector.shape_cast %swap3A_444 : vector<16xi32> to vector<16xi32>
        %swap3A_446 = vector.shape_cast %select_n3A_440 : vector<16xi32> to vector<16xi32>
        tpu.vector_store %arg8[%swap3A_443], %swap3A_446 {strides = array<i32>} : memref<408xi32, #tpu.memory_space<vmem>>, vector<16xi32>,
        %add3A_447 = arith.constant 32 : i32
        %add3A_448 = arith.addi %mul3A_235, %add3A_447 : i32
        %add3A_449 = arith.constant 8 : i32
        %add3A_450 = arith.addi %add3A_448, %add3A_449 : i32
        %get3A_451 = arith.index_cast %add3A_450 : i32 to index
        %get3A_452 = tpu.vector_load %arg6[%get3A_451] {strides = array<i32>} : memref<416xi32, #tpu.memory_space<vmem>>, vector<16xi32>,
        %get3A_453 = vector.shape_cast %get3A_452 : vector<16xi32> to vector<16xi32>
        %add3A_454 = arith.constant 32 : i32
        %add3A_455 = arith.addi %mul3A_235, %add3A_454 : i32
        %add3A_456 = arith.constant 7 : i32
        %add3A_457 = arith.addi %add3A_455, %add3A_456 : i32
        %get3A_458 = arith.index_cast %add3A_457 : i32 to index
        %get3A_459 = tpu.vector_load %arg6[%get3A_458] {strides = array<i32>} : memref<416xi32, #tpu.memory_space<vmem>>, vector<16xi32>,
        %get3A_460 = vector.shape_cast %get3A_459 : vector<16xi32> to vector<16xi32>
        %add3A_461 = arith.constant 32 : i32
        %add3A_462 = arith.addi %mul3A_235, %add3A_461 : i32
        %add3A_463 = arith.constant 6 : i32
        %add3A_464 = arith.addi %add3A_462, %add3A_463 : i32
        %get3A_465 = arith.index_cast %add3A_464 : i32 to index
        %get3A_466 = tpu.vector_load %arg6[%get3A_465] {strides = array<i32>} : memref<416xi32, #tpu.memory_space<vmem>>, vector<16xi32>,
        %get3A_467 = vector.shape_cast %get3A_466 : vector<16xi32> to vector<16xi32>
        %mul3A_468 = arith.constant 36313 : i32
        %mul3A_469 = vector.broadcast %mul3A_468 : i32 to vector<16xi32>
        %mul3A_470 = arith.muli %get3A_453, %mul3A_469 : vector<16xi32>
        %mul3A_471 = arith.constant 27191 : i32
        %mul3A_472 = vector.broadcast %mul3A_471 : i32 to vector<16xi32>
        %mul3A_473 = arith.muli %get3A_460, %mul3A_472 : vector<16xi32>
        %xor3A_474 = arith.xori %mul3A_470, %mul3A_473 : vector<16xi32>
        %mul3A_475 = arith.constant 51647 : i32
        %mul3A_476 = vector.broadcast %mul3A_475 : i32 to vector<16xi32>
        %mul3A_477 = arith.muli %get3A_467, %mul3A_476 : vector<16xi32>
        %xor3A_478 = arith.xori %xor3A_474, %mul3A_477 : vector<16xi32>
        %shift_right_arithmetic3A_479 = arith.constant 20 : i32
        %shift_right_arithmetic3A_480 = vector.broadcast %shift_right_arithmetic3A_479 : i32 to vector<16xi32>
        %shift_right_arithmetic3A_481 = arith.shrsi %xor3A_478, %shift_right_arithmetic3A_480 : vector<16xi32>
        %mul3A_482 = arith.constant 48577 : i32
        %mul3A_483 = vector.broadcast %mul3A_482 : i32 to vector<16xi32>
        %mul3A_484 = arith.muli %shift_right_arithmetic3A_481, %mul3A_483 : vector<16xi32>
        %and3A_485 = arith.constant 1048575 : i32
        %and3A_486 = vector.broadcast %and3A_485 : i32 to vector<16xi32>
        %and3A_487 = arith.andi %xor3A_478, %and3A_486 : vector<16xi32>
        %add3A_488 = arith.addi %mul3A_484, %and3A_487 : vector<16xi32>
        %shift_right_arithmetic3A_489 = arith.constant 20 : i32
        %shift_right_arithmetic3A_490 = vector.broadcast %shift_right_arithmetic3A_489 : i32 to vector<16xi32>
        %shift_right_arithmetic3A_491 = arith.shrsi %add3A_488, %shift_right_arithmetic3A_490 : vector<16xi32>
        %mul3A_492 = arith.constant 48577 : i32
        %mul3A_493 = vector.broadcast %mul3A_492 : i32 to vector<16xi32>
        %mul3A_494 = arith.muli %shift_right_arithmetic3A_491, %mul3A_493 : vector<16xi32>
        %and3A_495 = arith.constant 1048575 : i32
        %and3A_496 = vector.broadcast %and3A_495 : i32 to vector<16xi32>
        %and3A_497 = arith.andi %add3A_488, %and3A_496 : vector<16xi32>
        %add3A_498 = arith.addi %mul3A_494, %and3A_497 : vector<16xi32>
        %shift_right_arithmetic3A_499 = arith.constant 20 : i32
        %shift_right_arithmetic3A_500 = vector.broadcast %shift_right_arithmetic3A_499 : i32 to vector<16xi32>
        %shift_right_arithmetic3A_501 = arith.shrsi %add3A_498, %shift_right_arithmetic3A_500 : vector<16xi32>
        %mul3A_502 = arith.constant 48577 : i32
        %mul3A_503 = vector.broadcast %mul3A_502 : i32 to vector<16xi32>
        %mul3A_504 = arith.muli %shift_right_arithmetic3A_501, %mul3A_503 : vector<16xi32>
        %and3A_505 = arith.constant 1048575 : i32
        %and3A_506 = vector.broadcast %and3A_505 : i32 to vector<16xi32>
        %and3A_507 = arith.andi %add3A_498, %and3A_506 : vector<16xi32>
        %add3A_508 = arith.addi %mul3A_504, %and3A_507 : vector<16xi32>
        %lt3A_509 = arith.constant 0 : i32
        %lt3A_510 = vector.broadcast %lt3A_509 : i32 to vector<16xi32>
        %lt3A_511 = arith.cmpi slt, %add3A_508, %lt3A_510 : vector<16xi32>
        %add3A_512 = arith.constant 999999 : i32
        %add3A_513 = vector.broadcast %add3A_512 : i32 to vector<16xi32>
        %add3A_514 = arith.addi %add3A_508, %add3A_513 : vector<16xi32>
        %select_n3A_515 = arith.select %lt3A_511, %add3A_514, %add3A_508 : vector<16xi1>, vector<16xi32>
        %ge3A_516 = arith.constant 999999 : i32
        %ge3A_517 = vector.broadcast %ge3A_516 : i32 to vector<16xi32>
        %ge3A_518 = arith.cmpi sge, %select_n3A_515, %ge3A_517 : vector<16xi32>
        %sub3A_519 = arith.constant 999999 : i32
        %sub3A_520 = vector.broadcast %sub3A_519 : i32 to vector<16xi32>
        %sub3A_521 = arith.subi %select_n3A_515, %sub3A_520 : vector<16xi32>
        %select_n3A_522 = arith.select %ge3A_518, %sub3A_521, %select_n3A_515 : vector<16xi1>, vector<16xi32>
        %add3A_523 = arith.constant 32 : i32
        %add3A_524 = arith.addi %mul3A_235, %add3A_523 : i32
        %swap3A_525 = arith.index_cast %add3A_524 : i32 to index
        %swap3A_526 = tpu.vector_load %arg8[%swap3A_525] {strides = array<i32>} : memref<408xi32, #tpu.memory_space<vmem>>, vector<16xi32>,
        %swap3A_527 = vector.shape_cast %swap3A_526 : vector<16xi32> to vector<16xi32>
        %swap3A_528 = vector.shape_cast %select_n3A_522 : vector<16xi32> to vector<16xi32>
        tpu.vector_store %arg8[%swap3A_525], %swap3A_528 {strides = array<i32>} : memref<408xi32, #tpu.memory_space<vmem>>, vector<16xi32>,
        %add3A_529 = arith.constant 48 : i32
        %add3A_530 = arith.addi %mul3A_235, %add3A_529 : i32
        %add3A_531 = arith.constant 8 : i32
        %add3A_532 = arith.addi %add3A_530, %add3A_531 : i32
        %get3A_533 = arith.index_cast %add3A_532 : i32 to index
        %get3A_534 = tpu.vector_load %arg6[%get3A_533] {strides = array<i32>} : memref<416xi32, #tpu.memory_space<vmem>>, vector<16xi32>,
        %get3A_535 = vector.shape_cast %get3A_534 : vector<16xi32> to vector<16xi32>
        %add3A_536 = arith.constant 48 : i32
        %add3A_537 = arith.addi %mul3A_235, %add3A_536 : i32
        %add3A_538 = arith.constant 7 : i32
        %add3A_539 = arith.addi %add3A_537, %add3A_538 : i32
        %get3A_540 = arith.index_cast %add3A_539 : i32 to index
        %get3A_541 = tpu.vector_load %arg6[%get3A_540] {strides = array<i32>} : memref<416xi32, #tpu.memory_space<vmem>>, vector<16xi32>,
        %get3A_542 = vector.shape_cast %get3A_541 : vector<16xi32> to vector<16xi32>
        %add3A_543 = arith.constant 48 : i32
        %add3A_544 = arith.addi %mul3A_235, %add3A_543 : i32
        %add3A_545 = arith.constant 6 : i32
        %add3A_546 = arith.addi %add3A_544, %add3A_545 : i32
        %get3A_547 = arith.index_cast %add3A_546 : i32 to index
        %get3A_548 = tpu.vector_load %arg6[%get3A_547] {strides = array<i32>} : memref<416xi32, #tpu.memory_space<vmem>>, vector<16xi32>,
        %get3A_549 = vector.shape_cast %get3A_548 : vector<16xi32> to vector<16xi32>
        %mul3A_550 = arith.constant 36313 : i32
        %mul3A_551 = vector.broadcast %mul3A_550 : i32 to vector<16xi32>
        %mul3A_552 = arith.muli %get3A_535, %mul3A_551 : vector<16xi32>
        %mul3A_553 = arith.constant 27191 : i32
        %mul3A_554 = vector.broadcast %mul3A_553 : i32 to vector<16xi32>
        %mul3A_555 = arith.muli %get3A_542, %mul3A_554 : vector<16xi32>
        %xor3A_556 = arith.xori %mul3A_552, %mul3A_555 : vector<16xi32>
        %mul3A_557 = arith.constant 51647 : i32
        %mul3A_558 = vector.broadcast %mul3A_557 : i32 to vector<16xi32>
        %mul3A_559 = arith.muli %get3A_549, %mul3A_558 : vector<16xi32>
        %xor3A_560 = arith.xori %xor3A_556, %mul3A_559 : vector<16xi32>
        %shift_right_arithmetic3A_561 = arith.constant 20 : i32
        %shift_right_arithmetic3A_562 = vector.broadcast %shift_right_arithmetic3A_561 : i32 to vector<16xi32>
        %shift_right_arithmetic3A_563 = arith.shrsi %xor3A_560, %shift_right_arithmetic3A_562 : vector<16xi32>
        %mul3A_564 = arith.constant 48577 : i32
        %mul3A_565 = vector.broadcast %mul3A_564 : i32 to vector<16xi32>
        %mul3A_566 = arith.muli %shift_right_arithmetic3A_563, %mul3A_565 : vector<16xi32>
        %and3A_567 = arith.constant 1048575 : i32
        %and3A_568 = vector.broadcast %and3A_567 : i32 to vector<16xi32>
        %and3A_569 = arith.andi %xor3A_560, %and3A_568 : vector<16xi32>
        %add3A_570 = arith.addi %mul3A_566, %and3A_569 : vector<16xi32>
        %shift_right_arithmetic3A_571 = arith.constant 20 : i32
        %shift_right_arithmetic3A_572 = vector.broadcast %shift_right_arithmetic3A_571 : i32 to vector<16xi32>
        %shift_right_arithmetic3A_573 = arith.shrsi %add3A_570, %shift_right_arithmetic3A_572 : vector<16xi32>
        %mul3A_574 = arith.constant 48577 : i32
        %mul3A_575 = vector.broadcast %mul3A_574 : i32 to vector<16xi32>
        %mul3A_576 = arith.muli %shift_right_arithmetic3A_573, %mul3A_575 : vector<16xi32>
        %and3A_577 = arith.constant 1048575 : i32
        %and3A_578 = vector.broadcast %and3A_577 : i32 to vector<16xi32>
        %and3A_579 = arith.andi %add3A_570, %and3A_578 : vector<16xi32>
        %add3A_580 = arith.addi %mul3A_576, %and3A_579 : vector<16xi32>
        %shift_right_arithmetic3A_581 = arith.constant 20 : i32
        %shift_right_arithmetic3A_582 = vector.broadcast %shift_right_arithmetic3A_581 : i32 to vector<16xi32>
        %shift_right_arithmetic3A_583 = arith.shrsi %add3A_580, %shift_right_arithmetic3A_582 : vector<16xi32>
        %mul3A_584 = arith.constant 48577 : i32
        %mul3A_585 = vector.broadcast %mul3A_584 : i32 to vector<16xi32>
        %mul3A_586 = arith.muli %shift_right_arithmetic3A_583, %mul3A_585 : vector<16xi32>
        %and3A_587 = arith.constant 1048575 : i32
        %and3A_588 = vector.broadcast %and3A_587 : i32 to vector<16xi32>
        %and3A_589 = arith.andi %add3A_580, %and3A_588 : vector<16xi32>
        %add3A_590 = arith.addi %mul3A_586, %and3A_589 : vector<16xi32>
        %lt3A_591 = arith.constant 0 : i32
        %lt3A_592 = vector.broadcast %lt3A_591 : i32 to vector<16xi32>
        %lt3A_593 = arith.cmpi slt, %add3A_590, %lt3A_592 : vector<16xi32>
        %add3A_594 = arith.constant 999999 : i32
        %add3A_595 = vector.broadcast %add3A_594 : i32 to vector<16xi32>
        %add3A_596 = arith.addi %add3A_590, %add3A_595 : vector<16xi32>
        %select_n3A_597 = arith.select %lt3A_593, %add3A_596, %add3A_590 : vector<16xi1>, vector<16xi32>
        %ge3A_598 = arith.constant 999999 : i32
        %ge3A_599 = vector.broadcast %ge3A_598 : i32 to vector<16xi32>
        %ge3A_600 = arith.cmpi sge, %select_n3A_597, %ge3A_599 : vector<16xi32>
        %sub3A_601 = arith.constant 999999 : i32
        %sub3A_602 = vector.broadcast %sub3A_601 : i32 to vector<16xi32>
        %sub3A_603 = arith.subi %select_n3A_597, %sub3A_602 : vector<16xi32>
        %select_n3A_604 = arith.select %ge3A_600, %sub3A_603, %select_n3A_597 : vector<16xi1>, vector<16xi32>
        %add3A_605 = arith.constant 48 : i32
        %add3A_606 = arith.addi %mul3A_235, %add3A_605 : i32
        %swap3A_607 = arith.index_cast %add3A_606 : i32 to index
        %swap3A_608 = tpu.vector_load %arg8[%swap3A_607] {strides = array<i32>} : memref<408xi32, #tpu.memory_space<vmem>>, vector<16xi32>,
        %swap3A_609 = vector.shape_cast %swap3A_608 : vector<16xi32> to vector<16xi32>
        %swap3A_610 = vector.shape_cast %select_n3A_604 : vector<16xi32> to vector<16xi32>
        tpu.vector_store %arg8[%swap3A_607], %swap3A_610 {strides = array<i32>} : memref<408xi32, #tpu.memory_space<vmem>>, vector<16xi32>,
        %add3A_611 = arith.constant 64 : i32
        %add3A_612 = arith.addi %mul3A_235, %add3A_611 : i32
        %add3A_613 = arith.constant 8 : i32
        %add3A_614 = arith.addi %add3A_612, %add3A_613 : i32
        %get3A_615 = arith.index_cast %add3A_614 : i32 to index
        %get3A_616 = tpu.vector_load %arg6[%get3A_615] {strides = array<i32>} : memref<416xi32, #tpu.memory_space<vmem>>, vector<16xi32>,
        %get3A_617 = vector.shape_cast %get3A_616 : vector<16xi32> to vector<16xi32>
        %add3A_618 = arith.constant 64 : i32
        %add3A_619 = arith.addi %mul3A_235, %add3A_618 : i32
        %add3A_620 = arith.constant 7 : i32
        %add3A_621 = arith.addi %add3A_619, %add3A_620 : i32
        %get3A_622 = arith.index_cast %add3A_621 : i32 to index
        %get3A_623 = tpu.vector_load %arg6[%get3A_622] {strides = array<i32>} : memref<416xi32, #tpu.memory_space<vmem>>, vector<16xi32>,
        %get3A_624 = vector.shape_cast %get3A_623 : vector<16xi32> to vector<16xi32>
        %add3A_625 = arith.constant 64 : i32
        %add3A_626 = arith.addi %mul3A_235, %add3A_625 : i32
        %add3A_627 = arith.constant 6 : i32
        %add3A_628 = arith.addi %add3A_626, %add3A_627 : i32
        %get3A_629 = arith.index_cast %add3A_628 : i32 to index
        %get3A_630 = tpu.vector_load %arg6[%get3A_629] {strides = array<i32>} : memref<416xi32, #tpu.memory_space<vmem>>, vector<16xi32>,
        %get3A_631 = vector.shape_cast %get3A_630 : vector<16xi32> to vector<16xi32>
        %mul3A_632 = arith.constant 36313 : i32
        %mul3A_633 = vector.broadcast %mul3A_632 : i32 to vector<16xi32>
        %mul3A_634 = arith.muli %get3A_617, %mul3A_633 : vector<16xi32>
        %mul3A_635 = arith.constant 27191 : i32
        %mul3A_636 = vector.broadcast %mul3A_635 : i32 to vector<16xi32>
        %mul3A_637 = arith.muli %get3A_624, %mul3A_636 : vector<16xi32>
        %xor3A_638 = arith.xori %mul3A_634, %mul3A_637 : vector<16xi32>
        %mul3A_639 = arith.constant 51647 : i32
        %mul3A_640 = vector.broadcast %mul3A_639 : i32 to vector<16xi32>
        %mul3A_641 = arith.muli %get3A_631, %mul3A_640 : vector<16xi32>
        %xor3A_642 = arith.xori %xor3A_638, %mul3A_641 : vector<16xi32>
        %shift_right_arithmetic3A_643 = arith.constant 20 : i32
        %shift_right_arithmetic3A_644 = vector.broadcast %shift_right_arithmetic3A_643 : i32 to vector<16xi32>
        %shift_right_arithmetic3A_645 = arith.shrsi %xor3A_642, %shift_right_arithmetic3A_644 : vector<16xi32>
        %mul3A_646 = arith.constant 48577 : i32
        %mul3A_647 = vector.broadcast %mul3A_646 : i32 to vector<16xi32>
        %mul3A_648 = arith.muli %shift_right_arithmetic3A_645, %mul3A_647 : vector<16xi32>
        %and3A_649 = arith.constant 1048575 : i32
        %and3A_650 = vector.broadcast %and3A_649 : i32 to vector<16xi32>
        %and3A_651 = arith.andi %xor3A_642, %and3A_650 : vector<16xi32>
        %add3A_652 = arith.addi %mul3A_648, %and3A_651 : vector<16xi32>
        %shift_right_arithmetic3A_653 = arith.constant 20 : i32
        %shift_right_arithmetic3A_654 = vector.broadcast %shift_right_arithmetic3A_653 : i32 to vector<16xi32>
        %shift_right_arithmetic3A_655 = arith.shrsi %add3A_652, %shift_right_arithmetic3A_654 : vector<16xi32>
        %mul3A_656 = arith.constant 48577 : i32
        %mul3A_657 = vector.broadcast %mul3A_656 : i32 to vector<16xi32>
        %mul3A_658 = arith.muli %shift_right_arithmetic3A_655, %mul3A_657 : vector<16xi32>
        %and3A_659 = arith.constant 1048575 : i32
        %and3A_660 = vector.broadcast %and3A_659 : i32 to vector<16xi32>
        %and3A_661 = arith.andi %add3A_652, %and3A_660 : vector<16xi32>
        %add3A_662 = arith.addi %mul3A_658, %and3A_661 : vector<16xi32>
        %shift_right_arithmetic3A_663 = arith.constant 20 : i32
        %shift_right_arithmetic3A_664 = vector.broadcast %shift_right_arithmetic3A_663 : i32 to vector<16xi32>
        %shift_right_arithmetic3A_665 = arith.shrsi %add3A_662, %shift_right_arithmetic3A_664 : vector<16xi32>
        %mul3A_666 = arith.constant 48577 : i32
        %mul3A_667 = vector.broadcast %mul3A_666 : i32 to vector<16xi32>
        %mul3A_668 = arith.muli %shift_right_arithmetic3A_665, %mul3A_667 : vector<16xi32>
        %and3A_669 = arith.constant 1048575 : i32
        %and3A_670 = vector.broadcast %and3A_669 : i32 to vector<16xi32>
        %and3A_671 = arith.andi %add3A_662, %and3A_670 : vector<16xi32>
        %add3A_672 = arith.addi %mul3A_668, %and3A_671 : vector<16xi32>
        %lt3A_673 = arith.constant 0 : i32
        %lt3A_674 = vector.broadcast %lt3A_673 : i32 to vector<16xi32>
        %lt3A_675 = arith.cmpi slt, %add3A_672, %lt3A_674 : vector<16xi32>
        %add3A_676 = arith.constant 999999 : i32
        %add3A_677 = vector.broadcast %add3A_676 : i32 to vector<16xi32>
        %add3A_678 = arith.addi %add3A_672, %add3A_677 : vector<16xi32>
        %select_n3A_679 = arith.select %lt3A_675, %add3A_678, %add3A_672 : vector<16xi1>, vector<16xi32>
        %ge3A_680 = arith.constant 999999 : i32
        %ge3A_681 = vector.broadcast %ge3A_680 : i32 to vector<16xi32>
        %ge3A_682 = arith.cmpi sge, %select_n3A_679, %ge3A_681 : vector<16xi32>
        %sub3A_683 = arith.constant 999999 : i32
        %sub3A_684 = vector.broadcast %sub3A_683 : i32 to vector<16xi32>
        %sub3A_685 = arith.subi %select_n3A_679, %sub3A_684 : vector<16xi32>
        %select_n3A_686 = arith.select %ge3A_682, %sub3A_685, %select_n3A_679 : vector<16xi1>, vector<16xi32>
        %add3A_687 = arith.constant 64 : i32
        %add3A_688 = arith.addi %mul3A_235, %add3A_687 : i32
        %swap3A_689 = arith.index_cast %add3A_688 : i32 to index
        %swap3A_690 = tpu.vector_load %arg8[%swap3A_689] {strides = array<i32>} : memref<408xi32, #tpu.memory_space<vmem>>, vector<16xi32>,
        %swap3A_691 = vector.shape_cast %swap3A_690 : vector<16xi32> to vector<16xi32>
        %swap3A_692 = vector.shape_cast %select_n3A_686 : vector<16xi32> to vector<16xi32>
        tpu.vector_store %arg8[%swap3A_689], %swap3A_692 {strides = array<i32>} : memref<408xi32, #tpu.memory_space<vmem>>, vector<16xi32>,
        %add3A_693 = arith.constant 80 : i32
        %add3A_694 = arith.addi %mul3A_235, %add3A_693 : i32
        %add3A_695 = arith.constant 8 : i32
        %add3A_696 = arith.addi %add3A_694, %add3A_695 : i32
        %get3A_697 = arith.index_cast %add3A_696 : i32 to index
        %get3A_698 = tpu.vector_load %arg6[%get3A_697] {strides = array<i32>} : memref<416xi32, #tpu.memory_space<vmem>>, vector<16xi32>,
        %get3A_699 = vector.shape_cast %get3A_698 : vector<16xi32> to vector<16xi32>
        %add3A_700 = arith.constant 80 : i32
        %add3A_701 = arith.addi %mul3A_235, %add3A_700 : i32
        %add3A_702 = arith.constant 7 : i32
        %add3A_703 = arith.addi %add3A_701, %add3A_702 : i32
        %get3A_704 = arith.index_cast %add3A_703 : i32 to index
        %get3A_705 = tpu.vector_load %arg6[%get3A_704] {strides = array<i32>} : memref<416xi32, #tpu.memory_space<vmem>>, vector<16xi32>,
        %get3A_706 = vector.shape_cast %get3A_705 : vector<16xi32> to vector<16xi32>
        %add3A_707 = arith.constant 80 : i32
        %add3A_708 = arith.addi %mul3A_235, %add3A_707 : i32
        %add3A_709 = arith.constant 6 : i32
        %add3A_710 = arith.addi %add3A_708, %add3A_709 : i32
        %get3A_711 = arith.index_cast %add3A_710 : i32 to index
        %get3A_712 = tpu.vector_load %arg6[%get3A_711] {strides = array<i32>} : memref<416xi32, #tpu.memory_space<vmem>>, vector<16xi32>,
        %get3A_713 = vector.shape_cast %get3A_712 : vector<16xi32> to vector<16xi32>
        %mul3A_714 = arith.constant 36313 : i32
        %mul3A_715 = vector.broadcast %mul3A_714 : i32 to vector<16xi32>
        %mul3A_716 = arith.muli %get3A_699, %mul3A_715 : vector<16xi32>
        %mul3A_717 = arith.constant 27191 : i32
        %mul3A_718 = vector.broadcast %mul3A_717 : i32 to vector<16xi32>
        %mul3A_719 = arith.muli %get3A_706, %mul3A_718 : vector<16xi32>
        %xor3A_720 = arith.xori %mul3A_716, %mul3A_719 : vector<16xi32>
        %mul3A_721 = arith.constant 51647 : i32
        %mul3A_722 = vector.broadcast %mul3A_721 : i32 to vector<16xi32>
        %mul3A_723 = arith.muli %get3A_713, %mul3A_722 : vector<16xi32>
        %xor3A_724 = arith.xori %xor3A_720, %mul3A_723 : vector<16xi32>
        %shift_right_arithmetic3A_725 = arith.constant 20 : i32
        %shift_right_arithmetic3A_726 = vector.broadcast %shift_right_arithmetic3A_725 : i32 to vector<16xi32>
        %shift_right_arithmetic3A_727 = arith.shrsi %xor3A_724, %shift_right_arithmetic3A_726 : vector<16xi32>
        %mul3A_728 = arith.constant 48577 : i32
        %mul3A_729 = vector.broadcast %mul3A_728 : i32 to vector<16xi32>
        %mul3A_730 = arith.muli %shift_right_arithmetic3A_727, %mul3A_729 : vector<16xi32>
        %and3A_731 = arith.constant 1048575 : i32
        %and3A_732 = vector.broadcast %and3A_731 : i32 to vector<16xi32>
        %and3A_733 = arith.andi %xor3A_724, %and3A_732 : vector<16xi32>
        %add3A_734 = arith.addi %mul3A_730, %and3A_733 : vector<16xi32>
        %shift_right_arithmetic3A_735 = arith.constant 20 : i32
        %shift_right_arithmetic3A_736 = vector.broadcast %shift_right_arithmetic3A_735 : i32 to vector<16xi32>
        %shift_right_arithmetic3A_737 = arith.shrsi %add3A_734, %shift_right_arithmetic3A_736 : vector<16xi32>
        %mul3A_738 = arith.constant 48577 : i32
        %mul3A_739 = vector.broadcast %mul3A_738 : i32 to vector<16xi32>
        %mul3A_740 = arith.muli %shift_right_arithmetic3A_737, %mul3A_739 : vector<16xi32>
        %and3A_741 = arith.constant 1048575 : i32
        %and3A_742 = vector.broadcast %and3A_741 : i32 to vector<16xi32>
        %and3A_743 = arith.andi %add3A_734, %and3A_742 : vector<16xi32>
        %add3A_744 = arith.addi %mul3A_740, %and3A_743 : vector<16xi32>
        %shift_right_arithmetic3A_745 = arith.constant 20 : i32
        %shift_right_arithmetic3A_746 = vector.broadcast %shift_right_arithmetic3A_745 : i32 to vector<16xi32>
        %shift_right_arithmetic3A_747 = arith.shrsi %add3A_744, %shift_right_arithmetic3A_746 : vector<16xi32>
        %mul3A_748 = arith.constant 48577 : i32
        %mul3A_749 = vector.broadcast %mul3A_748 : i32 to vector<16xi32>
        %mul3A_750 = arith.muli %shift_right_arithmetic3A_747, %mul3A_749 : vector<16xi32>
        %and3A_751 = arith.constant 1048575 : i32
        %and3A_752 = vector.broadcast %and3A_751 : i32 to vector<16xi32>
        %and3A_753 = arith.andi %add3A_744, %and3A_752 : vector<16xi32>
        %add3A_754 = arith.addi %mul3A_750, %and3A_753 : vector<16xi32>
        %lt3A_755 = arith.constant 0 : i32
        %lt3A_756 = vector.broadcast %lt3A_755 : i32 to vector<16xi32>
        %lt3A_757 = arith.cmpi slt, %add3A_754, %lt3A_756 : vector<16xi32>
        %add3A_758 = arith.constant 999999 : i32
        %add3A_759 = vector.broadcast %add3A_758 : i32 to vector<16xi32>
        %add3A_760 = arith.addi %add3A_754, %add3A_759 : vector<16xi32>
        %select_n3A_761 = arith.select %lt3A_757, %add3A_760, %add3A_754 : vector<16xi1>, vector<16xi32>
        %ge3A_762 = arith.constant 999999 : i32
        %ge3A_763 = vector.broadcast %ge3A_762 : i32 to vector<16xi32>
        %ge3A_764 = arith.cmpi sge, %select_n3A_761, %ge3A_763 : vector<16xi32>
        %sub3A_765 = arith.constant 999999 : i32
        %sub3A_766 = vector.broadcast %sub3A_765 : i32 to vector<16xi32>
        %sub3A_767 = arith.subi %select_n3A_761, %sub3A_766 : vector<16xi32>
        %select_n3A_768 = arith.select %ge3A_764, %sub3A_767, %select_n3A_761 : vector<16xi1>, vector<16xi32>
        %add3A_769 = arith.constant 80 : i32
        %add3A_770 = arith.addi %mul3A_235, %add3A_769 : i32
        %swap3A_771 = arith.index_cast %add3A_770 : i32 to index
        %swap3A_772 = tpu.vector_load %arg8[%swap3A_771] {strides = array<i32>} : memref<408xi32, #tpu.memory_space<vmem>>, vector<16xi32>,
        %swap3A_773 = vector.shape_cast %swap3A_772 : vector<16xi32> to vector<16xi32>
        %swap3A_774 = vector.shape_cast %select_n3A_768 : vector<16xi32> to vector<16xi32>
        tpu.vector_store %arg8[%swap3A_771], %swap3A_774 {strides = array<i32>} : memref<408xi32, #tpu.memory_space<vmem>>, vector<16xi32>,
        %add3A_775 = arith.constant 96 : i32
        %add3A_776 = arith.addi %mul3A_235, %add3A_775 : i32
        %add3A_777 = arith.constant 8 : i32
        %add3A_778 = arith.addi %add3A_776, %add3A_777 : i32
        %get3A_779 = arith.index_cast %add3A_778 : i32 to index
        %get3A_780 = tpu.vector_load %arg6[%get3A_779] {strides = array<i32>} : memref<416xi32, #tpu.memory_space<vmem>>, vector<16xi32>,
        %get3A_781 = vector.shape_cast %get3A_780 : vector<16xi32> to vector<16xi32>
        %add3A_782 = arith.constant 96 : i32
        %add3A_783 = arith.addi %mul3A_235, %add3A_782 : i32
        %add3A_784 = arith.constant 7 : i32
        %add3A_785 = arith.addi %add3A_783, %add3A_784 : i32
        %get3A_786 = arith.index_cast %add3A_785 : i32 to index
        %get3A_787 = tpu.vector_load %arg6[%get3A_786] {strides = array<i32>} : memref<416xi32, #tpu.memory_space<vmem>>, vector<16xi32>,
        %get3A_788 = vector.shape_cast %get3A_787 : vector<16xi32> to vector<16xi32>
        %add3A_789 = arith.constant 96 : i32
        %add3A_790 = arith.addi %mul3A_235, %add3A_789 : i32
        %add3A_791 = arith.constant 6 : i32
        %add3A_792 = arith.addi %add3A_790, %add3A_791 : i32
        %get3A_793 = arith.index_cast %add3A_792 : i32 to index
        %get3A_794 = tpu.vector_load %arg6[%get3A_793] {strides = array<i32>} : memref<416xi32, #tpu.memory_space<vmem>>, vector<16xi32>,
        %get3A_795 = vector.shape_cast %get3A_794 : vector<16xi32> to vector<16xi32>
        %mul3A_796 = arith.constant 36313 : i32
        %mul3A_797 = vector.broadcast %mul3A_796 : i32 to vector<16xi32>
        %mul3A_798 = arith.muli %get3A_781, %mul3A_797 : vector<16xi32>
        %mul3A_799 = arith.constant 27191 : i32
        %mul3A_800 = vector.broadcast %mul3A_799 : i32 to vector<16xi32>
        %mul3A_801 = arith.muli %get3A_788, %mul3A_800 : vector<16xi32>
        %xor3A_802 = arith.xori %mul3A_798, %mul3A_801 : vector<16xi32>
        %mul3A_803 = arith.constant 51647 : i32
        %mul3A_804 = vector.broadcast %mul3A_803 : i32 to vector<16xi32>
        %mul3A_805 = arith.muli %get3A_795, %mul3A_804 : vector<16xi32>
        %xor3A_806 = arith.xori %xor3A_802, %mul3A_805 : vector<16xi32>
        %shift_right_arithmetic3A_807 = arith.constant 20 : i32
        %shift_right_arithmetic3A_808 = vector.broadcast %shift_right_arithmetic3A_807 : i32 to vector<16xi32>
        %shift_right_arithmetic3A_809 = arith.shrsi %xor3A_806, %shift_right_arithmetic3A_808 : vector<16xi32>
        %mul3A_810 = arith.constant 48577 : i32
        %mul3A_811 = vector.broadcast %mul3A_810 : i32 to vector<16xi32>
        %mul3A_812 = arith.muli %shift_right_arithmetic3A_809, %mul3A_811 : vector<16xi32>
        %and3A_813 = arith.constant 1048575 : i32
        %and3A_814 = vector.broadcast %and3A_813 : i32 to vector<16xi32>
        %and3A_815 = arith.andi %xor3A_806, %and3A_814 : vector<16xi32>
        %add3A_816 = arith.addi %mul3A_812, %and3A_815 : vector<16xi32>
        %shift_right_arithmetic3A_817 = arith.constant 20 : i32
        %shift_right_arithmetic3A_818 = vector.broadcast %shift_right_arithmetic3A_817 : i32 to vector<16xi32>
        %shift_right_arithmetic3A_819 = arith.shrsi %add3A_816, %shift_right_arithmetic3A_818 : vector<16xi32>
        %mul3A_820 = arith.constant 48577 : i32
        %mul3A_821 = vector.broadcast %mul3A_820 : i32 to vector<16xi32>
        %mul3A_822 = arith.muli %shift_right_arithmetic3A_819, %mul3A_821 : vector<16xi32>
        %and3A_823 = arith.constant 1048575 : i32
        %and3A_824 = vector.broadcast %and3A_823 : i32 to vector<16xi32>
        %and3A_825 = arith.andi %add3A_816, %and3A_824 : vector<16xi32>
        %add3A_826 = arith.addi %mul3A_822, %and3A_825 : vector<16xi32>
        %shift_right_arithmetic3A_827 = arith.constant 20 : i32
        %shift_right_arithmetic3A_828 = vector.broadcast %shift_right_arithmetic3A_827 : i32 to vector<16xi32>
        %shift_right_arithmetic3A_829 = arith.shrsi %add3A_826, %shift_right_arithmetic3A_828 : vector<16xi32>
        %mul3A_830 = arith.constant 48577 : i32
        %mul3A_831 = vector.broadcast %mul3A_830 : i32 to vector<16xi32>
        %mul3A_832 = arith.muli %shift_right_arithmetic3A_829, %mul3A_831 : vector<16xi32>
        %and3A_833 = arith.constant 1048575 : i32
        %and3A_834 = vector.broadcast %and3A_833 : i32 to vector<16xi32>
        %and3A_835 = arith.andi %add3A_826, %and3A_834 : vector<16xi32>
        %add3A_836 = arith.addi %mul3A_832, %and3A_835 : vector<16xi32>
        %lt3A_837 = arith.constant 0 : i32
        %lt3A_838 = vector.broadcast %lt3A_837 : i32 to vector<16xi32>
        %lt3A_839 = arith.cmpi slt, %add3A_836, %lt3A_838 : vector<16xi32>
        %add3A_840 = arith.constant 999999 : i32
        %add3A_841 = vector.broadcast %add3A_840 : i32 to vector<16xi32>
        %add3A_842 = arith.addi %add3A_836, %add3A_841 : vector<16xi32>
        %select_n3A_843 = arith.select %lt3A_839, %add3A_842, %add3A_836 : vector<16xi1>, vector<16xi32>
        %ge3A_844 = arith.constant 999999 : i32
        %ge3A_845 = vector.broadcast %ge3A_844 : i32 to vector<16xi32>
        %ge3A_846 = arith.cmpi sge, %select_n3A_843, %ge3A_845 : vector<16xi32>
        %sub3A_847 = arith.constant 999999 : i32
        %sub3A_848 = vector.broadcast %sub3A_847 : i32 to vector<16xi32>
        %sub3A_849 = arith.subi %select_n3A_843, %sub3A_848 : vector<16xi32>
        %select_n3A_850 = arith.select %ge3A_846, %sub3A_849, %select_n3A_843 : vector<16xi1>, vector<16xi32>
        %add3A_851 = arith.constant 96 : i32
        %add3A_852 = arith.addi %mul3A_235, %add3A_851 : i32
        %swap3A_853 = arith.index_cast %add3A_852 : i32 to index
        %swap3A_854 = tpu.vector_load %arg8[%swap3A_853] {strides = array<i32>} : memref<408xi32, #tpu.memory_space<vmem>>, vector<16xi32>,
        %swap3A_855 = vector.shape_cast %swap3A_854 : vector<16xi32> to vector<16xi32>
        %swap3A_856 = vector.shape_cast %select_n3A_850 : vector<16xi32> to vector<16xi32>
        tpu.vector_store %arg8[%swap3A_853], %swap3A_856 {strides = array<i32>} : memref<408xi32, #tpu.memory_space<vmem>>, vector<16xi32>,
        %add3A_857 = arith.constant 112 : i32
        %add3A_858 = arith.addi %mul3A_235, %add3A_857 : i32
        %add3A_859 = arith.constant 8 : i32
        %add3A_860 = arith.addi %add3A_858, %add3A_859 : i32
        %get3A_861 = arith.index_cast %add3A_860 : i32 to index
        %get3A_862 = tpu.vector_load %arg6[%get3A_861] {strides = array<i32>} : memref<416xi32, #tpu.memory_space<vmem>>, vector<16xi32>,
        %get3A_863 = vector.shape_cast %get3A_862 : vector<16xi32> to vector<16xi32>
        %add3A_864 = arith.constant 112 : i32
        %add3A_865 = arith.addi %mul3A_235, %add3A_864 : i32
        %add3A_866 = arith.constant 7 : i32
        %add3A_867 = arith.addi %add3A_865, %add3A_866 : i32
        %get3A_868 = arith.index_cast %add3A_867 : i32 to index
        %get3A_869 = tpu.vector_load %arg6[%get3A_868] {strides = array<i32>} : memref<416xi32, #tpu.memory_space<vmem>>, vector<16xi32>,
        %get3A_870 = vector.shape_cast %get3A_869 : vector<16xi32> to vector<16xi32>
        %add3A_871 = arith.constant 112 : i32
        %add3A_872 = arith.addi %mul3A_235, %add3A_871 : i32
        %add3A_873 = arith.constant 6 : i32
        %add3A_874 = arith.addi %add3A_872, %add3A_873 : i32
        %get3A_875 = arith.index_cast %add3A_874 : i32 to index
        %get3A_876 = tpu.vector_load %arg6[%get3A_875] {strides = array<i32>} : memref<416xi32, #tpu.memory_space<vmem>>, vector<16xi32>,
        %get3A_877 = vector.shape_cast %get3A_876 : vector<16xi32> to vector<16xi32>
        %mul3A_878 = arith.constant 36313 : i32
        %mul3A_879 = vector.broadcast %mul3A_878 : i32 to vector<16xi32>
        %mul3A_880 = arith.muli %get3A_863, %mul3A_879 : vector<16xi32>
        %mul3A_881 = arith.constant 27191 : i32
        %mul3A_882 = vector.broadcast %mul3A_881 : i32 to vector<16xi32>
        %mul3A_883 = arith.muli %get3A_870, %mul3A_882 : vector<16xi32>
        %xor3A_884 = arith.xori %mul3A_880, %mul3A_883 : vector<16xi32>
        %mul3A_885 = arith.constant 51647 : i32
        %mul3A_886 = vector.broadcast %mul3A_885 : i32 to vector<16xi32>
        %mul3A_887 = arith.muli %get3A_877, %mul3A_886 : vector<16xi32>
        %xor3A_888 = arith.xori %xor3A_884, %mul3A_887 : vector<16xi32>
        %shift_right_arithmetic3A_889 = arith.constant 20 : i32
        %shift_right_arithmetic3A_890 = vector.broadcast %shift_right_arithmetic3A_889 : i32 to vector<16xi32>
        %shift_right_arithmetic3A_891 = arith.shrsi %xor3A_888, %shift_right_arithmetic3A_890 : vector<16xi32>
        %mul3A_892 = arith.constant 48577 : i32
        %mul3A_893 = vector.broadcast %mul3A_892 : i32 to vector<16xi32>
        %mul3A_894 = arith.muli %shift_right_arithmetic3A_891, %mul3A_893 : vector<16xi32>
        %and3A_895 = arith.constant 1048575 : i32
        %and3A_896 = vector.broadcast %and3A_895 : i32 to vector<16xi32>
        %and3A_897 = arith.andi %xor3A_888, %and3A_896 : vector<16xi32>
        %add3A_898 = arith.addi %mul3A_894, %and3A_897 : vector<16xi32>
        %shift_right_arithmetic3A_899 = arith.constant 20 : i32
        %shift_right_arithmetic3A_900 = vector.broadcast %shift_right_arithmetic3A_899 : i32 to vector<16xi32>
        %shift_right_arithmetic3A_901 = arith.shrsi %add3A_898, %shift_right_arithmetic3A_900 : vector<16xi32>
        %mul3A_902 = arith.constant 48577 : i32
        %mul3A_903 = vector.broadcast %mul3A_902 : i32 to vector<16xi32>
        %mul3A_904 = arith.muli %shift_right_arithmetic3A_901, %mul3A_903 : vector<16xi32>
        %and3A_905 = arith.constant 1048575 : i32
        %and3A_906 = vector.broadcast %and3A_905 : i32 to vector<16xi32>
        %and3A_907 = arith.andi %add3A_898, %and3A_906 : vector<16xi32>
        %add3A_908 = arith.addi %mul3A_904, %and3A_907 : vector<16xi32>
        %shift_right_arithmetic3A_909 = arith.constant 20 : i32
        %shift_right_arithmetic3A_910 = vector.broadcast %shift_right_arithmetic3A_909 : i32 to vector<16xi32>
        %shift_right_arithmetic3A_911 = arith.shrsi %add3A_908, %shift_right_arithmetic3A_910 : vector<16xi32>
        %mul3A_912 = arith.constant 48577 : i32
        %mul3A_913 = vector.broadcast %mul3A_912 : i32 to vector<16xi32>
        %mul3A_914 = arith.muli %shift_right_arithmetic3A_911, %mul3A_913 : vector<16xi32>
        %and3A_915 = arith.constant 1048575 : i32
        %and3A_916 = vector.broadcast %and3A_915 : i32 to vector<16xi32>
        %and3A_917 = arith.andi %add3A_908, %and3A_916 : vector<16xi32>
        %add3A_918 = arith.addi %mul3A_914, %and3A_917 : vector<16xi32>
        %lt3A_919 = arith.constant 0 : i32
        %lt3A_920 = vector.broadcast %lt3A_919 : i32 to vector<16xi32>
        %lt3A_921 = arith.cmpi slt, %add3A_918, %lt3A_920 : vector<16xi32>
        %add3A_922 = arith.constant 999999 : i32
        %add3A_923 = vector.broadcast %add3A_922 : i32 to vector<16xi32>
        %add3A_924 = arith.addi %add3A_918, %add3A_923 : vector<16xi32>
        %select_n3A_925 = arith.select %lt3A_921, %add3A_924, %add3A_918 : vector<16xi1>, vector<16xi32>
        %ge3A_926 = arith.constant 999999 : i32
        %ge3A_927 = vector.broadcast %ge3A_926 : i32 to vector<16xi32>
        %ge3A_928 = arith.cmpi sge, %select_n3A_925, %ge3A_927 : vector<16xi32>
        %sub3A_929 = arith.constant 999999 : i32
        %sub3A_930 = vector.broadcast %sub3A_929 : i32 to vector<16xi32>
        %sub3A_931 = arith.subi %select_n3A_925, %sub3A_930 : vector<16xi32>
        %select_n3A_932 = arith.select %ge3A_928, %sub3A_931, %select_n3A_925 : vector<16xi1>, vector<16xi32>
        %add3A_933 = arith.constant 112 : i32
        %add3A_934 = arith.addi %mul3A_235, %add3A_933 : i32
        %swap3A_935 = arith.index_cast %add3A_934 : i32 to index
        %swap3A_936 = tpu.vector_load %arg8[%swap3A_935] {strides = array<i32>} : memref<408xi32, #tpu.memory_space<vmem>>, vector<16xi32>,
        %swap3A_937 = vector.shape_cast %swap3A_936 : vector<16xi32> to vector<16xi32>
        %swap3A_938 = vector.shape_cast %select_n3A_932 : vector<16xi32> to vector<16xi32>
        tpu.vector_store %arg8[%swap3A_935], %swap3A_938 {strides = array<i32>} : memref<408xi32, #tpu.memory_space<vmem>>, vector<16xi32>,
        %add3A_939 = arith.constant 128 : i32
        %add3A_940 = arith.addi %mul3A_235, %add3A_939 : i32
        %add3A_941 = arith.constant 8 : i32
        %add3A_942 = arith.addi %add3A_940, %add3A_941 : i32
        %get3A_943 = arith.index_cast %add3A_942 : i32 to index
        %get3A_944 = tpu.vector_load %arg6[%get3A_943] {strides = array<i32>} : memref<416xi32, #tpu.memory_space<vmem>>, vector<16xi32>,
        %get3A_945 = vector.shape_cast %get3A_944 : vector<16xi32> to vector<16xi32>
        %add3A_946 = arith.constant 128 : i32
        %add3A_947 = arith.addi %mul3A_235, %add3A_946 : i32
        %add3A_948 = arith.constant 7 : i32
        %add3A_949 = arith.addi %add3A_947, %add3A_948 : i32
        %get3A_950 = arith.index_cast %add3A_949 : i32 to index
        %get3A_951 = tpu.vector_load %arg6[%get3A_950] {strides = array<i32>} : memref<416xi32, #tpu.memory_space<vmem>>, vector<16xi32>,
        %get3A_952 = vector.shape_cast %get3A_951 : vector<16xi32> to vector<16xi32>
        %add3A_953 = arith.constant 128 : i32
        %add3A_954 = arith.addi %mul3A_235, %add3A_953 : i32
        %add3A_955 = arith.constant 6 : i32
        %add3A_956 = arith.addi %add3A_954, %add3A_955 : i32
        %get3A_957 = arith.index_cast %add3A_956 : i32 to index
        %get3A_958 = tpu.vector_load %arg6[%get3A_957] {strides = array<i32>} : memref<416xi32, #tpu.memory_space<vmem>>, vector<16xi32>,
        %get3A_959 = vector.shape_cast %get3A_958 : vector<16xi32> to vector<16xi32>
        %mul3A_960 = arith.constant 36313 : i32
        %mul3A_961 = vector.broadcast %mul3A_960 : i32 to vector<16xi32>
        %mul3A_962 = arith.muli %get3A_945, %mul3A_961 : vector<16xi32>
        %mul3A_963 = arith.constant 27191 : i32
        %mul3A_964 = vector.broadcast %mul3A_963 : i32 to vector<16xi32>
        %mul3A_965 = arith.muli %get3A_952, %mul3A_964 : vector<16xi32>
        %xor3A_966 = arith.xori %mul3A_962, %mul3A_965 : vector<16xi32>
        %mul3A_967 = arith.constant 51647 : i32
        %mul3A_968 = vector.broadcast %mul3A_967 : i32 to vector<16xi32>
        %mul3A_969 = arith.muli %get3A_959, %mul3A_968 : vector<16xi32>
        %xor3A_970 = arith.xori %xor3A_966, %mul3A_969 : vector<16xi32>
        %shift_right_arithmetic3A_971 = arith.constant 20 : i32
        %shift_right_arithmetic3A_972 = vector.broadcast %shift_right_arithmetic3A_971 : i32 to vector<16xi32>
        %shift_right_arithmetic3A_973 = arith.shrsi %xor3A_970, %shift_right_arithmetic3A_972 : vector<16xi32>
        %mul3A_974 = arith.constant 48577 : i32
        %mul3A_975 = vector.broadcast %mul3A_974 : i32 to vector<16xi32>
        %mul3A_976 = arith.muli %shift_right_arithmetic3A_973, %mul3A_975 : vector<16xi32>
        %and3A_977 = arith.constant 1048575 : i32
        %and3A_978 = vector.broadcast %and3A_977 : i32 to vector<16xi32>
        %and3A_979 = arith.andi %xor3A_970, %and3A_978 : vector<16xi32>
        %add3A_980 = arith.addi %mul3A_976, %and3A_979 : vector<16xi32>
        %shift_right_arithmetic3A_981 = arith.constant 20 : i32
        %shift_right_arithmetic3A_982 = vector.broadcast %shift_right_arithmetic3A_981 : i32 to vector<16xi32>
        %shift_right_arithmetic3A_983 = arith.shrsi %add3A_980, %shift_right_arithmetic3A_982 : vector<16xi32>
        %mul3A_984 = arith.constant 48577 : i32
        %mul3A_985 = vector.broadcast %mul3A_984 : i32 to vector<16xi32>
        %mul3A_986 = arith.muli %shift_right_arithmetic3A_983, %mul3A_985 : vector<16xi32>
        %and3A_987 = arith.constant 1048575 : i32
        %and3A_988 = vector.broadcast %and3A_987 : i32 to vector<16xi32>
        %and3A_989 = arith.andi %add3A_980, %and3A_988 : vector<16xi32>
        %add3A_990 = arith.addi %mul3A_986, %and3A_989 : vector<16xi32>
        %shift_right_arithmetic3A_991 = arith.constant 20 : i32
        %shift_right_arithmetic3A_992 = vector.broadcast %shift_right_arithmetic3A_991 : i32 to vector<16xi32>
        %shift_right_arithmetic3A_993 = arith.shrsi %add3A_990, %shift_right_arithmetic3A_992 : vector<16xi32>
        %mul3A_994 = arith.constant 48577 : i32
        %mul3A_995 = vector.broadcast %mul3A_994 : i32 to vector<16xi32>
        %mul3A_996 = arith.muli %shift_right_arithmetic3A_993, %mul3A_995 : vector<16xi32>
        %and3A_997 = arith.constant 1048575 : i32
        %and3A_998 = vector.broadcast %and3A_997 : i32 to vector<16xi32>
        %and3A_999 = arith.andi %add3A_990, %and3A_998 : vector<16xi32>
        %add3A_1000 = arith.addi %mul3A_996, %and3A_999 : vector<16xi32>
        %lt3A_1001 = arith.constant 0 : i32
        %lt3A_1002 = vector.broadcast %lt3A_1001 : i32 to vector<16xi32>
        %lt3A_1003 = arith.cmpi slt, %add3A_1000, %lt3A_1002 : vector<16xi32>
        %add3A_1004 = arith.constant 999999 : i32
        %add3A_1005 = vector.broadcast %add3A_1004 : i32 to vector<16xi32>
        %add3A_1006 = arith.addi %add3A_1000, %add3A_1005 : vector<16xi32>
        %select_n3A_1007 = arith.select %lt3A_1003, %add3A_1006, %add3A_1000 : vector<16xi1>, vector<16xi32>
        %ge3A_1008 = arith.constant 999999 : i32
        %ge3A_1009 = vector.broadcast %ge3A_1008 : i32 to vector<16xi32>
        %ge3A_1010 = arith.cmpi sge, %select_n3A_1007, %ge3A_1009 : vector<16xi32>
        %sub3A_1011 = arith.constant 999999 : i32
        %sub3A_1012 = vector.broadcast %sub3A_1011 : i32 to vector<16xi32>
        %sub3A_1013 = arith.subi %select_n3A_1007, %sub3A_1012 : vector<16xi32>
        %select_n3A_1014 = arith.select %ge3A_1010, %sub3A_1013, %select_n3A_1007 : vector<16xi1>, vector<16xi32>
        %add3A_1015 = arith.constant 128 : i32
        %add3A_1016 = arith.addi %mul3A_235, %add3A_1015 : i32
        %swap3A_1017 = arith.index_cast %add3A_1016 : i32 to index
        %swap3A_1018 = tpu.vector_load %arg8[%swap3A_1017] {strides = array<i32>} : memref<408xi32, #tpu.memory_space<vmem>>, vector<16xi32>,
        %swap3A_1019 = vector.shape_cast %swap3A_1018 : vector<16xi32> to vector<16xi32>
        %swap3A_1020 = vector.shape_cast %select_n3A_1014 : vector<16xi32> to vector<16xi32>
        tpu.vector_store %arg8[%swap3A_1017], %swap3A_1020 {strides = array<i32>} : memref<408xi32, #tpu.memory_space<vmem>>, vector<16xi32>,
        %add3A_1021 = arith.constant 144 : i32
        %add3A_1022 = arith.addi %mul3A_235, %add3A_1021 : i32
        %add3A_1023 = arith.constant 8 : i32
        %add3A_1024 = arith.addi %add3A_1022, %add3A_1023 : i32
        %get3A_1025 = arith.index_cast %add3A_1024 : i32 to index
        %get3A_1026 = tpu.vector_load %arg6[%get3A_1025] {strides = array<i32>} : memref<416xi32, #tpu.memory_space<vmem>>, vector<16xi32>,
        %get3A_1027 = vector.shape_cast %get3A_1026 : vector<16xi32> to vector<16xi32>
        %add3A_1028 = arith.constant 144 : i32
        %add3A_1029 = arith.addi %mul3A_235, %add3A_1028 : i32
        %add3A_1030 = arith.constant 7 : i32
        %add3A_1031 = arith.addi %add3A_1029, %add3A_1030 : i32
        %get3A_1032 = arith.index_cast %add3A_1031 : i32 to index
        %get3A_1033 = tpu.vector_load %arg6[%get3A_1032] {strides = array<i32>} : memref<416xi32, #tpu.memory_space<vmem>>, vector<16xi32>,
        %get3A_1034 = vector.shape_cast %get3A_1033 : vector<16xi32> to vector<16xi32>
        %add3A_1035 = arith.constant 144 : i32
        %add3A_1036 = arith.addi %mul3A_235, %add3A_1035 : i32
        %add3A_1037 = arith.constant 6 : i32
        %add3A_1038 = arith.addi %add3A_1036, %add3A_1037 : i32
        %get3A_1039 = arith.index_cast %add3A_1038 : i32 to index
        %get3A_1040 = tpu.vector_load %arg6[%get3A_1039] {strides = array<i32>} : memref<416xi32, #tpu.memory_space<vmem>>, vector<16xi32>,
        %get3A_1041 = vector.shape_cast %get3A_1040 : vector<16xi32> to vector<16xi32>
        %mul3A_1042 = arith.constant 36313 : i32
        %mul3A_1043 = vector.broadcast %mul3A_1042 : i32 to vector<16xi32>
        %mul3A_1044 = arith.muli %get3A_1027, %mul3A_1043 : vector<16xi32>
        %mul3A_1045 = arith.constant 27191 : i32
        %mul3A_1046 = vector.broadcast %mul3A_1045 : i32 to vector<16xi32>
        %mul3A_1047 = arith.muli %get3A_1034, %mul3A_1046 : vector<16xi32>
        %xor3A_1048 = arith.xori %mul3A_1044, %mul3A_1047 : vector<16xi32>
        %mul3A_1049 = arith.constant 51647 : i32
        %mul3A_1050 = vector.broadcast %mul3A_1049 : i32 to vector<16xi32>
        %mul3A_1051 = arith.muli %get3A_1041, %mul3A_1050 : vector<16xi32>
        %xor3A_1052 = arith.xori %xor3A_1048, %mul3A_1051 : vector<16xi32>
        %shift_right_arithmetic3A_1053 = arith.constant 20 : i32
        %shift_right_arithmetic3A_1054 = vector.broadcast %shift_right_arithmetic3A_1053 : i32 to vector<16xi32>
        %shift_right_arithmetic3A_1055 = arith.shrsi %xor3A_1052, %shift_right_arithmetic3A_1054 : vector<16xi32>
        %mul3A_1056 = arith.constant 48577 : i32
        %mul3A_1057 = vector.broadcast %mul3A_1056 : i32 to vector<16xi32>
        %mul3A_1058 = arith.muli %shift_right_arithmetic3A_1055, %mul3A_1057 : vector<16xi32>
        %and3A_1059 = arith.constant 1048575 : i32
        %and3A_1060 = vector.broadcast %and3A_1059 : i32 to vector<16xi32>
        %and3A_1061 = arith.andi %xor3A_1052, %and3A_1060 : vector<16xi32>
        %add3A_1062 = arith.addi %mul3A_1058, %and3A_1061 : vector<16xi32>
        %shift_right_arithmetic3A_1063 = arith.constant 20 : i32
        %shift_right_arithmetic3A_1064 = vector.broadcast %shift_right_arithmetic3A_1063 : i32 to vector<16xi32>
        %shift_right_arithmetic3A_1065 = arith.shrsi %add3A_1062, %shift_right_arithmetic3A_1064 : vector<16xi32>
        %mul3A_1066 = arith.constant 48577 : i32
        %mul3A_1067 = vector.broadcast %mul3A_1066 : i32 to vector<16xi32>
        %mul3A_1068 = arith.muli %shift_right_arithmetic3A_1065, %mul3A_1067 : vector<16xi32>
        %and3A_1069 = arith.constant 1048575 : i32
        %and3A_1070 = vector.broadcast %and3A_1069 : i32 to vector<16xi32>
        %and3A_1071 = arith.andi %add3A_1062, %and3A_1070 : vector<16xi32>
        %add3A_1072 = arith.addi %mul3A_1068, %and3A_1071 : vector<16xi32>
        %shift_right_arithmetic3A_1073 = arith.constant 20 : i32
        %shift_right_arithmetic3A_1074 = vector.broadcast %shift_right_arithmetic3A_1073 : i32 to vector<16xi32>
        %shift_right_arithmetic3A_1075 = arith.shrsi %add3A_1072, %shift_right_arithmetic3A_1074 : vector<16xi32>
        %mul3A_1076 = arith.constant 48577 : i32
        %mul3A_1077 = vector.broadcast %mul3A_1076 : i32 to vector<16xi32>
        %mul3A_1078 = arith.muli %shift_right_arithmetic3A_1075, %mul3A_1077 : vector<16xi32>
        %and3A_1079 = arith.constant 1048575 : i32
        %and3A_1080 = vector.broadcast %and3A_1079 : i32 to vector<16xi32>
        %and3A_1081 = arith.andi %add3A_1072, %and3A_1080 : vector<16xi32>
        %add3A_1082 = arith.addi %mul3A_1078, %and3A_1081 : vector<16xi32>
        %lt3A_1083 = arith.constant 0 : i32
        %lt3A_1084 = vector.broadcast %lt3A_1083 : i32 to vector<16xi32>
        %lt3A_1085 = arith.cmpi slt, %add3A_1082, %lt3A_1084 : vector<16xi32>
        %add3A_1086 = arith.constant 999999 : i32
        %add3A_1087 = vector.broadcast %add3A_1086 : i32 to vector<16xi32>
        %add3A_1088 = arith.addi %add3A_1082, %add3A_1087 : vector<16xi32>
        %select_n3A_1089 = arith.select %lt3A_1085, %add3A_1088, %add3A_1082 : vector<16xi1>, vector<16xi32>
        %ge3A_1090 = arith.constant 999999 : i32
        %ge3A_1091 = vector.broadcast %ge3A_1090 : i32 to vector<16xi32>
        %ge3A_1092 = arith.cmpi sge, %select_n3A_1089, %ge3A_1091 : vector<16xi32>
        %sub3A_1093 = arith.constant 999999 : i32
        %sub3A_1094 = vector.broadcast %sub3A_1093 : i32 to vector<16xi32>
        %sub3A_1095 = arith.subi %select_n3A_1089, %sub3A_1094 : vector<16xi32>
        %select_n3A_1096 = arith.select %ge3A_1092, %sub3A_1095, %select_n3A_1089 : vector<16xi1>, vector<16xi32>
        %add3A_1097 = arith.constant 144 : i32
        %add3A_1098 = arith.addi %mul3A_235, %add3A_1097 : i32
        %swap3A_1099 = arith.index_cast %add3A_1098 : i32 to index
        %swap3A_1100 = tpu.vector_load %arg8[%swap3A_1099] {strides = array<i32>} : memref<408xi32, #tpu.memory_space<vmem>>, vector<16xi32>,
        %swap3A_1101 = vector.shape_cast %swap3A_1100 : vector<16xi32> to vector<16xi32>
        %swap3A_1102 = vector.shape_cast %select_n3A_1096 : vector<16xi32> to vector<16xi32>
        tpu.vector_store %arg8[%swap3A_1099], %swap3A_1102 {strides = array<i32>} : memref<408xi32, #tpu.memory_space<vmem>>, vector<16xi32>,
        %add3A_1103 = arith.constant 160 : i32
        %add3A_1104 = arith.addi %mul3A_235, %add3A_1103 : i32
        %add3A_1105 = arith.constant 8 : i32
        %add3A_1106 = arith.addi %add3A_1104, %add3A_1105 : i32
        %get3A_1107 = arith.index_cast %add3A_1106 : i32 to index
        %get3A_1108 = tpu.vector_load %arg6[%get3A_1107] {strides = array<i32>} : memref<416xi32, #tpu.memory_space<vmem>>, vector<16xi32>,
        %get3A_1109 = vector.shape_cast %get3A_1108 : vector<16xi32> to vector<16xi32>
        %add3A_1110 = arith.constant 160 : i32
        %add3A_1111 = arith.addi %mul3A_235, %add3A_1110 : i32
        %add3A_1112 = arith.constant 7 : i32
        %add3A_1113 = arith.addi %add3A_1111, %add3A_1112 : i32
        %get3A_1114 = arith.index_cast %add3A_1113 : i32 to index
        %get3A_1115 = tpu.vector_load %arg6[%get3A_1114] {strides = array<i32>} : memref<416xi32, #tpu.memory_space<vmem>>, vector<16xi32>,
        %get3A_1116 = vector.shape_cast %get3A_1115 : vector<16xi32> to vector<16xi32>
        %add3A_1117 = arith.constant 160 : i32
        %add3A_1118 = arith.addi %mul3A_235, %add3A_1117 : i32
        %add3A_1119 = arith.constant 6 : i32
        %add3A_1120 = arith.addi %add3A_1118, %add3A_1119 : i32
        %get3A_1121 = arith.index_cast %add3A_1120 : i32 to index
        %get3A_1122 = tpu.vector_load %arg6[%get3A_1121] {strides = array<i32>} : memref<416xi32, #tpu.memory_space<vmem>>, vector<16xi32>,
        %get3A_1123 = vector.shape_cast %get3A_1122 : vector<16xi32> to vector<16xi32>
        %mul3A_1124 = arith.constant 36313 : i32
        %mul3A_1125 = vector.broadcast %mul3A_1124 : i32 to vector<16xi32>
        %mul3A_1126 = arith.muli %get3A_1109, %mul3A_1125 : vector<16xi32>
        %mul3A_1127 = arith.constant 27191 : i32
        %mul3A_1128 = vector.broadcast %mul3A_1127 : i32 to vector<16xi32>
        %mul3A_1129 = arith.muli %get3A_1116, %mul3A_1128 : vector<16xi32>
        %xor3A_1130 = arith.xori %mul3A_1126, %mul3A_1129 : vector<16xi32>
        %mul3A_1131 = arith.constant 51647 : i32
        %mul3A_1132 = vector.broadcast %mul3A_1131 : i32 to vector<16xi32>
        %mul3A_1133 = arith.muli %get3A_1123, %mul3A_1132 : vector<16xi32>
        %xor3A_1134 = arith.xori %xor3A_1130, %mul3A_1133 : vector<16xi32>
        %shift_right_arithmetic3A_1135 = arith.constant 20 : i32
        %shift_right_arithmetic3A_1136 = vector.broadcast %shift_right_arithmetic3A_1135 : i32 to vector<16xi32>
        %shift_right_arithmetic3A_1137 = arith.shrsi %xor3A_1134, %shift_right_arithmetic3A_1136 : vector<16xi32>
        %mul3A_1138 = arith.constant 48577 : i32
        %mul3A_1139 = vector.broadcast %mul3A_1138 : i32 to vector<16xi32>
        %mul3A_1140 = arith.muli %shift_right_arithmetic3A_1137, %mul3A_1139 : vector<16xi32>
        %and3A_1141 = arith.constant 1048575 : i32
        %and3A_1142 = vector.broadcast %and3A_1141 : i32 to vector<16xi32>
        %and3A_1143 = arith.andi %xor3A_1134, %and3A_1142 : vector<16xi32>
        %add3A_1144 = arith.addi %mul3A_1140, %and3A_1143 : vector<16xi32>
        %shift_right_arithmetic3A_1145 = arith.constant 20 : i32
        %shift_right_arithmetic3A_1146 = vector.broadcast %shift_right_arithmetic3A_1145 : i32 to vector<16xi32>
        %shift_right_arithmetic3A_1147 = arith.shrsi %add3A_1144, %shift_right_arithmetic3A_1146 : vector<16xi32>
        %mul3A_1148 = arith.constant 48577 : i32
        %mul3A_1149 = vector.broadcast %mul3A_1148 : i32 to vector<16xi32>
        %mul3A_1150 = arith.muli %shift_right_arithmetic3A_1147, %mul3A_1149 : vector<16xi32>
        %and3A_1151 = arith.constant 1048575 : i32
        %and3A_1152 = vector.broadcast %and3A_1151 : i32 to vector<16xi32>
        %and3A_1153 = arith.andi %add3A_1144, %and3A_1152 : vector<16xi32>
        %add3A_1154 = arith.addi %mul3A_1150, %and3A_1153 : vector<16xi32>
        %shift_right_arithmetic3A_1155 = arith.constant 20 : i32
        %shift_right_arithmetic3A_1156 = vector.broadcast %shift_right_arithmetic3A_1155 : i32 to vector<16xi32>
        %shift_right_arithmetic3A_1157 = arith.shrsi %add3A_1154, %shift_right_arithmetic3A_1156 : vector<16xi32>
        %mul3A_1158 = arith.constant 48577 : i32
        %mul3A_1159 = vector.broadcast %mul3A_1158 : i32 to vector<16xi32>
        %mul3A_1160 = arith.muli %shift_right_arithmetic3A_1157, %mul3A_1159 : vector<16xi32>
        %and3A_1161 = arith.constant 1048575 : i32
        %and3A_1162 = vector.broadcast %and3A_1161 : i32 to vector<16xi32>
        %and3A_1163 = arith.andi %add3A_1154, %and3A_1162 : vector<16xi32>
        %add3A_1164 = arith.addi %mul3A_1160, %and3A_1163 : vector<16xi32>
        %lt3A_1165 = arith.constant 0 : i32
        %lt3A_1166 = vector.broadcast %lt3A_1165 : i32 to vector<16xi32>
        %lt3A_1167 = arith.cmpi slt, %add3A_1164, %lt3A_1166 : vector<16xi32>
        %add3A_1168 = arith.constant 999999 : i32
        %add3A_1169 = vector.broadcast %add3A_1168 : i32 to vector<16xi32>
        %add3A_1170 = arith.addi %add3A_1164, %add3A_1169 : vector<16xi32>
        %select_n3A_1171 = arith.select %lt3A_1167, %add3A_1170, %add3A_1164 : vector<16xi1>, vector<16xi32>
        %ge3A_1172 = arith.constant 999999 : i32
        %ge3A_1173 = vector.broadcast %ge3A_1172 : i32 to vector<16xi32>
        %ge3A_1174 = arith.cmpi sge, %select_n3A_1171, %ge3A_1173 : vector<16xi32>
        %sub3A_1175 = arith.constant 999999 : i32
        %sub3A_1176 = vector.broadcast %sub3A_1175 : i32 to vector<16xi32>
        %sub3A_1177 = arith.subi %select_n3A_1171, %sub3A_1176 : vector<16xi32>
        %select_n3A_1178 = arith.select %ge3A_1174, %sub3A_1177, %select_n3A_1171 : vector<16xi1>, vector<16xi32>
        %add3A_1179 = arith.constant 160 : i32
        %add3A_1180 = arith.addi %mul3A_235, %add3A_1179 : i32
        %swap3A_1181 = arith.index_cast %add3A_1180 : i32 to index
        %swap3A_1182 = tpu.vector_load %arg8[%swap3A_1181] {strides = array<i32>} : memref<408xi32, #tpu.memory_space<vmem>>, vector<16xi32>,
        %swap3A_1183 = vector.shape_cast %swap3A_1182 : vector<16xi32> to vector<16xi32>
        %swap3A_1184 = vector.shape_cast %select_n3A_1178 : vector<16xi32> to vector<16xi32>
        tpu.vector_store %arg8[%swap3A_1181], %swap3A_1184 {strides = array<i32>} : memref<408xi32, #tpu.memory_space<vmem>>, vector<16xi32>,
        %add3A_1185 = arith.constant 176 : i32
        %add3A_1186 = arith.addi %mul3A_235, %add3A_1185 : i32
        %add3A_1187 = arith.constant 8 : i32
        %add3A_1188 = arith.addi %add3A_1186, %add3A_1187 : i32
        %get3A_1189 = arith.index_cast %add3A_1188 : i32 to index
        %get3A_1190 = tpu.vector_load %arg6[%get3A_1189] {strides = array<i32>} : memref<416xi32, #tpu.memory_space<vmem>>, vector<16xi32>,
        %get3A_1191 = vector.shape_cast %get3A_1190 : vector<16xi32> to vector<16xi32>
        %add3A_1192 = arith.constant 176 : i32
        %add3A_1193 = arith.addi %mul3A_235, %add3A_1192 : i32
        %add3A_1194 = arith.constant 7 : i32
        %add3A_1195 = arith.addi %add3A_1193, %add3A_1194 : i32
        %get3A_1196 = arith.index_cast %add3A_1195 : i32 to index
        %get3A_1197 = tpu.vector_load %arg6[%get3A_1196] {strides = array<i32>} : memref<416xi32, #tpu.memory_space<vmem>>, vector<16xi32>,
        %get3A_1198 = vector.shape_cast %get3A_1197 : vector<16xi32> to vector<16xi32>
        %add3A_1199 = arith.constant 176 : i32
        %add3A_1200 = arith.addi %mul3A_235, %add3A_1199 : i32
        %add3A_1201 = arith.constant 6 : i32
        %add3A_1202 = arith.addi %add3A_1200, %add3A_1201 : i32
        %get3A_1203 = arith.index_cast %add3A_1202 : i32 to index
        %get3A_1204 = tpu.vector_load %arg6[%get3A_1203] {strides = array<i32>} : memref<416xi32, #tpu.memory_space<vmem>>, vector<16xi32>,
        %get3A_1205 = vector.shape_cast %get3A_1204 : vector<16xi32> to vector<16xi32>
        %mul3A_1206 = arith.constant 36313 : i32
        %mul3A_1207 = vector.broadcast %mul3A_1206 : i32 to vector<16xi32>
        %mul3A_1208 = arith.muli %get3A_1191, %mul3A_1207 : vector<16xi32>
        %mul3A_1209 = arith.constant 27191 : i32
        %mul3A_1210 = vector.broadcast %mul3A_1209 : i32 to vector<16xi32>
        %mul3A_1211 = arith.muli %get3A_1198, %mul3A_1210 : vector<16xi32>
        %xor3A_1212 = arith.xori %mul3A_1208, %mul3A_1211 : vector<16xi32>
        %mul3A_1213 = arith.constant 51647 : i32
        %mul3A_1214 = vector.broadcast %mul3A_1213 : i32 to vector<16xi32>
        %mul3A_1215 = arith.muli %get3A_1205, %mul3A_1214 : vector<16xi32>
        %xor3A_1216 = arith.xori %xor3A_1212, %mul3A_1215 : vector<16xi32>
        %shift_right_arithmetic3A_1217 = arith.constant 20 : i32
        %shift_right_arithmetic3A_1218 = vector.broadcast %shift_right_arithmetic3A_1217 : i32 to vector<16xi32>
        %shift_right_arithmetic3A_1219 = arith.shrsi %xor3A_1216, %shift_right_arithmetic3A_1218 : vector<16xi32>
        %mul3A_1220 = arith.constant 48577 : i32
        %mul3A_1221 = vector.broadcast %mul3A_1220 : i32 to vector<16xi32>
        %mul3A_1222 = arith.muli %shift_right_arithmetic3A_1219, %mul3A_1221 : vector<16xi32>
        %and3A_1223 = arith.constant 1048575 : i32
        %and3A_1224 = vector.broadcast %and3A_1223 : i32 to vector<16xi32>
        %and3A_1225 = arith.andi %xor3A_1216, %and3A_1224 : vector<16xi32>
        %add3A_1226 = arith.addi %mul3A_1222, %and3A_1225 : vector<16xi32>
        %shift_right_arithmetic3A_1227 = arith.constant 20 : i32
        %shift_right_arithmetic3A_1228 = vector.broadcast %shift_right_arithmetic3A_1227 : i32 to vector<16xi32>
        %shift_right_arithmetic3A_1229 = arith.shrsi %add3A_1226, %shift_right_arithmetic3A_1228 : vector<16xi32>
        %mul3A_1230 = arith.constant 48577 : i32
        %mul3A_1231 = vector.broadcast %mul3A_1230 : i32 to vector<16xi32>
        %mul3A_1232 = arith.muli %shift_right_arithmetic3A_1229, %mul3A_1231 : vector<16xi32>
        %and3A_1233 = arith.constant 1048575 : i32
        %and3A_1234 = vector.broadcast %and3A_1233 : i32 to vector<16xi32>
        %and3A_1235 = arith.andi %add3A_1226, %and3A_1234 : vector<16xi32>
        %add3A_1236 = arith.addi %mul3A_1232, %and3A_1235 : vector<16xi32>
        %shift_right_arithmetic3A_1237 = arith.constant 20 : i32
        %shift_right_arithmetic3A_1238 = vector.broadcast %shift_right_arithmetic3A_1237 : i32 to vector<16xi32>
        %shift_right_arithmetic3A_1239 = arith.shrsi %add3A_1236, %shift_right_arithmetic3A_1238 : vector<16xi32>
        %mul3A_1240 = arith.constant 48577 : i32
        %mul3A_1241 = vector.broadcast %mul3A_1240 : i32 to vector<16xi32>
        %mul3A_1242 = arith.muli %shift_right_arithmetic3A_1239, %mul3A_1241 : vector<16xi32>
        %and3A_1243 = arith.constant 1048575 : i32
        %and3A_1244 = vector.broadcast %and3A_1243 : i32 to vector<16xi32>
        %and3A_1245 = arith.andi %add3A_1236, %and3A_1244 : vector<16xi32>
        %add3A_1246 = arith.addi %mul3A_1242, %and3A_1245 : vector<16xi32>
        %lt3A_1247 = arith.constant 0 : i32
        %lt3A_1248 = vector.broadcast %lt3A_1247 : i32 to vector<16xi32>
        %lt3A_1249 = arith.cmpi slt, %add3A_1246, %lt3A_1248 : vector<16xi32>
        %add3A_1250 = arith.constant 999999 : i32
        %add3A_1251 = vector.broadcast %add3A_1250 : i32 to vector<16xi32>
        %add3A_1252 = arith.addi %add3A_1246, %add3A_1251 : vector<16xi32>
        %select_n3A_1253 = arith.select %lt3A_1249, %add3A_1252, %add3A_1246 : vector<16xi1>, vector<16xi32>
        %ge3A_1254 = arith.constant 999999 : i32
        %ge3A_1255 = vector.broadcast %ge3A_1254 : i32 to vector<16xi32>
        %ge3A_1256 = arith.cmpi sge, %select_n3A_1253, %ge3A_1255 : vector<16xi32>
        %sub3A_1257 = arith.constant 999999 : i32
        %sub3A_1258 = vector.broadcast %sub3A_1257 : i32 to vector<16xi32>
        %sub3A_1259 = arith.subi %select_n3A_1253, %sub3A_1258 : vector<16xi32>
        %select_n3A_1260 = arith.select %ge3A_1256, %sub3A_1259, %select_n3A_1253 : vector<16xi1>, vector<16xi32>
        %add3A_1261 = arith.constant 176 : i32
        %add3A_1262 = arith.addi %mul3A_235, %add3A_1261 : i32
        %swap3A_1263 = arith.index_cast %add3A_1262 : i32 to index
        %swap3A_1264 = tpu.vector_load %arg8[%swap3A_1263] {strides = array<i32>} : memref<408xi32, #tpu.memory_space<vmem>>, vector<16xi32>,
        %swap3A_1265 = vector.shape_cast %swap3A_1264 : vector<16xi32> to vector<16xi32>
        %swap3A_1266 = vector.shape_cast %select_n3A_1260 : vector<16xi32> to vector<16xi32>
        tpu.vector_store %arg8[%swap3A_1263], %swap3A_1266 {strides = array<i32>} : memref<408xi32, #tpu.memory_space<vmem>>, vector<16xi32>,
        %add3A_1267 = arith.constant 192 : i32
        %add3A_1268 = arith.addi %mul3A_235, %add3A_1267 : i32
        %add3A_1269 = arith.constant 8 : i32
        %add3A_1270 = arith.addi %add3A_1268, %add3A_1269 : i32
        %get3A_1271 = arith.index_cast %add3A_1270 : i32 to index
        %get3A_1272 = tpu.vector_load %arg6[%get3A_1271] {strides = array<i32>} : memref<416xi32, #tpu.memory_space<vmem>>, vector<16xi32>,
        %get3A_1273 = vector.shape_cast %get3A_1272 : vector<16xi32> to vector<16xi32>
        %add3A_1274 = arith.constant 192 : i32
        %add3A_1275 = arith.addi %mul3A_235, %add3A_1274 : i32
        %add3A_1276 = arith.constant 7 : i32
        %add3A_1277 = arith.addi %add3A_1275, %add3A_1276 : i32
        %get3A_1278 = arith.index_cast %add3A_1277 : i32 to index
        %get3A_1279 = tpu.vector_load %arg6[%get3A_1278] {strides = array<i32>} : memref<416xi32, #tpu.memory_space<vmem>>, vector<16xi32>,
        %get3A_1280 = vector.shape_cast %get3A_1279 : vector<16xi32> to vector<16xi32>
        %add3A_1281 = arith.constant 192 : i32
        %add3A_1282 = arith.addi %mul3A_235, %add3A_1281 : i32
        %add3A_1283 = arith.constant 6 : i32
        %add3A_1284 = arith.addi %add3A_1282, %add3A_1283 : i32
        %get3A_1285 = arith.index_cast %add3A_1284 : i32 to index
        %get3A_1286 = tpu.vector_load %arg6[%get3A_1285] {strides = array<i32>} : memref<416xi32, #tpu.memory_space<vmem>>, vector<16xi32>,
        %get3A_1287 = vector.shape_cast %get3A_1286 : vector<16xi32> to vector<16xi32>
        %mul3A_1288 = arith.constant 36313 : i32
        %mul3A_1289 = vector.broadcast %mul3A_1288 : i32 to vector<16xi32>
        %mul3A_1290 = arith.muli %get3A_1273, %mul3A_1289 : vector<16xi32>
        %mul3A_1291 = arith.constant 27191 : i32
        %mul3A_1292 = vector.broadcast %mul3A_1291 : i32 to vector<16xi32>
        %mul3A_1293 = arith.muli %get3A_1280, %mul3A_1292 : vector<16xi32>
        %xor3A_1294 = arith.xori %mul3A_1290, %mul3A_1293 : vector<16xi32>
        %mul3A_1295 = arith.constant 51647 : i32
        %mul3A_1296 = vector.broadcast %mul3A_1295 : i32 to vector<16xi32>
        %mul3A_1297 = arith.muli %get3A_1287, %mul3A_1296 : vector<16xi32>
        %xor3A_1298 = arith.xori %xor3A_1294, %mul3A_1297 : vector<16xi32>
        %shift_right_arithmetic3A_1299 = arith.constant 20 : i32
        %shift_right_arithmetic3A_1300 = vector.broadcast %shift_right_arithmetic3A_1299 : i32 to vector<16xi32>
        %shift_right_arithmetic3A_1301 = arith.shrsi %xor3A_1298, %shift_right_arithmetic3A_1300 : vector<16xi32>
        %mul3A_1302 = arith.constant 48577 : i32
        %mul3A_1303 = vector.broadcast %mul3A_1302 : i32 to vector<16xi32>
        %mul3A_1304 = arith.muli %shift_right_arithmetic3A_1301, %mul3A_1303 : vector<16xi32>
        %and3A_1305 = arith.constant 1048575 : i32
        %and3A_1306 = vector.broadcast %and3A_1305 : i32 to vector<16xi32>
        %and3A_1307 = arith.andi %xor3A_1298, %and3A_1306 : vector<16xi32>
        %add3A_1308 = arith.addi %mul3A_1304, %and3A_1307 : vector<16xi32>
        %shift_right_arithmetic3A_1309 = arith.constant 20 : i32
        %shift_right_arithmetic3A_1310 = vector.broadcast %shift_right_arithmetic3A_1309 : i32 to vector<16xi32>
        %shift_right_arithmetic3A_1311 = arith.shrsi %add3A_1308, %shift_right_arithmetic3A_1310 : vector<16xi32>
        %mul3A_1312 = arith.constant 48577 : i32
        %mul3A_1313 = vector.broadcast %mul3A_1312 : i32 to vector<16xi32>
        %mul3A_1314 = arith.muli %shift_right_arithmetic3A_1311, %mul3A_1313 : vector<16xi32>
        %and3A_1315 = arith.constant 1048575 : i32
        %and3A_1316 = vector.broadcast %and3A_1315 : i32 to vector<16xi32>
        %and3A_1317 = arith.andi %add3A_1308, %and3A_1316 : vector<16xi32>
        %add3A_1318 = arith.addi %mul3A_1314, %and3A_1317 : vector<16xi32>
        %shift_right_arithmetic3A_1319 = arith.constant 20 : i32
        %shift_right_arithmetic3A_1320 = vector.broadcast %shift_right_arithmetic3A_1319 : i32 to vector<16xi32>
        %shift_right_arithmetic3A_1321 = arith.shrsi %add3A_1318, %shift_right_arithmetic3A_1320 : vector<16xi32>
        %mul3A_1322 = arith.constant 48577 : i32
        %mul3A_1323 = vector.broadcast %mul3A_1322 : i32 to vector<16xi32>
        %mul3A_1324 = arith.muli %shift_right_arithmetic3A_1321, %mul3A_1323 : vector<16xi32>
        %and3A_1325 = arith.constant 1048575 : i32
        %and3A_1326 = vector.broadcast %and3A_1325 : i32 to vector<16xi32>
        %and3A_1327 = arith.andi %add3A_1318, %and3A_1326 : vector<16xi32>
        %add3A_1328 = arith.addi %mul3A_1324, %and3A_1327 : vector<16xi32>
        %lt3A_1329 = arith.constant 0 : i32
        %lt3A_1330 = vector.broadcast %lt3A_1329 : i32 to vector<16xi32>
        %lt3A_1331 = arith.cmpi slt, %add3A_1328, %lt3A_1330 : vector<16xi32>
        %add3A_1332 = arith.constant 999999 : i32
        %add3A_1333 = vector.broadcast %add3A_1332 : i32 to vector<16xi32>
        %add3A_1334 = arith.addi %add3A_1328, %add3A_1333 : vector<16xi32>
        %select_n3A_1335 = arith.select %lt3A_1331, %add3A_1334, %add3A_1328 : vector<16xi1>, vector<16xi32>
        %ge3A_1336 = arith.constant 999999 : i32
        %ge3A_1337 = vector.broadcast %ge3A_1336 : i32 to vector<16xi32>
        %ge3A_1338 = arith.cmpi sge, %select_n3A_1335, %ge3A_1337 : vector<16xi32>
        %sub3A_1339 = arith.constant 999999 : i32
        %sub3A_1340 = vector.broadcast %sub3A_1339 : i32 to vector<16xi32>
        %sub3A_1341 = arith.subi %select_n3A_1335, %sub3A_1340 : vector<16xi32>
        %select_n3A_1342 = arith.select %ge3A_1338, %sub3A_1341, %select_n3A_1335 : vector<16xi1>, vector<16xi32>
        %add3A_1343 = arith.constant 192 : i32
        %add3A_1344 = arith.addi %mul3A_235, %add3A_1343 : i32
        %swap3A_1345 = arith.index_cast %add3A_1344 : i32 to index
        %swap3A_1346 = tpu.vector_load %arg8[%swap3A_1345] {strides = array<i32>} : memref<408xi32, #tpu.memory_space<vmem>>, vector<16xi32>,
        %swap3A_1347 = vector.shape_cast %swap3A_1346 : vector<16xi32> to vector<16xi32>
        %swap3A_1348 = vector.shape_cast %select_n3A_1342 : vector<16xi32> to vector<16xi32>
        tpu.vector_store %arg8[%swap3A_1345], %swap3A_1348 {strides = array<i32>} : memref<408xi32, #tpu.memory_space<vmem>>, vector<16xi32>,
      }
      %scan3A_89 = arith.constant 2 : i32
      %dma_start3A_90 = arith.constant 0 : i32
      %dma_start3A_91 = arith.constant 0 : i32
      %dma_start3A_92 = tpu.memref_slice %arg10[%dma_start3A_90, %dma_start3A_91] : memref<400x64xf32, #tpu.memory_space<vmem>> -> memref<128x64xf32, #tpu.memory_space<vmem>>
      %dma_start3A_93 = arith.constant 0 : i32
      %dma_start3A_94 = tpu.memref_slice %arg8[%dma_start3A_93] : memref<408xi32, #tpu.memory_space<vmem>> -> memref<128xi32, #tpu.memory_space<vmem>>
      %dma_start3A_95 = arith.constant 0 : i32
      %dma_start3A_96 = arith.constant 0 : i32
      %dma_start3A_97 = tpu.memref_slice %arg3[%dma_start3A_95, %dma_start3A_96] : memref<1000000x64xf32, #tpu.memory_space<hbm>> -> memref<1000000x64xf32, #tpu.memory_space<hbm>>
      tpu.enqueue_indirect_dma source(%dma_start3A_97 : memref<1000000x64xf32, #tpu.memory_space<hbm>>) target(%dma_start3A_92 : memref<128x64xf32, #tpu.memory_space<vmem>>) offsets(%dma_start3A_94 : memref<128xi32, #tpu.memory_space<vmem>>) semaphore(%arg15 : memref<!tpu.dma_semaphore, #tpu.memory_space<semaphore_mem>>)
      %dma_start3A_98 = arith.constant 128 : i32
      %dma_start3A_99 = arith.constant 0 : i32
      %dma_start3A_100 = tpu.memref_slice %arg10[%dma_start3A_98, %dma_start3A_99] : memref<400x64xf32, #tpu.memory_space<vmem>> -> memref<128x64xf32, #tpu.memory_space<vmem>>
      %dma_start3A_101 = arith.constant 128 : i32
      %dma_start3A_102 = tpu.memref_slice %arg8[%dma_start3A_101] : memref<408xi32, #tpu.memory_space<vmem>> -> memref<128xi32, #tpu.memory_space<vmem>>
      %dma_start3A_103 = arith.constant 0 : i32
      %dma_start3A_104 = arith.constant 0 : i32
      %dma_start3A_105 = tpu.memref_slice %arg3[%dma_start3A_103, %dma_start3A_104] : memref<1000000x64xf32, #tpu.memory_space<hbm>> -> memref<1000000x64xf32, #tpu.memory_space<hbm>>
      tpu.enqueue_indirect_dma source(%dma_start3A_105 : memref<1000000x64xf32, #tpu.memory_space<hbm>>) target(%dma_start3A_100 : memref<128x64xf32, #tpu.memory_space<vmem>>) offsets(%dma_start3A_102 : memref<128xi32, #tpu.memory_space<vmem>>) semaphore(%arg15 : memref<!tpu.dma_semaphore, #tpu.memory_space<semaphore_mem>>)
      %dma_start3A_106 = arith.constant 256 : i32
      %dma_start3A_107 = arith.constant 0 : i32
      %dma_start3A_108 = tpu.memref_slice %arg10[%dma_start3A_106, %dma_start3A_107] : memref<400x64xf32, #tpu.memory_space<vmem>> -> memref<128x64xf32, #tpu.memory_space<vmem>>
      %dma_start3A_109 = arith.constant 256 : i32
      %dma_start3A_110 = tpu.memref_slice %arg8[%dma_start3A_109] : memref<408xi32, #tpu.memory_space<vmem>> -> memref<128xi32, #tpu.memory_space<vmem>>
      %dma_start3A_111 = arith.constant 0 : i32
      %dma_start3A_112 = arith.constant 0 : i32
      %dma_start3A_113 = tpu.memref_slice %arg3[%dma_start3A_111, %dma_start3A_112] : memref<1000000x64xf32, #tpu.memory_space<hbm>> -> memref<1000000x64xf32, #tpu.memory_space<hbm>>
      tpu.enqueue_indirect_dma source(%dma_start3A_113 : memref<1000000x64xf32, #tpu.memory_space<hbm>>) target(%dma_start3A_108 : memref<128x64xf32, #tpu.memory_space<vmem>>) offsets(%dma_start3A_110 : memref<128xi32, #tpu.memory_space<vmem>>) semaphore(%arg15 : memref<!tpu.dma_semaphore, #tpu.memory_space<semaphore_mem>>)
      %dma_start3A_114 = arith.constant 384 : i32
      %dma_start3A_115 = arith.constant 0 : i32
      %dma_start3A_116 = tpu.memref_slice %arg10[%dma_start3A_114, %dma_start3A_115] : memref<400x64xf32, #tpu.memory_space<vmem>> -> memref<16x64xf32, #tpu.memory_space<vmem>>
      %dma_start3A_117 = arith.constant 384 : i32
      %dma_start3A_118 = tpu.memref_slice %arg8[%dma_start3A_117] : memref<408xi32, #tpu.memory_space<vmem>> -> memref<16xi32, #tpu.memory_space<vmem>>
      %dma_start3A_119 = arith.constant 0 : i32
      %dma_start3A_120 = arith.constant 0 : i32
      %dma_start3A_121 = tpu.memref_slice %arg3[%dma_start3A_119, %dma_start3A_120] : memref<1000000x64xf32, #tpu.memory_space<hbm>> -> memref<1000000x64xf32, #tpu.memory_space<hbm>>
      tpu.enqueue_indirect_dma source(%dma_start3A_121 : memref<1000000x64xf32, #tpu.memory_space<hbm>>) target(%dma_start3A_116 : memref<16x64xf32, #tpu.memory_space<vmem>>) offsets(%dma_start3A_118 : memref<16xi32, #tpu.memory_space<vmem>>) semaphore(%arg15 : memref<!tpu.dma_semaphore, #tpu.memory_space<semaphore_mem>>)
      %dma_wait3A_122 = arith.constant 0 : i32
      %dma_wait3A_123 = arith.constant 0 : i32
      %dma_wait3A_124 = tpu.memref_slice %arg9[%dma_wait3A_122, %dma_wait3A_123] : memref<400x64xf32, #tpu.memory_space<vmem>> -> memref<128x64xf32, #tpu.memory_space<vmem>>
      %dma_wait3A_125 = arith.constant 0 : i32
      %dma_wait3A_126 = tpu.memref_slice %arg7[%dma_wait3A_125] : memref<408xi32, #tpu.memory_space<vmem>> -> memref<128xi32, #tpu.memory_space<vmem>>
      %dma_wait3A_127 = arith.constant 0 : i32
      %dma_wait3A_128 = arith.constant 0 : i32
      %dma_wait3A_129 = tpu.memref_slice %arg3[%dma_wait3A_127, %dma_wait3A_128] : memref<1000000x64xf32, #tpu.memory_space<hbm>> -> memref<1000000x64xf32, #tpu.memory_space<hbm>>
      tpu.wait_indirect_dma semaphore(%arg14 : memref<!tpu.dma_semaphore, #tpu.memory_space<semaphore_mem>>) src(%dma_wait3A_129 : memref<1000000x64xf32, #tpu.memory_space<hbm>>) dst(%dma_wait3A_124 : memref<128x64xf32, #tpu.memory_space<vmem>>)
      %dma_wait3A_130 = arith.constant 128 : i32
      %dma_wait3A_131 = arith.constant 0 : i32
      %dma_wait3A_132 = tpu.memref_slice %arg9[%dma_wait3A_130, %dma_wait3A_131] : memref<400x64xf32, #tpu.memory_space<vmem>> -> memref<128x64xf32, #tpu.memory_space<vmem>>
      %dma_wait3A_133 = arith.constant 128 : i32
      %dma_wait3A_134 = tpu.memref_slice %arg7[%dma_wait3A_133] : memref<408xi32, #tpu.memory_space<vmem>> -> memref<128xi32, #tpu.memory_space<vmem>>
      %dma_wait3A_135 = arith.constant 0 : i32
      %dma_wait3A_136 = arith.constant 0 : i32
      %dma_wait3A_137 = tpu.memref_slice %arg3[%dma_wait3A_135, %dma_wait3A_136] : memref<1000000x64xf32, #tpu.memory_space<hbm>> -> memref<1000000x64xf32, #tpu.memory_space<hbm>>
      tpu.wait_indirect_dma semaphore(%arg14 : memref<!tpu.dma_semaphore, #tpu.memory_space<semaphore_mem>>) src(%dma_wait3A_137 : memref<1000000x64xf32, #tpu.memory_space<hbm>>) dst(%dma_wait3A_132 : memref<128x64xf32, #tpu.memory_space<vmem>>)
      %dma_wait3A_138 = arith.constant 256 : i32
      %dma_wait3A_139 = arith.constant 0 : i32
      %dma_wait3A_140 = tpu.memref_slice %arg9[%dma_wait3A_138, %dma_wait3A_139] : memref<400x64xf32, #tpu.memory_space<vmem>> -> memref<128x64xf32, #tpu.memory_space<vmem>>
      %dma_wait3A_141 = arith.constant 256 : i32
      %dma_wait3A_142 = tpu.memref_slice %arg7[%dma_wait3A_141] : memref<408xi32, #tpu.memory_space<vmem>> -> memref<128xi32, #tpu.memory_space<vmem>>
      %dma_wait3A_143 = arith.constant 0 : i32
      %dma_wait3A_144 = arith.constant 0 : i32
      %dma_wait3A_145 = tpu.memref_slice %arg3[%dma_wait3A_143, %dma_wait3A_144] : memref<1000000x64xf32, #tpu.memory_space<hbm>> -> memref<1000000x64xf32, #tpu.memory_space<hbm>>
      tpu.wait_indirect_dma semaphore(%arg14 : memref<!tpu.dma_semaphore, #tpu.memory_space<semaphore_mem>>) src(%dma_wait3A_145 : memref<1000000x64xf32, #tpu.memory_space<hbm>>) dst(%dma_wait3A_140 : memref<128x64xf32, #tpu.memory_space<vmem>>)
      %dma_wait3A_146 = arith.constant 384 : i32
      %dma_wait3A_147 = arith.constant 0 : i32
      %dma_wait3A_148 = tpu.memref_slice %arg9[%dma_wait3A_146, %dma_wait3A_147] : memref<400x64xf32, #tpu.memory_space<vmem>> -> memref<16x64xf32, #tpu.memory_space<vmem>>
      %dma_wait3A_149 = arith.constant 384 : i32
      %dma_wait3A_150 = tpu.memref_slice %arg7[%dma_wait3A_149] : memref<408xi32, #tpu.memory_space<vmem>> -> memref<16xi32, #tpu.memory_space<vmem>>
      %dma_wait3A_151 = arith.constant 0 : i32
      %dma_wait3A_152 = arith.constant 0 : i32
      %dma_wait3A_153 = tpu.memref_slice %arg3[%dma_wait3A_151, %dma_wait3A_152] : memref<1000000x64xf32, #tpu.memory_space<hbm>> -> memref<1000000x64xf32, #tpu.memory_space<hbm>>
      tpu.wait_indirect_dma semaphore(%arg14 : memref<!tpu.dma_semaphore, #tpu.memory_space<semaphore_mem>>) src(%dma_wait3A_153 : memref<1000000x64xf32, #tpu.memory_space<hbm>>) dst(%dma_wait3A_148 : memref<16x64xf32, #tpu.memory_space<vmem>>)
      %ge3A = arith.constant 2 : i32
      %ge3A_154 = arith.cmpi sge, %add3A_76, %ge3A : i32
      %convert_element_type3A = arith.extui %ge3A_154 : i1 to i32
      %cond3A = arith.constant 0 : i32
      %cond3A_155 = arith.cmpi ne, %convert_element_type3A, %cond3A : i32
      scf.if %cond3A_155 {
        %sub3A = arith.constant 2 : i32
        %sub3A_233 = arith.subi %add3A_76, %sub3A : i32
        %mul3A_234 = arith.constant 2 : i32
        %mul3A_235 = arith.muli %sub3A_233, %mul3A_234 : i32
        %add3A_236 = arith.addi %mul3A_2, %mul3A_235 : i32
        %mul3A_237 = arith.constant 200 : i32
        %mul3A_238 = arith.muli %add3A_236, %mul3A_237 : i32
        %mul3A_239 = arith.constant 64 : i32
        %mul3A_240 = arith.muli %mul3A_238, %mul3A_239 : i32
        %dma_wait3A_241 = tpu.memref_slice %arg5[%mul3A_240] : memref<52428800xf32, #tpu.memory_space<hbm>> -> memref<25600xf32, #tpu.memory_space<hbm>>
        %dma_wait3A_242 = tpu.memref_slice %arg5[%mul3A_240] : memref<52428800xf32, #tpu.memory_space<hbm>> -> memref<25600xf32, #tpu.memory_space<hbm>>
        tpu.wait_dma2 semaphore(%arg16 : memref<!tpu.dma_semaphore, #tpu.memory_space<semaphore_mem>>) src(%arg11 : memref<25600xf32, #tpu.memory_space<vmem>>) dst(%dma_wait3A_242 : memref<25600xf32, #tpu.memory_space<hbm>>)
      } else {
      }
      %scan3A_156 = arith.constant 0 : i32
      %scan3A_157 = arith.constant 0 : i32
      %scan3A_158 = arith.constant 400 : i32
      %scan3A_159 = arith.addi %scan3A_157, %scan3A_158 : i32
      %scan3A_160 = arith.constant 4 : i32
      scf.for %scan3A_233 = %scan3A_157 to %scan3A_159 step %scan3A_160  : i32 {
        %get3A_234 = arith.index_cast %scan3A_233 : i32 to index
        %get3A_235 = arith.constant 0 : index
        %get3A_236 = tpu.vector_load %arg9[%get3A_234, %get3A_235] {strides = array<i32>} : memref<400x64xf32, #tpu.memory_space<vmem>>, vector<1x16xf32>,
        %get3A_237 = vector.shape_cast %get3A_236 : vector<1x16xf32> to vector<16xf32>
        %mul3A_238 = arith.mulf %get3A_237, %get3A_4 : vector<16xf32>
        %mul3A_239 = arith.constant 64 : i32
        %mul3A_240 = arith.muli %scan3A_233, %mul3A_239 : i32
        %add3A_241 = arith.constant 0 : i32
        %add3A_242 = arith.addi %mul3A_240, %add3A_241 : i32
        %swap3A_243 = arith.index_cast %add3A_242 : i32 to index
        %swap3A_244 = tpu.vector_load %arg11[%swap3A_243] {strides = array<i32>} : memref<25600xf32, #tpu.memory_space<vmem>>, vector<16xf32>,
        %swap3A_245 = vector.shape_cast %swap3A_244 : vector<16xf32> to vector<16xf32>
        %swap3A_246 = vector.shape_cast %mul3A_238 : vector<16xf32> to vector<16xf32>
        tpu.vector_store %arg11[%swap3A_243], %swap3A_246 {strides = array<i32>} : memref<25600xf32, #tpu.memory_space<vmem>>, vector<16xf32>,
        %get3A_247 = arith.index_cast %scan3A_233 : i32 to index
        %get3A_248 = arith.constant 16 : index
        %get3A_249 = tpu.vector_load %arg9[%get3A_247, %get3A_248] {strides = array<i32>} : memref<400x64xf32, #tpu.memory_space<vmem>>, vector<1x16xf32>,
        %get3A_250 = vector.shape_cast %get3A_249 : vector<1x16xf32> to vector<16xf32>
        %mul3A_251 = arith.mulf %get3A_250, %get3A_4 : vector<16xf32>
        %mul3A_252 = arith.constant 64 : i32
        %mul3A_253 = arith.muli %scan3A_233, %mul3A_252 : i32
        %add3A_254 = arith.constant 16 : i32
        %add3A_255 = arith.addi %mul3A_253, %add3A_254 : i32
        %swap3A_256 = arith.index_cast %add3A_255 : i32 to index
        %swap3A_257 = tpu.vector_load %arg11[%swap3A_256] {strides = array<i32>} : memref<25600xf32, #tpu.memory_space<vmem>>, vector<16xf32>,
        %swap3A_258 = vector.shape_cast %swap3A_257 : vector<16xf32> to vector<16xf32>
        %swap3A_259 = vector.shape_cast %mul3A_251 : vector<16xf32> to vector<16xf32>
        tpu.vector_store %arg11[%swap3A_256], %swap3A_259 {strides = array<i32>} : memref<25600xf32, #tpu.memory_space<vmem>>, vector<16xf32>,
        %get3A_260 = arith.index_cast %scan3A_233 : i32 to index
        %get3A_261 = arith.constant 32 : index
        %get3A_262 = tpu.vector_load %arg9[%get3A_260, %get3A_261] {strides = array<i32>} : memref<400x64xf32, #tpu.memory_space<vmem>>, vector<1x16xf32>,
        %get3A_263 = vector.shape_cast %get3A_262 : vector<1x16xf32> to vector<16xf32>
        %mul3A_264 = arith.mulf %get3A_263, %get3A_4 : vector<16xf32>
        %mul3A_265 = arith.constant 64 : i32
        %mul3A_266 = arith.muli %scan3A_233, %mul3A_265 : i32
        %add3A_267 = arith.constant 32 : i32
        %add3A_268 = arith.addi %mul3A_266, %add3A_267 : i32
        %swap3A_269 = arith.index_cast %add3A_268 : i32 to index
        %swap3A_270 = tpu.vector_load %arg11[%swap3A_269] {strides = array<i32>} : memref<25600xf32, #tpu.memory_space<vmem>>, vector<16xf32>,
        %swap3A_271 = vector.shape_cast %swap3A_270 : vector<16xf32> to vector<16xf32>
        %swap3A_272 = vector.shape_cast %mul3A_264 : vector<16xf32> to vector<16xf32>
        tpu.vector_store %arg11[%swap3A_269], %swap3A_272 {strides = array<i32>} : memref<25600xf32, #tpu.memory_space<vmem>>, vector<16xf32>,
        %get3A_273 = arith.index_cast %scan3A_233 : i32 to index
        %get3A_274 = arith.constant 48 : index
        %get3A_275 = tpu.vector_load %arg9[%get3A_273, %get3A_274] {strides = array<i32>} : memref<400x64xf32, #tpu.memory_space<vmem>>, vector<1x16xf32>,
        %get3A_276 = vector.shape_cast %get3A_275 : vector<1x16xf32> to vector<16xf32>
        %mul3A_277 = arith.mulf %get3A_276, %get3A_4 : vector<16xf32>
        %mul3A_278 = arith.constant 64 : i32
        %mul3A_279 = arith.muli %scan3A_233, %mul3A_278 : i32
        %add3A_280 = arith.constant 48 : i32
        %add3A_281 = arith.addi %mul3A_279, %add3A_280 : i32
        %swap3A_282 = arith.index_cast %add3A_281 : i32 to index
        %swap3A_283 = tpu.vector_load %arg11[%swap3A_282] {strides = array<i32>} : memref<25600xf32, #tpu.memory_space<vmem>>, vector<16xf32>,
        %swap3A_284 = vector.shape_cast %swap3A_283 : vector<16xf32> to vector<16xf32>
        %swap3A_285 = vector.shape_cast %mul3A_277 : vector<16xf32> to vector<16xf32>
        tpu.vector_store %arg11[%swap3A_282], %swap3A_285 {strides = array<i32>} : memref<25600xf32, #tpu.memory_space<vmem>>, vector<16xf32>,
        %scan3A_286 = arith.constant 1 : i32
        %scan3A_287 = arith.addi %scan3A_233, %scan3A_286 : i32
        %get3A_288 = arith.index_cast %scan3A_287 : i32 to index
        %get3A_289 = arith.constant 0 : index
        %get3A_290 = tpu.vector_load %arg9[%get3A_288, %get3A_289] {strides = array<i32>} : memref<400x64xf32, #tpu.memory_space<vmem>>, vector<1x16xf32>,
        %get3A_291 = vector.shape_cast %get3A_290 : vector<1x16xf32> to vector<16xf32>
        %mul3A_292 = arith.mulf %get3A_291, %get3A_4 : vector<16xf32>
        %mul3A_293 = arith.constant 64 : i32
        %mul3A_294 = arith.muli %scan3A_287, %mul3A_293 : i32
        %add3A_295 = arith.constant 0 : i32
        %add3A_296 = arith.addi %mul3A_294, %add3A_295 : i32
        %swap3A_297 = arith.index_cast %add3A_296 : i32 to index
        %swap3A_298 = tpu.vector_load %arg11[%swap3A_297] {strides = array<i32>} : memref<25600xf32, #tpu.memory_space<vmem>>, vector<16xf32>,
        %swap3A_299 = vector.shape_cast %swap3A_298 : vector<16xf32> to vector<16xf32>
        %swap3A_300 = vector.shape_cast %mul3A_292 : vector<16xf32> to vector<16xf32>
        tpu.vector_store %arg11[%swap3A_297], %swap3A_300 {strides = array<i32>} : memref<25600xf32, #tpu.memory_space<vmem>>, vector<16xf32>,
        %get3A_301 = arith.index_cast %scan3A_287 : i32 to index
        %get3A_302 = arith.constant 16 : index
        %get3A_303 = tpu.vector_load %arg9[%get3A_301, %get3A_302] {strides = array<i32>} : memref<400x64xf32, #tpu.memory_space<vmem>>, vector<1x16xf32>,
        %get3A_304 = vector.shape_cast %get3A_303 : vector<1x16xf32> to vector<16xf32>
        %mul3A_305 = arith.mulf %get3A_304, %get3A_4 : vector<16xf32>
        %mul3A_306 = arith.constant 64 : i32
        %mul3A_307 = arith.muli %scan3A_287, %mul3A_306 : i32
        %add3A_308 = arith.constant 16 : i32
        %add3A_309 = arith.addi %mul3A_307, %add3A_308 : i32
        %swap3A_310 = arith.index_cast %add3A_309 : i32 to index
        %swap3A_311 = tpu.vector_load %arg11[%swap3A_310] {strides = array<i32>} : memref<25600xf32, #tpu.memory_space<vmem>>, vector<16xf32>,
        %swap3A_312 = vector.shape_cast %swap3A_311 : vector<16xf32> to vector<16xf32>
        %swap3A_313 = vector.shape_cast %mul3A_305 : vector<16xf32> to vector<16xf32>
        tpu.vector_store %arg11[%swap3A_310], %swap3A_313 {strides = array<i32>} : memref<25600xf32, #tpu.memory_space<vmem>>, vector<16xf32>,
        %get3A_314 = arith.index_cast %scan3A_287 : i32 to index
        %get3A_315 = arith.constant 32 : index
        %get3A_316 = tpu.vector_load %arg9[%get3A_314, %get3A_315] {strides = array<i32>} : memref<400x64xf32, #tpu.memory_space<vmem>>, vector<1x16xf32>,
        %get3A_317 = vector.shape_cast %get3A_316 : vector<1x16xf32> to vector<16xf32>
        %mul3A_318 = arith.mulf %get3A_317, %get3A_4 : vector<16xf32>
        %mul3A_319 = arith.constant 64 : i32
        %mul3A_320 = arith.muli %scan3A_287, %mul3A_319 : i32
        %add3A_321 = arith.constant 32 : i32
        %add3A_322 = arith.addi %mul3A_320, %add3A_321 : i32
        %swap3A_323 = arith.index_cast %add3A_322 : i32 to index
        %swap3A_324 = tpu.vector_load %arg11[%swap3A_323] {strides = array<i32>} : memref<25600xf32, #tpu.memory_space<vmem>>, vector<16xf32>,
        %swap3A_325 = vector.shape_cast %swap3A_324 : vector<16xf32> to vector<16xf32>
        %swap3A_326 = vector.shape_cast %mul3A_318 : vector<16xf32> to vector<16xf32>
        tpu.vector_store %arg11[%swap3A_323], %swap3A_326 {strides = array<i32>} : memref<25600xf32, #tpu.memory_space<vmem>>, vector<16xf32>,
        %get3A_327 = arith.index_cast %scan3A_287 : i32 to index
        %get3A_328 = arith.constant 48 : index
        %get3A_329 = tpu.vector_load %arg9[%get3A_327, %get3A_328] {strides = array<i32>} : memref<400x64xf32, #tpu.memory_space<vmem>>, vector<1x16xf32>,
        %get3A_330 = vector.shape_cast %get3A_329 : vector<1x16xf32> to vector<16xf32>
        %mul3A_331 = arith.mulf %get3A_330, %get3A_4 : vector<16xf32>
        %mul3A_332 = arith.constant 64 : i32
        %mul3A_333 = arith.muli %scan3A_287, %mul3A_332 : i32
        %add3A_334 = arith.constant 48 : i32
        %add3A_335 = arith.addi %mul3A_333, %add3A_334 : i32
        %swap3A_336 = arith.index_cast %add3A_335 : i32 to index
        %swap3A_337 = tpu.vector_load %arg11[%swap3A_336] {strides = array<i32>} : memref<25600xf32, #tpu.memory_space<vmem>>, vector<16xf32>,
        %swap3A_338 = vector.shape_cast %swap3A_337 : vector<16xf32> to vector<16xf32>
        %swap3A_339 = vector.shape_cast %mul3A_331 : vector<16xf32> to vector<16xf32>
        tpu.vector_store %arg11[%swap3A_336], %swap3A_339 {strides = array<i32>} : memref<25600xf32, #tpu.memory_space<vmem>>, vector<16xf32>,
        %scan3A_340 = arith.constant 2 : i32
        %scan3A_341 = arith.addi %scan3A_233, %scan3A_340 : i32
        %get3A_342 = arith.index_cast %scan3A_341 : i32 to index
        %get3A_343 = arith.constant 0 : index
        %get3A_344 = tpu.vector_load %arg9[%get3A_342, %get3A_343] {strides = array<i32>} : memref<400x64xf32, #tpu.memory_space<vmem>>, vector<1x16xf32>,
        %get3A_345 = vector.shape_cast %get3A_344 : vector<1x16xf32> to vector<16xf32>
        %mul3A_346 = arith.mulf %get3A_345, %get3A_4 : vector<16xf32>
        %mul3A_347 = arith.constant 64 : i32
        %mul3A_348 = arith.muli %scan3A_341, %mul3A_347 : i32
        %add3A_349 = arith.constant 0 : i32
        %add3A_350 = arith.addi %mul3A_348, %add3A_349 : i32
        %swap3A_351 = arith.index_cast %add3A_350 : i32 to index
        %swap3A_352 = tpu.vector_load %arg11[%swap3A_351] {strides = array<i32>} : memref<25600xf32, #tpu.memory_space<vmem>>, vector<16xf32>,
        %swap3A_353 = vector.shape_cast %swap3A_352 : vector<16xf32> to vector<16xf32>
        %swap3A_354 = vector.shape_cast %mul3A_346 : vector<16xf32> to vector<16xf32>
        tpu.vector_store %arg11[%swap3A_351], %swap3A_354 {strides = array<i32>} : memref<25600xf32, #tpu.memory_space<vmem>>, vector<16xf32>,
        %get3A_355 = arith.index_cast %scan3A_341 : i32 to index
        %get3A_356 = arith.constant 16 : index
        %get3A_357 = tpu.vector_load %arg9[%get3A_355, %get3A_356] {strides = array<i32>} : memref<400x64xf32, #tpu.memory_space<vmem>>, vector<1x16xf32>,
        %get3A_358 = vector.shape_cast %get3A_357 : vector<1x16xf32> to vector<16xf32>
        %mul3A_359 = arith.mulf %get3A_358, %get3A_4 : vector<16xf32>
        %mul3A_360 = arith.constant 64 : i32
        %mul3A_361 = arith.muli %scan3A_341, %mul3A_360 : i32
        %add3A_362 = arith.constant 16 : i32
        %add3A_363 = arith.addi %mul3A_361, %add3A_362 : i32
        %swap3A_364 = arith.index_cast %add3A_363 : i32 to index
        %swap3A_365 = tpu.vector_load %arg11[%swap3A_364] {strides = array<i32>} : memref<25600xf32, #tpu.memory_space<vmem>>, vector<16xf32>,
        %swap3A_366 = vector.shape_cast %swap3A_365 : vector<16xf32> to vector<16xf32>
        %swap3A_367 = vector.shape_cast %mul3A_359 : vector<16xf32> to vector<16xf32>
        tpu.vector_store %arg11[%swap3A_364], %swap3A_367 {strides = array<i32>} : memref<25600xf32, #tpu.memory_space<vmem>>, vector<16xf32>,
        %get3A_368 = arith.index_cast %scan3A_341 : i32 to index
        %get3A_369 = arith.constant 32 : index
        %get3A_370 = tpu.vector_load %arg9[%get3A_368, %get3A_369] {strides = array<i32>} : memref<400x64xf32, #tpu.memory_space<vmem>>, vector<1x16xf32>,
        %get3A_371 = vector.shape_cast %get3A_370 : vector<1x16xf32> to vector<16xf32>
        %mul3A_372 = arith.mulf %get3A_371, %get3A_4 : vector<16xf32>
        %mul3A_373 = arith.constant 64 : i32
        %mul3A_374 = arith.muli %scan3A_341, %mul3A_373 : i32
        %add3A_375 = arith.constant 32 : i32
        %add3A_376 = arith.addi %mul3A_374, %add3A_375 : i32
        %swap3A_377 = arith.index_cast %add3A_376 : i32 to index
        %swap3A_378 = tpu.vector_load %arg11[%swap3A_377] {strides = array<i32>} : memref<25600xf32, #tpu.memory_space<vmem>>, vector<16xf32>,
        %swap3A_379 = vector.shape_cast %swap3A_378 : vector<16xf32> to vector<16xf32>
        %swap3A_380 = vector.shape_cast %mul3A_372 : vector<16xf32> to vector<16xf32>
        tpu.vector_store %arg11[%swap3A_377], %swap3A_380 {strides = array<i32>} : memref<25600xf32, #tpu.memory_space<vmem>>, vector<16xf32>,
        %get3A_381 = arith.index_cast %scan3A_341 : i32 to index
        %get3A_382 = arith.constant 48 : index
        %get3A_383 = tpu.vector_load %arg9[%get3A_381, %get3A_382] {strides = array<i32>} : memref<400x64xf32, #tpu.memory_space<vmem>>, vector<1x16xf32>,
        %get3A_384 = vector.shape_cast %get3A_383 : vector<1x16xf32> to vector<16xf32>
        %mul3A_385 = arith.mulf %get3A_384, %get3A_4 : vector<16xf32>
        %mul3A_386 = arith.constant 64 : i32
        %mul3A_387 = arith.muli %scan3A_341, %mul3A_386 : i32
        %add3A_388 = arith.constant 48 : i32
        %add3A_389 = arith.addi %mul3A_387, %add3A_388 : i32
        %swap3A_390 = arith.index_cast %add3A_389 : i32 to index
        %swap3A_391 = tpu.vector_load %arg11[%swap3A_390] {strides = array<i32>} : memref<25600xf32, #tpu.memory_space<vmem>>, vector<16xf32>,
        %swap3A_392 = vector.shape_cast %swap3A_391 : vector<16xf32> to vector<16xf32>
        %swap3A_393 = vector.shape_cast %mul3A_385 : vector<16xf32> to vector<16xf32>
        tpu.vector_store %arg11[%swap3A_390], %swap3A_393 {strides = array<i32>} : memref<25600xf32, #tpu.memory_space<vmem>>, vector<16xf32>,
        %scan3A_394 = arith.constant 3 : i32
        %scan3A_395 = arith.addi %scan3A_233, %scan3A_394 : i32
        %get3A_396 = arith.index_cast %scan3A_395 : i32 to index
        %get3A_397 = arith.constant 0 : index
        %get3A_398 = tpu.vector_load %arg9[%get3A_396, %get3A_397] {strides = array<i32>} : memref<400x64xf32, #tpu.memory_space<vmem>>, vector<1x16xf32>,
        %get3A_399 = vector.shape_cast %get3A_398 : vector<1x16xf32> to vector<16xf32>
        %mul3A_400 = arith.mulf %get3A_399, %get3A_4 : vector<16xf32>
        %mul3A_401 = arith.constant 64 : i32
        %mul3A_402 = arith.muli %scan3A_395, %mul3A_401 : i32
        %add3A_403 = arith.constant 0 : i32
        %add3A_404 = arith.addi %mul3A_402, %add3A_403 : i32
        %swap3A_405 = arith.index_cast %add3A_404 : i32 to index
        %swap3A_406 = tpu.vector_load %arg11[%swap3A_405] {strides = array<i32>} : memref<25600xf32, #tpu.memory_space<vmem>>, vector<16xf32>,
        %swap3A_407 = vector.shape_cast %swap3A_406 : vector<16xf32> to vector<16xf32>
        %swap3A_408 = vector.shape_cast %mul3A_400 : vector<16xf32> to vector<16xf32>
        tpu.vector_store %arg11[%swap3A_405], %swap3A_408 {strides = array<i32>} : memref<25600xf32, #tpu.memory_space<vmem>>, vector<16xf32>,
        %get3A_409 = arith.index_cast %scan3A_395 : i32 to index
        %get3A_410 = arith.constant 16 : index
        %get3A_411 = tpu.vector_load %arg9[%get3A_409, %get3A_410] {strides = array<i32>} : memref<400x64xf32, #tpu.memory_space<vmem>>, vector<1x16xf32>,
        %get3A_412 = vector.shape_cast %get3A_411 : vector<1x16xf32> to vector<16xf32>
        %mul3A_413 = arith.mulf %get3A_412, %get3A_4 : vector<16xf32>
        %mul3A_414 = arith.constant 64 : i32
        %mul3A_415 = arith.muli %scan3A_395, %mul3A_414 : i32
        %add3A_416 = arith.constant 16 : i32
        %add3A_417 = arith.addi %mul3A_415, %add3A_416 : i32
        %swap3A_418 = arith.index_cast %add3A_417 : i32 to index
        %swap3A_419 = tpu.vector_load %arg11[%swap3A_418] {strides = array<i32>} : memref<25600xf32, #tpu.memory_space<vmem>>, vector<16xf32>,
        %swap3A_420 = vector.shape_cast %swap3A_419 : vector<16xf32> to vector<16xf32>
        %swap3A_421 = vector.shape_cast %mul3A_413 : vector<16xf32> to vector<16xf32>
        tpu.vector_store %arg11[%swap3A_418], %swap3A_421 {strides = array<i32>} : memref<25600xf32, #tpu.memory_space<vmem>>, vector<16xf32>,
        %get3A_422 = arith.index_cast %scan3A_395 : i32 to index
        %get3A_423 = arith.constant 32 : index
        %get3A_424 = tpu.vector_load %arg9[%get3A_422, %get3A_423] {strides = array<i32>} : memref<400x64xf32, #tpu.memory_space<vmem>>, vector<1x16xf32>,
        %get3A_425 = vector.shape_cast %get3A_424 : vector<1x16xf32> to vector<16xf32>
        %mul3A_426 = arith.mulf %get3A_425, %get3A_4 : vector<16xf32>
        %mul3A_427 = arith.constant 64 : i32
        %mul3A_428 = arith.muli %scan3A_395, %mul3A_427 : i32
        %add3A_429 = arith.constant 32 : i32
        %add3A_430 = arith.addi %mul3A_428, %add3A_429 : i32
        %swap3A_431 = arith.index_cast %add3A_430 : i32 to index
        %swap3A_432 = tpu.vector_load %arg11[%swap3A_431] {strides = array<i32>} : memref<25600xf32, #tpu.memory_space<vmem>>, vector<16xf32>,
        %swap3A_433 = vector.shape_cast %swap3A_432 : vector<16xf32> to vector<16xf32>
        %swap3A_434 = vector.shape_cast %mul3A_426 : vector<16xf32> to vector<16xf32>
        tpu.vector_store %arg11[%swap3A_431], %swap3A_434 {strides = array<i32>} : memref<25600xf32, #tpu.memory_space<vmem>>, vector<16xf32>,
        %get3A_435 = arith.index_cast %scan3A_395 : i32 to index
        %get3A_436 = arith.constant 48 : index
        %get3A_437 = tpu.vector_load %arg9[%get3A_435, %get3A_436] {strides = array<i32>} : memref<400x64xf32, #tpu.memory_space<vmem>>, vector<1x16xf32>,
        %get3A_438 = vector.shape_cast %get3A_437 : vector<1x16xf32> to vector<16xf32>
        %mul3A_439 = arith.mulf %get3A_438, %get3A_4 : vector<16xf32>
        %mul3A_440 = arith.constant 64 : i32
        %mul3A_441 = arith.muli %scan3A_395, %mul3A_440 : i32
        %add3A_442 = arith.constant 48 : i32
        %add3A_443 = arith.addi %mul3A_441, %add3A_442 : i32
        %swap3A_444 = arith.index_cast %add3A_443 : i32 to index
        %swap3A_445 = tpu.vector_load %arg11[%swap3A_444] {strides = array<i32>} : memref<25600xf32, #tpu.memory_space<vmem>>, vector<16xf32>,
        %swap3A_446 = vector.shape_cast %swap3A_445 : vector<16xf32> to vector<16xf32>
        %swap3A_447 = vector.shape_cast %mul3A_439 : vector<16xf32> to vector<16xf32>
        tpu.vector_store %arg11[%swap3A_444], %swap3A_447 {strides = array<i32>} : memref<25600xf32, #tpu.memory_space<vmem>>, vector<16xf32>,
      }
      %scan3A_161 = arith.constant 400 : i32
      %mul3A_162 = arith.constant 2 : i32
      %mul3A_163 = arith.muli %add3A_76, %mul3A_162 : i32
      %add3A_164 = arith.addi %mul3A_2, %mul3A_163 : i32
      %mul3A_165 = arith.constant 200 : i32
      %mul3A_166 = arith.muli %add3A_164, %mul3A_165 : i32
      %mul3A_167 = arith.constant 64 : i32
      %mul3A_168 = arith.muli %mul3A_166, %mul3A_167 : i32
      %dma_start3A_169 = tpu.memref_slice %arg5[%mul3A_168] : memref<52428800xf32, #tpu.memory_space<hbm>> -> memref<25600xf32, #tpu.memory_space<hbm>>
      %dma_start3A_170 = tpu.memref_slice %arg5[%mul3A_168] : memref<52428800xf32, #tpu.memory_space<hbm>> -> memref<25600xf32, #tpu.memory_space<hbm>>
      tpu.enqueue_dma source(%arg11 : memref<25600xf32, #tpu.memory_space<vmem>>) target(%dma_start3A_170 : memref<25600xf32, #tpu.memory_space<hbm>>) target_semaphore(%arg16 : memref<!tpu.dma_semaphore, #tpu.memory_space<semaphore_mem>>)
      %mul3A_171 = arith.constant 2 : i32
      %mul3A_172 = arith.muli %mul3A_171, %scan3A_72 : i32
      %add3A_173 = arith.constant 1 : i32
      %add3A_174 = arith.addi %mul3A_172, %add3A_173 : i32
      %add3A_175 = arith.constant 1 : i32
      %add3A_176 = arith.addi %add3A_174, %add3A_175 : i32
      %lt3A = arith.constant 64 : i32
      %lt3A_177 = arith.cmpi slt, %add3A_176, %lt3A : i32
      %convert_element_type3A_178 = arith.extui %lt3A_177 : i1 to i32
      %cond3A_179 = arith.constant 0 : i32
      %cond3A_180 = arith.cmpi ne, %convert_element_type3A_178, %cond3A_179 : i32
      scf.if %cond3A_180 {
        %mul3A_233 = arith.constant 2 : i32
        %mul3A_234 = arith.muli %add3A_176, %mul3A_233 : i32
        %add3A_235 = arith.addi %mul3A_2, %mul3A_234 : i32
        %mul3A_236 = arith.constant 200 : i32
        %mul3A_237 = arith.muli %add3A_235, %mul3A_236 : i32
        "tpu.region"() ({
          %run_scoped3A = tpu.sem_alloc : memref<!tpu.dma_semaphore, #tpu.memory_space<semaphore_mem>>
          %dma_start3A_276 = arith.constant 8 : i32
          %dma_start3A_277 = tpu.memref_slice %arg6[%dma_start3A_276] : memref<416xi32, #tpu.memory_space<vmem>> -> memref<400xi32, #tpu.memory_space<vmem>>
          %dma_start3A_278 = tpu.memref_slice %arg2[%mul3A_237] : memref<819200xi32, #tpu.memory_space<hbm>> -> memref<400xi32, #tpu.memory_space<hbm>>
          %dma_start3A_279 = arith.constant 8 : i32
          %dma_start3A_280 = tpu.memref_slice %arg6[%dma_start3A_279] : memref<416xi32, #tpu.memory_space<vmem>> -> memref<400xi32, #tpu.memory_space<vmem>>
          %dma_start3A_281 = tpu.memref_slice %arg2[%mul3A_237] : memref<819200xi32, #tpu.memory_space<hbm>> -> memref<400xi32, #tpu.memory_space<hbm>>
          tpu.enqueue_dma source(%dma_start3A_281 : memref<400xi32, #tpu.memory_space<hbm>>) target(%dma_start3A_280 : memref<400xi32, #tpu.memory_space<vmem>>) target_semaphore(%run_scoped3A : memref<!tpu.dma_semaphore, #tpu.memory_space<semaphore_mem>>)
          %dma_wait3A_282 = arith.constant 8 : i32
          %dma_wait3A_283 = tpu.memref_slice %arg6[%dma_wait3A_282] : memref<416xi32, #tpu.memory_space<vmem>> -> memref<400xi32, #tpu.memory_space<vmem>>
          %dma_wait3A_284 = tpu.memref_slice %arg2[%mul3A_237] : memref<819200xi32, #tpu.memory_space<hbm>> -> memref<400xi32, #tpu.memory_space<hbm>>
          %dma_wait3A_285 = arith.constant 8 : i32
          %dma_wait3A_286 = tpu.memref_slice %arg6[%dma_wait3A_285] : memref<416xi32, #tpu.memory_space<vmem>> -> memref<400xi32, #tpu.memory_space<vmem>>
          %dma_wait3A_287 = tpu.memref_slice %arg2[%mul3A_237] : memref<819200xi32, #tpu.memory_space<hbm>> -> memref<400xi32, #tpu.memory_space<hbm>>
          tpu.wait_dma2 semaphore(%run_scoped3A : memref<!tpu.dma_semaphore, #tpu.memory_space<semaphore_mem>>) src(%dma_wait3A_287 : memref<400xi32, #tpu.memory_space<hbm>>) dst(%dma_wait3A_286 : memref<400xi32, #tpu.memory_space<vmem>>)
          tpu.yield
        }) : () -> ()
        %scan3A_238 = arith.constant 0 : i32
        %scan3A_239 = arith.constant 0 : i32
        %scan3A_240 = arith.constant 2 : i32
        %scan3A_241 = arith.addi %scan3A_239, %scan3A_240 : i32
        %scan3A_242 = arith.constant 1 : i32
        scf.for %scan3A_276 = %scan3A_239 to %scan3A_241 step %scan3A_242  : i32 {
          %mul3A_277 = arith.constant 200 : i32
          %mul3A_278 = arith.muli %scan3A_276, %mul3A_277 : i32
          %add3A_279 = arith.constant 0 : i32
          %add3A_280 = arith.addi %mul3A_278, %add3A_279 : i32
          %add3A_281 = arith.constant 8 : i32
          %add3A_282 = arith.addi %add3A_280, %add3A_281 : i32
          %get3A_283 = arith.index_cast %add3A_282 : i32 to index
          %get3A_284 = tpu.vector_load %arg6[%get3A_283] {strides = array<i32>} : memref<416xi32, #tpu.memory_space<vmem>>, vector<16xi32>,
          %get3A_285 = vector.shape_cast %get3A_284 : vector<16xi32> to vector<16xi32>
          %add3A_286 = arith.constant 0 : i32
          %add3A_287 = arith.addi %mul3A_278, %add3A_286 : i32
          %add3A_288 = arith.constant 7 : i32
          %add3A_289 = arith.addi %add3A_287, %add3A_288 : i32
          %get3A_290 = arith.index_cast %add3A_289 : i32 to index
          %get3A_291 = tpu.vector_load %arg6[%get3A_290] {strides = array<i32>} : memref<416xi32, #tpu.memory_space<vmem>>, vector<16xi32>,
          %get3A_292 = vector.shape_cast %get3A_291 : vector<16xi32> to vector<16xi32>
          %add3A_293 = arith.constant 0 : i32
          %add3A_294 = arith.addi %mul3A_278, %add3A_293 : i32
          %add3A_295 = arith.constant 6 : i32
          %add3A_296 = arith.addi %add3A_294, %add3A_295 : i32
          %get3A_297 = arith.index_cast %add3A_296 : i32 to index
          %get3A_298 = tpu.vector_load %arg6[%get3A_297] {strides = array<i32>} : memref<416xi32, #tpu.memory_space<vmem>>, vector<16xi32>,
          %get3A_299 = vector.shape_cast %get3A_298 : vector<16xi32> to vector<16xi32>
          %mul3A_300 = arith.constant 36313 : i32
          %mul3A_301 = vector.broadcast %mul3A_300 : i32 to vector<16xi32>
          %mul3A_302 = arith.muli %get3A_285, %mul3A_301 : vector<16xi32>
          %mul3A_303 = arith.constant 27191 : i32
          %mul3A_304 = vector.broadcast %mul3A_303 : i32 to vector<16xi32>
          %mul3A_305 = arith.muli %get3A_292, %mul3A_304 : vector<16xi32>
          %xor3A = arith.xori %mul3A_302, %mul3A_305 : vector<16xi32>
          %mul3A_306 = arith.constant 51647 : i32
          %mul3A_307 = vector.broadcast %mul3A_306 : i32 to vector<16xi32>
          %mul3A_308 = arith.muli %get3A_299, %mul3A_307 : vector<16xi32>
          %xor3A_309 = arith.xori %xor3A, %mul3A_308 : vector<16xi32>
          %iota3A = tpu.iota {dimensions = array<i32: 0>} : vector<16xi32>
          %eq3A = arith.constant 0 : i32
          %eq3A_310 = vector.broadcast %eq3A : i32 to vector<16xi32>
          %eq3A_311 = arith.cmpi eq, %iota3A, %eq3A_310 : vector<16xi32>
          %eq3A_312 = arith.constant 1 : i32
          %eq3A_313 = vector.broadcast %eq3A_312 : i32 to vector<16xi32>
          %eq3A_314 = arith.cmpi eq, %iota3A, %eq3A_313 : vector<16xi32>
          %shift_right_arithmetic3A = arith.constant 20 : i32
          %shift_right_arithmetic3A_315 = vector.broadcast %shift_right_arithmetic3A : i32 to vector<16xi32>
          %shift_right_arithmetic3A_316 = arith.shrsi %xor3A, %shift_right_arithmetic3A_315 : vector<16xi32>
          %mul3A_317 = arith.constant 48577 : i32
          %mul3A_318 = vector.broadcast %mul3A_317 : i32 to vector<16xi32>
          %mul3A_319 = arith.muli %shift_right_arithmetic3A_316, %mul3A_318 : vector<16xi32>
          %and3A = arith.constant 1048575 : i32
          %and3A_320 = vector.broadcast %and3A : i32 to vector<16xi32>
          %and3A_321 = arith.andi %xor3A, %and3A_320 : vector<16xi32>
          %add3A_322 = arith.addi %mul3A_319, %and3A_321 : vector<16xi32>
          %shift_right_arithmetic3A_323 = arith.constant 20 : i32
          %shift_right_arithmetic3A_324 = vector.broadcast %shift_right_arithmetic3A_323 : i32 to vector<16xi32>
          %shift_right_arithmetic3A_325 = arith.shrsi %add3A_322, %shift_right_arithmetic3A_324 : vector<16xi32>
          %mul3A_326 = arith.constant 48577 : i32
          %mul3A_327 = vector.broadcast %mul3A_326 : i32 to vector<16xi32>
          %mul3A_328 = arith.muli %shift_right_arithmetic3A_325, %mul3A_327 : vector<16xi32>
          %and3A_329 = arith.constant 1048575 : i32
          %and3A_330 = vector.broadcast %and3A_329 : i32 to vector<16xi32>
          %and3A_331 = arith.andi %add3A_322, %and3A_330 : vector<16xi32>
          %add3A_332 = arith.addi %mul3A_328, %and3A_331 : vector<16xi32>
          %shift_right_arithmetic3A_333 = arith.constant 20 : i32
          %shift_right_arithmetic3A_334 = vector.broadcast %shift_right_arithmetic3A_333 : i32 to vector<16xi32>
          %shift_right_arithmetic3A_335 = arith.shrsi %add3A_332, %shift_right_arithmetic3A_334 : vector<16xi32>
          %mul3A_336 = arith.constant 48577 : i32
          %mul3A_337 = vector.broadcast %mul3A_336 : i32 to vector<16xi32>
          %mul3A_338 = arith.muli %shift_right_arithmetic3A_335, %mul3A_337 : vector<16xi32>
          %and3A_339 = arith.constant 1048575 : i32
          %and3A_340 = vector.broadcast %and3A_339 : i32 to vector<16xi32>
          %and3A_341 = arith.andi %add3A_332, %and3A_340 : vector<16xi32>
          %add3A_342 = arith.addi %mul3A_338, %and3A_341 : vector<16xi32>
          %lt3A_343 = arith.constant 0 : i32
          %lt3A_344 = vector.broadcast %lt3A_343 : i32 to vector<16xi32>
          %lt3A_345 = arith.cmpi slt, %add3A_342, %lt3A_344 : vector<16xi32>
          %add3A_346 = arith.constant 999999 : i32
          %add3A_347 = vector.broadcast %add3A_346 : i32 to vector<16xi32>
          %add3A_348 = arith.addi %add3A_342, %add3A_347 : vector<16xi32>
          %select_n3A = arith.select %lt3A_345, %add3A_348, %add3A_342 : vector<16xi1>, vector<16xi32>
          %ge3A_349 = arith.constant 999999 : i32
          %ge3A_350 = vector.broadcast %ge3A_349 : i32 to vector<16xi32>
          %ge3A_351 = arith.cmpi sge, %select_n3A, %ge3A_350 : vector<16xi32>
          %sub3A = arith.constant 999999 : i32
          %sub3A_352 = vector.broadcast %sub3A : i32 to vector<16xi32>
          %sub3A_353 = arith.subi %select_n3A, %sub3A_352 : vector<16xi32>
          %select_n3A_354 = arith.select %ge3A_351, %sub3A_353, %select_n3A : vector<16xi1>, vector<16xi32>
          %shift_right_arithmetic3A_355 = arith.constant 20 : i32
          %shift_right_arithmetic3A_356 = vector.broadcast %shift_right_arithmetic3A_355 : i32 to vector<16xi32>
          %shift_right_arithmetic3A_357 = arith.shrsi %xor3A_309, %shift_right_arithmetic3A_356 : vector<16xi32>
          %mul3A_358 = arith.constant 48577 : i32
          %mul3A_359 = vector.broadcast %mul3A_358 : i32 to vector<16xi32>
          %mul3A_360 = arith.muli %shift_right_arithmetic3A_357, %mul3A_359 : vector<16xi32>
          %and3A_361 = arith.constant 1048575 : i32
          %and3A_362 = vector.broadcast %and3A_361 : i32 to vector<16xi32>
          %and3A_363 = arith.andi %xor3A_309, %and3A_362 : vector<16xi32>
          %add3A_364 = arith.addi %mul3A_360, %and3A_363 : vector<16xi32>
          %shift_right_arithmetic3A_365 = arith.constant 20 : i32
          %shift_right_arithmetic3A_366 = vector.broadcast %shift_right_arithmetic3A_365 : i32 to vector<16xi32>
          %shift_right_arithmetic3A_367 = arith.shrsi %add3A_364, %shift_right_arithmetic3A_366 : vector<16xi32>
          %mul3A_368 = arith.constant 48577 : i32
          %mul3A_369 = vector.broadcast %mul3A_368 : i32 to vector<16xi32>
          %mul3A_370 = arith.muli %shift_right_arithmetic3A_367, %mul3A_369 : vector<16xi32>
          %and3A_371 = arith.constant 1048575 : i32
          %and3A_372 = vector.broadcast %and3A_371 : i32 to vector<16xi32>
          %and3A_373 = arith.andi %add3A_364, %and3A_372 : vector<16xi32>
          %add3A_374 = arith.addi %mul3A_370, %and3A_373 : vector<16xi32>
          %shift_right_arithmetic3A_375 = arith.constant 20 : i32
          %shift_right_arithmetic3A_376 = vector.broadcast %shift_right_arithmetic3A_375 : i32 to vector<16xi32>
          %shift_right_arithmetic3A_377 = arith.shrsi %add3A_374, %shift_right_arithmetic3A_376 : vector<16xi32>
          %mul3A_378 = arith.constant 48577 : i32
          %mul3A_379 = vector.broadcast %mul3A_378 : i32 to vector<16xi32>
          %mul3A_380 = arith.muli %shift_right_arithmetic3A_377, %mul3A_379 : vector<16xi32>
          %and3A_381 = arith.constant 1048575 : i32
          %and3A_382 = vector.broadcast %and3A_381 : i32 to vector<16xi32>
          %and3A_383 = arith.andi %add3A_374, %and3A_382 : vector<16xi32>
          %add3A_384 = arith.addi %mul3A_380, %and3A_383 : vector<16xi32>
          %lt3A_385 = arith.constant 0 : i32
          %lt3A_386 = vector.broadcast %lt3A_385 : i32 to vector<16xi32>
          %lt3A_387 = arith.cmpi slt, %add3A_384, %lt3A_386 : vector<16xi32>
          %add3A_388 = arith.constant 999999 : i32
          %add3A_389 = vector.broadcast %add3A_388 : i32 to vector<16xi32>
          %add3A_390 = arith.addi %add3A_384, %add3A_389 : vector<16xi32>
          %select_n3A_391 = arith.select %lt3A_387, %add3A_390, %add3A_384 : vector<16xi1>, vector<16xi32>
          %ge3A_392 = arith.constant 999999 : i32
          %ge3A_393 = vector.broadcast %ge3A_392 : i32 to vector<16xi32>
          %ge3A_394 = arith.cmpi sge, %select_n3A_391, %ge3A_393 : vector<16xi32>
          %sub3A_395 = arith.constant 999999 : i32
          %sub3A_396 = vector.broadcast %sub3A_395 : i32 to vector<16xi32>
          %sub3A_397 = arith.subi %select_n3A_391, %sub3A_396 : vector<16xi32>
          %select_n3A_398 = arith.select %ge3A_394, %sub3A_397, %select_n3A_391 : vector<16xi1>, vector<16xi32>
          %select_n3A_399 = arith.select %eq3A_314, %select_n3A_354, %select_n3A_398 : vector<16xi1>, vector<16xi32>
          %jit3A = arith.constant 999999 : i32
          %broadcast_in_dim3A_400 = vector.broadcast %jit3A : i32 to vector<16xi32>
          %select_n3A_401 = arith.select %eq3A_311, %broadcast_in_dim3A_400, %select_n3A_399 : vector<16xi1>, vector<16xi32>
          %add3A_402 = arith.constant 0 : i32
          %add3A_403 = arith.addi %mul3A_278, %add3A_402 : i32
          %swap3A_404 = arith.index_cast %add3A_403 : i32 to index
          %swap3A_405 = tpu.vector_load %arg7[%swap3A_404] {strides = array<i32>} : memref<408xi32, #tpu.memory_space<vmem>>, vector<16xi32>,
          %swap3A_406 = vector.shape_cast %swap3A_405 : vector<16xi32> to vector<16xi32>
          %swap3A_407 = vector.shape_cast %select_n3A_401 : vector<16xi32> to vector<16xi32>
          tpu.vector_store %arg7[%swap3A_404], %swap3A_407 {strides = array<i32>} : memref<408xi32, #tpu.memory_space<vmem>>, vector<16xi32>,
          %add3A_408 = arith.constant 16 : i32
          %add3A_409 = arith.addi %mul3A_278, %add3A_408 : i32
          %add3A_410 = arith.constant 8 : i32
          %add3A_411 = arith.addi %add3A_409, %add3A_410 : i32
          %get3A_412 = arith.index_cast %add3A_411 : i32 to index
          %get3A_413 = tpu.vector_load %arg6[%get3A_412] {strides = array<i32>} : memref<416xi32, #tpu.memory_space<vmem>>, vector<16xi32>,
          %get3A_414 = vector.shape_cast %get3A_413 : vector<16xi32> to vector<16xi32>
          %add3A_415 = arith.constant 16 : i32
          %add3A_416 = arith.addi %mul3A_278, %add3A_415 : i32
          %add3A_417 = arith.constant 7 : i32
          %add3A_418 = arith.addi %add3A_416, %add3A_417 : i32
          %get3A_419 = arith.index_cast %add3A_418 : i32 to index
          %get3A_420 = tpu.vector_load %arg6[%get3A_419] {strides = array<i32>} : memref<416xi32, #tpu.memory_space<vmem>>, vector<16xi32>,
          %get3A_421 = vector.shape_cast %get3A_420 : vector<16xi32> to vector<16xi32>
          %add3A_422 = arith.constant 16 : i32
          %add3A_423 = arith.addi %mul3A_278, %add3A_422 : i32
          %add3A_424 = arith.constant 6 : i32
          %add3A_425 = arith.addi %add3A_423, %add3A_424 : i32
          %get3A_426 = arith.index_cast %add3A_425 : i32 to index
          %get3A_427 = tpu.vector_load %arg6[%get3A_426] {strides = array<i32>} : memref<416xi32, #tpu.memory_space<vmem>>, vector<16xi32>,
          %get3A_428 = vector.shape_cast %get3A_427 : vector<16xi32> to vector<16xi32>
          %mul3A_429 = arith.constant 36313 : i32
          %mul3A_430 = vector.broadcast %mul3A_429 : i32 to vector<16xi32>
          %mul3A_431 = arith.muli %get3A_414, %mul3A_430 : vector<16xi32>
          %mul3A_432 = arith.constant 27191 : i32
          %mul3A_433 = vector.broadcast %mul3A_432 : i32 to vector<16xi32>
          %mul3A_434 = arith.muli %get3A_421, %mul3A_433 : vector<16xi32>
          %xor3A_435 = arith.xori %mul3A_431, %mul3A_434 : vector<16xi32>
          %mul3A_436 = arith.constant 51647 : i32
          %mul3A_437 = vector.broadcast %mul3A_436 : i32 to vector<16xi32>
          %mul3A_438 = arith.muli %get3A_428, %mul3A_437 : vector<16xi32>
          %xor3A_439 = arith.xori %xor3A_435, %mul3A_438 : vector<16xi32>
          %shift_right_arithmetic3A_440 = arith.constant 20 : i32
          %shift_right_arithmetic3A_441 = vector.broadcast %shift_right_arithmetic3A_440 : i32 to vector<16xi32>
          %shift_right_arithmetic3A_442 = arith.shrsi %xor3A_439, %shift_right_arithmetic3A_441 : vector<16xi32>
          %mul3A_443 = arith.constant 48577 : i32
          %mul3A_444 = vector.broadcast %mul3A_443 : i32 to vector<16xi32>
          %mul3A_445 = arith.muli %shift_right_arithmetic3A_442, %mul3A_444 : vector<16xi32>
          %and3A_446 = arith.constant 1048575 : i32
          %and3A_447 = vector.broadcast %and3A_446 : i32 to vector<16xi32>
          %and3A_448 = arith.andi %xor3A_439, %and3A_447 : vector<16xi32>
          %add3A_449 = arith.addi %mul3A_445, %and3A_448 : vector<16xi32>
          %shift_right_arithmetic3A_450 = arith.constant 20 : i32
          %shift_right_arithmetic3A_451 = vector.broadcast %shift_right_arithmetic3A_450 : i32 to vector<16xi32>
          %shift_right_arithmetic3A_452 = arith.shrsi %add3A_449, %shift_right_arithmetic3A_451 : vector<16xi32>
          %mul3A_453 = arith.constant 48577 : i32
          %mul3A_454 = vector.broadcast %mul3A_453 : i32 to vector<16xi32>
          %mul3A_455 = arith.muli %shift_right_arithmetic3A_452, %mul3A_454 : vector<16xi32>
          %and3A_456 = arith.constant 1048575 : i32
          %and3A_457 = vector.broadcast %and3A_456 : i32 to vector<16xi32>
          %and3A_458 = arith.andi %add3A_449, %and3A_457 : vector<16xi32>
          %add3A_459 = arith.addi %mul3A_455, %and3A_458 : vector<16xi32>
          %shift_right_arithmetic3A_460 = arith.constant 20 : i32
          %shift_right_arithmetic3A_461 = vector.broadcast %shift_right_arithmetic3A_460 : i32 to vector<16xi32>
          %shift_right_arithmetic3A_462 = arith.shrsi %add3A_459, %shift_right_arithmetic3A_461 : vector<16xi32>
          %mul3A_463 = arith.constant 48577 : i32
          %mul3A_464 = vector.broadcast %mul3A_463 : i32 to vector<16xi32>
          %mul3A_465 = arith.muli %shift_right_arithmetic3A_462, %mul3A_464 : vector<16xi32>
          %and3A_466 = arith.constant 1048575 : i32
          %and3A_467 = vector.broadcast %and3A_466 : i32 to vector<16xi32>
          %and3A_468 = arith.andi %add3A_459, %and3A_467 : vector<16xi32>
          %add3A_469 = arith.addi %mul3A_465, %and3A_468 : vector<16xi32>
          %lt3A_470 = arith.constant 0 : i32
          %lt3A_471 = vector.broadcast %lt3A_470 : i32 to vector<16xi32>
          %lt3A_472 = arith.cmpi slt, %add3A_469, %lt3A_471 : vector<16xi32>
          %add3A_473 = arith.constant 999999 : i32
          %add3A_474 = vector.broadcast %add3A_473 : i32 to vector<16xi32>
          %add3A_475 = arith.addi %add3A_469, %add3A_474 : vector<16xi32>
          %select_n3A_476 = arith.select %lt3A_472, %add3A_475, %add3A_469 : vector<16xi1>, vector<16xi32>
          %ge3A_477 = arith.constant 999999 : i32
          %ge3A_478 = vector.broadcast %ge3A_477 : i32 to vector<16xi32>
          %ge3A_479 = arith.cmpi sge, %select_n3A_476, %ge3A_478 : vector<16xi32>
          %sub3A_480 = arith.constant 999999 : i32
          %sub3A_481 = vector.broadcast %sub3A_480 : i32 to vector<16xi32>
          %sub3A_482 = arith.subi %select_n3A_476, %sub3A_481 : vector<16xi32>
          %select_n3A_483 = arith.select %ge3A_479, %sub3A_482, %select_n3A_476 : vector<16xi1>, vector<16xi32>
          %add3A_484 = arith.constant 16 : i32
          %add3A_485 = arith.addi %mul3A_278, %add3A_484 : i32
          %swap3A_486 = arith.index_cast %add3A_485 : i32 to index
          %swap3A_487 = tpu.vector_load %arg7[%swap3A_486] {strides = array<i32>} : memref<408xi32, #tpu.memory_space<vmem>>, vector<16xi32>,
          %swap3A_488 = vector.shape_cast %swap3A_487 : vector<16xi32> to vector<16xi32>
          %swap3A_489 = vector.shape_cast %select_n3A_483 : vector<16xi32> to vector<16xi32>
          tpu.vector_store %arg7[%swap3A_486], %swap3A_489 {strides = array<i32>} : memref<408xi32, #tpu.memory_space<vmem>>, vector<16xi32>,
          %add3A_490 = arith.constant 32 : i32
          %add3A_491 = arith.addi %mul3A_278, %add3A_490 : i32
          %add3A_492 = arith.constant 8 : i32
          %add3A_493 = arith.addi %add3A_491, %add3A_492 : i32
          %get3A_494 = arith.index_cast %add3A_493 : i32 to index
          %get3A_495 = tpu.vector_load %arg6[%get3A_494] {strides = array<i32>} : memref<416xi32, #tpu.memory_space<vmem>>, vector<16xi32>,
          %get3A_496 = vector.shape_cast %get3A_495 : vector<16xi32> to vector<16xi32>
          %add3A_497 = arith.constant 32 : i32
          %add3A_498 = arith.addi %mul3A_278, %add3A_497 : i32
          %add3A_499 = arith.constant 7 : i32
          %add3A_500 = arith.addi %add3A_498, %add3A_499 : i32
          %get3A_501 = arith.index_cast %add3A_500 : i32 to index
          %get3A_502 = tpu.vector_load %arg6[%get3A_501] {strides = array<i32>} : memref<416xi32, #tpu.memory_space<vmem>>, vector<16xi32>,
          %get3A_503 = vector.shape_cast %get3A_502 : vector<16xi32> to vector<16xi32>
          %add3A_504 = arith.constant 32 : i32
          %add3A_505 = arith.addi %mul3A_278, %add3A_504 : i32
          %add3A_506 = arith.constant 6 : i32
          %add3A_507 = arith.addi %add3A_505, %add3A_506 : i32
          %get3A_508 = arith.index_cast %add3A_507 : i32 to index
          %get3A_509 = tpu.vector_load %arg6[%get3A_508] {strides = array<i32>} : memref<416xi32, #tpu.memory_space<vmem>>, vector<16xi32>,
          %get3A_510 = vector.shape_cast %get3A_509 : vector<16xi32> to vector<16xi32>
          %mul3A_511 = arith.constant 36313 : i32
          %mul3A_512 = vector.broadcast %mul3A_511 : i32 to vector<16xi32>
          %mul3A_513 = arith.muli %get3A_496, %mul3A_512 : vector<16xi32>
          %mul3A_514 = arith.constant 27191 : i32
          %mul3A_515 = vector.broadcast %mul3A_514 : i32 to vector<16xi32>
          %mul3A_516 = arith.muli %get3A_503, %mul3A_515 : vector<16xi32>
          %xor3A_517 = arith.xori %mul3A_513, %mul3A_516 : vector<16xi32>
          %mul3A_518 = arith.constant 51647 : i32
          %mul3A_519 = vector.broadcast %mul3A_518 : i32 to vector<16xi32>
          %mul3A_520 = arith.muli %get3A_510, %mul3A_519 : vector<16xi32>
          %xor3A_521 = arith.xori %xor3A_517, %mul3A_520 : vector<16xi32>
          %shift_right_arithmetic3A_522 = arith.constant 20 : i32
          %shift_right_arithmetic3A_523 = vector.broadcast %shift_right_arithmetic3A_522 : i32 to vector<16xi32>
          %shift_right_arithmetic3A_524 = arith.shrsi %xor3A_521, %shift_right_arithmetic3A_523 : vector<16xi32>
          %mul3A_525 = arith.constant 48577 : i32
          %mul3A_526 = vector.broadcast %mul3A_525 : i32 to vector<16xi32>
          %mul3A_527 = arith.muli %shift_right_arithmetic3A_524, %mul3A_526 : vector<16xi32>
          %and3A_528 = arith.constant 1048575 : i32
          %and3A_529 = vector.broadcast %and3A_528 : i32 to vector<16xi32>
          %and3A_530 = arith.andi %xor3A_521, %and3A_529 : vector<16xi32>
          %add3A_531 = arith.addi %mul3A_527, %and3A_530 : vector<16xi32>
          %shift_right_arithmetic3A_532 = arith.constant 20 : i32
          %shift_right_arithmetic3A_533 = vector.broadcast %shift_right_arithmetic3A_532 : i32 to vector<16xi32>
          %shift_right_arithmetic3A_534 = arith.shrsi %add3A_531, %shift_right_arithmetic3A_533 : vector<16xi32>
          %mul3A_535 = arith.constant 48577 : i32
          %mul3A_536 = vector.broadcast %mul3A_535 : i32 to vector<16xi32>
          %mul3A_537 = arith.muli %shift_right_arithmetic3A_534, %mul3A_536 : vector<16xi32>
          %and3A_538 = arith.constant 1048575 : i32
          %and3A_539 = vector.broadcast %and3A_538 : i32 to vector<16xi32>
          %and3A_540 = arith.andi %add3A_531, %and3A_539 : vector<16xi32>
          %add3A_541 = arith.addi %mul3A_537, %and3A_540 : vector<16xi32>
          %shift_right_arithmetic3A_542 = arith.constant 20 : i32
          %shift_right_arithmetic3A_543 = vector.broadcast %shift_right_arithmetic3A_542 : i32 to vector<16xi32>
          %shift_right_arithmetic3A_544 = arith.shrsi %add3A_541, %shift_right_arithmetic3A_543 : vector<16xi32>
          %mul3A_545 = arith.constant 48577 : i32
          %mul3A_546 = vector.broadcast %mul3A_545 : i32 to vector<16xi32>
          %mul3A_547 = arith.muli %shift_right_arithmetic3A_544, %mul3A_546 : vector<16xi32>
          %and3A_548 = arith.constant 1048575 : i32
          %and3A_549 = vector.broadcast %and3A_548 : i32 to vector<16xi32>
          %and3A_550 = arith.andi %add3A_541, %and3A_549 : vector<16xi32>
          %add3A_551 = arith.addi %mul3A_547, %and3A_550 : vector<16xi32>
          %lt3A_552 = arith.constant 0 : i32
          %lt3A_553 = vector.broadcast %lt3A_552 : i32 to vector<16xi32>
          %lt3A_554 = arith.cmpi slt, %add3A_551, %lt3A_553 : vector<16xi32>
          %add3A_555 = arith.constant 999999 : i32
          %add3A_556 = vector.broadcast %add3A_555 : i32 to vector<16xi32>
          %add3A_557 = arith.addi %add3A_551, %add3A_556 : vector<16xi32>
          %select_n3A_558 = arith.select %lt3A_554, %add3A_557, %add3A_551 : vector<16xi1>, vector<16xi32>
          %ge3A_559 = arith.constant 999999 : i32
          %ge3A_560 = vector.broadcast %ge3A_559 : i32 to vector<16xi32>
          %ge3A_561 = arith.cmpi sge, %select_n3A_558, %ge3A_560 : vector<16xi32>
          %sub3A_562 = arith.constant 999999 : i32
          %sub3A_563 = vector.broadcast %sub3A_562 : i32 to vector<16xi32>
          %sub3A_564 = arith.subi %select_n3A_558, %sub3A_563 : vector<16xi32>
          %select_n3A_565 = arith.select %ge3A_561, %sub3A_564, %select_n3A_558 : vector<16xi1>, vector<16xi32>
          %add3A_566 = arith.constant 32 : i32
          %add3A_567 = arith.addi %mul3A_278, %add3A_566 : i32
          %swap3A_568 = arith.index_cast %add3A_567 : i32 to index
          %swap3A_569 = tpu.vector_load %arg7[%swap3A_568] {strides = array<i32>} : memref<408xi32, #tpu.memory_space<vmem>>, vector<16xi32>,
          %swap3A_570 = vector.shape_cast %swap3A_569 : vector<16xi32> to vector<16xi32>
          %swap3A_571 = vector.shape_cast %select_n3A_565 : vector<16xi32> to vector<16xi32>
          tpu.vector_store %arg7[%swap3A_568], %swap3A_571 {strides = array<i32>} : memref<408xi32, #tpu.memory_space<vmem>>, vector<16xi32>,
          %add3A_572 = arith.constant 48 : i32
          %add3A_573 = arith.addi %mul3A_278, %add3A_572 : i32
          %add3A_574 = arith.constant 8 : i32
          %add3A_575 = arith.addi %add3A_573, %add3A_574 : i32
          %get3A_576 = arith.index_cast %add3A_575 : i32 to index
          %get3A_577 = tpu.vector_load %arg6[%get3A_576] {strides = array<i32>} : memref<416xi32, #tpu.memory_space<vmem>>, vector<16xi32>,
          %get3A_578 = vector.shape_cast %get3A_577 : vector<16xi32> to vector<16xi32>
          %add3A_579 = arith.constant 48 : i32
          %add3A_580 = arith.addi %mul3A_278, %add3A_579 : i32
          %add3A_581 = arith.constant 7 : i32
          %add3A_582 = arith.addi %add3A_580, %add3A_581 : i32
          %get3A_583 = arith.index_cast %add3A_582 : i32 to index
          %get3A_584 = tpu.vector_load %arg6[%get3A_583] {strides = array<i32>} : memref<416xi32, #tpu.memory_space<vmem>>, vector<16xi32>,
          %get3A_585 = vector.shape_cast %get3A_584 : vector<16xi32> to vector<16xi32>
          %add3A_586 = arith.constant 48 : i32
          %add3A_587 = arith.addi %mul3A_278, %add3A_586 : i32
          %add3A_588 = arith.constant 6 : i32
          %add3A_589 = arith.addi %add3A_587, %add3A_588 : i32
          %get3A_590 = arith.index_cast %add3A_589 : i32 to index
          %get3A_591 = tpu.vector_load %arg6[%get3A_590] {strides = array<i32>} : memref<416xi32, #tpu.memory_space<vmem>>, vector<16xi32>,
          %get3A_592 = vector.shape_cast %get3A_591 : vector<16xi32> to vector<16xi32>
          %mul3A_593 = arith.constant 36313 : i32
          %mul3A_594 = vector.broadcast %mul3A_593 : i32 to vector<16xi32>
          %mul3A_595 = arith.muli %get3A_578, %mul3A_594 : vector<16xi32>
          %mul3A_596 = arith.constant 27191 : i32
          %mul3A_597 = vector.broadcast %mul3A_596 : i32 to vector<16xi32>
          %mul3A_598 = arith.muli %get3A_585, %mul3A_597 : vector<16xi32>
          %xor3A_599 = arith.xori %mul3A_595, %mul3A_598 : vector<16xi32>
          %mul3A_600 = arith.constant 51647 : i32
          %mul3A_601 = vector.broadcast %mul3A_600 : i32 to vector<16xi32>
          %mul3A_602 = arith.muli %get3A_592, %mul3A_601 : vector<16xi32>
          %xor3A_603 = arith.xori %xor3A_599, %mul3A_602 : vector<16xi32>
          %shift_right_arithmetic3A_604 = arith.constant 20 : i32
          %shift_right_arithmetic3A_605 = vector.broadcast %shift_right_arithmetic3A_604 : i32 to vector<16xi32>
          %shift_right_arithmetic3A_606 = arith.shrsi %xor3A_603, %shift_right_arithmetic3A_605 : vector<16xi32>
          %mul3A_607 = arith.constant 48577 : i32
          %mul3A_608 = vector.broadcast %mul3A_607 : i32 to vector<16xi32>
          %mul3A_609 = arith.muli %shift_right_arithmetic3A_606, %mul3A_608 : vector<16xi32>
          %and3A_610 = arith.constant 1048575 : i32
          %and3A_611 = vector.broadcast %and3A_610 : i32 to vector<16xi32>
          %and3A_612 = arith.andi %xor3A_603, %and3A_611 : vector<16xi32>
          %add3A_613 = arith.addi %mul3A_609, %and3A_612 : vector<16xi32>
          %shift_right_arithmetic3A_614 = arith.constant 20 : i32
          %shift_right_arithmetic3A_615 = vector.broadcast %shift_right_arithmetic3A_614 : i32 to vector<16xi32>
          %shift_right_arithmetic3A_616 = arith.shrsi %add3A_613, %shift_right_arithmetic3A_615 : vector<16xi32>
          %mul3A_617 = arith.constant 48577 : i32
          %mul3A_618 = vector.broadcast %mul3A_617 : i32 to vector<16xi32>
          %mul3A_619 = arith.muli %shift_right_arithmetic3A_616, %mul3A_618 : vector<16xi32>
          %and3A_620 = arith.constant 1048575 : i32
          %and3A_621 = vector.broadcast %and3A_620 : i32 to vector<16xi32>
          %and3A_622 = arith.andi %add3A_613, %and3A_621 : vector<16xi32>
          %add3A_623 = arith.addi %mul3A_619, %and3A_622 : vector<16xi32>
          %shift_right_arithmetic3A_624 = arith.constant 20 : i32
          %shift_right_arithmetic3A_625 = vector.broadcast %shift_right_arithmetic3A_624 : i32 to vector<16xi32>
          %shift_right_arithmetic3A_626 = arith.shrsi %add3A_623, %shift_right_arithmetic3A_625 : vector<16xi32>
          %mul3A_627 = arith.constant 48577 : i32
          %mul3A_628 = vector.broadcast %mul3A_627 : i32 to vector<16xi32>
          %mul3A_629 = arith.muli %shift_right_arithmetic3A_626, %mul3A_628 : vector<16xi32>
          %and3A_630 = arith.constant 1048575 : i32
          %and3A_631 = vector.broadcast %and3A_630 : i32 to vector<16xi32>
          %and3A_632 = arith.andi %add3A_623, %and3A_631 : vector<16xi32>
          %add3A_633 = arith.addi %mul3A_629, %and3A_632 : vector<16xi32>
          %lt3A_634 = arith.constant 0 : i32
          %lt3A_635 = vector.broadcast %lt3A_634 : i32 to vector<16xi32>
          %lt3A_636 = arith.cmpi slt, %add3A_633, %lt3A_635 : vector<16xi32>
          %add3A_637 = arith.constant 999999 : i32
          %add3A_638 = vector.broadcast %add3A_637 : i32 to vector<16xi32>
          %add3A_639 = arith.addi %add3A_633, %add3A_638 : vector<16xi32>
          %select_n3A_640 = arith.select %lt3A_636, %add3A_639, %add3A_633 : vector<16xi1>, vector<16xi32>
          %ge3A_641 = arith.constant 999999 : i32
          %ge3A_642 = vector.broadcast %ge3A_641 : i32 to vector<16xi32>
          %ge3A_643 = arith.cmpi sge, %select_n3A_640, %ge3A_642 : vector<16xi32>
          %sub3A_644 = arith.constant 999999 : i32
          %sub3A_645 = vector.broadcast %sub3A_644 : i32 to vector<16xi32>
          %sub3A_646 = arith.subi %select_n3A_640, %sub3A_645 : vector<16xi32>
          %select_n3A_647 = arith.select %ge3A_643, %sub3A_646, %select_n3A_640 : vector<16xi1>, vector<16xi32>
          %add3A_648 = arith.constant 48 : i32
          %add3A_649 = arith.addi %mul3A_278, %add3A_648 : i32
          %swap3A_650 = arith.index_cast %add3A_649 : i32 to index
          %swap3A_651 = tpu.vector_load %arg7[%swap3A_650] {strides = array<i32>} : memref<408xi32, #tpu.memory_space<vmem>>, vector<16xi32>,
          %swap3A_652 = vector.shape_cast %swap3A_651 : vector<16xi32> to vector<16xi32>
          %swap3A_653 = vector.shape_cast %select_n3A_647 : vector<16xi32> to vector<16xi32>
          tpu.vector_store %arg7[%swap3A_650], %swap3A_653 {strides = array<i32>} : memref<408xi32, #tpu.memory_space<vmem>>, vector<16xi32>,
          %add3A_654 = arith.constant 64 : i32
          %add3A_655 = arith.addi %mul3A_278, %add3A_654 : i32
          %add3A_656 = arith.constant 8 : i32
          %add3A_657 = arith.addi %add3A_655, %add3A_656 : i32
          %get3A_658 = arith.index_cast %add3A_657 : i32 to index
          %get3A_659 = tpu.vector_load %arg6[%get3A_658] {strides = array<i32>} : memref<416xi32, #tpu.memory_space<vmem>>, vector<16xi32>,
          %get3A_660 = vector.shape_cast %get3A_659 : vector<16xi32> to vector<16xi32>
          %add3A_661 = arith.constant 64 : i32
          %add3A_662 = arith.addi %mul3A_278, %add3A_661 : i32
          %add3A_663 = arith.constant 7 : i32
          %add3A_664 = arith.addi %add3A_662, %add3A_663 : i32
          %get3A_665 = arith.index_cast %add3A_664 : i32 to index
          %get3A_666 = tpu.vector_load %arg6[%get3A_665] {strides = array<i32>} : memref<416xi32, #tpu.memory_space<vmem>>, vector<16xi32>,
          %get3A_667 = vector.shape_cast %get3A_666 : vector<16xi32> to vector<16xi32>
          %add3A_668 = arith.constant 64 : i32
          %add3A_669 = arith.addi %mul3A_278, %add3A_668 : i32
          %add3A_670 = arith.constant 6 : i32
          %add3A_671 = arith.addi %add3A_669, %add3A_670 : i32
          %get3A_672 = arith.index_cast %add3A_671 : i32 to index
          %get3A_673 = tpu.vector_load %arg6[%get3A_672] {strides = array<i32>} : memref<416xi32, #tpu.memory_space<vmem>>, vector<16xi32>,
          %get3A_674 = vector.shape_cast %get3A_673 : vector<16xi32> to vector<16xi32>
          %mul3A_675 = arith.constant 36313 : i32
          %mul3A_676 = vector.broadcast %mul3A_675 : i32 to vector<16xi32>
          %mul3A_677 = arith.muli %get3A_660, %mul3A_676 : vector<16xi32>
          %mul3A_678 = arith.constant 27191 : i32
          %mul3A_679 = vector.broadcast %mul3A_678 : i32 to vector<16xi32>
          %mul3A_680 = arith.muli %get3A_667, %mul3A_679 : vector<16xi32>
          %xor3A_681 = arith.xori %mul3A_677, %mul3A_680 : vector<16xi32>
          %mul3A_682 = arith.constant 51647 : i32
          %mul3A_683 = vector.broadcast %mul3A_682 : i32 to vector<16xi32>
          %mul3A_684 = arith.muli %get3A_674, %mul3A_683 : vector<16xi32>
          %xor3A_685 = arith.xori %xor3A_681, %mul3A_684 : vector<16xi32>
          %shift_right_arithmetic3A_686 = arith.constant 20 : i32
          %shift_right_arithmetic3A_687 = vector.broadcast %shift_right_arithmetic3A_686 : i32 to vector<16xi32>
          %shift_right_arithmetic3A_688 = arith.shrsi %xor3A_685, %shift_right_arithmetic3A_687 : vector<16xi32>
          %mul3A_689 = arith.constant 48577 : i32
          %mul3A_690 = vector.broadcast %mul3A_689 : i32 to vector<16xi32>
          %mul3A_691 = arith.muli %shift_right_arithmetic3A_688, %mul3A_690 : vector<16xi32>
          %and3A_692 = arith.constant 1048575 : i32
          %and3A_693 = vector.broadcast %and3A_692 : i32 to vector<16xi32>
          %and3A_694 = arith.andi %xor3A_685, %and3A_693 : vector<16xi32>
          %add3A_695 = arith.addi %mul3A_691, %and3A_694 : vector<16xi32>
          %shift_right_arithmetic3A_696 = arith.constant 20 : i32
          %shift_right_arithmetic3A_697 = vector.broadcast %shift_right_arithmetic3A_696 : i32 to vector<16xi32>
          %shift_right_arithmetic3A_698 = arith.shrsi %add3A_695, %shift_right_arithmetic3A_697 : vector<16xi32>
          %mul3A_699 = arith.constant 48577 : i32
          %mul3A_700 = vector.broadcast %mul3A_699 : i32 to vector<16xi32>
          %mul3A_701 = arith.muli %shift_right_arithmetic3A_698, %mul3A_700 : vector<16xi32>
          %and3A_702 = arith.constant 1048575 : i32
          %and3A_703 = vector.broadcast %and3A_702 : i32 to vector<16xi32>
          %and3A_704 = arith.andi %add3A_695, %and3A_703 : vector<16xi32>
          %add3A_705 = arith.addi %mul3A_701, %and3A_704 : vector<16xi32>
          %shift_right_arithmetic3A_706 = arith.constant 20 : i32
          %shift_right_arithmetic3A_707 = vector.broadcast %shift_right_arithmetic3A_706 : i32 to vector<16xi32>
          %shift_right_arithmetic3A_708 = arith.shrsi %add3A_705, %shift_right_arithmetic3A_707 : vector<16xi32>
          %mul3A_709 = arith.constant 48577 : i32
          %mul3A_710 = vector.broadcast %mul3A_709 : i32 to vector<16xi32>
          %mul3A_711 = arith.muli %shift_right_arithmetic3A_708, %mul3A_710 : vector<16xi32>
          %and3A_712 = arith.constant 1048575 : i32
          %and3A_713 = vector.broadcast %and3A_712 : i32 to vector<16xi32>
          %and3A_714 = arith.andi %add3A_705, %and3A_713 : vector<16xi32>
          %add3A_715 = arith.addi %mul3A_711, %and3A_714 : vector<16xi32>
          %lt3A_716 = arith.constant 0 : i32
          %lt3A_717 = vector.broadcast %lt3A_716 : i32 to vector<16xi32>
          %lt3A_718 = arith.cmpi slt, %add3A_715, %lt3A_717 : vector<16xi32>
          %add3A_719 = arith.constant 999999 : i32
          %add3A_720 = vector.broadcast %add3A_719 : i32 to vector<16xi32>
          %add3A_721 = arith.addi %add3A_715, %add3A_720 : vector<16xi32>
          %select_n3A_722 = arith.select %lt3A_718, %add3A_721, %add3A_715 : vector<16xi1>, vector<16xi32>
          %ge3A_723 = arith.constant 999999 : i32
          %ge3A_724 = vector.broadcast %ge3A_723 : i32 to vector<16xi32>
          %ge3A_725 = arith.cmpi sge, %select_n3A_722, %ge3A_724 : vector<16xi32>
          %sub3A_726 = arith.constant 999999 : i32
          %sub3A_727 = vector.broadcast %sub3A_726 : i32 to vector<16xi32>
          %sub3A_728 = arith.subi %select_n3A_722, %sub3A_727 : vector<16xi32>
          %select_n3A_729 = arith.select %ge3A_725, %sub3A_728, %select_n3A_722 : vector<16xi1>, vector<16xi32>
          %add3A_730 = arith.constant 64 : i32
          %add3A_731 = arith.addi %mul3A_278, %add3A_730 : i32
          %swap3A_732 = arith.index_cast %add3A_731 : i32 to index
          %swap3A_733 = tpu.vector_load %arg7[%swap3A_732] {strides = array<i32>} : memref<408xi32, #tpu.memory_space<vmem>>, vector<16xi32>,
          %swap3A_734 = vector.shape_cast %swap3A_733 : vector<16xi32> to vector<16xi32>
          %swap3A_735 = vector.shape_cast %select_n3A_729 : vector<16xi32> to vector<16xi32>
          tpu.vector_store %arg7[%swap3A_732], %swap3A_735 {strides = array<i32>} : memref<408xi32, #tpu.memory_space<vmem>>, vector<16xi32>,
          %add3A_736 = arith.constant 80 : i32
          %add3A_737 = arith.addi %mul3A_278, %add3A_736 : i32
          %add3A_738 = arith.constant 8 : i32
          %add3A_739 = arith.addi %add3A_737, %add3A_738 : i32
          %get3A_740 = arith.index_cast %add3A_739 : i32 to index
          %get3A_741 = tpu.vector_load %arg6[%get3A_740] {strides = array<i32>} : memref<416xi32, #tpu.memory_space<vmem>>, vector<16xi32>,
          %get3A_742 = vector.shape_cast %get3A_741 : vector<16xi32> to vector<16xi32>
          %add3A_743 = arith.constant 80 : i32
          %add3A_744 = arith.addi %mul3A_278, %add3A_743 : i32
          %add3A_745 = arith.constant 7 : i32
          %add3A_746 = arith.addi %add3A_744, %add3A_745 : i32
          %get3A_747 = arith.index_cast %add3A_746 : i32 to index
          %get3A_748 = tpu.vector_load %arg6[%get3A_747] {strides = array<i32>} : memref<416xi32, #tpu.memory_space<vmem>>, vector<16xi32>,
          %get3A_749 = vector.shape_cast %get3A_748 : vector<16xi32> to vector<16xi32>
          %add3A_750 = arith.constant 80 : i32
          %add3A_751 = arith.addi %mul3A_278, %add3A_750 : i32
          %add3A_752 = arith.constant 6 : i32
          %add3A_753 = arith.addi %add3A_751, %add3A_752 : i32
          %get3A_754 = arith.index_cast %add3A_753 : i32 to index
          %get3A_755 = tpu.vector_load %arg6[%get3A_754] {strides = array<i32>} : memref<416xi32, #tpu.memory_space<vmem>>, vector<16xi32>,
          %get3A_756 = vector.shape_cast %get3A_755 : vector<16xi32> to vector<16xi32>
          %mul3A_757 = arith.constant 36313 : i32
          %mul3A_758 = vector.broadcast %mul3A_757 : i32 to vector<16xi32>
          %mul3A_759 = arith.muli %get3A_742, %mul3A_758 : vector<16xi32>
          %mul3A_760 = arith.constant 27191 : i32
          %mul3A_761 = vector.broadcast %mul3A_760 : i32 to vector<16xi32>
          %mul3A_762 = arith.muli %get3A_749, %mul3A_761 : vector<16xi32>
          %xor3A_763 = arith.xori %mul3A_759, %mul3A_762 : vector<16xi32>
          %mul3A_764 = arith.constant 51647 : i32
          %mul3A_765 = vector.broadcast %mul3A_764 : i32 to vector<16xi32>
          %mul3A_766 = arith.muli %get3A_756, %mul3A_765 : vector<16xi32>
          %xor3A_767 = arith.xori %xor3A_763, %mul3A_766 : vector<16xi32>
          %shift_right_arithmetic3A_768 = arith.constant 20 : i32
          %shift_right_arithmetic3A_769 = vector.broadcast %shift_right_arithmetic3A_768 : i32 to vector<16xi32>
          %shift_right_arithmetic3A_770 = arith.shrsi %xor3A_767, %shift_right_arithmetic3A_769 : vector<16xi32>
          %mul3A_771 = arith.constant 48577 : i32
          %mul3A_772 = vector.broadcast %mul3A_771 : i32 to vector<16xi32>
          %mul3A_773 = arith.muli %shift_right_arithmetic3A_770, %mul3A_772 : vector<16xi32>
          %and3A_774 = arith.constant 1048575 : i32
          %and3A_775 = vector.broadcast %and3A_774 : i32 to vector<16xi32>
          %and3A_776 = arith.andi %xor3A_767, %and3A_775 : vector<16xi32>
          %add3A_777 = arith.addi %mul3A_773, %and3A_776 : vector<16xi32>
          %shift_right_arithmetic3A_778 = arith.constant 20 : i32
          %shift_right_arithmetic3A_779 = vector.broadcast %shift_right_arithmetic3A_778 : i32 to vector<16xi32>
          %shift_right_arithmetic3A_780 = arith.shrsi %add3A_777, %shift_right_arithmetic3A_779 : vector<16xi32>
          %mul3A_781 = arith.constant 48577 : i32
          %mul3A_782 = vector.broadcast %mul3A_781 : i32 to vector<16xi32>
          %mul3A_783 = arith.muli %shift_right_arithmetic3A_780, %mul3A_782 : vector<16xi32>
          %and3A_784 = arith.constant 1048575 : i32
          %and3A_785 = vector.broadcast %and3A_784 : i32 to vector<16xi32>
          %and3A_786 = arith.andi %add3A_777, %and3A_785 : vector<16xi32>
          %add3A_787 = arith.addi %mul3A_783, %and3A_786 : vector<16xi32>
          %shift_right_arithmetic3A_788 = arith.constant 20 : i32
          %shift_right_arithmetic3A_789 = vector.broadcast %shift_right_arithmetic3A_788 : i32 to vector<16xi32>
          %shift_right_arithmetic3A_790 = arith.shrsi %add3A_787, %shift_right_arithmetic3A_789 : vector<16xi32>
          %mul3A_791 = arith.constant 48577 : i32
          %mul3A_792 = vector.broadcast %mul3A_791 : i32 to vector<16xi32>
          %mul3A_793 = arith.muli %shift_right_arithmetic3A_790, %mul3A_792 : vector<16xi32>
          %and3A_794 = arith.constant 1048575 : i32
          %and3A_795 = vector.broadcast %and3A_794 : i32 to vector<16xi32>
          %and3A_796 = arith.andi %add3A_787, %and3A_795 : vector<16xi32>
          %add3A_797 = arith.addi %mul3A_793, %and3A_796 : vector<16xi32>
          %lt3A_798 = arith.constant 0 : i32
          %lt3A_799 = vector.broadcast %lt3A_798 : i32 to vector<16xi32>
          %lt3A_800 = arith.cmpi slt, %add3A_797, %lt3A_799 : vector<16xi32>
          %add3A_801 = arith.constant 999999 : i32
          %add3A_802 = vector.broadcast %add3A_801 : i32 to vector<16xi32>
          %add3A_803 = arith.addi %add3A_797, %add3A_802 : vector<16xi32>
          %select_n3A_804 = arith.select %lt3A_800, %add3A_803, %add3A_797 : vector<16xi1>, vector<16xi32>
          %ge3A_805 = arith.constant 999999 : i32
          %ge3A_806 = vector.broadcast %ge3A_805 : i32 to vector<16xi32>
          %ge3A_807 = arith.cmpi sge, %select_n3A_804, %ge3A_806 : vector<16xi32>
          %sub3A_808 = arith.constant 999999 : i32
          %sub3A_809 = vector.broadcast %sub3A_808 : i32 to vector<16xi32>
          %sub3A_810 = arith.subi %select_n3A_804, %sub3A_809 : vector<16xi32>
          %select_n3A_811 = arith.select %ge3A_807, %sub3A_810, %select_n3A_804 : vector<16xi1>, vector<16xi32>
          %add3A_812 = arith.constant 80 : i32
          %add3A_813 = arith.addi %mul3A_278, %add3A_812 : i32
          %swap3A_814 = arith.index_cast %add3A_813 : i32 to index
          %swap3A_815 = tpu.vector_load %arg7[%swap3A_814] {strides = array<i32>} : memref<408xi32, #tpu.memory_space<vmem>>, vector<16xi32>,
          %swap3A_816 = vector.shape_cast %swap3A_815 : vector<16xi32> to vector<16xi32>
          %swap3A_817 = vector.shape_cast %select_n3A_811 : vector<16xi32> to vector<16xi32>
          tpu.vector_store %arg7[%swap3A_814], %swap3A_817 {strides = array<i32>} : memref<408xi32, #tpu.memory_space<vmem>>, vector<16xi32>,
          %add3A_818 = arith.constant 96 : i32
          %add3A_819 = arith.addi %mul3A_278, %add3A_818 : i32
          %add3A_820 = arith.constant 8 : i32
          %add3A_821 = arith.addi %add3A_819, %add3A_820 : i32
          %get3A_822 = arith.index_cast %add3A_821 : i32 to index
          %get3A_823 = tpu.vector_load %arg6[%get3A_822] {strides = array<i32>} : memref<416xi32, #tpu.memory_space<vmem>>, vector<16xi32>,
          %get3A_824 = vector.shape_cast %get3A_823 : vector<16xi32> to vector<16xi32>
          %add3A_825 = arith.constant 96 : i32
          %add3A_826 = arith.addi %mul3A_278, %add3A_825 : i32
          %add3A_827 = arith.constant 7 : i32
          %add3A_828 = arith.addi %add3A_826, %add3A_827 : i32
          %get3A_829 = arith.index_cast %add3A_828 : i32 to index
          %get3A_830 = tpu.vector_load %arg6[%get3A_829] {strides = array<i32>} : memref<416xi32, #tpu.memory_space<vmem>>, vector<16xi32>,
          %get3A_831 = vector.shape_cast %get3A_830 : vector<16xi32> to vector<16xi32>
          %add3A_832 = arith.constant 96 : i32
          %add3A_833 = arith.addi %mul3A_278, %add3A_832 : i32
          %add3A_834 = arith.constant 6 : i32
          %add3A_835 = arith.addi %add3A_833, %add3A_834 : i32
          %get3A_836 = arith.index_cast %add3A_835 : i32 to index
          %get3A_837 = tpu.vector_load %arg6[%get3A_836] {strides = array<i32>} : memref<416xi32, #tpu.memory_space<vmem>>, vector<16xi32>,
          %get3A_838 = vector.shape_cast %get3A_837 : vector<16xi32> to vector<16xi32>
          %mul3A_839 = arith.constant 36313 : i32
          %mul3A_840 = vector.broadcast %mul3A_839 : i32 to vector<16xi32>
          %mul3A_841 = arith.muli %get3A_824, %mul3A_840 : vector<16xi32>
          %mul3A_842 = arith.constant 27191 : i32
          %mul3A_843 = vector.broadcast %mul3A_842 : i32 to vector<16xi32>
          %mul3A_844 = arith.muli %get3A_831, %mul3A_843 : vector<16xi32>
          %xor3A_845 = arith.xori %mul3A_841, %mul3A_844 : vector<16xi32>
          %mul3A_846 = arith.constant 51647 : i32
          %mul3A_847 = vector.broadcast %mul3A_846 : i32 to vector<16xi32>
          %mul3A_848 = arith.muli %get3A_838, %mul3A_847 : vector<16xi32>
          %xor3A_849 = arith.xori %xor3A_845, %mul3A_848 : vector<16xi32>
          %shift_right_arithmetic3A_850 = arith.constant 20 : i32
          %shift_right_arithmetic3A_851 = vector.broadcast %shift_right_arithmetic3A_850 : i32 to vector<16xi32>
          %shift_right_arithmetic3A_852 = arith.shrsi %xor3A_849, %shift_right_arithmetic3A_851 : vector<16xi32>
          %mul3A_853 = arith.constant 48577 : i32
          %mul3A_854 = vector.broadcast %mul3A_853 : i32 to vector<16xi32>
          %mul3A_855 = arith.muli %shift_right_arithmetic3A_852, %mul3A_854 : vector<16xi32>
          %and3A_856 = arith.constant 1048575 : i32
          %and3A_857 = vector.broadcast %and3A_856 : i32 to vector<16xi32>
          %and3A_858 = arith.andi %xor3A_849, %and3A_857 : vector<16xi32>
          %add3A_859 = arith.addi %mul3A_855, %and3A_858 : vector<16xi32>
          %shift_right_arithmetic3A_860 = arith.constant 20 : i32
          %shift_right_arithmetic3A_861 = vector.broadcast %shift_right_arithmetic3A_860 : i32 to vector<16xi32>
          %shift_right_arithmetic3A_862 = arith.shrsi %add3A_859, %shift_right_arithmetic3A_861 : vector<16xi32>
          %mul3A_863 = arith.constant 48577 : i32
          %mul3A_864 = vector.broadcast %mul3A_863 : i32 to vector<16xi32>
          %mul3A_865 = arith.muli %shift_right_arithmetic3A_862, %mul3A_864 : vector<16xi32>
          %and3A_866 = arith.constant 1048575 : i32
          %and3A_867 = vector.broadcast %and3A_866 : i32 to vector<16xi32>
          %and3A_868 = arith.andi %add3A_859, %and3A_867 : vector<16xi32>
          %add3A_869 = arith.addi %mul3A_865, %and3A_868 : vector<16xi32>
          %shift_right_arithmetic3A_870 = arith.constant 20 : i32
          %shift_right_arithmetic3A_871 = vector.broadcast %shift_right_arithmetic3A_870 : i32 to vector<16xi32>
          %shift_right_arithmetic3A_872 = arith.shrsi %add3A_869, %shift_right_arithmetic3A_871 : vector<16xi32>
          %mul3A_873 = arith.constant 48577 : i32
          %mul3A_874 = vector.broadcast %mul3A_873 : i32 to vector<16xi32>
          %mul3A_875 = arith.muli %shift_right_arithmetic3A_872, %mul3A_874 : vector<16xi32>
          %and3A_876 = arith.constant 1048575 : i32
          %and3A_877 = vector.broadcast %and3A_876 : i32 to vector<16xi32>
          %and3A_878 = arith.andi %add3A_869, %and3A_877 : vector<16xi32>
          %add3A_879 = arith.addi %mul3A_875, %and3A_878 : vector<16xi32>
          %lt3A_880 = arith.constant 0 : i32
          %lt3A_881 = vector.broadcast %lt3A_880 : i32 to vector<16xi32>
          %lt3A_882 = arith.cmpi slt, %add3A_879, %lt3A_881 : vector<16xi32>
          %add3A_883 = arith.constant 999999 : i32
          %add3A_884 = vector.broadcast %add3A_883 : i32 to vector<16xi32>
          %add3A_885 = arith.addi %add3A_879, %add3A_884 : vector<16xi32>
          %select_n3A_886 = arith.select %lt3A_882, %add3A_885, %add3A_879 : vector<16xi1>, vector<16xi32>
          %ge3A_887 = arith.constant 999999 : i32
          %ge3A_888 = vector.broadcast %ge3A_887 : i32 to vector<16xi32>
          %ge3A_889 = arith.cmpi sge, %select_n3A_886, %ge3A_888 : vector<16xi32>
          %sub3A_890 = arith.constant 999999 : i32
          %sub3A_891 = vector.broadcast %sub3A_890 : i32 to vector<16xi32>
          %sub3A_892 = arith.subi %select_n3A_886, %sub3A_891 : vector<16xi32>
          %select_n3A_893 = arith.select %ge3A_889, %sub3A_892, %select_n3A_886 : vector<16xi1>, vector<16xi32>
          %add3A_894 = arith.constant 96 : i32
          %add3A_895 = arith.addi %mul3A_278, %add3A_894 : i32
          %swap3A_896 = arith.index_cast %add3A_895 : i32 to index
          %swap3A_897 = tpu.vector_load %arg7[%swap3A_896] {strides = array<i32>} : memref<408xi32, #tpu.memory_space<vmem>>, vector<16xi32>,
          %swap3A_898 = vector.shape_cast %swap3A_897 : vector<16xi32> to vector<16xi32>
          %swap3A_899 = vector.shape_cast %select_n3A_893 : vector<16xi32> to vector<16xi32>
          tpu.vector_store %arg7[%swap3A_896], %swap3A_899 {strides = array<i32>} : memref<408xi32, #tpu.memory_space<vmem>>, vector<16xi32>,
          %add3A_900 = arith.constant 112 : i32
          %add3A_901 = arith.addi %mul3A_278, %add3A_900 : i32
          %add3A_902 = arith.constant 8 : i32
          %add3A_903 = arith.addi %add3A_901, %add3A_902 : i32
          %get3A_904 = arith.index_cast %add3A_903 : i32 to index
          %get3A_905 = tpu.vector_load %arg6[%get3A_904] {strides = array<i32>} : memref<416xi32, #tpu.memory_space<vmem>>, vector<16xi32>,
          %get3A_906 = vector.shape_cast %get3A_905 : vector<16xi32> to vector<16xi32>
          %add3A_907 = arith.constant 112 : i32
          %add3A_908 = arith.addi %mul3A_278, %add3A_907 : i32
          %add3A_909 = arith.constant 7 : i32
          %add3A_910 = arith.addi %add3A_908, %add3A_909 : i32
          %get3A_911 = arith.index_cast %add3A_910 : i32 to index
          %get3A_912 = tpu.vector_load %arg6[%get3A_911] {strides = array<i32>} : memref<416xi32, #tpu.memory_space<vmem>>, vector<16xi32>,
          %get3A_913 = vector.shape_cast %get3A_912 : vector<16xi32> to vector<16xi32>
          %add3A_914 = arith.constant 112 : i32
          %add3A_915 = arith.addi %mul3A_278, %add3A_914 : i32
          %add3A_916 = arith.constant 6 : i32
          %add3A_917 = arith.addi %add3A_915, %add3A_916 : i32
          %get3A_918 = arith.index_cast %add3A_917 : i32 to index
          %get3A_919 = tpu.vector_load %arg6[%get3A_918] {strides = array<i32>} : memref<416xi32, #tpu.memory_space<vmem>>, vector<16xi32>,
          %get3A_920 = vector.shape_cast %get3A_919 : vector<16xi32> to vector<16xi32>
          %mul3A_921 = arith.constant 36313 : i32
          %mul3A_922 = vector.broadcast %mul3A_921 : i32 to vector<16xi32>
          %mul3A_923 = arith.muli %get3A_906, %mul3A_922 : vector<16xi32>
          %mul3A_924 = arith.constant 27191 : i32
          %mul3A_925 = vector.broadcast %mul3A_924 : i32 to vector<16xi32>
          %mul3A_926 = arith.muli %get3A_913, %mul3A_925 : vector<16xi32>
          %xor3A_927 = arith.xori %mul3A_923, %mul3A_926 : vector<16xi32>
          %mul3A_928 = arith.constant 51647 : i32
          %mul3A_929 = vector.broadcast %mul3A_928 : i32 to vector<16xi32>
          %mul3A_930 = arith.muli %get3A_920, %mul3A_929 : vector<16xi32>
          %xor3A_931 = arith.xori %xor3A_927, %mul3A_930 : vector<16xi32>
          %shift_right_arithmetic3A_932 = arith.constant 20 : i32
          %shift_right_arithmetic3A_933 = vector.broadcast %shift_right_arithmetic3A_932 : i32 to vector<16xi32>
          %shift_right_arithmetic3A_934 = arith.shrsi %xor3A_931, %shift_right_arithmetic3A_933 : vector<16xi32>
          %mul3A_935 = arith.constant 48577 : i32
          %mul3A_936 = vector.broadcast %mul3A_935 : i32 to vector<16xi32>
          %mul3A_937 = arith.muli %shift_right_arithmetic3A_934, %mul3A_936 : vector<16xi32>
          %and3A_938 = arith.constant 1048575 : i32
          %and3A_939 = vector.broadcast %and3A_938 : i32 to vector<16xi32>
          %and3A_940 = arith.andi %xor3A_931, %and3A_939 : vector<16xi32>
          %add3A_941 = arith.addi %mul3A_937, %and3A_940 : vector<16xi32>
          %shift_right_arithmetic3A_942 = arith.constant 20 : i32
          %shift_right_arithmetic3A_943 = vector.broadcast %shift_right_arithmetic3A_942 : i32 to vector<16xi32>
          %shift_right_arithmetic3A_944 = arith.shrsi %add3A_941, %shift_right_arithmetic3A_943 : vector<16xi32>
          %mul3A_945 = arith.constant 48577 : i32
          %mul3A_946 = vector.broadcast %mul3A_945 : i32 to vector<16xi32>
          %mul3A_947 = arith.muli %shift_right_arithmetic3A_944, %mul3A_946 : vector<16xi32>
          %and3A_948 = arith.constant 1048575 : i32
          %and3A_949 = vector.broadcast %and3A_948 : i32 to vector<16xi32>
          %and3A_950 = arith.andi %add3A_941, %and3A_949 : vector<16xi32>
          %add3A_951 = arith.addi %mul3A_947, %and3A_950 : vector<16xi32>
          %shift_right_arithmetic3A_952 = arith.constant 20 : i32
          %shift_right_arithmetic3A_953 = vector.broadcast %shift_right_arithmetic3A_952 : i32 to vector<16xi32>
          %shift_right_arithmetic3A_954 = arith.shrsi %add3A_951, %shift_right_arithmetic3A_953 : vector<16xi32>
          %mul3A_955 = arith.constant 48577 : i32
          %mul3A_956 = vector.broadcast %mul3A_955 : i32 to vector<16xi32>
          %mul3A_957 = arith.muli %shift_right_arithmetic3A_954, %mul3A_956 : vector<16xi32>
          %and3A_958 = arith.constant 1048575 : i32
          %and3A_959 = vector.broadcast %and3A_958 : i32 to vector<16xi32>
          %and3A_960 = arith.andi %add3A_951, %and3A_959 : vector<16xi32>
          %add3A_961 = arith.addi %mul3A_957, %and3A_960 : vector<16xi32>
          %lt3A_962 = arith.constant 0 : i32
          %lt3A_963 = vector.broadcast %lt3A_962 : i32 to vector<16xi32>
          %lt3A_964 = arith.cmpi slt, %add3A_961, %lt3A_963 : vector<16xi32>
          %add3A_965 = arith.constant 999999 : i32
          %add3A_966 = vector.broadcast %add3A_965 : i32 to vector<16xi32>
          %add3A_967 = arith.addi %add3A_961, %add3A_966 : vector<16xi32>
          %select_n3A_968 = arith.select %lt3A_964, %add3A_967, %add3A_961 : vector<16xi1>, vector<16xi32>
          %ge3A_969 = arith.constant 999999 : i32
          %ge3A_970 = vector.broadcast %ge3A_969 : i32 to vector<16xi32>
          %ge3A_971 = arith.cmpi sge, %select_n3A_968, %ge3A_970 : vector<16xi32>
          %sub3A_972 = arith.constant 999999 : i32
          %sub3A_973 = vector.broadcast %sub3A_972 : i32 to vector<16xi32>
          %sub3A_974 = arith.subi %select_n3A_968, %sub3A_973 : vector<16xi32>
          %select_n3A_975 = arith.select %ge3A_971, %sub3A_974, %select_n3A_968 : vector<16xi1>, vector<16xi32>
          %add3A_976 = arith.constant 112 : i32
          %add3A_977 = arith.addi %mul3A_278, %add3A_976 : i32
          %swap3A_978 = arith.index_cast %add3A_977 : i32 to index
          %swap3A_979 = tpu.vector_load %arg7[%swap3A_978] {strides = array<i32>} : memref<408xi32, #tpu.memory_space<vmem>>, vector<16xi32>,
          %swap3A_980 = vector.shape_cast %swap3A_979 : vector<16xi32> to vector<16xi32>
          %swap3A_981 = vector.shape_cast %select_n3A_975 : vector<16xi32> to vector<16xi32>
          tpu.vector_store %arg7[%swap3A_978], %swap3A_981 {strides = array<i32>} : memref<408xi32, #tpu.memory_space<vmem>>, vector<16xi32>,
          %add3A_982 = arith.constant 128 : i32
          %add3A_983 = arith.addi %mul3A_278, %add3A_982 : i32
          %add3A_984 = arith.constant 8 : i32
          %add3A_985 = arith.addi %add3A_983, %add3A_984 : i32
          %get3A_986 = arith.index_cast %add3A_985 : i32 to index
          %get3A_987 = tpu.vector_load %arg6[%get3A_986] {strides = array<i32>} : memref<416xi32, #tpu.memory_space<vmem>>, vector<16xi32>,
          %get3A_988 = vector.shape_cast %get3A_987 : vector<16xi32> to vector<16xi32>
          %add3A_989 = arith.constant 128 : i32
          %add3A_990 = arith.addi %mul3A_278, %add3A_989 : i32
          %add3A_991 = arith.constant 7 : i32
          %add3A_992 = arith.addi %add3A_990, %add3A_991 : i32
          %get3A_993 = arith.index_cast %add3A_992 : i32 to index
          %get3A_994 = tpu.vector_load %arg6[%get3A_993] {strides = array<i32>} : memref<416xi32, #tpu.memory_space<vmem>>, vector<16xi32>,
          %get3A_995 = vector.shape_cast %get3A_994 : vector<16xi32> to vector<16xi32>
          %add3A_996 = arith.constant 128 : i32
          %add3A_997 = arith.addi %mul3A_278, %add3A_996 : i32
          %add3A_998 = arith.constant 6 : i32
          %add3A_999 = arith.addi %add3A_997, %add3A_998 : i32
          %get3A_1000 = arith.index_cast %add3A_999 : i32 to index
          %get3A_1001 = tpu.vector_load %arg6[%get3A_1000] {strides = array<i32>} : memref<416xi32, #tpu.memory_space<vmem>>, vector<16xi32>,
          %get3A_1002 = vector.shape_cast %get3A_1001 : vector<16xi32> to vector<16xi32>
          %mul3A_1003 = arith.constant 36313 : i32
          %mul3A_1004 = vector.broadcast %mul3A_1003 : i32 to vector<16xi32>
          %mul3A_1005 = arith.muli %get3A_988, %mul3A_1004 : vector<16xi32>
          %mul3A_1006 = arith.constant 27191 : i32
          %mul3A_1007 = vector.broadcast %mul3A_1006 : i32 to vector<16xi32>
          %mul3A_1008 = arith.muli %get3A_995, %mul3A_1007 : vector<16xi32>
          %xor3A_1009 = arith.xori %mul3A_1005, %mul3A_1008 : vector<16xi32>
          %mul3A_1010 = arith.constant 51647 : i32
          %mul3A_1011 = vector.broadcast %mul3A_1010 : i32 to vector<16xi32>
          %mul3A_1012 = arith.muli %get3A_1002, %mul3A_1011 : vector<16xi32>
          %xor3A_1013 = arith.xori %xor3A_1009, %mul3A_1012 : vector<16xi32>
          %shift_right_arithmetic3A_1014 = arith.constant 20 : i32
          %shift_right_arithmetic3A_1015 = vector.broadcast %shift_right_arithmetic3A_1014 : i32 to vector<16xi32>
          %shift_right_arithmetic3A_1016 = arith.shrsi %xor3A_1013, %shift_right_arithmetic3A_1015 : vector<16xi32>
          %mul3A_1017 = arith.constant 48577 : i32
          %mul3A_1018 = vector.broadcast %mul3A_1017 : i32 to vector<16xi32>
          %mul3A_1019 = arith.muli %shift_right_arithmetic3A_1016, %mul3A_1018 : vector<16xi32>
          %and3A_1020 = arith.constant 1048575 : i32
          %and3A_1021 = vector.broadcast %and3A_1020 : i32 to vector<16xi32>
          %and3A_1022 = arith.andi %xor3A_1013, %and3A_1021 : vector<16xi32>
          %add3A_1023 = arith.addi %mul3A_1019, %and3A_1022 : vector<16xi32>
          %shift_right_arithmetic3A_1024 = arith.constant 20 : i32
          %shift_right_arithmetic3A_1025 = vector.broadcast %shift_right_arithmetic3A_1024 : i32 to vector<16xi32>
          %shift_right_arithmetic3A_1026 = arith.shrsi %add3A_1023, %shift_right_arithmetic3A_1025 : vector<16xi32>
          %mul3A_1027 = arith.constant 48577 : i32
          %mul3A_1028 = vector.broadcast %mul3A_1027 : i32 to vector<16xi32>
          %mul3A_1029 = arith.muli %shift_right_arithmetic3A_1026, %mul3A_1028 : vector<16xi32>
          %and3A_1030 = arith.constant 1048575 : i32
          %and3A_1031 = vector.broadcast %and3A_1030 : i32 to vector<16xi32>
          %and3A_1032 = arith.andi %add3A_1023, %and3A_1031 : vector<16xi32>
          %add3A_1033 = arith.addi %mul3A_1029, %and3A_1032 : vector<16xi32>
          %shift_right_arithmetic3A_1034 = arith.constant 20 : i32
          %shift_right_arithmetic3A_1035 = vector.broadcast %shift_right_arithmetic3A_1034 : i32 to vector<16xi32>
          %shift_right_arithmetic3A_1036 = arith.shrsi %add3A_1033, %shift_right_arithmetic3A_1035 : vector<16xi32>
          %mul3A_1037 = arith.constant 48577 : i32
          %mul3A_1038 = vector.broadcast %mul3A_1037 : i32 to vector<16xi32>
          %mul3A_1039 = arith.muli %shift_right_arithmetic3A_1036, %mul3A_1038 : vector<16xi32>
          %and3A_1040 = arith.constant 1048575 : i32
          %and3A_1041 = vector.broadcast %and3A_1040 : i32 to vector<16xi32>
          %and3A_1042 = arith.andi %add3A_1033, %and3A_1041 : vector<16xi32>
          %add3A_1043 = arith.addi %mul3A_1039, %and3A_1042 : vector<16xi32>
          %lt3A_1044 = arith.constant 0 : i32
          %lt3A_1045 = vector.broadcast %lt3A_1044 : i32 to vector<16xi32>
          %lt3A_1046 = arith.cmpi slt, %add3A_1043, %lt3A_1045 : vector<16xi32>
          %add3A_1047 = arith.constant 999999 : i32
          %add3A_1048 = vector.broadcast %add3A_1047 : i32 to vector<16xi32>
          %add3A_1049 = arith.addi %add3A_1043, %add3A_1048 : vector<16xi32>
          %select_n3A_1050 = arith.select %lt3A_1046, %add3A_1049, %add3A_1043 : vector<16xi1>, vector<16xi32>
          %ge3A_1051 = arith.constant 999999 : i32
          %ge3A_1052 = vector.broadcast %ge3A_1051 : i32 to vector<16xi32>
          %ge3A_1053 = arith.cmpi sge, %select_n3A_1050, %ge3A_1052 : vector<16xi32>
          %sub3A_1054 = arith.constant 999999 : i32
          %sub3A_1055 = vector.broadcast %sub3A_1054 : i32 to vector<16xi32>
          %sub3A_1056 = arith.subi %select_n3A_1050, %sub3A_1055 : vector<16xi32>
          %select_n3A_1057 = arith.select %ge3A_1053, %sub3A_1056, %select_n3A_1050 : vector<16xi1>, vector<16xi32>
          %add3A_1058 = arith.constant 128 : i32
          %add3A_1059 = arith.addi %mul3A_278, %add3A_1058 : i32
          %swap3A_1060 = arith.index_cast %add3A_1059 : i32 to index
          %swap3A_1061 = tpu.vector_load %arg7[%swap3A_1060] {strides = array<i32>} : memref<408xi32, #tpu.memory_space<vmem>>, vector<16xi32>,
          %swap3A_1062 = vector.shape_cast %swap3A_1061 : vector<16xi32> to vector<16xi32>
          %swap3A_1063 = vector.shape_cast %select_n3A_1057 : vector<16xi32> to vector<16xi32>
          tpu.vector_store %arg7[%swap3A_1060], %swap3A_1063 {strides = array<i32>} : memref<408xi32, #tpu.memory_space<vmem>>, vector<16xi32>,
          %add3A_1064 = arith.constant 144 : i32
          %add3A_1065 = arith.addi %mul3A_278, %add3A_1064 : i32
          %add3A_1066 = arith.constant 8 : i32
          %add3A_1067 = arith.addi %add3A_1065, %add3A_1066 : i32
          %get3A_1068 = arith.index_cast %add3A_1067 : i32 to index
          %get3A_1069 = tpu.vector_load %arg6[%get3A_1068] {strides = array<i32>} : memref<416xi32, #tpu.memory_space<vmem>>, vector<16xi32>,
          %get3A_1070 = vector.shape_cast %get3A_1069 : vector<16xi32> to vector<16xi32>
          %add3A_1071 = arith.constant 144 : i32
          %add3A_1072 = arith.addi %mul3A_278, %add3A_1071 : i32
          %add3A_1073 = arith.constant 7 : i32
          %add3A_1074 = arith.addi %add3A_1072, %add3A_1073 : i32
          %get3A_1075 = arith.index_cast %add3A_1074 : i32 to index
          %get3A_1076 = tpu.vector_load %arg6[%get3A_1075] {strides = array<i32>} : memref<416xi32, #tpu.memory_space<vmem>>, vector<16xi32>,
          %get3A_1077 = vector.shape_cast %get3A_1076 : vector<16xi32> to vector<16xi32>
          %add3A_1078 = arith.constant 144 : i32
          %add3A_1079 = arith.addi %mul3A_278, %add3A_1078 : i32
          %add3A_1080 = arith.constant 6 : i32
          %add3A_1081 = arith.addi %add3A_1079, %add3A_1080 : i32
          %get3A_1082 = arith.index_cast %add3A_1081 : i32 to index
          %get3A_1083 = tpu.vector_load %arg6[%get3A_1082] {strides = array<i32>} : memref<416xi32, #tpu.memory_space<vmem>>, vector<16xi32>,
          %get3A_1084 = vector.shape_cast %get3A_1083 : vector<16xi32> to vector<16xi32>
          %mul3A_1085 = arith.constant 36313 : i32
          %mul3A_1086 = vector.broadcast %mul3A_1085 : i32 to vector<16xi32>
          %mul3A_1087 = arith.muli %get3A_1070, %mul3A_1086 : vector<16xi32>
          %mul3A_1088 = arith.constant 27191 : i32
          %mul3A_1089 = vector.broadcast %mul3A_1088 : i32 to vector<16xi32>
          %mul3A_1090 = arith.muli %get3A_1077, %mul3A_1089 : vector<16xi32>
          %xor3A_1091 = arith.xori %mul3A_1087, %mul3A_1090 : vector<16xi32>
          %mul3A_1092 = arith.constant 51647 : i32
          %mul3A_1093 = vector.broadcast %mul3A_1092 : i32 to vector<16xi32>
          %mul3A_1094 = arith.muli %get3A_1084, %mul3A_1093 : vector<16xi32>
          %xor3A_1095 = arith.xori %xor3A_1091, %mul3A_1094 : vector<16xi32>
          %shift_right_arithmetic3A_1096 = arith.constant 20 : i32
          %shift_right_arithmetic3A_1097 = vector.broadcast %shift_right_arithmetic3A_1096 : i32 to vector<16xi32>
          %shift_right_arithmetic3A_1098 = arith.shrsi %xor3A_1095, %shift_right_arithmetic3A_1097 : vector<16xi32>
          %mul3A_1099 = arith.constant 48577 : i32
          %mul3A_1100 = vector.broadcast %mul3A_1099 : i32 to vector<16xi32>
          %mul3A_1101 = arith.muli %shift_right_arithmetic3A_1098, %mul3A_1100 : vector<16xi32>
          %and3A_1102 = arith.constant 1048575 : i32
          %and3A_1103 = vector.broadcast %and3A_1102 : i32 to vector<16xi32>
          %and3A_1104 = arith.andi %xor3A_1095, %and3A_1103 : vector<16xi32>
          %add3A_1105 = arith.addi %mul3A_1101, %and3A_1104 : vector<16xi32>
          %shift_right_arithmetic3A_1106 = arith.constant 20 : i32
          %shift_right_arithmetic3A_1107 = vector.broadcast %shift_right_arithmetic3A_1106 : i32 to vector<16xi32>
          %shift_right_arithmetic3A_1108 = arith.shrsi %add3A_1105, %shift_right_arithmetic3A_1107 : vector<16xi32>
          %mul3A_1109 = arith.constant 48577 : i32
          %mul3A_1110 = vector.broadcast %mul3A_1109 : i32 to vector<16xi32>
          %mul3A_1111 = arith.muli %shift_right_arithmetic3A_1108, %mul3A_1110 : vector<16xi32>
          %and3A_1112 = arith.constant 1048575 : i32
          %and3A_1113 = vector.broadcast %and3A_1112 : i32 to vector<16xi32>
          %and3A_1114 = arith.andi %add3A_1105, %and3A_1113 : vector<16xi32>
          %add3A_1115 = arith.addi %mul3A_1111, %and3A_1114 : vector<16xi32>
          %shift_right_arithmetic3A_1116 = arith.constant 20 : i32
          %shift_right_arithmetic3A_1117 = vector.broadcast %shift_right_arithmetic3A_1116 : i32 to vector<16xi32>
          %shift_right_arithmetic3A_1118 = arith.shrsi %add3A_1115, %shift_right_arithmetic3A_1117 : vector<16xi32>
          %mul3A_1119 = arith.constant 48577 : i32
          %mul3A_1120 = vector.broadcast %mul3A_1119 : i32 to vector<16xi32>
          %mul3A_1121 = arith.muli %shift_right_arithmetic3A_1118, %mul3A_1120 : vector<16xi32>
          %and3A_1122 = arith.constant 1048575 : i32
          %and3A_1123 = vector.broadcast %and3A_1122 : i32 to vector<16xi32>
          %and3A_1124 = arith.andi %add3A_1115, %and3A_1123 : vector<16xi32>
          %add3A_1125 = arith.addi %mul3A_1121, %and3A_1124 : vector<16xi32>
          %lt3A_1126 = arith.constant 0 : i32
          %lt3A_1127 = vector.broadcast %lt3A_1126 : i32 to vector<16xi32>
          %lt3A_1128 = arith.cmpi slt, %add3A_1125, %lt3A_1127 : vector<16xi32>
          %add3A_1129 = arith.constant 999999 : i32
          %add3A_1130 = vector.broadcast %add3A_1129 : i32 to vector<16xi32>
          %add3A_1131 = arith.addi %add3A_1125, %add3A_1130 : vector<16xi32>
          %select_n3A_1132 = arith.select %lt3A_1128, %add3A_1131, %add3A_1125 : vector<16xi1>, vector<16xi32>
          %ge3A_1133 = arith.constant 999999 : i32
          %ge3A_1134 = vector.broadcast %ge3A_1133 : i32 to vector<16xi32>
          %ge3A_1135 = arith.cmpi sge, %select_n3A_1132, %ge3A_1134 : vector<16xi32>
          %sub3A_1136 = arith.constant 999999 : i32
          %sub3A_1137 = vector.broadcast %sub3A_1136 : i32 to vector<16xi32>
          %sub3A_1138 = arith.subi %select_n3A_1132, %sub3A_1137 : vector<16xi32>
          %select_n3A_1139 = arith.select %ge3A_1135, %sub3A_1138, %select_n3A_1132 : vector<16xi1>, vector<16xi32>
          %add3A_1140 = arith.constant 144 : i32
          %add3A_1141 = arith.addi %mul3A_278, %add3A_1140 : i32
          %swap3A_1142 = arith.index_cast %add3A_1141 : i32 to index
          %swap3A_1143 = tpu.vector_load %arg7[%swap3A_1142] {strides = array<i32>} : memref<408xi32, #tpu.memory_space<vmem>>, vector<16xi32>,
          %swap3A_1144 = vector.shape_cast %swap3A_1143 : vector<16xi32> to vector<16xi32>
          %swap3A_1145 = vector.shape_cast %select_n3A_1139 : vector<16xi32> to vector<16xi32>
          tpu.vector_store %arg7[%swap3A_1142], %swap3A_1145 {strides = array<i32>} : memref<408xi32, #tpu.memory_space<vmem>>, vector<16xi32>,
          %add3A_1146 = arith.constant 160 : i32
          %add3A_1147 = arith.addi %mul3A_278, %add3A_1146 : i32
          %add3A_1148 = arith.constant 8 : i32
          %add3A_1149 = arith.addi %add3A_1147, %add3A_1148 : i32
          %get3A_1150 = arith.index_cast %add3A_1149 : i32 to index
          %get3A_1151 = tpu.vector_load %arg6[%get3A_1150] {strides = array<i32>} : memref<416xi32, #tpu.memory_space<vmem>>, vector<16xi32>,
          %get3A_1152 = vector.shape_cast %get3A_1151 : vector<16xi32> to vector<16xi32>
          %add3A_1153 = arith.constant 160 : i32
          %add3A_1154 = arith.addi %mul3A_278, %add3A_1153 : i32
          %add3A_1155 = arith.constant 7 : i32
          %add3A_1156 = arith.addi %add3A_1154, %add3A_1155 : i32
          %get3A_1157 = arith.index_cast %add3A_1156 : i32 to index
          %get3A_1158 = tpu.vector_load %arg6[%get3A_1157] {strides = array<i32>} : memref<416xi32, #tpu.memory_space<vmem>>, vector<16xi32>,
          %get3A_1159 = vector.shape_cast %get3A_1158 : vector<16xi32> to vector<16xi32>
          %add3A_1160 = arith.constant 160 : i32
          %add3A_1161 = arith.addi %mul3A_278, %add3A_1160 : i32
          %add3A_1162 = arith.constant 6 : i32
          %add3A_1163 = arith.addi %add3A_1161, %add3A_1162 : i32
          %get3A_1164 = arith.index_cast %add3A_1163 : i32 to index
          %get3A_1165 = tpu.vector_load %arg6[%get3A_1164] {strides = array<i32>} : memref<416xi32, #tpu.memory_space<vmem>>, vector<16xi32>,
          %get3A_1166 = vector.shape_cast %get3A_1165 : vector<16xi32> to vector<16xi32>
          %mul3A_1167 = arith.constant 36313 : i32
          %mul3A_1168 = vector.broadcast %mul3A_1167 : i32 to vector<16xi32>
          %mul3A_1169 = arith.muli %get3A_1152, %mul3A_1168 : vector<16xi32>
          %mul3A_1170 = arith.constant 27191 : i32
          %mul3A_1171 = vector.broadcast %mul3A_1170 : i32 to vector<16xi32>
          %mul3A_1172 = arith.muli %get3A_1159, %mul3A_1171 : vector<16xi32>
          %xor3A_1173 = arith.xori %mul3A_1169, %mul3A_1172 : vector<16xi32>
          %mul3A_1174 = arith.constant 51647 : i32
          %mul3A_1175 = vector.broadcast %mul3A_1174 : i32 to vector<16xi32>
          %mul3A_1176 = arith.muli %get3A_1166, %mul3A_1175 : vector<16xi32>
          %xor3A_1177 = arith.xori %xor3A_1173, %mul3A_1176 : vector<16xi32>
          %shift_right_arithmetic3A_1178 = arith.constant 20 : i32
          %shift_right_arithmetic3A_1179 = vector.broadcast %shift_right_arithmetic3A_1178 : i32 to vector<16xi32>
          %shift_right_arithmetic3A_1180 = arith.shrsi %xor3A_1177, %shift_right_arithmetic3A_1179 : vector<16xi32>
          %mul3A_1181 = arith.constant 48577 : i32
          %mul3A_1182 = vector.broadcast %mul3A_1181 : i32 to vector<16xi32>
          %mul3A_1183 = arith.muli %shift_right_arithmetic3A_1180, %mul3A_1182 : vector<16xi32>
          %and3A_1184 = arith.constant 1048575 : i32
          %and3A_1185 = vector.broadcast %and3A_1184 : i32 to vector<16xi32>
          %and3A_1186 = arith.andi %xor3A_1177, %and3A_1185 : vector<16xi32>
          %add3A_1187 = arith.addi %mul3A_1183, %and3A_1186 : vector<16xi32>
          %shift_right_arithmetic3A_1188 = arith.constant 20 : i32
          %shift_right_arithmetic3A_1189 = vector.broadcast %shift_right_arithmetic3A_1188 : i32 to vector<16xi32>
          %shift_right_arithmetic3A_1190 = arith.shrsi %add3A_1187, %shift_right_arithmetic3A_1189 : vector<16xi32>
          %mul3A_1191 = arith.constant 48577 : i32
          %mul3A_1192 = vector.broadcast %mul3A_1191 : i32 to vector<16xi32>
          %mul3A_1193 = arith.muli %shift_right_arithmetic3A_1190, %mul3A_1192 : vector<16xi32>
          %and3A_1194 = arith.constant 1048575 : i32
          %and3A_1195 = vector.broadcast %and3A_1194 : i32 to vector<16xi32>
          %and3A_1196 = arith.andi %add3A_1187, %and3A_1195 : vector<16xi32>
          %add3A_1197 = arith.addi %mul3A_1193, %and3A_1196 : vector<16xi32>
          %shift_right_arithmetic3A_1198 = arith.constant 20 : i32
          %shift_right_arithmetic3A_1199 = vector.broadcast %shift_right_arithmetic3A_1198 : i32 to vector<16xi32>
          %shift_right_arithmetic3A_1200 = arith.shrsi %add3A_1197, %shift_right_arithmetic3A_1199 : vector<16xi32>
          %mul3A_1201 = arith.constant 48577 : i32
          %mul3A_1202 = vector.broadcast %mul3A_1201 : i32 to vector<16xi32>
          %mul3A_1203 = arith.muli %shift_right_arithmetic3A_1200, %mul3A_1202 : vector<16xi32>
          %and3A_1204 = arith.constant 1048575 : i32
          %and3A_1205 = vector.broadcast %and3A_1204 : i32 to vector<16xi32>
          %and3A_1206 = arith.andi %add3A_1197, %and3A_1205 : vector<16xi32>
          %add3A_1207 = arith.addi %mul3A_1203, %and3A_1206 : vector<16xi32>
          %lt3A_1208 = arith.constant 0 : i32
          %lt3A_1209 = vector.broadcast %lt3A_1208 : i32 to vector<16xi32>
          %lt3A_1210 = arith.cmpi slt, %add3A_1207, %lt3A_1209 : vector<16xi32>
          %add3A_1211 = arith.constant 999999 : i32
          %add3A_1212 = vector.broadcast %add3A_1211 : i32 to vector<16xi32>
          %add3A_1213 = arith.addi %add3A_1207, %add3A_1212 : vector<16xi32>
          %select_n3A_1214 = arith.select %lt3A_1210, %add3A_1213, %add3A_1207 : vector<16xi1>, vector<16xi32>
          %ge3A_1215 = arith.constant 999999 : i32
          %ge3A_1216 = vector.broadcast %ge3A_1215 : i32 to vector<16xi32>
          %ge3A_1217 = arith.cmpi sge, %select_n3A_1214, %ge3A_1216 : vector<16xi32>
          %sub3A_1218 = arith.constant 999999 : i32
          %sub3A_1219 = vector.broadcast %sub3A_1218 : i32 to vector<16xi32>
          %sub3A_1220 = arith.subi %select_n3A_1214, %sub3A_1219 : vector<16xi32>
          %select_n3A_1221 = arith.select %ge3A_1217, %sub3A_1220, %select_n3A_1214 : vector<16xi1>, vector<16xi32>
          %add3A_1222 = arith.constant 160 : i32
          %add3A_1223 = arith.addi %mul3A_278, %add3A_1222 : i32
          %swap3A_1224 = arith.index_cast %add3A_1223 : i32 to index
          %swap3A_1225 = tpu.vector_load %arg7[%swap3A_1224] {strides = array<i32>} : memref<408xi32, #tpu.memory_space<vmem>>, vector<16xi32>,
          %swap3A_1226 = vector.shape_cast %swap3A_1225 : vector<16xi32> to vector<16xi32>
          %swap3A_1227 = vector.shape_cast %select_n3A_1221 : vector<16xi32> to vector<16xi32>
          tpu.vector_store %arg7[%swap3A_1224], %swap3A_1227 {strides = array<i32>} : memref<408xi32, #tpu.memory_space<vmem>>, vector<16xi32>,
          %add3A_1228 = arith.constant 176 : i32
          %add3A_1229 = arith.addi %mul3A_278, %add3A_1228 : i32
          %add3A_1230 = arith.constant 8 : i32
          %add3A_1231 = arith.addi %add3A_1229, %add3A_1230 : i32
          %get3A_1232 = arith.index_cast %add3A_1231 : i32 to index
          %get3A_1233 = tpu.vector_load %arg6[%get3A_1232] {strides = array<i32>} : memref<416xi32, #tpu.memory_space<vmem>>, vector<16xi32>,
          %get3A_1234 = vector.shape_cast %get3A_1233 : vector<16xi32> to vector<16xi32>
          %add3A_1235 = arith.constant 176 : i32
          %add3A_1236 = arith.addi %mul3A_278, %add3A_1235 : i32
          %add3A_1237 = arith.constant 7 : i32
          %add3A_1238 = arith.addi %add3A_1236, %add3A_1237 : i32
          %get3A_1239 = arith.index_cast %add3A_1238 : i32 to index
          %get3A_1240 = tpu.vector_load %arg6[%get3A_1239] {strides = array<i32>} : memref<416xi32, #tpu.memory_space<vmem>>, vector<16xi32>,
          %get3A_1241 = vector.shape_cast %get3A_1240 : vector<16xi32> to vector<16xi32>
          %add3A_1242 = arith.constant 176 : i32
          %add3A_1243 = arith.addi %mul3A_278, %add3A_1242 : i32
          %add3A_1244 = arith.constant 6 : i32
          %add3A_1245 = arith.addi %add3A_1243, %add3A_1244 : i32
          %get3A_1246 = arith.index_cast %add3A_1245 : i32 to index
          %get3A_1247 = tpu.vector_load %arg6[%get3A_1246] {strides = array<i32>} : memref<416xi32, #tpu.memory_space<vmem>>, vector<16xi32>,
          %get3A_1248 = vector.shape_cast %get3A_1247 : vector<16xi32> to vector<16xi32>
          %mul3A_1249 = arith.constant 36313 : i32
          %mul3A_1250 = vector.broadcast %mul3A_1249 : i32 to vector<16xi32>
          %mul3A_1251 = arith.muli %get3A_1234, %mul3A_1250 : vector<16xi32>
          %mul3A_1252 = arith.constant 27191 : i32
          %mul3A_1253 = vector.broadcast %mul3A_1252 : i32 to vector<16xi32>
          %mul3A_1254 = arith.muli %get3A_1241, %mul3A_1253 : vector<16xi32>
          %xor3A_1255 = arith.xori %mul3A_1251, %mul3A_1254 : vector<16xi32>
          %mul3A_1256 = arith.constant 51647 : i32
          %mul3A_1257 = vector.broadcast %mul3A_1256 : i32 to vector<16xi32>
          %mul3A_1258 = arith.muli %get3A_1248, %mul3A_1257 : vector<16xi32>
          %xor3A_1259 = arith.xori %xor3A_1255, %mul3A_1258 : vector<16xi32>
          %shift_right_arithmetic3A_1260 = arith.constant 20 : i32
          %shift_right_arithmetic3A_1261 = vector.broadcast %shift_right_arithmetic3A_1260 : i32 to vector<16xi32>
          %shift_right_arithmetic3A_1262 = arith.shrsi %xor3A_1259, %shift_right_arithmetic3A_1261 : vector<16xi32>
          %mul3A_1263 = arith.constant 48577 : i32
          %mul3A_1264 = vector.broadcast %mul3A_1263 : i32 to vector<16xi32>
          %mul3A_1265 = arith.muli %shift_right_arithmetic3A_1262, %mul3A_1264 : vector<16xi32>
          %and3A_1266 = arith.constant 1048575 : i32
          %and3A_1267 = vector.broadcast %and3A_1266 : i32 to vector<16xi32>
          %and3A_1268 = arith.andi %xor3A_1259, %and3A_1267 : vector<16xi32>
          %add3A_1269 = arith.addi %mul3A_1265, %and3A_1268 : vector<16xi32>
          %shift_right_arithmetic3A_1270 = arith.constant 20 : i32
          %shift_right_arithmetic3A_1271 = vector.broadcast %shift_right_arithmetic3A_1270 : i32 to vector<16xi32>
          %shift_right_arithmetic3A_1272 = arith.shrsi %add3A_1269, %shift_right_arithmetic3A_1271 : vector<16xi32>
          %mul3A_1273 = arith.constant 48577 : i32
          %mul3A_1274 = vector.broadcast %mul3A_1273 : i32 to vector<16xi32>
          %mul3A_1275 = arith.muli %shift_right_arithmetic3A_1272, %mul3A_1274 : vector<16xi32>
          %and3A_1276 = arith.constant 1048575 : i32
          %and3A_1277 = vector.broadcast %and3A_1276 : i32 to vector<16xi32>
          %and3A_1278 = arith.andi %add3A_1269, %and3A_1277 : vector<16xi32>
          %add3A_1279 = arith.addi %mul3A_1275, %and3A_1278 : vector<16xi32>
          %shift_right_arithmetic3A_1280 = arith.constant 20 : i32
          %shift_right_arithmetic3A_1281 = vector.broadcast %shift_right_arithmetic3A_1280 : i32 to vector<16xi32>
          %shift_right_arithmetic3A_1282 = arith.shrsi %add3A_1279, %shift_right_arithmetic3A_1281 : vector<16xi32>
          %mul3A_1283 = arith.constant 48577 : i32
          %mul3A_1284 = vector.broadcast %mul3A_1283 : i32 to vector<16xi32>
          %mul3A_1285 = arith.muli %shift_right_arithmetic3A_1282, %mul3A_1284 : vector<16xi32>
          %and3A_1286 = arith.constant 1048575 : i32
          %and3A_1287 = vector.broadcast %and3A_1286 : i32 to vector<16xi32>
          %and3A_1288 = arith.andi %add3A_1279, %and3A_1287 : vector<16xi32>
          %add3A_1289 = arith.addi %mul3A_1285, %and3A_1288 : vector<16xi32>
          %lt3A_1290 = arith.constant 0 : i32
          %lt3A_1291 = vector.broadcast %lt3A_1290 : i32 to vector<16xi32>
          %lt3A_1292 = arith.cmpi slt, %add3A_1289, %lt3A_1291 : vector<16xi32>
          %add3A_1293 = arith.constant 999999 : i32
          %add3A_1294 = vector.broadcast %add3A_1293 : i32 to vector<16xi32>
          %add3A_1295 = arith.addi %add3A_1289, %add3A_1294 : vector<16xi32>
          %select_n3A_1296 = arith.select %lt3A_1292, %add3A_1295, %add3A_1289 : vector<16xi1>, vector<16xi32>
          %ge3A_1297 = arith.constant 999999 : i32
          %ge3A_1298 = vector.broadcast %ge3A_1297 : i32 to vector<16xi32>
          %ge3A_1299 = arith.cmpi sge, %select_n3A_1296, %ge3A_1298 : vector<16xi32>
          %sub3A_1300 = arith.constant 999999 : i32
          %sub3A_1301 = vector.broadcast %sub3A_1300 : i32 to vector<16xi32>
          %sub3A_1302 = arith.subi %select_n3A_1296, %sub3A_1301 : vector<16xi32>
          %select_n3A_1303 = arith.select %ge3A_1299, %sub3A_1302, %select_n3A_1296 : vector<16xi1>, vector<16xi32>
          %add3A_1304 = arith.constant 176 : i32
          %add3A_1305 = arith.addi %mul3A_278, %add3A_1304 : i32
          %swap3A_1306 = arith.index_cast %add3A_1305 : i32 to index
          %swap3A_1307 = tpu.vector_load %arg7[%swap3A_1306] {strides = array<i32>} : memref<408xi32, #tpu.memory_space<vmem>>, vector<16xi32>,
          %swap3A_1308 = vector.shape_cast %swap3A_1307 : vector<16xi32> to vector<16xi32>
          %swap3A_1309 = vector.shape_cast %select_n3A_1303 : vector<16xi32> to vector<16xi32>
          tpu.vector_store %arg7[%swap3A_1306], %swap3A_1309 {strides = array<i32>} : memref<408xi32, #tpu.memory_space<vmem>>, vector<16xi32>,
          %add3A_1310 = arith.constant 192 : i32
          %add3A_1311 = arith.addi %mul3A_278, %add3A_1310 : i32
          %add3A_1312 = arith.constant 8 : i32
          %add3A_1313 = arith.addi %add3A_1311, %add3A_1312 : i32
          %get3A_1314 = arith.index_cast %add3A_1313 : i32 to index
          %get3A_1315 = tpu.vector_load %arg6[%get3A_1314] {strides = array<i32>} : memref<416xi32, #tpu.memory_space<vmem>>, vector<16xi32>,
          %get3A_1316 = vector.shape_cast %get3A_1315 : vector<16xi32> to vector<16xi32>
          %add3A_1317 = arith.constant 192 : i32
          %add3A_1318 = arith.addi %mul3A_278, %add3A_1317 : i32
          %add3A_1319 = arith.constant 7 : i32
          %add3A_1320 = arith.addi %add3A_1318, %add3A_1319 : i32
          %get3A_1321 = arith.index_cast %add3A_1320 : i32 to index
          %get3A_1322 = tpu.vector_load %arg6[%get3A_1321] {strides = array<i32>} : memref<416xi32, #tpu.memory_space<vmem>>, vector<16xi32>,
          %get3A_1323 = vector.shape_cast %get3A_1322 : vector<16xi32> to vector<16xi32>
          %add3A_1324 = arith.constant 192 : i32
          %add3A_1325 = arith.addi %mul3A_278, %add3A_1324 : i32
          %add3A_1326 = arith.constant 6 : i32
          %add3A_1327 = arith.addi %add3A_1325, %add3A_1326 : i32
          %get3A_1328 = arith.index_cast %add3A_1327 : i32 to index
          %get3A_1329 = tpu.vector_load %arg6[%get3A_1328] {strides = array<i32>} : memref<416xi32, #tpu.memory_space<vmem>>, vector<16xi32>,
          %get3A_1330 = vector.shape_cast %get3A_1329 : vector<16xi32> to vector<16xi32>
          %mul3A_1331 = arith.constant 36313 : i32
          %mul3A_1332 = vector.broadcast %mul3A_1331 : i32 to vector<16xi32>
          %mul3A_1333 = arith.muli %get3A_1316, %mul3A_1332 : vector<16xi32>
          %mul3A_1334 = arith.constant 27191 : i32
          %mul3A_1335 = vector.broadcast %mul3A_1334 : i32 to vector<16xi32>
          %mul3A_1336 = arith.muli %get3A_1323, %mul3A_1335 : vector<16xi32>
          %xor3A_1337 = arith.xori %mul3A_1333, %mul3A_1336 : vector<16xi32>
          %mul3A_1338 = arith.constant 51647 : i32
          %mul3A_1339 = vector.broadcast %mul3A_1338 : i32 to vector<16xi32>
          %mul3A_1340 = arith.muli %get3A_1330, %mul3A_1339 : vector<16xi32>
          %xor3A_1341 = arith.xori %xor3A_1337, %mul3A_1340 : vector<16xi32>
          %shift_right_arithmetic3A_1342 = arith.constant 20 : i32
          %shift_right_arithmetic3A_1343 = vector.broadcast %shift_right_arithmetic3A_1342 : i32 to vector<16xi32>
          %shift_right_arithmetic3A_1344 = arith.shrsi %xor3A_1341, %shift_right_arithmetic3A_1343 : vector<16xi32>
          %mul3A_1345 = arith.constant 48577 : i32
          %mul3A_1346 = vector.broadcast %mul3A_1345 : i32 to vector<16xi32>
          %mul3A_1347 = arith.muli %shift_right_arithmetic3A_1344, %mul3A_1346 : vector<16xi32>
          %and3A_1348 = arith.constant 1048575 : i32
          %and3A_1349 = vector.broadcast %and3A_1348 : i32 to vector<16xi32>
          %and3A_1350 = arith.andi %xor3A_1341, %and3A_1349 : vector<16xi32>
          %add3A_1351 = arith.addi %mul3A_1347, %and3A_1350 : vector<16xi32>
          %shift_right_arithmetic3A_1352 = arith.constant 20 : i32
          %shift_right_arithmetic3A_1353 = vector.broadcast %shift_right_arithmetic3A_1352 : i32 to vector<16xi32>
          %shift_right_arithmetic3A_1354 = arith.shrsi %add3A_1351, %shift_right_arithmetic3A_1353 : vector<16xi32>
          %mul3A_1355 = arith.constant 48577 : i32
          %mul3A_1356 = vector.broadcast %mul3A_1355 : i32 to vector<16xi32>
          %mul3A_1357 = arith.muli %shift_right_arithmetic3A_1354, %mul3A_1356 : vector<16xi32>
          %and3A_1358 = arith.constant 1048575 : i32
          %and3A_1359 = vector.broadcast %and3A_1358 : i32 to vector<16xi32>
          %and3A_1360 = arith.andi %add3A_1351, %and3A_1359 : vector<16xi32>
          %add3A_1361 = arith.addi %mul3A_1357, %and3A_1360 : vector<16xi32>
          %shift_right_arithmetic3A_1362 = arith.constant 20 : i32
          %shift_right_arithmetic3A_1363 = vector.broadcast %shift_right_arithmetic3A_1362 : i32 to vector<16xi32>
          %shift_right_arithmetic3A_1364 = arith.shrsi %add3A_1361, %shift_right_arithmetic3A_1363 : vector<16xi32>
          %mul3A_1365 = arith.constant 48577 : i32
          %mul3A_1366 = vector.broadcast %mul3A_1365 : i32 to vector<16xi32>
          %mul3A_1367 = arith.muli %shift_right_arithmetic3A_1364, %mul3A_1366 : vector<16xi32>
          %and3A_1368 = arith.constant 1048575 : i32
          %and3A_1369 = vector.broadcast %and3A_1368 : i32 to vector<16xi32>
          %and3A_1370 = arith.andi %add3A_1361, %and3A_1369 : vector<16xi32>
          %add3A_1371 = arith.addi %mul3A_1367, %and3A_1370 : vector<16xi32>
          %lt3A_1372 = arith.constant 0 : i32
          %lt3A_1373 = vector.broadcast %lt3A_1372 : i32 to vector<16xi32>
          %lt3A_1374 = arith.cmpi slt, %add3A_1371, %lt3A_1373 : vector<16xi32>
          %add3A_1375 = arith.constant 999999 : i32
          %add3A_1376 = vector.broadcast %add3A_1375 : i32 to vector<16xi32>
          %add3A_1377 = arith.addi %add3A_1371, %add3A_1376 : vector<16xi32>
          %select_n3A_1378 = arith.select %lt3A_1374, %add3A_1377, %add3A_1371 : vector<16xi1>, vector<16xi32>
          %ge3A_1379 = arith.constant 999999 : i32
          %ge3A_1380 = vector.broadcast %ge3A_1379 : i32 to vector<16xi32>
          %ge3A_1381 = arith.cmpi sge, %select_n3A_1378, %ge3A_1380 : vector<16xi32>
          %sub3A_1382 = arith.constant 999999 : i32
          %sub3A_1383 = vector.broadcast %sub3A_1382 : i32 to vector<16xi32>
          %sub3A_1384 = arith.subi %select_n3A_1378, %sub3A_1383 : vector<16xi32>
          %select_n3A_1385 = arith.select %ge3A_1381, %sub3A_1384, %select_n3A_1378 : vector<16xi1>, vector<16xi32>
          %add3A_1386 = arith.constant 192 : i32
          %add3A_1387 = arith.addi %mul3A_278, %add3A_1386 : i32
          %swap3A_1388 = arith.index_cast %add3A_1387 : i32 to index
          %swap3A_1389 = tpu.vector_load %arg7[%swap3A_1388] {strides = array<i32>} : memref<408xi32, #tpu.memory_space<vmem>>, vector<16xi32>,
          %swap3A_1390 = vector.shape_cast %swap3A_1389 : vector<16xi32> to vector<16xi32>
          %swap3A_1391 = vector.shape_cast %select_n3A_1385 : vector<16xi32> to vector<16xi32>
          tpu.vector_store %arg7[%swap3A_1388], %swap3A_1391 {strides = array<i32>} : memref<408xi32, #tpu.memory_space<vmem>>, vector<16xi32>,
        }
        %scan3A_243 = arith.constant 2 : i32
        %dma_start3A_244 = arith.constant 0 : i32
        %dma_start3A_245 = arith.constant 0 : i32
        %dma_start3A_246 = tpu.memref_slice %arg9[%dma_start3A_244, %dma_start3A_245] : memref<400x64xf32, #tpu.memory_space<vmem>> -> memref<128x64xf32, #tpu.memory_space<vmem>>
        %dma_start3A_247 = arith.constant 0 : i32
        %dma_start3A_248 = tpu.memref_slice %arg7[%dma_start3A_247] : memref<408xi32, #tpu.memory_space<vmem>> -> memref<128xi32, #tpu.memory_space<vmem>>
        %dma_start3A_249 = arith.constant 0 : i32
        %dma_start3A_250 = arith.constant 0 : i32
        %dma_start3A_251 = tpu.memref_slice %arg3[%dma_start3A_249, %dma_start3A_250] : memref<1000000x64xf32, #tpu.memory_space<hbm>> -> memref<1000000x64xf32, #tpu.memory_space<hbm>>
        tpu.enqueue_indirect_dma source(%dma_start3A_251 : memref<1000000x64xf32, #tpu.memory_space<hbm>>) target(%dma_start3A_246 : memref<128x64xf32, #tpu.memory_space<vmem>>) offsets(%dma_start3A_248 : memref<128xi32, #tpu.memory_space<vmem>>) semaphore(%arg14 : memref<!tpu.dma_semaphore, #tpu.memory_space<semaphore_mem>>)
        %dma_start3A_252 = arith.constant 128 : i32
        %dma_start3A_253 = arith.constant 0 : i32
        %dma_start3A_254 = tpu.memref_slice %arg9[%dma_start3A_252, %dma_start3A_253] : memref<400x64xf32, #tpu.memory_space<vmem>> -> memref<128x64xf32, #tpu.memory_space<vmem>>
        %dma_start3A_255 = arith.constant 128 : i32
        %dma_start3A_256 = tpu.memref_slice %arg7[%dma_start3A_255] : memref<408xi32, #tpu.memory_space<vmem>> -> memref<128xi32, #tpu.memory_space<vmem>>
        %dma_start3A_257 = arith.constant 0 : i32
        %dma_start3A_258 = arith.constant 0 : i32
        %dma_start3A_259 = tpu.memref_slice %arg3[%dma_start3A_257, %dma_start3A_258] : memref<1000000x64xf32, #tpu.memory_space<hbm>> -> memref<1000000x64xf32, #tpu.memory_space<hbm>>
        tpu.enqueue_indirect_dma source(%dma_start3A_259 : memref<1000000x64xf32, #tpu.memory_space<hbm>>) target(%dma_start3A_254 : memref<128x64xf32, #tpu.memory_space<vmem>>) offsets(%dma_start3A_256 : memref<128xi32, #tpu.memory_space<vmem>>) semaphore(%arg14 : memref<!tpu.dma_semaphore, #tpu.memory_space<semaphore_mem>>)
        %dma_start3A_260 = arith.constant 256 : i32
        %dma_start3A_261 = arith.constant 0 : i32
        %dma_start3A_262 = tpu.memref_slice %arg9[%dma_start3A_260, %dma_start3A_261] : memref<400x64xf32, #tpu.memory_space<vmem>> -> memref<128x64xf32, #tpu.memory_space<vmem>>
        %dma_start3A_263 = arith.constant 256 : i32
        %dma_start3A_264 = tpu.memref_slice %arg7[%dma_start3A_263] : memref<408xi32, #tpu.memory_space<vmem>> -> memref<128xi32, #tpu.memory_space<vmem>>
        %dma_start3A_265 = arith.constant 0 : i32
        %dma_start3A_266 = arith.constant 0 : i32
        %dma_start3A_267 = tpu.memref_slice %arg3[%dma_start3A_265, %dma_start3A_266] : memref<1000000x64xf32, #tpu.memory_space<hbm>> -> memref<1000000x64xf32, #tpu.memory_space<hbm>>
        tpu.enqueue_indirect_dma source(%dma_start3A_267 : memref<1000000x64xf32, #tpu.memory_space<hbm>>) target(%dma_start3A_262 : memref<128x64xf32, #tpu.memory_space<vmem>>) offsets(%dma_start3A_264 : memref<128xi32, #tpu.memory_space<vmem>>) semaphore(%arg14 : memref<!tpu.dma_semaphore, #tpu.memory_space<semaphore_mem>>)
        %dma_start3A_268 = arith.constant 384 : i32
        %dma_start3A_269 = arith.constant 0 : i32
        %dma_start3A_270 = tpu.memref_slice %arg9[%dma_start3A_268, %dma_start3A_269] : memref<400x64xf32, #tpu.memory_space<vmem>> -> memref<16x64xf32, #tpu.memory_space<vmem>>
        %dma_start3A_271 = arith.constant 384 : i32
        %dma_start3A_272 = tpu.memref_slice %arg7[%dma_start3A_271] : memref<408xi32, #tpu.memory_space<vmem>> -> memref<16xi32, #tpu.memory_space<vmem>>
        %dma_start3A_273 = arith.constant 0 : i32
        %dma_start3A_274 = arith.constant 0 : i32
        %dma_start3A_275 = tpu.memref_slice %arg3[%dma_start3A_273, %dma_start3A_274] : memref<1000000x64xf32, #tpu.memory_space<hbm>> -> memref<1000000x64xf32, #tpu.memory_space<hbm>>
        tpu.enqueue_indirect_dma source(%dma_start3A_275 : memref<1000000x64xf32, #tpu.memory_space<hbm>>) target(%dma_start3A_270 : memref<16x64xf32, #tpu.memory_space<vmem>>) offsets(%dma_start3A_272 : memref<16xi32, #tpu.memory_space<vmem>>) semaphore(%arg14 : memref<!tpu.dma_semaphore, #tpu.memory_space<semaphore_mem>>)
      } else {
      }
      %dma_wait3A_181 = arith.constant 0 : i32
      %dma_wait3A_182 = arith.constant 0 : i32
      %dma_wait3A_183 = tpu.memref_slice %arg10[%dma_wait3A_181, %dma_wait3A_182] : memref<400x64xf32, #tpu.memory_space<vmem>> -> memref<128x64xf32, #tpu.memory_space<vmem>>
      %dma_wait3A_184 = arith.constant 0 : i32
      %dma_wait3A_185 = tpu.memref_slice %arg8[%dma_wait3A_184] : memref<408xi32, #tpu.memory_space<vmem>> -> memref<128xi32, #tpu.memory_space<vmem>>
      %dma_wait3A_186 = arith.constant 0 : i32
      %dma_wait3A_187 = arith.constant 0 : i32
      %dma_wait3A_188 = tpu.memref_slice %arg3[%dma_wait3A_186, %dma_wait3A_187] : memref<1000000x64xf32, #tpu.memory_space<hbm>> -> memref<1000000x64xf32, #tpu.memory_space<hbm>>
      tpu.wait_indirect_dma semaphore(%arg15 : memref<!tpu.dma_semaphore, #tpu.memory_space<semaphore_mem>>) src(%dma_wait3A_188 : memref<1000000x64xf32, #tpu.memory_space<hbm>>) dst(%dma_wait3A_183 : memref<128x64xf32, #tpu.memory_space<vmem>>)
      %dma_wait3A_189 = arith.constant 128 : i32
      %dma_wait3A_190 = arith.constant 0 : i32
      %dma_wait3A_191 = tpu.memref_slice %arg10[%dma_wait3A_189, %dma_wait3A_190] : memref<400x64xf32, #tpu.memory_space<vmem>> -> memref<128x64xf32, #tpu.memory_space<vmem>>
      %dma_wait3A_192 = arith.constant 128 : i32
      %dma_wait3A_193 = tpu.memref_slice %arg8[%dma_wait3A_192] : memref<408xi32, #tpu.memory_space<vmem>> -> memref<128xi32, #tpu.memory_space<vmem>>
      %dma_wait3A_194 = arith.constant 0 : i32
      %dma_wait3A_195 = arith.constant 0 : i32
      %dma_wait3A_196 = tpu.memref_slice %arg3[%dma_wait3A_194, %dma_wait3A_195] : memref<1000000x64xf32, #tpu.memory_space<hbm>> -> memref<1000000x64xf32, #tpu.memory_space<hbm>>
      tpu.wait_indirect_dma semaphore(%arg15 : memref<!tpu.dma_semaphore, #tpu.memory_space<semaphore_mem>>) src(%dma_wait3A_196 : memref<1000000x64xf32, #tpu.memory_space<hbm>>) dst(%dma_wait3A_191 : memref<128x64xf32, #tpu.memory_space<vmem>>)
      %dma_wait3A_197 = arith.constant 256 : i32
      %dma_wait3A_198 = arith.constant 0 : i32
      %dma_wait3A_199 = tpu.memref_slice %arg10[%dma_wait3A_197, %dma_wait3A_198] : memref<400x64xf32, #tpu.memory_space<vmem>> -> memref<128x64xf32, #tpu.memory_space<vmem>>
      %dma_wait3A_200 = arith.constant 256 : i32
      %dma_wait3A_201 = tpu.memref_slice %arg8[%dma_wait3A_200] : memref<408xi32, #tpu.memory_space<vmem>> -> memref<128xi32, #tpu.memory_space<vmem>>
      %dma_wait3A_202 = arith.constant 0 : i32
      %dma_wait3A_203 = arith.constant 0 : i32
      %dma_wait3A_204 = tpu.memref_slice %arg3[%dma_wait3A_202, %dma_wait3A_203] : memref<1000000x64xf32, #tpu.memory_space<hbm>> -> memref<1000000x64xf32, #tpu.memory_space<hbm>>
      tpu.wait_indirect_dma semaphore(%arg15 : memref<!tpu.dma_semaphore, #tpu.memory_space<semaphore_mem>>) src(%dma_wait3A_204 : memref<1000000x64xf32, #tpu.memory_space<hbm>>) dst(%dma_wait3A_199 : memref<128x64xf32, #tpu.memory_space<vmem>>)
      %dma_wait3A_205 = arith.constant 384 : i32
      %dma_wait3A_206 = arith.constant 0 : i32
      %dma_wait3A_207 = tpu.memref_slice %arg10[%dma_wait3A_205, %dma_wait3A_206] : memref<400x64xf32, #tpu.memory_space<vmem>> -> memref<16x64xf32, #tpu.memory_space<vmem>>
      %dma_wait3A_208 = arith.constant 384 : i32
      %dma_wait3A_209 = tpu.memref_slice %arg8[%dma_wait3A_208] : memref<408xi32, #tpu.memory_space<vmem>> -> memref<16xi32, #tpu.memory_space<vmem>>
      %dma_wait3A_210 = arith.constant 0 : i32
      %dma_wait3A_211 = arith.constant 0 : i32
      %dma_wait3A_212 = tpu.memref_slice %arg3[%dma_wait3A_210, %dma_wait3A_211] : memref<1000000x64xf32, #tpu.memory_space<hbm>> -> memref<1000000x64xf32, #tpu.memory_space<hbm>>
      tpu.wait_indirect_dma semaphore(%arg15 : memref<!tpu.dma_semaphore, #tpu.memory_space<semaphore_mem>>) src(%dma_wait3A_212 : memref<1000000x64xf32, #tpu.memory_space<hbm>>) dst(%dma_wait3A_207 : memref<16x64xf32, #tpu.memory_space<vmem>>)
      %ge3A_213 = arith.constant 2 : i32
      %ge3A_214 = arith.cmpi sge, %add3A_174, %ge3A_213 : i32
      %convert_element_type3A_215 = arith.extui %ge3A_214 : i1 to i32
      %cond3A_216 = arith.constant 0 : i32
      %cond3A_217 = arith.cmpi ne, %convert_element_type3A_215, %cond3A_216 : i32
      scf.if %cond3A_217 {
        %sub3A = arith.constant 2 : i32
        %sub3A_233 = arith.subi %add3A_174, %sub3A : i32
        %mul3A_234 = arith.constant 2 : i32
        %mul3A_235 = arith.muli %sub3A_233, %mul3A_234 : i32
        %add3A_236 = arith.addi %mul3A_2, %mul3A_235 : i32
        %mul3A_237 = arith.constant 200 : i32
        %mul3A_238 = arith.muli %add3A_236, %mul3A_237 : i32
        %mul3A_239 = arith.constant 64 : i32
        %mul3A_240 = arith.muli %mul3A_238, %mul3A_239 : i32
        %dma_wait3A_241 = tpu.memref_slice %arg5[%mul3A_240] : memref<52428800xf32, #tpu.memory_space<hbm>> -> memref<25600xf32, #tpu.memory_space<hbm>>
        %dma_wait3A_242 = tpu.memref_slice %arg5[%mul3A_240] : memref<52428800xf32, #tpu.memory_space<hbm>> -> memref<25600xf32, #tpu.memory_space<hbm>>
        tpu.wait_dma2 semaphore(%arg17 : memref<!tpu.dma_semaphore, #tpu.memory_space<semaphore_mem>>) src(%arg12 : memref<25600xf32, #tpu.memory_space<vmem>>) dst(%dma_wait3A_242 : memref<25600xf32, #tpu.memory_space<hbm>>)
      } else {
      }
      %scan3A_218 = arith.constant 0 : i32
      %scan3A_219 = arith.constant 0 : i32
      %scan3A_220 = arith.constant 400 : i32
      %scan3A_221 = arith.addi %scan3A_219, %scan3A_220 : i32
      %scan3A_222 = arith.constant 4 : i32
      scf.for %scan3A_233 = %scan3A_219 to %scan3A_221 step %scan3A_222  : i32 {
        %get3A_234 = arith.index_cast %scan3A_233 : i32 to index
        %get3A_235 = arith.constant 0 : index
        %get3A_236 = tpu.vector_load %arg10[%get3A_234, %get3A_235] {strides = array<i32>} : memref<400x64xf32, #tpu.memory_space<vmem>>, vector<1x16xf32>,
        %get3A_237 = vector.shape_cast %get3A_236 : vector<1x16xf32> to vector<16xf32>
        %mul3A_238 = arith.mulf %get3A_237, %get3A_4 : vector<16xf32>
        %mul3A_239 = arith.constant 64 : i32
        %mul3A_240 = arith.muli %scan3A_233, %mul3A_239 : i32
        %add3A_241 = arith.constant 0 : i32
        %add3A_242 = arith.addi %mul3A_240, %add3A_241 : i32
        %swap3A_243 = arith.index_cast %add3A_242 : i32 to index
        %swap3A_244 = tpu.vector_load %arg12[%swap3A_243] {strides = array<i32>} : memref<25600xf32, #tpu.memory_space<vmem>>, vector<16xf32>,
        %swap3A_245 = vector.shape_cast %swap3A_244 : vector<16xf32> to vector<16xf32>
        %swap3A_246 = vector.shape_cast %mul3A_238 : vector<16xf32> to vector<16xf32>
        tpu.vector_store %arg12[%swap3A_243], %swap3A_246 {strides = array<i32>} : memref<25600xf32, #tpu.memory_space<vmem>>, vector<16xf32>,
        %get3A_247 = arith.index_cast %scan3A_233 : i32 to index
        %get3A_248 = arith.constant 16 : index
        %get3A_249 = tpu.vector_load %arg10[%get3A_247, %get3A_248] {strides = array<i32>} : memref<400x64xf32, #tpu.memory_space<vmem>>, vector<1x16xf32>,
        %get3A_250 = vector.shape_cast %get3A_249 : vector<1x16xf32> to vector<16xf32>
        %mul3A_251 = arith.mulf %get3A_250, %get3A_4 : vector<16xf32>
        %mul3A_252 = arith.constant 64 : i32
        %mul3A_253 = arith.muli %scan3A_233, %mul3A_252 : i32
        %add3A_254 = arith.constant 16 : i32
        %add3A_255 = arith.addi %mul3A_253, %add3A_254 : i32
        %swap3A_256 = arith.index_cast %add3A_255 : i32 to index
        %swap3A_257 = tpu.vector_load %arg12[%swap3A_256] {strides = array<i32>} : memref<25600xf32, #tpu.memory_space<vmem>>, vector<16xf32>,
        %swap3A_258 = vector.shape_cast %swap3A_257 : vector<16xf32> to vector<16xf32>
        %swap3A_259 = vector.shape_cast %mul3A_251 : vector<16xf32> to vector<16xf32>
        tpu.vector_store %arg12[%swap3A_256], %swap3A_259 {strides = array<i32>} : memref<25600xf32, #tpu.memory_space<vmem>>, vector<16xf32>,
        %get3A_260 = arith.index_cast %scan3A_233 : i32 to index
        %get3A_261 = arith.constant 32 : index
        %get3A_262 = tpu.vector_load %arg10[%get3A_260, %get3A_261] {strides = array<i32>} : memref<400x64xf32, #tpu.memory_space<vmem>>, vector<1x16xf32>,
        %get3A_263 = vector.shape_cast %get3A_262 : vector<1x16xf32> to vector<16xf32>
        %mul3A_264 = arith.mulf %get3A_263, %get3A_4 : vector<16xf32>
        %mul3A_265 = arith.constant 64 : i32
        %mul3A_266 = arith.muli %scan3A_233, %mul3A_265 : i32
        %add3A_267 = arith.constant 32 : i32
        %add3A_268 = arith.addi %mul3A_266, %add3A_267 : i32
        %swap3A_269 = arith.index_cast %add3A_268 : i32 to index
        %swap3A_270 = tpu.vector_load %arg12[%swap3A_269] {strides = array<i32>} : memref<25600xf32, #tpu.memory_space<vmem>>, vector<16xf32>,
        %swap3A_271 = vector.shape_cast %swap3A_270 : vector<16xf32> to vector<16xf32>
        %swap3A_272 = vector.shape_cast %mul3A_264 : vector<16xf32> to vector<16xf32>
        tpu.vector_store %arg12[%swap3A_269], %swap3A_272 {strides = array<i32>} : memref<25600xf32, #tpu.memory_space<vmem>>, vector<16xf32>,
        %get3A_273 = arith.index_cast %scan3A_233 : i32 to index
        %get3A_274 = arith.constant 48 : index
        %get3A_275 = tpu.vector_load %arg10[%get3A_273, %get3A_274] {strides = array<i32>} : memref<400x64xf32, #tpu.memory_space<vmem>>, vector<1x16xf32>,
        %get3A_276 = vector.shape_cast %get3A_275 : vector<1x16xf32> to vector<16xf32>
        %mul3A_277 = arith.mulf %get3A_276, %get3A_4 : vector<16xf32>
        %mul3A_278 = arith.constant 64 : i32
        %mul3A_279 = arith.muli %scan3A_233, %mul3A_278 : i32
        %add3A_280 = arith.constant 48 : i32
        %add3A_281 = arith.addi %mul3A_279, %add3A_280 : i32
        %swap3A_282 = arith.index_cast %add3A_281 : i32 to index
        %swap3A_283 = tpu.vector_load %arg12[%swap3A_282] {strides = array<i32>} : memref<25600xf32, #tpu.memory_space<vmem>>, vector<16xf32>,
        %swap3A_284 = vector.shape_cast %swap3A_283 : vector<16xf32> to vector<16xf32>
        %swap3A_285 = vector.shape_cast %mul3A_277 : vector<16xf32> to vector<16xf32>
        tpu.vector_store %arg12[%swap3A_282], %swap3A_285 {strides = array<i32>} : memref<25600xf32, #tpu.memory_space<vmem>>, vector<16xf32>,
        %scan3A_286 = arith.constant 1 : i32
        %scan3A_287 = arith.addi %scan3A_233, %scan3A_286 : i32
        %get3A_288 = arith.index_cast %scan3A_287 : i32 to index
        %get3A_289 = arith.constant 0 : index
        %get3A_290 = tpu.vector_load %arg10[%get3A_288, %get3A_289] {strides = array<i32>} : memref<400x64xf32, #tpu.memory_space<vmem>>, vector<1x16xf32>,
        %get3A_291 = vector.shape_cast %get3A_290 : vector<1x16xf32> to vector<16xf32>
        %mul3A_292 = arith.mulf %get3A_291, %get3A_4 : vector<16xf32>
        %mul3A_293 = arith.constant 64 : i32
        %mul3A_294 = arith.muli %scan3A_287, %mul3A_293 : i32
        %add3A_295 = arith.constant 0 : i32
        %add3A_296 = arith.addi %mul3A_294, %add3A_295 : i32
        %swap3A_297 = arith.index_cast %add3A_296 : i32 to index
        %swap3A_298 = tpu.vector_load %arg12[%swap3A_297] {strides = array<i32>} : memref<25600xf32, #tpu.memory_space<vmem>>, vector<16xf32>,
        %swap3A_299 = vector.shape_cast %swap3A_298 : vector<16xf32> to vector<16xf32>
        %swap3A_300 = vector.shape_cast %mul3A_292 : vector<16xf32> to vector<16xf32>
        tpu.vector_store %arg12[%swap3A_297], %swap3A_300 {strides = array<i32>} : memref<25600xf32, #tpu.memory_space<vmem>>, vector<16xf32>,
        %get3A_301 = arith.index_cast %scan3A_287 : i32 to index
        %get3A_302 = arith.constant 16 : index
        %get3A_303 = tpu.vector_load %arg10[%get3A_301, %get3A_302] {strides = array<i32>} : memref<400x64xf32, #tpu.memory_space<vmem>>, vector<1x16xf32>,
        %get3A_304 = vector.shape_cast %get3A_303 : vector<1x16xf32> to vector<16xf32>
        %mul3A_305 = arith.mulf %get3A_304, %get3A_4 : vector<16xf32>
        %mul3A_306 = arith.constant 64 : i32
        %mul3A_307 = arith.muli %scan3A_287, %mul3A_306 : i32
        %add3A_308 = arith.constant 16 : i32
        %add3A_309 = arith.addi %mul3A_307, %add3A_308 : i32
        %swap3A_310 = arith.index_cast %add3A_309 : i32 to index
        %swap3A_311 = tpu.vector_load %arg12[%swap3A_310] {strides = array<i32>} : memref<25600xf32, #tpu.memory_space<vmem>>, vector<16xf32>,
        %swap3A_312 = vector.shape_cast %swap3A_311 : vector<16xf32> to vector<16xf32>
        %swap3A_313 = vector.shape_cast %mul3A_305 : vector<16xf32> to vector<16xf32>
        tpu.vector_store %arg12[%swap3A_310], %swap3A_313 {strides = array<i32>} : memref<25600xf32, #tpu.memory_space<vmem>>, vector<16xf32>,
        %get3A_314 = arith.index_cast %scan3A_287 : i32 to index
        %get3A_315 = arith.constant 32 : index
        %get3A_316 = tpu.vector_load %arg10[%get3A_314, %get3A_315] {strides = array<i32>} : memref<400x64xf32, #tpu.memory_space<vmem>>, vector<1x16xf32>,
        %get3A_317 = vector.shape_cast %get3A_316 : vector<1x16xf32> to vector<16xf32>
        %mul3A_318 = arith.mulf %get3A_317, %get3A_4 : vector<16xf32>
        %mul3A_319 = arith.constant 64 : i32
        %mul3A_320 = arith.muli %scan3A_287, %mul3A_319 : i32
        %add3A_321 = arith.constant 32 : i32
        %add3A_322 = arith.addi %mul3A_320, %add3A_321 : i32
        %swap3A_323 = arith.index_cast %add3A_322 : i32 to index
        %swap3A_324 = tpu.vector_load %arg12[%swap3A_323] {strides = array<i32>} : memref<25600xf32, #tpu.memory_space<vmem>>, vector<16xf32>,
        %swap3A_325 = vector.shape_cast %swap3A_324 : vector<16xf32> to vector<16xf32>
        %swap3A_326 = vector.shape_cast %mul3A_318 : vector<16xf32> to vector<16xf32>
        tpu.vector_store %arg12[%swap3A_323], %swap3A_326 {strides = array<i32>} : memref<25600xf32, #tpu.memory_space<vmem>>, vector<16xf32>,
        %get3A_327 = arith.index_cast %scan3A_287 : i32 to index
        %get3A_328 = arith.constant 48 : index
        %get3A_329 = tpu.vector_load %arg10[%get3A_327, %get3A_328] {strides = array<i32>} : memref<400x64xf32, #tpu.memory_space<vmem>>, vector<1x16xf32>,
        %get3A_330 = vector.shape_cast %get3A_329 : vector<1x16xf32> to vector<16xf32>
        %mul3A_331 = arith.mulf %get3A_330, %get3A_4 : vector<16xf32>
        %mul3A_332 = arith.constant 64 : i32
        %mul3A_333 = arith.muli %scan3A_287, %mul3A_332 : i32
        %add3A_334 = arith.constant 48 : i32
        %add3A_335 = arith.addi %mul3A_333, %add3A_334 : i32
        %swap3A_336 = arith.index_cast %add3A_335 : i32 to index
        %swap3A_337 = tpu.vector_load %arg12[%swap3A_336] {strides = array<i32>} : memref<25600xf32, #tpu.memory_space<vmem>>, vector<16xf32>,
        %swap3A_338 = vector.shape_cast %swap3A_337 : vector<16xf32> to vector<16xf32>
        %swap3A_339 = vector.shape_cast %mul3A_331 : vector<16xf32> to vector<16xf32>
        tpu.vector_store %arg12[%swap3A_336], %swap3A_339 {strides = array<i32>} : memref<25600xf32, #tpu.memory_space<vmem>>, vector<16xf32>,
        %scan3A_340 = arith.constant 2 : i32
        %scan3A_341 = arith.addi %scan3A_233, %scan3A_340 : i32
        %get3A_342 = arith.index_cast %scan3A_341 : i32 to index
        %get3A_343 = arith.constant 0 : index
        %get3A_344 = tpu.vector_load %arg10[%get3A_342, %get3A_343] {strides = array<i32>} : memref<400x64xf32, #tpu.memory_space<vmem>>, vector<1x16xf32>,
        %get3A_345 = vector.shape_cast %get3A_344 : vector<1x16xf32> to vector<16xf32>
        %mul3A_346 = arith.mulf %get3A_345, %get3A_4 : vector<16xf32>
        %mul3A_347 = arith.constant 64 : i32
        %mul3A_348 = arith.muli %scan3A_341, %mul3A_347 : i32
        %add3A_349 = arith.constant 0 : i32
        %add3A_350 = arith.addi %mul3A_348, %add3A_349 : i32
        %swap3A_351 = arith.index_cast %add3A_350 : i32 to index
        %swap3A_352 = tpu.vector_load %arg12[%swap3A_351] {strides = array<i32>} : memref<25600xf32, #tpu.memory_space<vmem>>, vector<16xf32>,
        %swap3A_353 = vector.shape_cast %swap3A_352 : vector<16xf32> to vector<16xf32>
        %swap3A_354 = vector.shape_cast %mul3A_346 : vector<16xf32> to vector<16xf32>
        tpu.vector_store %arg12[%swap3A_351], %swap3A_354 {strides = array<i32>} : memref<25600xf32, #tpu.memory_space<vmem>>, vector<16xf32>,
        %get3A_355 = arith.index_cast %scan3A_341 : i32 to index
        %get3A_356 = arith.constant 16 : index
        %get3A_357 = tpu.vector_load %arg10[%get3A_355, %get3A_356] {strides = array<i32>} : memref<400x64xf32, #tpu.memory_space<vmem>>, vector<1x16xf32>,
        %get3A_358 = vector.shape_cast %get3A_357 : vector<1x16xf32> to vector<16xf32>
        %mul3A_359 = arith.mulf %get3A_358, %get3A_4 : vector<16xf32>
        %mul3A_360 = arith.constant 64 : i32
        %mul3A_361 = arith.muli %scan3A_341, %mul3A_360 : i32
        %add3A_362 = arith.constant 16 : i32
        %add3A_363 = arith.addi %mul3A_361, %add3A_362 : i32
        %swap3A_364 = arith.index_cast %add3A_363 : i32 to index
        %swap3A_365 = tpu.vector_load %arg12[%swap3A_364] {strides = array<i32>} : memref<25600xf32, #tpu.memory_space<vmem>>, vector<16xf32>,
        %swap3A_366 = vector.shape_cast %swap3A_365 : vector<16xf32> to vector<16xf32>
        %swap3A_367 = vector.shape_cast %mul3A_359 : vector<16xf32> to vector<16xf32>
        tpu.vector_store %arg12[%swap3A_364], %swap3A_367 {strides = array<i32>} : memref<25600xf32, #tpu.memory_space<vmem>>, vector<16xf32>,
        %get3A_368 = arith.index_cast %scan3A_341 : i32 to index
        %get3A_369 = arith.constant 32 : index
        %get3A_370 = tpu.vector_load %arg10[%get3A_368, %get3A_369] {strides = array<i32>} : memref<400x64xf32, #tpu.memory_space<vmem>>, vector<1x16xf32>,
        %get3A_371 = vector.shape_cast %get3A_370 : vector<1x16xf32> to vector<16xf32>
        %mul3A_372 = arith.mulf %get3A_371, %get3A_4 : vector<16xf32>
        %mul3A_373 = arith.constant 64 : i32
        %mul3A_374 = arith.muli %scan3A_341, %mul3A_373 : i32
        %add3A_375 = arith.constant 32 : i32
        %add3A_376 = arith.addi %mul3A_374, %add3A_375 : i32
        %swap3A_377 = arith.index_cast %add3A_376 : i32 to index
        %swap3A_378 = tpu.vector_load %arg12[%swap3A_377] {strides = array<i32>} : memref<25600xf32, #tpu.memory_space<vmem>>, vector<16xf32>,
        %swap3A_379 = vector.shape_cast %swap3A_378 : vector<16xf32> to vector<16xf32>
        %swap3A_380 = vector.shape_cast %mul3A_372 : vector<16xf32> to vector<16xf32>
        tpu.vector_store %arg12[%swap3A_377], %swap3A_380 {strides = array<i32>} : memref<25600xf32, #tpu.memory_space<vmem>>, vector<16xf32>,
        %get3A_381 = arith.index_cast %scan3A_341 : i32 to index
        %get3A_382 = arith.constant 48 : index
        %get3A_383 = tpu.vector_load %arg10[%get3A_381, %get3A_382] {strides = array<i32>} : memref<400x64xf32, #tpu.memory_space<vmem>>, vector<1x16xf32>,
        %get3A_384 = vector.shape_cast %get3A_383 : vector<1x16xf32> to vector<16xf32>
        %mul3A_385 = arith.mulf %get3A_384, %get3A_4 : vector<16xf32>
        %mul3A_386 = arith.constant 64 : i32
        %mul3A_387 = arith.muli %scan3A_341, %mul3A_386 : i32
        %add3A_388 = arith.constant 48 : i32
        %add3A_389 = arith.addi %mul3A_387, %add3A_388 : i32
        %swap3A_390 = arith.index_cast %add3A_389 : i32 to index
        %swap3A_391 = tpu.vector_load %arg12[%swap3A_390] {strides = array<i32>} : memref<25600xf32, #tpu.memory_space<vmem>>, vector<16xf32>,
        %swap3A_392 = vector.shape_cast %swap3A_391 : vector<16xf32> to vector<16xf32>
        %swap3A_393 = vector.shape_cast %mul3A_385 : vector<16xf32> to vector<16xf32>
        tpu.vector_store %arg12[%swap3A_390], %swap3A_393 {strides = array<i32>} : memref<25600xf32, #tpu.memory_space<vmem>>, vector<16xf32>,
        %scan3A_394 = arith.constant 3 : i32
        %scan3A_395 = arith.addi %scan3A_233, %scan3A_394 : i32
        %get3A_396 = arith.index_cast %scan3A_395 : i32 to index
        %get3A_397 = arith.constant 0 : index
        %get3A_398 = tpu.vector_load %arg10[%get3A_396, %get3A_397] {strides = array<i32>} : memref<400x64xf32, #tpu.memory_space<vmem>>, vector<1x16xf32>,
        %get3A_399 = vector.shape_cast %get3A_398 : vector<1x16xf32> to vector<16xf32>
        %mul3A_400 = arith.mulf %get3A_399, %get3A_4 : vector<16xf32>
        %mul3A_401 = arith.constant 64 : i32
        %mul3A_402 = arith.muli %scan3A_395, %mul3A_401 : i32
        %add3A_403 = arith.constant 0 : i32
        %add3A_404 = arith.addi %mul3A_402, %add3A_403 : i32
        %swap3A_405 = arith.index_cast %add3A_404 : i32 to index
        %swap3A_406 = tpu.vector_load %arg12[%swap3A_405] {strides = array<i32>} : memref<25600xf32, #tpu.memory_space<vmem>>, vector<16xf32>,
        %swap3A_407 = vector.shape_cast %swap3A_406 : vector<16xf32> to vector<16xf32>
        %swap3A_408 = vector.shape_cast %mul3A_400 : vector<16xf32> to vector<16xf32>
        tpu.vector_store %arg12[%swap3A_405], %swap3A_408 {strides = array<i32>} : memref<25600xf32, #tpu.memory_space<vmem>>, vector<16xf32>,
        %get3A_409 = arith.index_cast %scan3A_395 : i32 to index
        %get3A_410 = arith.constant 16 : index
        %get3A_411 = tpu.vector_load %arg10[%get3A_409, %get3A_410] {strides = array<i32>} : memref<400x64xf32, #tpu.memory_space<vmem>>, vector<1x16xf32>,
        %get3A_412 = vector.shape_cast %get3A_411 : vector<1x16xf32> to vector<16xf32>
        %mul3A_413 = arith.mulf %get3A_412, %get3A_4 : vector<16xf32>
        %mul3A_414 = arith.constant 64 : i32
        %mul3A_415 = arith.muli %scan3A_395, %mul3A_414 : i32
        %add3A_416 = arith.constant 16 : i32
        %add3A_417 = arith.addi %mul3A_415, %add3A_416 : i32
        %swap3A_418 = arith.index_cast %add3A_417 : i32 to index
        %swap3A_419 = tpu.vector_load %arg12[%swap3A_418] {strides = array<i32>} : memref<25600xf32, #tpu.memory_space<vmem>>, vector<16xf32>,
        %swap3A_420 = vector.shape_cast %swap3A_419 : vector<16xf32> to vector<16xf32>
        %swap3A_421 = vector.shape_cast %mul3A_413 : vector<16xf32> to vector<16xf32>
        tpu.vector_store %arg12[%swap3A_418], %swap3A_421 {strides = array<i32>} : memref<25600xf32, #tpu.memory_space<vmem>>, vector<16xf32>,
        %get3A_422 = arith.index_cast %scan3A_395 : i32 to index
        %get3A_423 = arith.constant 32 : index
        %get3A_424 = tpu.vector_load %arg10[%get3A_422, %get3A_423] {strides = array<i32>} : memref<400x64xf32, #tpu.memory_space<vmem>>, vector<1x16xf32>,
        %get3A_425 = vector.shape_cast %get3A_424 : vector<1x16xf32> to vector<16xf32>
        %mul3A_426 = arith.mulf %get3A_425, %get3A_4 : vector<16xf32>
        %mul3A_427 = arith.constant 64 : i32
        %mul3A_428 = arith.muli %scan3A_395, %mul3A_427 : i32
        %add3A_429 = arith.constant 32 : i32
        %add3A_430 = arith.addi %mul3A_428, %add3A_429 : i32
        %swap3A_431 = arith.index_cast %add3A_430 : i32 to index
        %swap3A_432 = tpu.vector_load %arg12[%swap3A_431] {strides = array<i32>} : memref<25600xf32, #tpu.memory_space<vmem>>, vector<16xf32>,
        %swap3A_433 = vector.shape_cast %swap3A_432 : vector<16xf32> to vector<16xf32>
        %swap3A_434 = vector.shape_cast %mul3A_426 : vector<16xf32> to vector<16xf32>
        tpu.vector_store %arg12[%swap3A_431], %swap3A_434 {strides = array<i32>} : memref<25600xf32, #tpu.memory_space<vmem>>, vector<16xf32>,
        %get3A_435 = arith.index_cast %scan3A_395 : i32 to index
        %get3A_436 = arith.constant 48 : index
        %get3A_437 = tpu.vector_load %arg10[%get3A_435, %get3A_436] {strides = array<i32>} : memref<400x64xf32, #tpu.memory_space<vmem>>, vector<1x16xf32>,
        %get3A_438 = vector.shape_cast %get3A_437 : vector<1x16xf32> to vector<16xf32>
        %mul3A_439 = arith.mulf %get3A_438, %get3A_4 : vector<16xf32>
        %mul3A_440 = arith.constant 64 : i32
        %mul3A_441 = arith.muli %scan3A_395, %mul3A_440 : i32
        %add3A_442 = arith.constant 48 : i32
        %add3A_443 = arith.addi %mul3A_441, %add3A_442 : i32
        %swap3A_444 = arith.index_cast %add3A_443 : i32 to index
        %swap3A_445 = tpu.vector_load %arg12[%swap3A_444] {strides = array<i32>} : memref<25600xf32, #tpu.memory_space<vmem>>, vector<16xf32>,
        %swap3A_446 = vector.shape_cast %swap3A_445 : vector<16xf32> to vector<16xf32>
        %swap3A_447 = vector.shape_cast %mul3A_439 : vector<16xf32> to vector<16xf32>
        tpu.vector_store %arg12[%swap3A_444], %swap3A_447 {strides = array<i32>} : memref<25600xf32, #tpu.memory_space<vmem>>, vector<16xf32>,
      }
      %scan3A_223 = arith.constant 400 : i32
      %mul3A_224 = arith.constant 2 : i32
      %mul3A_225 = arith.muli %add3A_174, %mul3A_224 : i32
      %add3A_226 = arith.addi %mul3A_2, %mul3A_225 : i32
      %mul3A_227 = arith.constant 200 : i32
      %mul3A_228 = arith.muli %add3A_226, %mul3A_227 : i32
      %mul3A_229 = arith.constant 64 : i32
      %mul3A_230 = arith.muli %mul3A_228, %mul3A_229 : i32
      %dma_start3A_231 = tpu.memref_slice %arg5[%mul3A_230] : memref<52428800xf32, #tpu.memory_space<hbm>> -> memref<25600xf32, #tpu.memory_space<hbm>>
      %dma_start3A_232 = tpu.memref_slice %arg5[%mul3A_230] : memref<52428800xf32, #tpu.memory_space<hbm>> -> memref<25600xf32, #tpu.memory_space<hbm>>
      tpu.enqueue_dma source(%arg12 : memref<25600xf32, #tpu.memory_space<vmem>>) target(%dma_start3A_232 : memref<25600xf32, #tpu.memory_space<hbm>>) target_semaphore(%arg17 : memref<!tpu.dma_semaphore, #tpu.memory_space<semaphore_mem>>)
    }
    %scan3A_56 = arith.constant 32 : i32
    %add3A_57 = arith.constant 124 : i32
    %add3A_58 = arith.addi %mul3A_2, %add3A_57 : i32
    %mul3A_59 = arith.constant 200 : i32
    %mul3A_60 = arith.muli %add3A_58, %mul3A_59 : i32
    %mul3A_61 = arith.constant 64 : i32
    %mul3A_62 = arith.muli %mul3A_60, %mul3A_61 : i32
    %dma_wait3A = tpu.memref_slice %arg5[%mul3A_62] : memref<52428800xf32, #tpu.memory_space<hbm>> -> memref<25600xf32, #tpu.memory_space<hbm>>
    %dma_wait3A_63 = tpu.memref_slice %arg5[%mul3A_62] : memref<52428800xf32, #tpu.memory_space<hbm>> -> memref<25600xf32, #tpu.memory_space<hbm>>
    tpu.wait_dma2 semaphore(%arg16 : memref<!tpu.dma_semaphore, #tpu.memory_space<semaphore_mem>>) src(%arg11 : memref<25600xf32, #tpu.memory_space<vmem>>) dst(%dma_wait3A_63 : memref<25600xf32, #tpu.memory_space<hbm>>)
    %add3A_64 = arith.constant 126 : i32
    %add3A_65 = arith.addi %mul3A_2, %add3A_64 : i32
    %mul3A_66 = arith.constant 200 : i32
    %mul3A_67 = arith.muli %add3A_65, %mul3A_66 : i32
    %mul3A_68 = arith.constant 64 : i32
    %mul3A_69 = arith.muli %mul3A_67, %mul3A_68 : i32
    %dma_wait3A_70 = tpu.memref_slice %arg5[%mul3A_69] : memref<52428800xf32, #tpu.memory_space<hbm>> -> memref<25600xf32, #tpu.memory_space<hbm>>
    %dma_wait3A_71 = tpu.memref_slice %arg5[%mul3A_69] : memref<52428800xf32, #tpu.memory_space<hbm>> -> memref<25600xf32, #tpu.memory_space<hbm>>
    tpu.wait_dma2 semaphore(%arg17 : memref<!tpu.dma_semaphore, #tpu.memory_space<semaphore_mem>>) src(%arg12 : memref<25600xf32, #tpu.memory_space<vmem>>) dst(%dma_wait3A_71 : memref<25600xf32, #tpu.memory_space<hbm>>)
    return
  }
}

</mosaic_0001>

<sc_bundles>
// kernel: kernel.3.cloned.1.call-start
scs
__scs_entry_jumppad:
0x0: {  	(pc) =	sbr.rel $0x88, $3  }
0x1: {  	(tag) =	ssettag $0x0;
	lr =	simm.s32 $0x1  }
0x2: {  	[smem:$0x3F9E] =	sst lr;
	_ =	strace $0xD0000000  }
0x3: {  	_ = 	snop  }
0x4: {  	_ = 	snop  }
0x5: {  	_ = 	snop  }
0x6: {  	_ = 	snop  }
0x7: {  	_ = 	snop  }
__scs_overlays_trampoline_lowered:
0x8: {  	[smem:$0x3FAD] =	sst s0  }
0x9: {  	[smem:$0x3FAE] =	sst s1  }
0xa: {  	[smem:$0x3FAF] =	sst s2  }
0xb: {  	[smem:$0x3FB0] =	sst s3  }
0xc: {  	[smem:$0x3FB1] =	sst s4  }
0xd: {  	[smem:$0x3FB2] =	sst s5  }
0xe: {  	[smem:$0x3FB3] =	sst s6  }
0xf: {  	[smem:$0x3FB4] =	sst s7  }
0x10: {  	[smem:$0x3FB5] =	sst s8  }
0x11: {  	[smem:$0x3FB6] =	sst s9;
	s0 =	simm.s32 @!p0 $0x0  }
0x12: {  	s1 =	sld [smem:$0x3F9C];
	s0 =	simm.s32 @p0 $0x1  }
0x13: {  	[smem:$0x3FB7] =	sst s0;
	s0 =	simm.s32 @!p1 $0x0  }
0x14: {  	s2 =	sld [smem:$0x3F9B];
	s0 =	simm.s32 @p1 $0x1  }
0x15: {  	[smem:$0x3FB8] =	sst s0;
	s0 =	simm.s32 @!p2 $0x0  }
0x16: {  	s3 =	sld [smem:$0x3FDB];
	s0 =	simm.s32 @p2 $0x1  }
0x17: {  	s4 =	simm.s32 $0x1BF5;
	[smem:$0x3FBA] =	sst s0  }
0x18: {  	s0 =	sld [smem:$0x3F9D];
	_ =	swait.ge [sflag:s4], $0x0  }
0x19: {  	s7 =	sld [smem:$0x3F9E]  }
0x1a: {  	s8 =	sadd.s32 $0xFFFFE003, lr  }
0x1b: {  	s9 =	sadd.s32 $0xFFFFFEF7, lr;
	s5 =	simm.s32 $0xFFFFFFFF;
	p2 =	slt.u32 s8, $0xFFFFF086  }
0x1c: {  	p1 =	slt.u32 s9, $0xF7A;
	s5 =	simm.s32 @!p2 $0x0  }
0x1d: {  	s5 =	simm.s32 @p1 $0x1;
	p0 =	seq.s32 s7, s2  }
0x1e: {  	s7 =	smul.u32 @!p0 $0xF7A, s2;
	p2 =	seq.s32 @!p0 s5, $0x0  }
0x1f: {  	s9 =	smul.u32 $0xF7A, s1;
	s8 =	simm.s32 @!p0 $0x1BF5;
	p2 =	por !p2, p0  }
0x20: {  	[sflag:s8] =	ssyncset.s32 @!p0 $0xFFFFF086;
	s6 =	sadd.s32 @!p0 s3, s7;
	s7 =	simm.s32 @!p0 $0x108  }
0x21: {  	s3 =	sadd.s32 s3, s9;
	s6 =	sadd.s32 @!p0 $0x88, s6;
	s7 =	simm.s32 @p2 $0x1082  }
0x22: {  	[simem:s7], [sflag:s8] =	dma.local @!p0 [hbm:s6], $0xF7A  }
0x23: {  	s9 =	sor.u32 $0xD0000000, s2;
	s6 =	simm.s32 $0x108;
	_ =	swait.ge @!p0 [sflag:s8], $0x0  }
0x24: {  	s3 =	sadd.s32 $0x88, s3;
	s6 =	simm.s32 @!p1 $0x1082;
	[sflag:s4] =	ssyncset.s32 $0xFFFFF086  }
0x25: {  	[simem:s6], [sflag:s4] =	dma.local [hbm:s3], $0xF7A  }
0x26: {  	[smem:$0x3F9E] =	sst s1;
	(tag) =	ssettag s2;
	_ =	strace s9  }
0x27: {  	s1 =	sld [smem:$0x3FAE]  }
0x28: {  	s2 =	sld [smem:$0x3FAF]  }
0x29: {  	s4 =	sld [smem:$0x3FB1]  }
0x2a: {  	p0 =	seq.s32 s5, $0x0;
	s5 =	sld [smem:$0x3FB2]  }
0x2b: {  	s6 =	sld [smem:$0x3FB3]  }
0x2c: {  	s7 =	sld [smem:$0x3FB4]  }
0x2d: {  	s3 =	simm.s32 $0x108;
	s8 =	sld [smem:$0x3FB5]  }
0x2e: {  	s3 =	simm.s32 @!p0 $0x1082;
	s9 =	sld [smem:$0x3FB6]  }
0x2f: {  	lr =	sadd.s32 s0, s3;
	s0 =	sld [smem:$0x3FAD]  }
0x30: {  	s3 =	sld [smem:$0x3FB0]  }
0x31: {  	[smem:$0x3FB9] =	sst s10  }
0x32: {  	s10 =	sld [smem:$0x3FB7];
	_ =	sdelay $0x3  }
0x33: {  	p0 =	seq.s32 s10, $0x1;
	s10 =	sld [smem:$0x3FB9];
	_ =	sdelay $0x3  }
0x34: {  	[smem:$0x3FB9] =	sst s10  }
0x35: {  	s10 =	sld [smem:$0x3FB8];
	_ =	sdelay $0x3  }
0x36: {  	p1 =	seq.s32 s10, $0x1;
	s10 =	sld [smem:$0x3FB9];
	_ =	sdelay $0x3  }
0x37: {  	[smem:$0x3FB9] =	sst s10  }
0x38: {  	s10 =	sld [smem:$0x3FBA]  }
0x39: {  	_ = 	snop;
	(pc) =	sbr.ind lr, $3  }
0x3a: {  	_ = 	snop  }
0x3b: {  	_ = 	snop  }
0x3c: {  	p2 =	seq.s32 s10, $0x1;
	s10 =	sld [smem:$0x3FB9]  }
0x3d: {  	_ =	shalt  }
0x3e: {  	_ =	shalt  }
0x3f: {  	_ =	shalt  }
0x40: {  	_ =	shalt  }
0x41: {  	_ =	shalt  }
0x42: {  	_ =	shalt  }
0x43: {  	_ =	shalt  }
0x44: {  	_ =	shalt  }
0x45: {  	_ =	shalt  }
0x46: {  	_ =	shalt  }
0x47: {  	_ =	shalt  }
0x48: {  	_ =	shalt  }
0x49: {  	_ =	shalt  }
0x4a: {  	_ =	shalt  }
0x4b: {  	_ =	shalt  }
0x4c: {  	_ =	shalt  }
0x4d: {  	_ =	shalt  }
0x4e: {  	_ =	shalt  }
0x4f: {  	_ =	shalt  }
0x50: {  	_ =	shalt  }
0x51: {  	_ =	shalt  }
0x52: {  	_ =	shalt  }
0x53: {  	_ =	shalt  }
0x54: {  	_ =	shalt  }
0x55: {  	_ =	shalt  }
0x56: {  	_ =	shalt  }
0x57: {  	_ =	shalt  }
0x58: {  	_ =	shalt  }
0x59: {  	_ =	shalt  }
0x5a: {  	_ =	shalt  }
0x5b: {  	_ =	shalt  }
0x5c: {  	_ =	shalt  }
0x5d: {  	_ =	shalt  }
0x5e: {  	_ =	shalt  }
0x5f: {  	_ =	shalt  }
0x60: {  	_ =	shalt  }
0x61: {  	_ =	shalt  }
0x62: {  	_ =	shalt  }
0x63: {  	_ =	shalt  }
0x64: {  	_ =	shalt  }
0x65: {  	_ =	shalt  }
0x66: {  	_ =	shalt  }
0x67: {  	_ =	shalt  }
0x68: {  	_ =	shalt  }
0x69: {  	_ =	shalt  }
0x6a: {  	_ =	shalt  }
0x6b: {  	_ =	shalt  }
0x6c: {  	_ =	shalt  }
0x6d: {  	_ =	shalt  }
0x6e: {  	_ =	shalt  }
0x6f: {  	_ =	shalt  }
0x70: {  	_ =	shalt  }
0x71: {  	_ =	shalt  }
0x72: {  	_ =	shalt  }
0x73: {  	_ =	shalt  }
0x74: {  	_ =	shalt  }
0x75: {  	_ =	shalt  }
0x76: {  	_ =	shalt  }
0x77: {  	_ =	shalt  }
0x78: {  	_ =	shalt  }
0x79: {  	_ =	shalt  }
0x7a: {  	_ =	shalt  }
0x7b: {  	_ =	shalt  }
0x7c: {  	_ =	shalt  }
0x7d: {  	_ =	shalt  }
0x7e: {  	_ =	shalt  }
0x7f: {  	_ =	shalt  }
0x80: {  	_ =	shalt  }
0x81: {  	_ =	shalt  }
0x82: {  	_ =	shalt  }
0x83: {  	_ =	shalt  }
0x84: {  	_ =	shalt  }
0x85: {  	_ =	shalt  }
0x86: {  	_ =	shalt  }
0x87: {  	_ =	shalt  }
.Lfunc_end0:
.L_simem_size_0:
called_computation.1_lowered:
.L_overlay_start_0:
0x88: {  	s2 =	sld [smem:$0x3FD9]  }
0x89: {  	s3 =	sld [smem:$0x3FFE];
	_ =	sdelay $0x1  }
0x8a: {  	s1 =	srdreg.scid  }
0x8b: {  	s0 =	sand.u32 $0x1, s1  }
0x8c: {  	s17 =	sshll.u32 s0, $0xA;
	s2 =	sadd.s32 s3, s2  }
0x8d: {  	s2 =	sadd.s32 s2, s17  }
0x8e: {  	[smem:$0x3FC5] =	sst s2  }
0x8f: {  	_ = 	snop  }
0x90: {  	s2 =	sld [smem:$0x3FD0];
	(tm) =	ssettm $0x1  }
0x91: {  	s18 =	sld [smem:$0x3FFB];
	_ =	sdelay $0x3  }
0x92: {  	_ =	strace s18  }
0x93: {  	s3 =	sld [smem:$0x3FFC];
	_ =	sdelay $0x3  }
0x94: {  	_ =	strace s3  }
0x95: {  	s3 =	sld [smem:$0x3FFD];
	_ =	sdelay $0x3  }
0x96: {  	_ =	strace s3  }
0x97: {  	_ =	strace $0x8FFFFFFF  }
0x98: {  	s19 =	sld [smem:$0x3FDB];
	_ =	sdelay $0x1  }
0x99: {  	s4 =	simm.s32 $_scs_section_size  }
0x9a: {  	s5 =	simm.s32 $_size__tile_overlayer_lowered;
	s6 =	simm.s32 $_tile_overlayer_lowered  }
0x9b: {  	s22 =	simm.s32 $0x1BFF;
	s21 =	sshll.u32 s6, $0x1;
	s3 =	sadd.s32 s4, s19  }
0x9c: {  	s7 =	simm.s32 $0x0;
	s20 =	sshll.u32 s5, $0x1;
	s5 =	sadd.s32 s21, s3  }
0x9d: {  	[timem:s7], [sflag:s22] =	dma.local [hbm:s5], s20  }
0x9e: {  	_ =	swait.ge [sflag:s22], s20  }
0x9f: {  	s4 =	ssub.s32 $0x0, s20;
	[sflag:s22] =	ssyncset.done $0x0  }
0xa0: {  	[sflag:s22] =	ssyncadd.s32 s4;
	_ =	sdelay $0x1  }
0xa1: {  	s23 =	simm.s32 $0x1B8B  }
0xa2: {  	_ =	swait.ge [sflag:s23], $0x1  }
0xa3: {  	[sflag:s23] =	ssyncset.done $0x0  }
0xa4: {  	s25 =	simm.s32 $0x1B8E;
	s24 =	sld [smem:$0x3FFE];
	[sflag:s23] =	ssyncadd.s32 $0xFFFFFFFF  }
0xa5: {  	s26 =	simm.s32 $execute0_lowered;
	[smem:$0x3FD2] =	sst s25  }
0xa6: {  	s5 =	sshll.u32 s26, $0x1;
	_ =	strace $0x80000046;
	[dreg:$0x1] =	wrdreg $0xFFFFFFFF  }
0xa7: {  	s28 =	simm.s32 $_size_execute0_lowered;
	s3 =	sadd.s32 s3, s5;
	[dreg:$0x0] =	wrdreg $0x0  }
0xa8: {  	s5 =	sshll.u32 s28, $0x1;
	[dreg:$0x2] =	wrdreg s3  }
0xa9: {  	[dreg:$0x3] =	wrdreg s5  }
0xaa: {  	[dreg:$0x4] =	wrdreg $0xC0  }
0xab: {  	_ =	task [dreg:s7], $0x5FFFF  }
0xac: {  	[dreg:$0x1] =	wrdreg $0xFFFFFFFF  }
0xad: {  	[dreg:$0x0] =	wrdreg $0x60  }
0xae: {  	[dreg:$0x2] =	wrdreg s24  }
0xaf: {  	[dreg:$0x3] =	wrdreg s2  }
0xb0: {  	[dreg:$0x4] =	wrdreg $0x9  }
0xb1: {  	_ =	task.clear_ibuf [dreg:s7], $0x5FFFF;
	_ =	strace $0x90000046  }
0xb2: {  	s29 =	simm.s32 $0x9;
	_ =	strace $0x80000048  }
0xb3: {  	_ =	swait.ge [sflag:s29], $0x1  }
0xb4: {  	[sflag:s29] =	ssyncadd.s32 $0xFFFFFFFF  }
0xb5: {  	_ =	strace $0x90000048  }
0xb6: {  	_ =	sfence  }
0xb7: {  	s30 =	sld [smem:$0x0];
	_ =	sdelay $0x2  }
0xb8: {  	s31 =	sshll.u32 s1, $0xD;
	s1 =	sshrl.u32 s1, $0x2  }
0xb9: {  	s3 =	sand.u32 $0x4000, s31;
	s1 =	sadd.s32 s1, s30  }
0xba: {  	s0 =	sor.u32 s3, s0;
	s1 =	sshll.u32 s1, $0x11  }
0xbb: {  	s0 =	sor.u32 s1, s0  }
0xbc: {  	s0 =	sadd.s32 $0x8F2B, s0  }
0xbd: {  	[sflag:s0] =	ssyncadd.remote.s32 $0x1  }
0xbe: {  	_ =	sfence.sel $0xFFFF  }
0xbf: {  	[dreg:$0x0] =	wrdreg $0xFFFFFFFF;
	(pc) =	sbr.abs _section_cstart, $3  }
0xc0: {  	[dreg:$0x1] =	wrdreg $0xFFFFFFFF  }
0xc1: {  	_ =	task.clear_ibuf [dreg:s7], $0x2FFFF;
	_ =	strace $0x9FFFFFFF  }
0xc2: {  	(tm) =	ssettm $0x7FFFFFFF  }
0xc3: {  	_ =	shalt  }
tec
execute0_lowered:
.L_overlay_start_1:
0x0: {  	(tag) =	ssettag $0x1  }
0x1: {  	s0 =	rddreg [dreg:$0x0]  }
0x2: {  	s2 =	rddreg [dreg:$0x1];
	s3 =	simm.s32 $0x0;
	s1 =	srdreg.scid  }
0x3: {  	s4 =	stileid.u32;
	s13 =	simm.s32 $0x5;
	s14 =	simm.s32 $0x8  }
0x4: {  	s15 =	simm.s32 $0x80;
	s22 =	simm.s32 $0x10;
	s24 =	simm.s32 $0x64D0  }
0x5: {  	s28 =	simm.s32 $0x3B8;
	s29 =	simm.s32 $0x88D0;
	s30 =	simm.s32 $0x438  }
0x6: {  	s31 =	simm.s32 $0xA8D0;
	s12 =	simm.s32 $0x1;
	s10 =	simm.s32 $0x130D0  }
0x7: {  	s18 =	simm.s32 $0x0;
	[smem:$0x7FF] =	sst s3;
	s1 =	sand.u32 $0x1, s1  }
0x8: {  	s5 =	sshll.u32 s4, $0x1;
	s4 =	sadd.s32 $0xA00, s0;
	_ =	strace $0x80000047  }
0x9: {  	s6 =	sor.u32 s1, s5;
	s5 =	sadd.s32 $0xF42E00, s0;
	s0 =	sadd.s32 $0x19A00, s0  }
0xa: {  	s1 =	ssub.s32 $0x2, s1;
	s8 =	smul.u32 $0xC80, s6;
	[dreg:$0x3] =	wrdreg s0  }
0xb: {  	s25 =	sshrl.u32 s1, $0x1;
	s7 =	sshll.u32 s6, $0x7;
	s6 =	simm.s32 $0xCCD0  }
0xc: {  	s0 =	ssub.s32 s1, s25;
	s9 =	sor.u32 $0x4, s7;
	s11 =	sor.u32 $0x2, s7  }
0xd: {  	s25 =	simm.s32 $0x338;
	s1 =	simm.s32 $0xC8D0;
	s26 =	sadd.s32 s4, s8  }
0xe: {  	s0 =	smax.u32 s0, $0x1;
	s8 =	simm.s32 $0x2;
	[dreg:$0x4] =	wrdreg s26  }
0xf: {  	v0 =	vimm.s32 $0x0;
	vm0 =	vcmask $0x3F08;
	v1 =	vlaneseq.u32;
	[dreg:$0x5] =	wrdreg s0;
	s26 =	simm.s32 $0x68D0;
	s0 =	simm.s32 $0x4B8  }
.LBB2_1:
0x10: {  	[dreg:$0x6] =	wrdreg s18  }
0x11: {  	s16 =	rddreg [dreg:$0x3];
	s17 =	simm.s32 $0x194D0  }
0x12: {  	[tilespmem:s17], [sflag:$0x5] =	stream.linear.gather [hbm4b:s16+s3], $0x10, $0x38;
	[tilespmem:$0x194E0] =	vst v63  }
0x13: {  	_ =	swait.ge [sflag:s13], $0x10  }
0x14: {  	[sflag:s13] =	ssyncset.done $0x0  }
0x15: {  	[sflag:s13] =	ssyncadd.s32 $0xFFFFFFF0  }
0x16: {  	s23 =	rddreg [dreg:$0x4];
	[tilespmem:$0x0] =	vst v0  }
0x17: {  	v2 =	vld [tilespmem:$0x194D0];
	[tilespmem:s14], [sflag:$0x5] =	stream.linear.gather [hbm4b:s23+s3], $0x190, $0x38  }
0x18: {  	_ =	swait.ge [sflag:s13], $0x190  }
0x19: {  	[sflag:s13] =	ssyncset.done $0x0  }
0x1a: {  	p0 =	por $0x1, $0x1;
	s16 =	simm.s32 $0x0;
	[sflag:s13] =	ssyncadd.s32 $0xFFFFFE70  }
.LBB2_2:
0x1b: {  	v3 =	vld [tilespmem:s16+$0x8]  }
0x1c: {  	v4 =	vld [tilespmem:s16+$0x7]  }
0x1d: {  	v5 =	vld [tilespmem:s16+$0x6];
	_ =	sdelay $0x3  }
0x1e: {  	v3 =	vmul.u32 $0x8DD9, v3;
	v4 =	vmul.u32 $0x6A37, v4  }
0x1f: {  	v5 =	vmul.u32 $0xC9BF, v5  }
0x20: {  	v3 =	vxor.u32 v3, v4  }
0x21: {  	v4 =	vxor.u32 v5, v3;
	v24 =	vshra.s32 v3, $0x14  }
0x22: {  	v5 =	vmul.u32 $0xBDC1, v24;
	v6 =	vshra.s32 v4, $0x14  }
0x23: {  	v3 =	vand.u32 $0xFFFFF, v3;
	v6 =	vmul.u32 $0xBDC1, v6  }
0x24: {  	v4 =	vand.u32 $0xFFFFF, v4;
	v3 =	vadd.s32 v3, v5  }
0x25: {  	v5 =	vshra.s32 v3, $0x14;
	v4 =	vadd.s32 v4, v6  }
0x26: {  	v5 =	vmul.u32 $0xBDC1, v5;
	v6 =	vshra.s32 v4, $0x14  }
0x27: {  	v3 =	vand.u32 $0xFFFFF, v3;
	v6 =	vmul.u32 $0xBDC1, v6  }
0x28: {  	v4 =	vand.u32 $0xFFFFF, v4;
	v3 =	vadd.s32 v3, v5  }
0x29: {  	v5 =	vshra.s32 v3, $0x14;
	v4 =	vadd.s32 v4, v6  }
0x2a: {  	v5 =	vmul.u32 $0xBDC1, v5;
	v6 =	vshra.s32 v4, $0x14  }
0x2b: {  	v3 =	vand.u32 $0xFFFFF, v3;
	v6 =	vmul.u32 $0xBDC1, v6  }
0x2c: {  	v4 =	vand.u32 $0xFFFFF, v4;
	v3 =	vadd.s32 v3, v5  }
0x2d: {  	vm1 =	vlt.s32 v3, $0x0;
	v5 =	vadd.s32 $0xF423F, v3;
	v4 =	vadd.s32 v4, v6  }
0x2e: {  	v3 =	vsel vm1, v5, v3;
	vm1 =	vlt.s32 v4, $0x0;
	v25 =	vadd.s32 $0xF423F, v4  }
0x2f: {  	vm2 =	vgt.s32 v3, $0xF423E;
	v4 =	vsel vm1, v25, v4  }
0x30: {  	v26 =	vadd.s32 $0xFFF0BDC1, v3;
	vm1 =	vgt.s32 v4, $0xF423E;
	v27 =	vadd.s32 $0xFFF0BDC1, v4  }
0x31: {  	v3 =	vsel vm2, v26, v3;
	v4 =	vsel vm1, v27, v4  }
0x32: {  	vm1 =	veq.s32 v1, $0x0;
	v3 =	vsel vm0, v4, v3  }
0x33: {  	v28 =	vld [tilespmem:s16+$0x17];
	v3 =	vsel vm1, $0xF423F, v3  }
0x34: {  	[tilespmem:s16+$0x1A0] =	vst v3;
	v3 =	vld [tilespmem:s16+$0x18]  }
0x35: {  	v29 =	vld [tilespmem:s16+$0x16];
	_ =	sdelay $0x3  }
0x36: {  	v4 =	vmul.u32 $0x6A37, v28;
	v3 =	vmul.u32 $0x8DD9, v3  }
0x37: {  	v5 =	vmul.u32 $0xC9BF, v29  }
0x38: {  	v3 =	vxor.u32 v3, v4  }
0x39: {  	v3 =	vxor.u32 v5, v3  }
0x3a: {  	v30 =	vshra.s32 v3, $0x14  }
0x3b: {  	v4 =	vmul.u32 $0xBDC1, v30  }
0x3c: {  	v3 =	vand.u32 $0xFFFFF, v3  }
0x3d: {  	v3 =	vadd.s32 v3, v4  }
0x3e: {  	v4 =	vshra.s32 v3, $0x14  }
0x3f: {  	v4 =	vmul.u32 $0xBDC1, v4  }
0x40: {  	v3 =	vand.u32 $0xFFFFF, v3  }
0x41: {  	v3 =	vadd.s32 v3, v4  }
0x42: {  	v4 =	vshra.s32 v3, $0x14  }
0x43: {  	v4 =	vmul.u32 $0xBDC1, v4  }
0x44: {  	v3 =	vand.u32 $0xFFFFF, v3  }
0x45: {  	v3 =	vadd.s32 v3, v4  }
0x46: {  	vm1 =	vlt.s32 v3, $0x0;
	v4 =	vadd.s32 $0xF423F, v3  }
0x47: {  	v3 =	vsel vm1, v4, v3  }
0x48: {  	vm1 =	vgt.s32 v3, $0xF423E;
	v4 =	vadd.s32 $0xFFF0BDC1, v3  }
0x49: {  	v31 =	vld [tilespmem:s16+$0x27];
	v3 =	vsel vm1, v4, v3  }
0x4a: {  	[tilespmem:s16+$0x1B0] =	vst v3;
	v3 =	vld [tilespmem:s16+$0x28]  }
0x4b: {  	v32 =	vld [tilespmem:s16+$0x26];
	_ =	sdelay $0x3  }
0x4c: {  	v4 =	vmul.u32 $0x6A37, v31;
	v3 =	vmul.u32 $0x8DD9, v3  }
0x4d: {  	v5 =	vmul.u32 $0xC9BF, v32  }
0x4e: {  	v3 =	vxor.u32 v3, v4  }
0x4f: {  	v3 =	vxor.u32 v5, v3  }
0x50: {  	v33 =	vshra.s32 v3, $0x14  }
0x51: {  	v4 =	vmul.u32 $0xBDC1, v33  }
0x52: {  	v3 =	vand.u32 $0xFFFFF, v3  }
0x53: {  	v3 =	vadd.s32 v3, v4  }
0x54: {  	v4 =	vshra.s32 v3, $0x14  }
0x55: {  	v4 =	vmul.u32 $0xBDC1, v4  }
0x56: {  	v3 =	vand.u32 $0xFFFFF, v3  }
0x57: {  	v3 =	vadd.s32 v3, v4  }
0x58: {  	v4 =	vshra.s32 v3, $0x14  }
0x59: {  	v4 =	vmul.u32 $0xBDC1, v4  }
0x5a: {  	v3 =	vand.u32 $0xFFFFF, v3  }
0x5b: {  	v3 =	vadd.s32 v3, v4  }
0x5c: {  	vm1 =	vlt.s32 v3, $0x0;
	v4 =	vadd.s32 $0xF423F, v3  }
0x5d: {  	v3 =	vsel vm1, v4, v3  }
0x5e: {  	vm1 =	vgt.s32 v3, $0xF423E;
	v4 =	vadd.s32 $0xFFF0BDC1, v3  }
0x5f: {  	v34 =	vld [tilespmem:s16+$0x37];
	v3 =	vsel vm1, v4, v3  }
0x60: {  	[tilespmem:s16+$0x1C0] =	vst v3;
	v3 =	vld [tilespmem:s16+$0x38]  }
0x61: {  	v35 =	vld [tilespmem:s16+$0x36];
	_ =	sdelay $0x3  }
0x62: {  	v4 =	vmul.u32 $0x6A37, v34;
	v3 =	vmul.u32 $0x8DD9, v3  }
0x63: {  	v5 =	vmul.u32 $0xC9BF, v35  }
0x64: {  	v3 =	vxor.u32 v3, v4  }
0x65: {  	v3 =	vxor.u32 v5, v3  }
0x66: {  	v36 =	vshra.s32 v3, $0x14  }
0x67: {  	v4 =	vmul.u32 $0xBDC1, v36  }
0x68: {  	v3 =	vand.u32 $0xFFFFF, v3  }
0x69: {  	v3 =	vadd.s32 v3, v4  }
0x6a: {  	v4 =	vshra.s32 v3, $0x14  }
0x6b: {  	v4 =	vmul.u32 $0xBDC1, v4  }
0x6c: {  	v3 =	vand.u32 $0xFFFFF, v3  }
0x6d: {  	v3 =	vadd.s32 v3, v4  }
0x6e: {  	v4 =	vshra.s32 v3, $0x14  }
0x6f: {  	v4 =	vmul.u32 $0xBDC1, v4  }
0x70: {  	v3 =	vand.u32 $0xFFFFF, v3  }
0x71: {  	v3 =	vadd.s32 v3, v4  }
0x72: {  	vm1 =	vlt.s32 v3, $0x0;
	v4 =	vadd.s32 $0xF423F, v3  }
0x73: {  	v3 =	vsel vm1, v4, v3  }
0x74: {  	vm1 =	vgt.s32 v3, $0xF423E;
	v4 =	vadd.s32 $0xFFF0BDC1, v3  }
0x75: {  	v37 =	vld [tilespmem:s16+$0x47];
	v3 =	vsel vm1, v4, v3  }
0x76: {  	[tilespmem:s16+$0x1D0] =	vst v3;
	v3 =	vld [tilespmem:s16+$0x48]  }
0x77: {  	v38 =	vld [tilespmem:s16+$0x46];
	_ =	sdelay $0x3  }
0x78: {  	v4 =	vmul.u32 $0x6A37, v37;
	v3 =	vmul.u32 $0x8DD9, v3  }
0x79: {  	v5 =	vmul.u32 $0xC9BF, v38  }
0x7a: {  	v3 =	vxor.u32 v3, v4  }
0x7b: {  	v3 =	vxor.u32 v5, v3  }
0x7c: {  	v39 =	vshra.s32 v3, $0x14  }
0x7d: {  	v4 =	vmul.u32 $0xBDC1, v39  }
0x7e: {  	v3 =	vand.u32 $0xFFFFF, v3  }
0x7f: {  	v3 =	vadd.s32 v3, v4  }
0x80: {  	v4 =	vshra.s32 v3, $0x14  }
0x81: {  	v4 =	vmul.u32 $0xBDC1, v4  }
0x82: {  	v3 =	vand.u32 $0xFFFFF, v3  }
0x83: {  	v3 =	vadd.s32 v3, v4  }
0x84: {  	v4 =	vshra.s32 v3, $0x14  }
0x85: {  	v4 =	vmul.u32 $0xBDC1, v4  }
0x86: {  	v3 =	vand.u32 $0xFFFFF, v3  }
0x87: {  	v3 =	vadd.s32 v3, v4  }
0x88: {  	vm1 =	vlt.s32 v3, $0x0;
	v4 =	vadd.s32 $0xF423F, v3  }
0x89: {  	v3 =	vsel vm1, v4, v3  }
0x8a: {  	vm1 =	vgt.s32 v3, $0xF423E;
	v4 =	vadd.s32 $0xFFF0BDC1, v3  }
0x8b: {  	v40 =	vld [tilespmem:s16+$0x57];
	v3 =	vsel vm1, v4, v3  }
0x8c: {  	[tilespmem:s16+$0x1E0] =	vst v3;
	v3 =	vld [tilespmem:s16+$0x58]  }
0x8d: {  	v41 =	vld [tilespmem:s16+$0x56];
	_ =	sdelay $0x3  }
0x8e: {  	v4 =	vmul.u32 $0x6A37, v40;
	v3 =	vmul.u32 $0x8DD9, v3  }
0x8f: {  	v5 =	vmul.u32 $0xC9BF, v41  }
0x90: {  	v3 =	vxor.u32 v3, v4  }
0x91: {  	v3 =	vxor.u32 v5, v3  }
0x92: {  	v42 =	vshra.s32 v3, $0x14  }
0x93: {  	v4 =	vmul.u32 $0xBDC1, v42  }
0x94: {  	v3 =	vand.u32 $0xFFFFF, v3  }
0x95: {  	v3 =	vadd.s32 v3, v4  }
0x96: {  	v4 =	vshra.s32 v3, $0x14  }
0x97: {  	v4 =	vmul.u32 $0xBDC1, v4  }
0x98: {  	v3 =	vand.u32 $0xFFFFF, v3  }
0x99: {  	v3 =	vadd.s32 v3, v4  }
0x9a: {  	v4 =	vshra.s32 v3, $0x14  }
0x9b: {  	v4 =	vmul.u32 $0xBDC1, v4  }
0x9c: {  	v3 =	vand.u32 $0xFFFFF, v3  }
0x9d: {  	v3 =	vadd.s32 v3, v4  }
0x9e: {  	vm1 =	vlt.s32 v3, $0x0;
	v4 =	vadd.s32 $0xF423F, v3  }
0x9f: {  	v3 =	vsel vm1, v4, v3  }
0xa0: {  	vm1 =	vgt.s32 v3, $0xF423E;
	v4 =	vadd.s32 $0xFFF0BDC1, v3  }
0xa1: {  	v43 =	vld [tilespmem:s16+$0x67];
	v3 =	vsel vm1, v4, v3  }
0xa2: {  	[tilespmem:s16+$0x1F0] =	vst v3;
	v3 =	vld [tilespmem:s16+$0x68]  }
0xa3: {  	v44 =	vld [tilespmem:s16+$0x66];
	_ =	sdelay $0x3  }
0xa4: {  	v4 =	vmul.u32 $0x6A37, v43;
	v3 =	vmul.u32 $0x8DD9, v3  }
0xa5: {  	v5 =	vmul.u32 $0xC9BF, v44  }
0xa6: {  	v3 =	vxor.u32 v3, v4  }
0xa7: {  	v3 =	vxor.u32 v5, v3  }
0xa8: {  	v45 =	vshra.s32 v3, $0x14  }
0xa9: {  	v4 =	vmul.u32 $0xBDC1, v45  }
0xaa: {  	v3 =	vand.u32 $0xFFFFF, v3  }
0xab: {  	v3 =	vadd.s32 v3, v4  }
0xac: {  	v4 =	vshra.s32 v3, $0x14  }
0xad: {  	v4 =	vmul.u32 $0xBDC1, v4  }
0xae: {  	v3 =	vand.u32 $0xFFFFF, v3  }
0xaf: {  	v3 =	vadd.s32 v3, v4  }
0xb0: {  	v4 =	vshra.s32 v3, $0x14  }
0xb1: {  	v4 =	vmul.u32 $0xBDC1, v4  }
0xb2: {  	v3 =	vand.u32 $0xFFFFF, v3  }
0xb3: {  	v3 =	vadd.s32 v3, v4  }
0xb4: {  	vm1 =	vlt.s32 v3, $0x0;
	v4 =	vadd.s32 $0xF423F, v3  }
0xb5: {  	v3 =	vsel vm1, v4, v3  }
0xb6: {  	vm1 =	vgt.s32 v3, $0xF423E;
	v4 =	vadd.s32 $0xFFF0BDC1, v3  }
0xb7: {  	v46 =	vld [tilespmem:s16+$0x77];
	v3 =	vsel vm1, v4, v3  }
0xb8: {  	[tilespmem:s16+$0x200] =	vst v3;
	v3 =	vld [tilespmem:s16+$0x78]  }
0xb9: {  	v47 =	vld [tilespmem:s16+$0x76];
	_ =	sdelay $0x3  }
0xba: {  	v4 =	vmul.u32 $0x6A37, v46;
	v3 =	vmul.u32 $0x8DD9, v3  }
0xbb: {  	v5 =	vmul.u32 $0xC9BF, v47  }
0xbc: {  	v3 =	vxor.u32 v3, v4  }
0xbd: {  	v3 =	vxor.u32 v5, v3  }
0xbe: {  	v48 =	vshra.s32 v3, $0x14  }
0xbf: {  	v4 =	vmul.u32 $0xBDC1, v48  }
0xc0: {  	v3 =	vand.u32 $0xFFFFF, v3  }
0xc1: {  	v3 =	vadd.s32 v3, v4  }
0xc2: {  	v4 =	vshra.s32 v3, $0x14  }
0xc3: {  	v4 =	vmul.u32 $0xBDC1, v4  }
0xc4: {  	v3 =	vand.u32 $0xFFFFF, v3  }
0xc5: {  	v3 =	vadd.s32 v3, v4  }
0xc6: {  	v4 =	vshra.s32 v3, $0x14  }
0xc7: {  	v4 =	vmul.u32 $0xBDC1, v4  }
0xc8: {  	v3 =	vand.u32 $0xFFFFF, v3  }
0xc9: {  	v3 =	vadd.s32 v3, v4  }
0xca: {  	vm1 =	vlt.s32 v3, $0x0;
	v4 =	vadd.s32 $0xF423F, v3  }
0xcb: {  	v3 =	vsel vm1, v4, v3  }
0xcc: {  	vm1 =	vgt.s32 v3, $0xF423E;
	v4 =	vadd.s32 $0xFFF0BDC1, v3  }
0xcd: {  	v49 =	vld [tilespmem:s16+$0x87];
	v3 =	vsel vm1, v4, v3  }
0xce: {  	[tilespmem:s16+$0x210] =	vst v3;
	v3 =	vld [tilespmem:s16+$0x88]  }
0xcf: {  	v50 =	vld [tilespmem:s16+$0x86];
	_ =	sdelay $0x3  }
0xd0: {  	v4 =	vmul.u32 $0x6A37, v49;
	v3 =	vmul.u32 $0x8DD9, v3  }
0xd1: {  	v5 =	vmul.u32 $0xC9BF, v50  }
0xd2: {  	v3 =	vxor.u32 v3, v4  }
0xd3: {  	v3 =	vxor.u32 v5, v3  }
0xd4: {  	v51 =	vshra.s32 v3, $0x14  }
0xd5: {  	v4 =	vmul.u32 $0xBDC1, v51  }
0xd6: {  	v3 =	vand.u32 $0xFFFFF, v3  }
0xd7: {  	v3 =	vadd.s32 v3, v4  }
0xd8: {  	v4 =	vshra.s32 v3, $0x14  }
0xd9: {  	v4 =	vmul.u32 $0xBDC1, v4  }
0xda: {  	v3 =	vand.u32 $0xFFFFF, v3  }
0xdb: {  	v3 =	vadd.s32 v3, v4  }
0xdc: {  	v4 =	vshra.s32 v3, $0x14  }
0xdd: {  	v4 =	vmul.u32 $0xBDC1, v4  }
0xde: {  	v3 =	vand.u32 $0xFFFFF, v3  }
0xdf: {  	v3 =	vadd.s32 v3, v4  }
0xe0: {  	vm1 =	vlt.s32 v3, $0x0;
	v4 =	vadd.s32 $0xF423F, v3  }
0xe1: {  	v3 =	vsel vm1, v4, v3  }
0xe2: {  	vm1 =	vgt.s32 v3, $0xF423E;
	v4 =	vadd.s32 $0xFFF0BDC1, v3  }
0xe3: {  	v52 =	vld [tilespmem:s16+$0x97];
	v3 =	vsel vm1, v4, v3  }
0xe4: {  	[tilespmem:s16+$0x220] =	vst v3;
	v3 =	vld [tilespmem:s16+$0x98]  }
0xe5: {  	v53 =	vld [tilespmem:s16+$0x96];
	_ =	sdelay $0x3  }
0xe6: {  	v4 =	vmul.u32 $0x6A37, v52;
	v3 =	vmul.u32 $0x8DD9, v3  }
0xe7: {  	v5 =	vmul.u32 $0xC9BF, v53  }
0xe8: {  	v3 =	vxor.u32 v3, v4  }
0xe9: {  	v3 =	vxor.u32 v5, v3  }
0xea: {  	v54 =	vshra.s32 v3, $0x14  }
0xeb: {  	v4 =	vmul.u32 $0xBDC1, v54  }
0xec: {  	v3 =	vand.u32 $0xFFFFF, v3  }
0xed: {  	v3 =	vadd.s32 v3, v4  }
0xee: {  	v4 =	vshra.s32 v3, $0x14  }
0xef: {  	v4 =	vmul.u32 $0xBDC1, v4  }
0xf0: {  	v3 =	vand.u32 $0xFFFFF, v3  }
0xf1: {  	v3 =	vadd.s32 v3, v4  }
0xf2: {  	v4 =	vshra.s32 v3, $0x14  }
0xf3: {  	v4 =	vmul.u32 $0xBDC1, v4  }
0xf4: {  	v3 =	vand.u32 $0xFFFFF, v3  }
0xf5: {  	v3 =	vadd.s32 v3, v4  }
0xf6: {  	vm1 =	vlt.s32 v3, $0x0;
	v4 =	vadd.s32 $0xF423F, v3  }
0xf7: {  	v3 =	vsel vm1, v4, v3  }
0xf8: {  	vm1 =	vgt.s32 v3, $0xF423E;
	v4 =	vadd.s32 $0xFFF0BDC1, v3  }
0xf9: {  	v55 =	vld [tilespmem:s16+$0xA7];
	v3 =	vsel vm1, v4, v3  }
0xfa: {  	[tilespmem:s16+$0x230] =	vst v3;
	v3 =	vld [tilespmem:s16+$0xA8]  }
0xfb: {  	v56 =	vld [tilespmem:s16+$0xA6];
	_ =	sdelay $0x3  }
0xfc: {  	v4 =	vmul.u32 $0x6A37, v55;
	v3 =	vmul.u32 $0x8DD9, v3  }
0xfd: {  	v5 =	vmul.u32 $0xC9BF, v56  }
0xfe: {  	v3 =	vxor.u32 v3, v4  }
0xff: {  	v3 =	vxor.u32 v5, v3  }
0x100: {  	v57 =	vshra.s32 v3, $0x14  }
0x101: {  	v4 =	vmul.u32 $0xBDC1, v57  }
0x102: {  	v3 =	vand.u32 $0xFFFFF, v3  }
0x103: {  	v3 =	vadd.s32 v3, v4  }
0x104: {  	v4 =	vshra.s32 v3, $0x14  }
0x105: {  	v4 =	vmul.u32 $0xBDC1, v4  }
0x106: {  	v3 =	vand.u32 $0xFFFFF, v3  }
0x107: {  	v3 =	vadd.s32 v3, v4  }
0x108: {  	v4 =	vshra.s32 v3, $0x14  }
0x109: {  	v4 =	vmul.u32 $0xBDC1, v4  }
0x10a: {  	v3 =	vand.u32 $0xFFFFF, v3  }
0x10b: {  	v3 =	vadd.s32 v3, v4  }
0x10c: {  	vm1 =	vlt.s32 v3, $0x0;
	v4 =	vadd.s32 $0xF423F, v3  }
0x10d: {  	v3 =	vsel vm1, v4, v3  }
0x10e: {  	vm1 =	vgt.s32 v3, $0xF423E;
	v4 =	vadd.s32 $0xFFF0BDC1, v3  }
0x10f: {  	v58 =	vld [tilespmem:s16+$0xB7];
	v3 =	vsel vm1, v4, v3  }
0x110: {  	[tilespmem:s16+$0x240] =	vst v3;
	v3 =	vld [tilespmem:s16+$0xB8]  }
0x111: {  	v59 =	vld [tilespmem:s16+$0xB6];
	_ =	sdelay $0x3  }
0x112: {  	v4 =	vmul.u32 $0x6A37, v58;
	v3 =	vmul.u32 $0x8DD9, v3  }
0x113: {  	v5 =	vmul.u32 $0xC9BF, v59  }
0x114: {  	v3 =	vxor.u32 v3, v4  }
0x115: {  	v3 =	vxor.u32 v5, v3  }
0x116: {  	v60 =	vshra.s32 v3, $0x14  }
0x117: {  	v4 =	vmul.u32 $0xBDC1, v60  }
0x118: {  	v3 =	vand.u32 $0xFFFFF, v3  }
0x119: {  	v3 =	vadd.s32 v3, v4  }
0x11a: {  	v4 =	vshra.s32 v3, $0x14  }
0x11b: {  	v4 =	vmul.u32 $0xBDC1, v4  }
0x11c: {  	v3 =	vand.u32 $0xFFFFF, v3  }
0x11d: {  	v3 =	vadd.s32 v3, v4  }
0x11e: {  	v4 =	vshra.s32 v3, $0x14  }
0x11f: {  	v4 =	vmul.u32 $0xBDC1, v4  }
0x120: {  	v3 =	vand.u32 $0xFFFFF, v3  }
0x121: {  	v3 =	vadd.s32 v3, v4  }
0x122: {  	vm1 =	vlt.s32 v3, $0x0;
	v4 =	vadd.s32 $0xF423F, v3  }
0x123: {  	v3 =	vsel vm1, v4, v3  }
0x124: {  	vm1 =	vgt.s32 v3, $0xF423E;
	v4 =	vadd.s32 $0xFFF0BDC1, v3  }
0x125: {  	v61 =	vld [tilespmem:s16+$0xC7];
	v3 =	vsel vm1, v4, v3  }
0x126: {  	[tilespmem:s16+$0x250] =	vst v3;
	v3 =	vld [tilespmem:s16+$0xC8]  }
0x127: {  	v62 =	vld [tilespmem:s16+$0xC6];
	_ =	sdelay $0x3  }
0x128: {  	v4 =	vmul.u32 $0x6A37, v61;
	v3 =	vmul.u32 $0x8DD9, v3  }
0x129: {  	v5 =	vmul.u32 $0xC9BF, v62  }
0x12a: {  	v3 =	vxor.u32 v3, v4  }
0x12b: {  	v3 =	vxor.u32 v5, v3  }
0x12c: {  	v63 =	vshra.s32 v3, $0x14  }
0x12d: {  	v4 =	vmul.u32 $0xBDC1, v63  }
0x12e: {  	v3 =	vand.u32 $0xFFFFF, v3  }
0x12f: {  	v3 =	vadd.s32 v3, v4  }
0x130: {  	v4 =	vshra.s32 v3, $0x14  }
0x131: {  	v4 =	vmul.u32 $0xBDC1, v4  }
0x132: {  	v3 =	vand.u32 $0xFFFFF, v3  }
0x133: {  	v3 =	vadd.s32 v3, v4  }
0x134: {  	v4 =	vshra.s32 v3, $0x14  }
0x135: {  	v4 =	vmul.u32 $0xBDC1, v4  }
0x136: {  	v3 =	vand.u32 $0xFFFFF, v3  }
0x137: {  	p1 =	por p0, p0;
	v3 =	vadd.s32 v3, v4  }
.Ltmp0:
0x138: {  	vm1 =	vlt.s32 v3, $0x0;
	v4 =	vadd.s32 $0xF423F, v3;
	(pc) =	sbr.rel @p1 .LBB2_2-.Ltmp0, $4  }
0x139: {  	v3 =	vsel vm1, v4, v3  }
0x13a: {  	vm1 =	vgt.s32 v3, $0xF423E;
	v4 =	vadd.s32 $0xFFF0BDC1, v3  }
0x13b: {  	v3 =	vsel vm1, v4, v3  }
0x13c: {  	p0 =	por $0x0, $0x0;
	[tilespmem:s16+$0x260] =	vst v3;
	s16 =	simm.s32 $0xC8  }
0x13d: {  	s16 =	simm.s32 $0x1A0;
	s17 =	simm.s32 $0x4D0  }
0x13e: {  	[tilespmem:s17], [sflag:$0x1] =	stream.indirect.gather [hbm4b:s5+s15], $0x40, s16, s15, $0xb8;
	[tilespmem:$0x194E0] =	vst v63  }
0x13f: {  	s18 =	simm.s32 $0x220;
	s19 =	simm.s32 $0x24D0  }
0x140: {  	[tilespmem:s19], [sflag:$0x1] =	stream.indirect.gather [hbm4b:s5+s15], $0x40, s18, s15, $0xb8;
	[tilespmem:$0x194E0] =	vst v63  }
0x141: {  	s20 =	simm.s32 $0x2A0;
	s21 =	simm.s32 $0x44D0  }
0x142: {  	[tilespmem:s21], [sflag:$0x1] =	stream.indirect.gather [hbm4b:s5+s15], $0x40, s20, s15, $0xb8;
	[tilespmem:$0x194E0] =	vst v63  }
0x143: {  	s23 =	simm.s32 $0x320;
	s16 =	simm.s32 $0x0;
	s17 =	simm.s32 $0x0  }
0x144: {  	[tilespmem:s24], [sflag:$0x1] =	stream.indirect.gather [hbm4b:s5+s22], $0x40, s23, s22, $0xb8;
	[tilespmem:$0x194E0] =	vst v63  }
.LBB2_4:
0x145: {  	s19 =	sshll.u32 s17, $0x2  }
0x146: {  	s18 =	sor.u32 s11, s19  }
0x147: {  	s20 =	smul.u32 $0x19, s18;
	_ =	sdelay $0x1  }
0x148: {  	s20 =	sadd.s32 s4, s20  }
0x149: {  	[tilespmem:s14], [sflag:$0x5] =	stream.linear.gather [hbm4b:s20+s16], $0x190, $0x38;
	[tilespmem:$0x194E0] =	vst v63  }
0x14a: {  	_ =	swait.ge [sflag:s13], $0x190  }
0x14b: {  	[sflag:s13] =	ssyncset.done $0x0  }
0x14c: {  	p0 =	por $0x1, $0x1;
	s20 =	simm.s32 $0x0;
	[sflag:s13] =	ssyncadd.s32 $0xFFFFFE70  }
.LBB2_5:
0x14d: {  	v3 =	vld [tilespmem:s20+$0x8]  }
0x14e: {  	v4 =	vld [tilespmem:s20+$0x7]  }
0x14f: {  	v5 =	vld [tilespmem:s20+$0x6];
	_ =	sdelay $0x3  }
0x150: {  	v3 =	vmul.u32 $0x8DD9, v3;
	v4 =	vmul.u32 $0x6A37, v4  }
0x151: {  	v5 =	vmul.u32 $0xC9BF, v5  }
0x152: {  	v3 =	vxor.u32 v3, v4  }
0x153: {  	v4 =	vxor.u32 v5, v3;
	v24 =	vshra.s32 v3, $0x14  }
0x154: {  	v5 =	vmul.u32 $0xBDC1, v24;
	v6 =	vshra.s32 v4, $0x14  }
0x155: {  	v3 =	vand.u32 $0xFFFFF, v3;
	v6 =	vmul.u32 $0xBDC1, v6  }
0x156: {  	v4 =	vand.u32 $0xFFFFF, v4;
	v3 =	vadd.s32 v3, v5  }
0x157: {  	v5 =	vshra.s32 v3, $0x14;
	v4 =	vadd.s32 v4, v6  }
0x158: {  	v5 =	vmul.u32 $0xBDC1, v5;
	v6 =	vshra.s32 v4, $0x14  }
0x159: {  	v3 =	vand.u32 $0xFFFFF, v3;
	v6 =	vmul.u32 $0xBDC1, v6  }
0x15a: {  	v4 =	vand.u32 $0xFFFFF, v4;
	v3 =	vadd.s32 v3, v5  }
0x15b: {  	v5 =	vshra.s32 v3, $0x14;
	v4 =	vadd.s32 v4, v6  }
0x15c: {  	v5 =	vmul.u32 $0xBDC1, v5;
	v6 =	vshra.s32 v4, $0x14  }
0x15d: {  	v3 =	vand.u32 $0xFFFFF, v3;
	v6 =	vmul.u32 $0xBDC1, v6  }
0x15e: {  	v4 =	vand.u32 $0xFFFFF, v4;
	v3 =	vadd.s32 v3, v5  }
0x15f: {  	vm1 =	vlt.s32 v3, $0x0;
	v5 =	vadd.s32 $0xF423F, v3;
	v4 =	vadd.s32 v4, v6  }
0x160: {  	v3 =	vsel vm1, v5, v3;
	vm1 =	vlt.s32 v4, $0x0;
	v25 =	vadd.s32 $0xF423F, v4  }
0x161: {  	vm2 =	vgt.s32 v3, $0xF423E;
	v4 =	vsel vm1, v25, v4  }
0x162: {  	v26 =	vadd.s32 $0xFFF0BDC1, v3;
	vm1 =	vgt.s32 v4, $0xF423E;
	v27 =	vadd.s32 $0xFFF0BDC1, v4  }
0x163: {  	v3 =	vsel vm2, v26, v3;
	v4 =	vsel vm1, v27, v4  }
0x164: {  	vm1 =	veq.s32 v1, $0x0;
	v3 =	vsel vm0, v4, v3  }
0x165: {  	v28 =	vld [tilespmem:s20+$0x17];
	v3 =	vsel vm1, $0xF423F, v3  }
0x166: {  	[tilespmem:s20+$0x338] =	vst v3;
	v3 =	vld [tilespmem:s20+$0x18]  }
0x167: {  	v29 =	vld [tilespmem:s20+$0x16];
	_ =	sdelay $0x3  }
0x168: {  	v4 =	vmul.u32 $0x6A37, v28;
	v3 =	vmul.u32 $0x8DD9, v3  }
0x169: {  	v5 =	vmul.u32 $0xC9BF, v29  }
0x16a: {  	v3 =	vxor.u32 v3, v4  }
0x16b: {  	v3 =	vxor.u32 v5, v3  }
0x16c: {  	v30 =	vshra.s32 v3, $0x14  }
0x16d: {  	v4 =	vmul.u32 $0xBDC1, v30  }
0x16e: {  	v3 =	vand.u32 $0xFFFFF, v3  }
0x16f: {  	v3 =	vadd.s32 v3, v4  }
0x170: {  	v4 =	vshra.s32 v3, $0x14  }
0x171: {  	v4 =	vmul.u32 $0xBDC1, v4  }
0x172: {  	v3 =	vand.u32 $0xFFFFF, v3  }
0x173: {  	v3 =	vadd.s32 v3, v4  }
0x174: {  	v4 =	vshra.s32 v3, $0x14  }
0x175: {  	v4 =	vmul.u32 $0xBDC1, v4  }
0x176: {  	v3 =	vand.u32 $0xFFFFF, v3  }
0x177: {  	v3 =	vadd.s32 v3, v4  }
0x178: {  	vm1 =	vlt.s32 v3, $0x0;
	v4 =	vadd.s32 $0xF423F, v3  }
0x179: {  	v3 =	vsel vm1, v4, v3  }
0x17a: {  	vm1 =	vgt.s32 v3, $0xF423E;
	v4 =	vadd.s32 $0xFFF0BDC1, v3  }
0x17b: {  	v31 =	vld [tilespmem:s20+$0x27];
	v3 =	vsel vm1, v4, v3  }
0x17c: {  	[tilespmem:s20+$0x348] =	vst v3;
	v3 =	vld [tilespmem:s20+$0x28]  }
0x17d: {  	v32 =	vld [tilespmem:s20+$0x26];
	_ =	sdelay $0x3  }
0x17e: {  	v4 =	vmul.u32 $0x6A37, v31;
	v3 =	vmul.u32 $0x8DD9, v3  }
0x17f: {  	v5 =	vmul.u32 $0xC9BF, v32  }
0x180: {  	v3 =	vxor.u32 v3, v4  }
0x181: {  	v3 =	vxor.u32 v5, v3  }
0x182: {  	v33 =	vshra.s32 v3, $0x14  }
0x183: {  	v4 =	vmul.u32 $0xBDC1, v33  }
0x184: {  	v3 =	vand.u32 $0xFFFFF, v3  }
0x185: {  	v3 =	vadd.s32 v3, v4  }
0x186: {  	v4 =	vshra.s32 v3, $0x14  }
0x187: {  	v4 =	vmul.u32 $0xBDC1, v4  }
0x188: {  	v3 =	vand.u32 $0xFFFFF, v3  }
0x189: {  	v3 =	vadd.s32 v3, v4  }
0x18a: {  	v4 =	vshra.s32 v3, $0x14  }
0x18b: {  	v4 =	vmul.u32 $0xBDC1, v4  }
0x18c: {  	v3 =	vand.u32 $0xFFFFF, v3  }
0x18d: {  	v3 =	vadd.s32 v3, v4  }
0x18e: {  	vm1 =	vlt.s32 v3, $0x0;
	v4 =	vadd.s32 $0xF423F, v3  }
0x18f: {  	v3 =	vsel vm1, v4, v3  }
0x190: {  	vm1 =	vgt.s32 v3, $0xF423E;
	v4 =	vadd.s32 $0xFFF0BDC1, v3  }
0x191: {  	v34 =	vld [tilespmem:s20+$0x37];
	v3 =	vsel vm1, v4, v3  }
0x192: {  	[tilespmem:s20+$0x358] =	vst v3;
	v3 =	vld [tilespmem:s20+$0x38]  }
0x193: {  	v35 =	vld [tilespmem:s20+$0x36];
	_ =	sdelay $0x3  }
0x194: {  	v4 =	vmul.u32 $0x6A37, v34;
	v3 =	vmul.u32 $0x8DD9, v3  }
0x195: {  	v5 =	vmul.u32 $0xC9BF, v35  }
0x196: {  	v3 =	vxor.u32 v3, v4  }
0x197: {  	v3 =	vxor.u32 v5, v3  }
0x198: {  	v36 =	vshra.s32 v3, $0x14  }
0x199: {  	v4 =	vmul.u32 $0xBDC1, v36  }
0x19a: {  	v3 =	vand.u32 $0xFFFFF, v3  }
0x19b: {  	v3 =	vadd.s32 v3, v4  }
0x19c: {  	v4 =	vshra.s32 v3, $0x14  }
0x19d: {  	v4 =	vmul.u32 $0xBDC1, v4  }
0x19e: {  	v3 =	vand.u32 $0xFFFFF, v3  }
0x19f: {  	v3 =	vadd.s32 v3, v4  }
0x1a0: {  	v4 =	vshra.s32 v3, $0x14  }
0x1a1: {  	v4 =	vmul.u32 $0xBDC1, v4  }
0x1a2: {  	v3 =	vand.u32 $0xFFFFF, v3  }
0x1a3: {  	v3 =	vadd.s32 v3, v4  }
0x1a4: {  	vm1 =	vlt.s32 v3, $0x0;
	v4 =	vadd.s32 $0xF423F, v3  }
0x1a5: {  	v3 =	vsel vm1, v4, v3  }
0x1a6: {  	vm1 =	vgt.s32 v3, $0xF423E;
	v4 =	vadd.s32 $0xFFF0BDC1, v3  }
0x1a7: {  	v37 =	vld [tilespmem:s20+$0x47];
	v3 =	vsel vm1, v4, v3  }
0x1a8: {  	[tilespmem:s20+$0x368] =	vst v3;
	v3 =	vld [tilespmem:s20+$0x48]  }
0x1a9: {  	v38 =	vld [tilespmem:s20+$0x46];
	_ =	sdelay $0x3  }
0x1aa: {  	v4 =	vmul.u32 $0x6A37, v37;
	v3 =	vmul.u32 $0x8DD9, v3  }
0x1ab: {  	v5 =	vmul.u32 $0xC9BF, v38  }
0x1ac: {  	v3 =	vxor.u32 v3, v4  }
0x1ad: {  	v3 =	vxor.u32 v5, v3  }
0x1ae: {  	v39 =	vshra.s32 v3, $0x14  }
0x1af: {  	v4 =	vmul.u32 $0xBDC1, v39  }
0x1b0: {  	v3 =	vand.u32 $0xFFFFF, v3  }
0x1b1: {  	v3 =	vadd.s32 v3, v4  }
0x1b2: {  	v4 =	vshra.s32 v3, $0x14  }
0x1b3: {  	v4 =	vmul.u32 $0xBDC1, v4  }
0x1b4: {  	v3 =	vand.u32 $0xFFFFF, v3  }
0x1b5: {  	v3 =	vadd.s32 v3, v4  }
0x1b6: {  	v4 =	vshra.s32 v3, $0x14  }
0x1b7: {  	v4 =	vmul.u32 $0xBDC1, v4  }
0x1b8: {  	v3 =	vand.u32 $0xFFFFF, v3  }
0x1b9: {  	v3 =	vadd.s32 v3, v4  }
0x1ba: {  	vm1 =	vlt.s32 v3, $0x0;
	v4 =	vadd.s32 $0xF423F, v3  }
0x1bb: {  	v3 =	vsel vm1, v4, v3  }
0x1bc: {  	vm1 =	vgt.s32 v3, $0xF423E;
	v4 =	vadd.s32 $0xFFF0BDC1, v3  }
0x1bd: {  	v40 =	vld [tilespmem:s20+$0x57];
	v3 =	vsel vm1, v4, v3  }
0x1be: {  	[tilespmem:s20+$0x378] =	vst v3;
	v3 =	vld [tilespmem:s20+$0x58]  }
0x1bf: {  	v41 =	vld [tilespmem:s20+$0x56];
	_ =	sdelay $0x3  }
0x1c0: {  	v4 =	vmul.u32 $0x6A37, v40;
	v3 =	vmul.u32 $0x8DD9, v3  }
0x1c1: {  	v5 =	vmul.u32 $0xC9BF, v41  }
0x1c2: {  	v3 =	vxor.u32 v3, v4  }
0x1c3: {  	v3 =	vxor.u32 v5, v3  }
0x1c4: {  	v42 =	vshra.s32 v3, $0x14  }
0x1c5: {  	v4 =	vmul.u32 $0xBDC1, v42  }
0x1c6: {  	v3 =	vand.u32 $0xFFFFF, v3  }
0x1c7: {  	v3 =	vadd.s32 v3, v4  }
0x1c8: {  	v4 =	vshra.s32 v3, $0x14  }
0x1c9: {  	v4 =	vmul.u32 $0xBDC1, v4  }
0x1ca: {  	v3 =	vand.u32 $0xFFFFF, v3  }
0x1cb: {  	v3 =	vadd.s32 v3, v4  }
0x1cc: {  	v4 =	vshra.s32 v3, $0x14  }
0x1cd: {  	v4 =	vmul.u32 $0xBDC1, v4  }
0x1ce: {  	v3 =	vand.u32 $0xFFFFF, v3  }
0x1cf: {  	v3 =	vadd.s32 v3, v4  }
0x1d0: {  	vm1 =	vlt.s32 v3, $0x0;
	v4 =	vadd.s32 $0xF423F, v3  }
0x1d1: {  	v3 =	vsel vm1, v4, v3  }
0x1d2: {  	vm1 =	vgt.s32 v3, $0xF423E;
	v4 =	vadd.s32 $0xFFF0BDC1, v3  }
0x1d3: {  	v43 =	vld [tilespmem:s20+$0x67];
	v3 =	vsel vm1, v4, v3  }
0x1d4: {  	[tilespmem:s20+$0x388] =	vst v3;
	v3 =	vld [tilespmem:s20+$0x68]  }
0x1d5: {  	v44 =	vld [tilespmem:s20+$0x66];
	_ =	sdelay $0x3  }
0x1d6: {  	v4 =	vmul.u32 $0x6A37, v43;
	v3 =	vmul.u32 $0x8DD9, v3  }
0x1d7: {  	v5 =	vmul.u32 $0xC9BF, v44  }
0x1d8: {  	v3 =	vxor.u32 v3, v4  }
0x1d9: {  	v3 =	vxor.u32 v5, v3  }
0x1da: {  	v45 =	vshra.s32 v3, $0x14  }
0x1db: {  	v4 =	vmul.u32 $0xBDC1, v45  }
0x1dc: {  	v3 =	vand.u32 $0xFFFFF, v3  }
0x1dd: {  	v3 =	vadd.s32 v3, v4  }
0x1de: {  	v4 =	vshra.s32 v3, $0x14  }
0x1df: {  	v4 =	vmul.u32 $0xBDC1, v4  }
0x1e0: {  	v3 =	vand.u32 $0xFFFFF, v3  }
0x1e1: {  	v3 =	vadd.s32 v3, v4  }
0x1e2: {  	v4 =	vshra.s32 v3, $0x14  }
0x1e3: {  	v4 =	vmul.u32 $0xBDC1, v4  }
0x1e4: {  	v3 =	vand.u32 $0xFFFFF, v3  }
0x1e5: {  	v3 =	vadd.s32 v3, v4  }
0x1e6: {  	vm1 =	vlt.s32 v3, $0x0;
	v4 =	vadd.s32 $0xF423F, v3  }
0x1e7: {  	v3 =	vsel vm1, v4, v3  }
0x1e8: {  	vm1 =	vgt.s32 v3, $0xF423E;
	v4 =	vadd.s32 $0xFFF0BDC1, v3  }
0x1e9: {  	v46 =	vld [tilespmem:s20+$0x77];
	v3 =	vsel vm1, v4, v3  }
0x1ea: {  	[tilespmem:s20+$0x398] =	vst v3;
	v3 =	vld [tilespmem:s20+$0x78]  }
0x1eb: {  	v47 =	vld [tilespmem:s20+$0x76];
	_ =	sdelay $0x3  }
0x1ec: {  	v4 =	vmul.u32 $0x6A37, v46;
	v3 =	vmul.u32 $0x8DD9, v3  }
0x1ed: {  	v5 =	vmul.u32 $0xC9BF, v47  }
0x1ee: {  	v3 =	vxor.u32 v3, v4  }
0x1ef: {  	v3 =	vxor.u32 v5, v3  }
0x1f0: {  	v48 =	vshra.s32 v3, $0x14  }
0x1f1: {  	v4 =	vmul.u32 $0xBDC1, v48  }
0x1f2: {  	v3 =	vand.u32 $0xFFFFF, v3  }
0x1f3: {  	v3 =	vadd.s32 v3, v4  }
0x1f4: {  	v4 =	vshra.s32 v3, $0x14  }
0x1f5: {  	v4 =	vmul.u32 $0xBDC1, v4  }
0x1f6: {  	v3 =	vand.u32 $0xFFFFF, v3  }
0x1f7: {  	v3 =	vadd.s32 v3, v4  }
0x1f8: {  	v4 =	vshra.s32 v3, $0x14  }
0x1f9: {  	v4 =	vmul.u32 $0xBDC1, v4  }
0x1fa: {  	v3 =	vand.u32 $0xFFFFF, v3  }
0x1fb: {  	v3 =	vadd.s32 v3, v4  }
0x1fc: {  	vm1 =	vlt.s32 v3, $0x0;
	v4 =	vadd.s32 $0xF423F, v3  }
0x1fd: {  	v3 =	vsel vm1, v4, v3  }
0x1fe: {  	vm1 =	vgt.s32 v3, $0xF423E;
	v4 =	vadd.s32 $0xFFF0BDC1, v3  }
0x1ff: {  	v49 =	vld [tilespmem:s20+$0x87];
	v3 =	vsel vm1, v4, v3  }
0x200: {  	[tilespmem:s20+$0x3A8] =	vst v3;
	v3 =	vld [tilespmem:s20+$0x88]  }
0x201: {  	v50 =	vld [tilespmem:s20+$0x86];
	_ =	sdelay $0x3  }
0x202: {  	v4 =	vmul.u32 $0x6A37, v49;
	v3 =	vmul.u32 $0x8DD9, v3  }
0x203: {  	v5 =	vmul.u32 $0xC9BF, v50  }
0x204: {  	v3 =	vxor.u32 v3, v4  }
0x205: {  	v3 =	vxor.u32 v5, v3  }
0x206: {  	v51 =	vshra.s32 v3, $0x14  }
0x207: {  	v4 =	vmul.u32 $0xBDC1, v51  }
0x208: {  	v3 =	vand.u32 $0xFFFFF, v3  }
0x209: {  	v3 =	vadd.s32 v3, v4  }
0x20a: {  	v4 =	vshra.s32 v3, $0x14  }
0x20b: {  	v4 =	vmul.u32 $0xBDC1, v4  }
0x20c: {  	v3 =	vand.u32 $0xFFFFF, v3  }
0x20d: {  	v3 =	vadd.s32 v3, v4  }
0x20e: {  	v4 =	vshra.s32 v3, $0x14  }
0x20f: {  	v4 =	vmul.u32 $0xBDC1, v4  }
0x210: {  	v3 =	vand.u32 $0xFFFFF, v3  }
0x211: {  	v3 =	vadd.s32 v3, v4  }
0x212: {  	vm1 =	vlt.s32 v3, $0x0;
	v4 =	vadd.s32 $0xF423F, v3  }
0x213: {  	v3 =	vsel vm1, v4, v3  }
0x214: {  	vm1 =	vgt.s32 v3, $0xF423E;
	v4 =	vadd.s32 $0xFFF0BDC1, v3  }
0x215: {  	v52 =	vld [tilespmem:s20+$0x97];
	v3 =	vsel vm1, v4, v3  }
0x216: {  	[tilespmem:s20+$0x3B8] =	vst v3;
	v3 =	vld [tilespmem:s20+$0x98]  }
0x217: {  	v53 =	vld [tilespmem:s20+$0x96];
	_ =	sdelay $0x3  }
0x218: {  	v4 =	vmul.u32 $0x6A37, v52;
	v3 =	vmul.u32 $0x8DD9, v3  }
0x219: {  	v5 =	vmul.u32 $0xC9BF, v53  }
0x21a: {  	v3 =	vxor.u32 v3, v4  }
0x21b: {  	v3 =	vxor.u32 v5, v3  }
0x21c: {  	v54 =	vshra.s32 v3, $0x14  }
0x21d: {  	v4 =	vmul.u32 $0xBDC1, v54  }
0x21e: {  	v3 =	vand.u32 $0xFFFFF, v3  }
0x21f: {  	v3 =	vadd.s32 v3, v4  }
0x220: {  	v4 =	vshra.s32 v3, $0x14  }
0x221: {  	v4 =	vmul.u32 $0xBDC1, v4  }
0x222: {  	v3 =	vand.u32 $0xFFFFF, v3  }
0x223: {  	v3 =	vadd.s32 v3, v4  }
0x224: {  	v4 =	vshra.s32 v3, $0x14  }
0x225: {  	v4 =	vmul.u32 $0xBDC1, v4  }
0x226: {  	v3 =	vand.u32 $0xFFFFF, v3  }
0x227: {  	v3 =	vadd.s32 v3, v4  }
0x228: {  	vm1 =	vlt.s32 v3, $0x0;
	v4 =	vadd.s32 $0xF423F, v3  }
0x229: {  	v3 =	vsel vm1, v4, v3  }
0x22a: {  	vm1 =	vgt.s32 v3, $0xF423E;
	v4 =	vadd.s32 $0xFFF0BDC1, v3  }
0x22b: {  	v55 =	vld [tilespmem:s20+$0xA7];
	v3 =	vsel vm1, v4, v3  }
0x22c: {  	[tilespmem:s20+$0x3C8] =	vst v3;
	v3 =	vld [tilespmem:s20+$0xA8]  }
0x22d: {  	v56 =	vld [tilespmem:s20+$0xA6];
	_ =	sdelay $0x3  }
0x22e: {  	v4 =	vmul.u32 $0x6A37, v55;
	v3 =	vmul.u32 $0x8DD9, v3  }
0x22f: {  	v5 =	vmul.u32 $0xC9BF, v56  }
0x230: {  	v3 =	vxor.u32 v3, v4  }
0x231: {  	v3 =	vxor.u32 v5, v3  }
0x232: {  	v57 =	vshra.s32 v3, $0x14  }
0x233: {  	v4 =	vmul.u32 $0xBDC1, v57  }
0x234: {  	v3 =	vand.u32 $0xFFFFF, v3  }
0x235: {  	v3 =	vadd.s32 v3, v4  }
0x236: {  	v4 =	vshra.s32 v3, $0x14  }
0x237: {  	v4 =	vmul.u32 $0xBDC1, v4  }
0x238: {  	v3 =	vand.u32 $0xFFFFF, v3  }
0x239: {  	v3 =	vadd.s32 v3, v4  }
0x23a: {  	v4 =	vshra.s32 v3, $0x14  }
0x23b: {  	v4 =	vmul.u32 $0xBDC1, v4  }
0x23c: {  	v3 =	vand.u32 $0xFFFFF, v3  }
0x23d: {  	v3 =	vadd.s32 v3, v4  }
0x23e: {  	vm1 =	vlt.s32 v3, $0x0;
	v4 =	vadd.s32 $0xF423F, v3  }
0x23f: {  	v3 =	vsel vm1, v4, v3  }
0x240: {  	vm1 =	vgt.s32 v3, $0xF423E;
	v4 =	vadd.s32 $0xFFF0BDC1, v3  }
0x241: {  	v58 =	vld [tilespmem:s20+$0xB7];
	v3 =	vsel vm1, v4, v3  }
0x242: {  	[tilespmem:s20+$0x3D8] =	vst v3;
	v3 =	vld [tilespmem:s20+$0xB8]  }
0x243: {  	v59 =	vld [tilespmem:s20+$0xB6];
	_ =	sdelay $0x3  }
0x244: {  	v4 =	vmul.u32 $0x6A37, v58;
	v3 =	vmul.u32 $0x8DD9, v3  }
0x245: {  	v5 =	vmul.u32 $0xC9BF, v59  }
0x246: {  	v3 =	vxor.u32 v3, v4  }
0x247: {  	v3 =	vxor.u32 v5, v3  }
0x248: {  	v60 =	vshra.s32 v3, $0x14  }
0x249: {  	v4 =	vmul.u32 $0xBDC1, v60  }
0x24a: {  	v3 =	vand.u32 $0xFFFFF, v3  }
0x24b: {  	v3 =	vadd.s32 v3, v4  }
0x24c: {  	v4 =	vshra.s32 v3, $0x14  }
0x24d: {  	v4 =	vmul.u32 $0xBDC1, v4  }
0x24e: {  	v3 =	vand.u32 $0xFFFFF, v3  }
0x24f: {  	v3 =	vadd.s32 v3, v4  }
0x250: {  	v4 =	vshra.s32 v3, $0x14  }
0x251: {  	v4 =	vmul.u32 $0xBDC1, v4  }
0x252: {  	v3 =	vand.u32 $0xFFFFF, v3  }
0x253: {  	v3 =	vadd.s32 v3, v4  }
0x254: {  	vm1 =	vlt.s32 v3, $0x0;
	v4 =	vadd.s32 $0xF423F, v3  }
0x255: {  	v3 =	vsel vm1, v4, v3  }
0x256: {  	vm1 =	vgt.s32 v3, $0xF423E;
	v4 =	vadd.s32 $0xFFF0BDC1, v3  }
0x257: {  	v61 =	vld [tilespmem:s20+$0xC7];
	v3 =	vsel vm1, v4, v3  }
0x258: {  	[tilespmem:s20+$0x3E8] =	vst v3;
	v3 =	vld [tilespmem:s20+$0xC8]  }
0x259: {  	v62 =	vld [tilespmem:s20+$0xC6];
	_ =	sdelay $0x3  }
0x25a: {  	v4 =	vmul.u32 $0x6A37, v61;
	v3 =	vmul.u32 $0x8DD9, v3  }
0x25b: {  	v5 =	vmul.u32 $0xC9BF, v62  }
0x25c: {  	v3 =	vxor.u32 v3, v4  }
0x25d: {  	v3 =	vxor.u32 v5, v3  }
0x25e: {  	v63 =	vshra.s32 v3, $0x14  }
0x25f: {  	v4 =	vmul.u32 $0xBDC1, v63  }
0x260: {  	v3 =	vand.u32 $0xFFFFF, v3  }
0x261: {  	v3 =	vadd.s32 v3, v4  }
0x262: {  	v4 =	vshra.s32 v3, $0x14  }
0x263: {  	v4 =	vmul.u32 $0xBDC1, v4  }
0x264: {  	v3 =	vand.u32 $0xFFFFF, v3  }
0x265: {  	v3 =	vadd.s32 v3, v4  }
0x266: {  	v4 =	vshra.s32 v3, $0x14  }
0x267: {  	v4 =	vmul.u32 $0xBDC1, v4  }
0x268: {  	v3 =	vand.u32 $0xFFFFF, v3  }
0x269: {  	p1 =	por p0, p0;
	v3 =	vadd.s32 v3, v4  }
.Ltmp1:
0x26a: {  	vm1 =	vlt.s32 v3, $0x0;
	v4 =	vadd.s32 $0xF423F, v3;
	(pc) =	sbr.rel @p1 .LBB2_5-.Ltmp1, $4  }
0x26b: {  	v3 =	vsel vm1, v4, v3  }
0x26c: {  	vm1 =	vgt.s32 v3, $0xF423E;
	v4 =	vadd.s32 $0xFFF0BDC1, v3  }
0x26d: {  	v3 =	vsel vm1, v4, v3  }
0x26e: {  	p0 =	por $0x0, $0x0;
	[tilespmem:s20+$0x3F8] =	vst v3;
	s20 =	simm.s32 $0xC8  }
0x26f: {  	[tilespmem:s26], [sflag:$0x2] =	stream.indirect.gather [hbm4b:s5+s15], $0x40, s25, s15, $0xb8;
	[tilespmem:$0x194E0] =	vst v63  }
0x270: {  	_ = 	snop  }
0x271: {  	[tilespmem:s29], [sflag:$0x2] =	stream.indirect.gather [hbm4b:s5+s15], $0x40, s28, s15, $0xb8;
	[tilespmem:$0x194E0] =	vst v63  }
0x272: {  	_ = 	snop  }
0x273: {  	[tilespmem:s31], [sflag:$0x2] =	stream.indirect.gather [hbm4b:s5+s15], $0x40, s30, s15, $0xb8;
	[tilespmem:$0x194E0] =	vst v63  }
0x274: {  	_ = 	snop  }
0x275: {  	[tilespmem:s1], [sflag:$0x2] =	stream.indirect.gather [hbm4b:s5+s22], $0x40, s0, s22, $0xb8;
	[tilespmem:$0x194E0] =	vst v63  }
0x276: {  	_ =	swait.ge [sflag:s12], $0x2000  }
0x277: {  	[sflag:s12] =	ssyncset.done $0x0  }
0x278: {  	[sflag:s12] =	ssyncadd.s32 $0xFFFFE000  }
0x279: {  	_ =	swait.ge [sflag:s12], $0x2000  }
0x27a: {  	[sflag:s12] =	ssyncset.done $0x0  }
0x27b: {  	[sflag:s12] =	ssyncadd.s32 $0xFFFFE000  }
0x27c: {  	_ =	swait.ge [sflag:s12], $0x2000  }
0x27d: {  	[sflag:s12] =	ssyncset.done $0x0  }
0x27e: {  	[sflag:s12] =	ssyncadd.s32 $0xFFFFE000  }
0x27f: {  	_ =	swait.ge [sflag:s12], $0x400  }
0x280: {  	p0 =	seq.s32 s17, $0x0;
	[sflag:s12] =	ssyncset.done $0x0  }
0x281: {  	s20 =	simm.s32 @!p0 $0x3;
	[sflag:s12] =	ssyncadd.s32 $0xFFFFFC00  }
0x282: {  	_ =	swait.ge @!p0 [sflag:s20], $0x6400  }
0x283: {  	[sflag:s20] =	ssyncset.done @!p0 $0x0  }
0x284: {  	s21 =	simm.s32 $0x550;
	[sflag:s20] =	ssyncadd.s32 @!p0 $0xFFFF9C00  }
0x285: {  	v3 =	vld [tilespmem:s21+$0xFFFFFF80];
	_ =	sdelay $0x4  }
0x286: {  	v3 =	vmul.f32 v3, v2  }
0x287: {  	s20 =	simm.s32 $0xCD50  }
0x288: {  	[tilespmem:s20+$0xFFFFFF80] =	vst v3  }
0x289: {  	v3 =	vld [tilespmem:s21+$0xFFFFFF90];
	_ =	sdelay $0x4  }
0x28a: {  	v3 =	vmul.f32 v3, v2;
	_ =	sdelay $0x1  }
0x28b: {  	[tilespmem:s20+$0xFFFFFF90] =	vst v3  }
0x28c: {  	v3 =	vld [tilespmem:s21+$0xFFFFFFA0];
	_ =	sdelay $0x4  }
0x28d: {  	v3 =	vmul.f32 v3, v2;
	_ =	sdelay $0x1  }
0x28e: {  	[tilespmem:s20+$0xFFFFFFA0] =	vst v3  }
0x28f: {  	v3 =	vld [tilespmem:s21+$0xFFFFFFB0];
	_ =	sdelay $0x4  }
0x290: {  	v3 =	vmul.f32 v3, v2;
	_ =	sdelay $0x1  }
0x291: {  	[tilespmem:s20+$0xFFFFFFB0] =	vst v3  }
0x292: {  	v3 =	vld [tilespmem:s21+$0xFFFFFFC0];
	_ =	sdelay $0x4  }
0x293: {  	v3 =	vmul.f32 v3, v2;
	_ =	sdelay $0x1  }
0x294: {  	[tilespmem:s20+$0xFFFFFFC0] =	vst v3  }
0x295: {  	v3 =	vld [tilespmem:s21+$0xFFFFFFD0];
	_ =	sdelay $0x4  }
0x296: {  	v3 =	vmul.f32 v3, v2;
	_ =	sdelay $0x1  }
0x297: {  	[tilespmem:s20+$0xFFFFFFD0] =	vst v3  }
0x298: {  	v3 =	vld [tilespmem:s21+$0xFFFFFFE0];
	_ =	sdelay $0x4  }
0x299: {  	v3 =	vmul.f32 v3, v2;
	_ =	sdelay $0x1  }
0x29a: {  	[tilespmem:s20+$0xFFFFFFE0] =	vst v3  }
0x29b: {  	v3 =	vld [tilespmem:s21+$0xFFFFFFF0];
	_ =	sdelay $0x4  }
0x29c: {  	v3 =	vmul.f32 v3, v2;
	_ =	sdelay $0x1  }
0x29d: {  	[tilespmem:s20+$0xFFFFFFF0] =	vst v3  }
0x29e: {  	v3 =	vld [tilespmem:s21+$0x0];
	_ =	sdelay $0x4  }
0x29f: {  	v3 =	vmul.f32 v3, v2;
	_ =	sdelay $0x1  }
0x2a0: {  	[tilespmem:s20+$0x0] =	vst v3  }
0x2a1: {  	v3 =	vld [tilespmem:s21+$0x10];
	_ =	sdelay $0x4  }
0x2a2: {  	v3 =	vmul.f32 v3, v2;
	_ =	sdelay $0x1  }
0x2a3: {  	[tilespmem:s20+$0x10] =	vst v3  }
0x2a4: {  	v3 =	vld [tilespmem:s21+$0x20];
	_ =	sdelay $0x4  }
0x2a5: {  	v3 =	vmul.f32 v3, v2;
	_ =	sdelay $0x1  }
0x2a6: {  	[tilespmem:s20+$0x20] =	vst v3  }
0x2a7: {  	v3 =	vld [tilespmem:s21+$0x30];
	_ =	sdelay $0x4  }
0x2a8: {  	v3 =	vmul.f32 v3, v2;
	_ =	sdelay $0x1  }
0x2a9: {  	[tilespmem:s20+$0x30] =	vst v3  }
0x2aa: {  	v3 =	vld [tilespmem:s21+$0x40];
	_ =	sdelay $0x4  }
0x2ab: {  	v3 =	vmul.f32 v3, v2;
	_ =	sdelay $0x1  }
0x2ac: {  	[tilespmem:s20+$0x40] =	vst v3  }
0x2ad: {  	v3 =	vld [tilespmem:s21+$0x50];
	_ =	sdelay $0x4  }
0x2ae: {  	v3 =	vmul.f32 v3, v2;
	_ =	sdelay $0x1  }
0x2af: {  	[tilespmem:s20+$0x50] =	vst v3  }
0x2b0: {  	v3 =	vld [tilespmem:s21+$0x60];
	_ =	sdelay $0x4  }
0x2b1: {  	v3 =	vmul.f32 v3, v2;
	_ =	sdelay $0x1  }
0x2b2: {  	[tilespmem:s20+$0x60] =	vst v3  }
0x2b3: {  	v3 =	vld [tilespmem:s21+$0x70];
	_ =	sdelay $0x4  }
0x2b4: {  	v3 =	vmul.f32 v3, v2;
	_ =	sdelay $0x1  }
0x2b5: {  	s23 =	simm.s32 $0x650;
	s21 =	simm.s32 $0x0;
	[tilespmem:s20+$0x70] =	vst v3  }
.LBB2_7:
0x2b6: {  	v3 =	vld [tilespmem:s23+$0xFFFFFF80];
	s21 =	sadd.s32 $0x4, s21  }
0x2b7: {  	p1 =	slt.u32 s21, $0x18C;
	_ =	sdelay $0x3  }
0x2b8: {  	v3 =	vmul.f32 v3, v2  }
0x2b9: {  	s20 =	sadd.s32 $0x100, s20  }
0x2ba: {  	[tilespmem:s20+$0xFFFFFF80] =	vst v3  }
0x2bb: {  	v3 =	vld [tilespmem:s23+$0xFFFFFF90];
	_ =	sdelay $0x4  }
0x2bc: {  	v3 =	vmul.f32 v3, v2;
	_ =	sdelay $0x1  }
0x2bd: {  	[tilespmem:s20+$0xFFFFFF90] =	vst v3  }
0x2be: {  	v3 =	vld [tilespmem:s23+$0xFFFFFFA0];
	_ =	sdelay $0x4  }
0x2bf: {  	v3 =	vmul.f32 v3, v2;
	_ =	sdelay $0x1  }
0x2c0: {  	[tilespmem:s20+$0xFFFFFFA0] =	vst v3  }
0x2c1: {  	v3 =	vld [tilespmem:s23+$0xFFFFFFB0];
	_ =	sdelay $0x4  }
0x2c2: {  	v3 =	vmul.f32 v3, v2;
	_ =	sdelay $0x1  }
0x2c3: {  	[tilespmem:s20+$0xFFFFFFB0] =	vst v3  }
0x2c4: {  	v3 =	vld [tilespmem:s23+$0xFFFFFFC0];
	_ =	sdelay $0x4  }
0x2c5: {  	v3 =	vmul.f32 v3, v2;
	_ =	sdelay $0x1  }
0x2c6: {  	[tilespmem:s20+$0xFFFFFFC0] =	vst v3  }
0x2c7: {  	v3 =	vld [tilespmem:s23+$0xFFFFFFD0];
	_ =	sdelay $0x4  }
0x2c8: {  	v3 =	vmul.f32 v3, v2;
	_ =	sdelay $0x1  }
0x2c9: {  	[tilespmem:s20+$0xFFFFFFD0] =	vst v3  }
0x2ca: {  	v3 =	vld [tilespmem:s23+$0xFFFFFFE0];
	_ =	sdelay $0x4  }
0x2cb: {  	v3 =	vmul.f32 v3, v2;
	_ =	sdelay $0x1  }
0x2cc: {  	[tilespmem:s20+$0xFFFFFFE0] =	vst v3  }
0x2cd: {  	v3 =	vld [tilespmem:s23+$0xFFFFFFF0];
	_ =	sdelay $0x4  }
0x2ce: {  	v3 =	vmul.f32 v3, v2;
	_ =	sdelay $0x1  }
0x2cf: {  	[tilespmem:s20+$0xFFFFFFF0] =	vst v3  }
0x2d0: {  	v3 =	vld [tilespmem:s23+$0x0];
	_ =	sdelay $0x4  }
0x2d1: {  	v3 =	vmul.f32 v3, v2;
	_ =	sdelay $0x1  }
0x2d2: {  	[tilespmem:s20+$0x0] =	vst v3  }
0x2d3: {  	v3 =	vld [tilespmem:s23+$0x10];
	_ =	sdelay $0x4  }
0x2d4: {  	v3 =	vmul.f32 v3, v2;
	_ =	sdelay $0x1  }
0x2d5: {  	[tilespmem:s20+$0x10] =	vst v3  }
0x2d6: {  	v3 =	vld [tilespmem:s23+$0x20];
	_ =	sdelay $0x4  }
0x2d7: {  	v3 =	vmul.f32 v3, v2;
	_ =	sdelay $0x1  }
0x2d8: {  	[tilespmem:s20+$0x20] =	vst v3  }
0x2d9: {  	v3 =	vld [tilespmem:s23+$0x30];
	_ =	sdelay $0x4  }
0x2da: {  	v3 =	vmul.f32 v3, v2;
	_ =	sdelay $0x1  }
0x2db: {  	[tilespmem:s20+$0x30] =	vst v3  }
0x2dc: {  	v3 =	vld [tilespmem:s23+$0x40];
	_ =	sdelay $0x4  }
0x2dd: {  	v3 =	vmul.f32 v3, v2;
	_ =	sdelay $0x1  }
0x2de: {  	[tilespmem:s20+$0x40] =	vst v3  }
0x2df: {  	v3 =	vld [tilespmem:s23+$0x50];
	_ =	sdelay $0x4  }
0x2e0: {  	v3 =	vmul.f32 v3, v2;
	_ =	sdelay $0x1  }
0x2e1: {  	[tilespmem:s20+$0x50] =	vst v3  }
0x2e2: {  	v3 =	vld [tilespmem:s23+$0x60];
	_ =	sdelay $0x4  }
0x2e3: {  	v3 =	vmul.f32 v3, v2;
	_ =	sdelay $0x1  }
0x2e4: {  	[tilespmem:s20+$0x60] =	vst v3  }
0x2e5: {  	v3 =	vld [tilespmem:s23+$0x70];
	_ =	sdelay $0x2  }
.Ltmp2:
0x2e6: {  	(pc) =	sbr.rel @p1 .LBB2_7-.Ltmp2, $3  }
0x2e7: {  	_ = 	snop  }
0x2e8: {  	v3 =	vmul.f32 v3, v2;
	_ =	sdelay $0x1  }
0x2e9: {  	s23 =	sadd.s32 $0x100, s23;
	[tilespmem:s20+$0x70] =	vst v3  }
0x2ea: {  	p1 =	seq.s32 s17, $0x1F  }
.Ltmp3:
0x2eb: {  	s20 =	sadd.s32 s7, s19;
	(pc) =	sbr.rel @p1 .LBB2_12-.Ltmp3, $3  }
0x2ec: {  	s20 =	smul.u32 $0x640, s20;
	_ =	sdelay $0x1  }
0x2ed: {  	s20 =	sadd.s32 s2, s20  }
0x2ee: {  	[hbm4b:s20+s3] =	stream.linear.scatter [tilespmem:s6], [sflag:$0x3], $0x6400, $0x38;
	[tilespmem:$0x194E0] =	vst v63  }
0x2ef: {  	s19 =	sadd.s32 s19, s9  }
0x2f0: {  	s19 =	smul.u32 $0x19, s19;
	_ =	sdelay $0x1  }
0x2f1: {  	s20 =	sadd.s32 s4, s19;
	s19 =	simm.s32 $0x0  }
0x2f2: {  	[tilespmem:s14], [sflag:$0x5] =	stream.linear.gather [hbm4b:s20+s19], $0x190, $0x38;
	[tilespmem:$0x194E0] =	vst v63  }
0x2f3: {  	_ =	swait.ge [sflag:s13], $0x190  }
0x2f4: {  	[sflag:s13] =	ssyncset.done $0x0  }
0x2f5: {  	p1 =	por $0x1, $0x1;
	[sflag:s13] =	ssyncadd.s32 $0xFFFFFE70  }
.LBB2_10:
0x2f6: {  	v3 =	vld [tilespmem:s19+$0x8]  }
0x2f7: {  	v4 =	vld [tilespmem:s19+$0x7]  }
0x2f8: {  	v5 =	vld [tilespmem:s19+$0x6];
	_ =	sdelay $0x3  }
0x2f9: {  	v3 =	vmul.u32 $0x8DD9, v3;
	v4 =	vmul.u32 $0x6A37, v4  }
0x2fa: {  	v5 =	vmul.u32 $0xC9BF, v5  }
0x2fb: {  	v3 =	vxor.u32 v3, v4  }
0x2fc: {  	v4 =	vxor.u32 v5, v3;
	v24 =	vshra.s32 v3, $0x14  }
0x2fd: {  	v5 =	vmul.u32 $0xBDC1, v24;
	v6 =	vshra.s32 v4, $0x14  }
0x2fe: {  	v3 =	vand.u32 $0xFFFFF, v3;
	v6 =	vmul.u32 $0xBDC1, v6  }
0x2ff: {  	v4 =	vand.u32 $0xFFFFF, v4;
	v3 =	vadd.s32 v3, v5  }
0x300: {  	v5 =	vshra.s32 v3, $0x14;
	v4 =	vadd.s32 v4, v6  }
0x301: {  	v5 =	vmul.u32 $0xBDC1, v5;
	v6 =	vshra.s32 v4, $0x14  }
0x302: {  	v3 =	vand.u32 $0xFFFFF, v3;
	v6 =	vmul.u32 $0xBDC1, v6  }
0x303: {  	v4 =	vand.u32 $0xFFFFF, v4;
	v3 =	vadd.s32 v3, v5  }
0x304: {  	v5 =	vshra.s32 v3, $0x14;
	v4 =	vadd.s32 v4, v6  }
0x305: {  	v5 =	vmul.u32 $0xBDC1, v5;
	v6 =	vshra.s32 v4, $0x14  }
0x306: {  	v3 =	vand.u32 $0xFFFFF, v3;
	v6 =	vmul.u32 $0xBDC1, v6  }
0x307: {  	v4 =	vand.u32 $0xFFFFF, v4;
	v3 =	vadd.s32 v3, v5  }
0x308: {  	vm1 =	vlt.s32 v3, $0x0;
	v5 =	vadd.s32 $0xF423F, v3;
	v4 =	vadd.s32 v4, v6  }
0x309: {  	v3 =	vsel vm1, v5, v3;
	vm1 =	vlt.s32 v4, $0x0;
	v25 =	vadd.s32 $0xF423F, v4  }
0x30a: {  	vm2 =	vgt.s32 v3, $0xF423E;
	v4 =	vsel vm1, v25, v4  }
0x30b: {  	v26 =	vadd.s32 $0xFFF0BDC1, v3;
	vm1 =	vgt.s32 v4, $0xF423E;
	v27 =	vadd.s32 $0xFFF0BDC1, v4  }
0x30c: {  	v3 =	vsel vm2, v26, v3;
	v4 =	vsel vm1, v27, v4  }
0x30d: {  	vm1 =	veq.s32 v1, $0x0;
	v3 =	vsel vm0, v4, v3  }
0x30e: {  	v28 =	vld [tilespmem:s19+$0x17];
	v3 =	vsel vm1, $0xF423F, v3  }
0x30f: {  	[tilespmem:s19+$0x1A0] =	vst v3;
	v3 =	vld [tilespmem:s19+$0x18]  }
0x310: {  	v29 =	vld [tilespmem:s19+$0x16];
	_ =	sdelay $0x3  }
0x311: {  	v4 =	vmul.u32 $0x6A37, v28;
	v3 =	vmul.u32 $0x8DD9, v3  }
0x312: {  	v5 =	vmul.u32 $0xC9BF, v29  }
0x313: {  	v3 =	vxor.u32 v3, v4  }
0x314: {  	v3 =	vxor.u32 v5, v3  }
0x315: {  	v30 =	vshra.s32 v3, $0x14  }
0x316: {  	v4 =	vmul.u32 $0xBDC1, v30  }
0x317: {  	v3 =	vand.u32 $0xFFFFF, v3  }
0x318: {  	v3 =	vadd.s32 v3, v4  }
0x319: {  	v4 =	vshra.s32 v3, $0x14  }
0x31a: {  	v4 =	vmul.u32 $0xBDC1, v4  }
0x31b: {  	v3 =	vand.u32 $0xFFFFF, v3  }
0x31c: {  	v3 =	vadd.s32 v3, v4  }
0x31d: {  	v4 =	vshra.s32 v3, $0x14  }
0x31e: {  	v4 =	vmul.u32 $0xBDC1, v4  }
0x31f: {  	v3 =	vand.u32 $0xFFFFF, v3  }
0x320: {  	v3 =	vadd.s32 v3, v4  }
0x321: {  	vm1 =	vlt.s32 v3, $0x0;
	v4 =	vadd.s32 $0xF423F, v3  }
0x322: {  	v3 =	vsel vm1, v4, v3  }
0x323: {  	vm1 =	vgt.s32 v3, $0xF423E;
	v4 =	vadd.s32 $0xFFF0BDC1, v3  }
0x324: {  	v31 =	vld [tilespmem:s19+$0x27];
	v3 =	vsel vm1, v4, v3  }
0x325: {  	[tilespmem:s19+$0x1B0] =	vst v3;
	v3 =	vld [tilespmem:s19+$0x28]  }
0x326: {  	v32 =	vld [tilespmem:s19+$0x26];
	_ =	sdelay $0x3  }
0x327: {  	v4 =	vmul.u32 $0x6A37, v31;
	v3 =	vmul.u32 $0x8DD9, v3  }
0x328: {  	v5 =	vmul.u32 $0xC9BF, v32  }
0x329: {  	v3 =	vxor.u32 v3, v4  }
0x32a: {  	v3 =	vxor.u32 v5, v3  }
0x32b: {  	v33 =	vshra.s32 v3, $0x14  }
0x32c: {  	v4 =	vmul.u32 $0xBDC1, v33  }
0x32d: {  	v3 =	vand.u32 $0xFFFFF, v3  }
0x32e: {  	v3 =	vadd.s32 v3, v4  }
0x32f: {  	v4 =	vshra.s32 v3, $0x14  }
0x330: {  	v4 =	vmul.u32 $0xBDC1, v4  }
0x331: {  	v3 =	vand.u32 $0xFFFFF, v3  }
0x332: {  	v3 =	vadd.s32 v3, v4  }
0x333: {  	v4 =	vshra.s32 v3, $0x14  }
0x334: {  	v4 =	vmul.u32 $0xBDC1, v4  }
0x335: {  	v3 =	vand.u32 $0xFFFFF, v3  }
0x336: {  	v3 =	vadd.s32 v3, v4  }
0x337: {  	vm1 =	vlt.s32 v3, $0x0;
	v4 =	vadd.s32 $0xF423F, v3  }
0x338: {  	v3 =	vsel vm1, v4, v3  }
0x339: {  	vm1 =	vgt.s32 v3, $0xF423E;
	v4 =	vadd.s32 $0xFFF0BDC1, v3  }
0x33a: {  	v34 =	vld [tilespmem:s19+$0x37];
	v3 =	vsel vm1, v4, v3  }
0x33b: {  	[tilespmem:s19+$0x1C0] =	vst v3;
	v3 =	vld [tilespmem:s19+$0x38]  }
0x33c: {  	v35 =	vld [tilespmem:s19+$0x36];
	_ =	sdelay $0x3  }
0x33d: {  	v4 =	vmul.u32 $0x6A37, v34;
	v3 =	vmul.u32 $0x8DD9, v3  }
0x33e: {  	v5 =	vmul.u32 $0xC9BF, v35  }
0x33f: {  	v3 =	vxor.u32 v3, v4  }
0x340: {  	v3 =	vxor.u32 v5, v3  }
0x341: {  	v36 =	vshra.s32 v3, $0x14  }
0x342: {  	v4 =	vmul.u32 $0xBDC1, v36  }
0x343: {  	v3 =	vand.u32 $0xFFFFF, v3  }
0x344: {  	v3 =	vadd.s32 v3, v4  }
0x345: {  	v4 =	vshra.s32 v3, $0x14  }
0x346: {  	v4 =	vmul.u32 $0xBDC1, v4  }
0x347: {  	v3 =	vand.u32 $0xFFFFF, v3  }
0x348: {  	v3 =	vadd.s32 v3, v4  }
0x349: {  	v4 =	vshra.s32 v3, $0x14  }
0x34a: {  	v4 =	vmul.u32 $0xBDC1, v4  }
0x34b: {  	v3 =	vand.u32 $0xFFFFF, v3  }
0x34c: {  	v3 =	vadd.s32 v3, v4  }
0x34d: {  	vm1 =	vlt.s32 v3, $0x0;
	v4 =	vadd.s32 $0xF423F, v3  }
0x34e: {  	v3 =	vsel vm1, v4, v3  }
0x34f: {  	vm1 =	vgt.s32 v3, $0xF423E;
	v4 =	vadd.s32 $0xFFF0BDC1, v3  }
0x350: {  	v37 =	vld [tilespmem:s19+$0x47];
	v3 =	vsel vm1, v4, v3  }
0x351: {  	[tilespmem:s19+$0x1D0] =	vst v3;
	v3 =	vld [tilespmem:s19+$0x48]  }
0x352: {  	v38 =	vld [tilespmem:s19+$0x46];
	_ =	sdelay $0x3  }
0x353: {  	v4 =	vmul.u32 $0x6A37, v37;
	v3 =	vmul.u32 $0x8DD9, v3  }
0x354: {  	v5 =	vmul.u32 $0xC9BF, v38  }
0x355: {  	v3 =	vxor.u32 v3, v4  }
0x356: {  	v3 =	vxor.u32 v5, v3  }
0x357: {  	v39 =	vshra.s32 v3, $0x14  }
0x358: {  	v4 =	vmul.u32 $0xBDC1, v39  }
0x359: {  	v3 =	vand.u32 $0xFFFFF, v3  }
0x35a: {  	v3 =	vadd.s32 v3, v4  }
0x35b: {  	v4 =	vshra.s32 v3, $0x14  }
0x35c: {  	v4 =	vmul.u32 $0xBDC1, v4  }
0x35d: {  	v3 =	vand.u32 $0xFFFFF, v3  }
0x35e: {  	v3 =	vadd.s32 v3, v4  }
0x35f: {  	v4 =	vshra.s32 v3, $0x14  }
0x360: {  	v4 =	vmul.u32 $0xBDC1, v4  }
0x361: {  	v3 =	vand.u32 $0xFFFFF, v3  }
0x362: {  	v3 =	vadd.s32 v3, v4  }
0x363: {  	vm1 =	vlt.s32 v3, $0x0;
	v4 =	vadd.s32 $0xF423F, v3  }
0x364: {  	v3 =	vsel vm1, v4, v3  }
0x365: {  	vm1 =	vgt.s32 v3, $0xF423E;
	v4 =	vadd.s32 $0xFFF0BDC1, v3  }
0x366: {  	v40 =	vld [tilespmem:s19+$0x57];
	v3 =	vsel vm1, v4, v3  }
0x367: {  	[tilespmem:s19+$0x1E0] =	vst v3;
	v3 =	vld [tilespmem:s19+$0x58]  }
0x368: {  	v41 =	vld [tilespmem:s19+$0x56];
	_ =	sdelay $0x3  }
0x369: {  	v4 =	vmul.u32 $0x6A37, v40;
	v3 =	vmul.u32 $0x8DD9, v3  }
0x36a: {  	v5 =	vmul.u32 $0xC9BF, v41  }
0x36b: {  	v3 =	vxor.u32 v3, v4  }
0x36c: {  	v3 =	vxor.u32 v5, v3  }
0x36d: {  	v42 =	vshra.s32 v3, $0x14  }
0x36e: {  	v4 =	vmul.u32 $0xBDC1, v42  }
0x36f: {  	v3 =	vand.u32 $0xFFFFF, v3  }
0x370: {  	v3 =	vadd.s32 v3, v4  }
0x371: {  	v4 =	vshra.s32 v3, $0x14  }
0x372: {  	v4 =	vmul.u32 $0xBDC1, v4  }
0x373: {  	v3 =	vand.u32 $0xFFFFF, v3  }
0x374: {  	v3 =	vadd.s32 v3, v4  }
0x375: {  	v4 =	vshra.s32 v3, $0x14  }
0x376: {  	v4 =	vmul.u32 $0xBDC1, v4  }
0x377: {  	v3 =	vand.u32 $0xFFFFF, v3  }
0x378: {  	v3 =	vadd.s32 v3, v4  }
0x379: {  	vm1 =	vlt.s32 v3, $0x0;
	v4 =	vadd.s32 $0xF423F, v3  }
0x37a: {  	v3 =	vsel vm1, v4, v3  }
0x37b: {  	vm1 =	vgt.s32 v3, $0xF423E;
	v4 =	vadd.s32 $0xFFF0BDC1, v3  }
0x37c: {  	v43 =	vld [tilespmem:s19+$0x67];
	v3 =	vsel vm1, v4, v3  }
0x37d: {  	[tilespmem:s19+$0x1F0] =	vst v3;
	v3 =	vld [tilespmem:s19+$0x68]  }
0x37e: {  	v44 =	vld [tilespmem:s19+$0x66];
	_ =	sdelay $0x3  }
0x37f: {  	v4 =	vmul.u32 $0x6A37, v43;
	v3 =	vmul.u32 $0x8DD9, v3  }
0x380: {  	v5 =	vmul.u32 $0xC9BF, v44  }
0x381: {  	v3 =	vxor.u32 v3, v4  }
0x382: {  	v3 =	vxor.u32 v5, v3  }
0x383: {  	v45 =	vshra.s32 v3, $0x14  }
0x384: {  	v4 =	vmul.u32 $0xBDC1, v45  }
0x385: {  	v3 =	vand.u32 $0xFFFFF, v3  }
0x386: {  	v3 =	vadd.s32 v3, v4  }
0x387: {  	v4 =	vshra.s32 v3, $0x14  }
0x388: {  	v4 =	vmul.u32 $0xBDC1, v4  }
0x389: {  	v3 =	vand.u32 $0xFFFFF, v3  }
0x38a: {  	v3 =	vadd.s32 v3, v4  }
0x38b: {  	v4 =	vshra.s32 v3, $0x14  }
0x38c: {  	v4 =	vmul.u32 $0xBDC1, v4  }
0x38d: {  	v3 =	vand.u32 $0xFFFFF, v3  }
0x38e: {  	v3 =	vadd.s32 v3, v4  }
0x38f: {  	vm1 =	vlt.s32 v3, $0x0;
	v4 =	vadd.s32 $0xF423F, v3  }
0x390: {  	v3 =	vsel vm1, v4, v3  }
0x391: {  	vm1 =	vgt.s32 v3, $0xF423E;
	v4 =	vadd.s32 $0xFFF0BDC1, v3  }
0x392: {  	v46 =	vld [tilespmem:s19+$0x77];
	v3 =	vsel vm1, v4, v3  }
0x393: {  	[tilespmem:s19+$0x200] =	vst v3;
	v3 =	vld [tilespmem:s19+$0x78]  }
0x394: {  	v47 =	vld [tilespmem:s19+$0x76];
	_ =	sdelay $0x3  }
0x395: {  	v4 =	vmul.u32 $0x6A37, v46;
	v3 =	vmul.u32 $0x8DD9, v3  }
0x396: {  	v5 =	vmul.u32 $0xC9BF, v47  }
0x397: {  	v3 =	vxor.u32 v3, v4  }
0x398: {  	v3 =	vxor.u32 v5, v3  }
0x399: {  	v48 =	vshra.s32 v3, $0x14  }
0x39a: {  	v4 =	vmul.u32 $0xBDC1, v48  }
0x39b: {  	v3 =	vand.u32 $0xFFFFF, v3  }
0x39c: {  	v3 =	vadd.s32 v3, v4  }
0x39d: {  	v4 =	vshra.s32 v3, $0x14  }
0x39e: {  	v4 =	vmul.u32 $0xBDC1, v4  }
0x39f: {  	v3 =	vand.u32 $0xFFFFF, v3  }
0x3a0: {  	v3 =	vadd.s32 v3, v4  }
0x3a1: {  	v4 =	vshra.s32 v3, $0x14  }
0x3a2: {  	v4 =	vmul.u32 $0xBDC1, v4  }
0x3a3: {  	v3 =	vand.u32 $0xFFFFF, v3  }
0x3a4: {  	v3 =	vadd.s32 v3, v4  }
0x3a5: {  	vm1 =	vlt.s32 v3, $0x0;
	v4 =	vadd.s32 $0xF423F, v3  }
0x3a6: {  	v3 =	vsel vm1, v4, v3  }
0x3a7: {  	vm1 =	vgt.s32 v3, $0xF423E;
	v4 =	vadd.s32 $0xFFF0BDC1, v3  }
0x3a8: {  	v49 =	vld [tilespmem:s19+$0x87];
	v3 =	vsel vm1, v4, v3  }
0x3a9: {  	[tilespmem:s19+$0x210] =	vst v3;
	v3 =	vld [tilespmem:s19+$0x88]  }
0x3aa: {  	v50 =	vld [tilespmem:s19+$0x86];
	_ =	sdelay $0x3  }
0x3ab: {  	v4 =	vmul.u32 $0x6A37, v49;
	v3 =	vmul.u32 $0x8DD9, v3  }
0x3ac: {  	v5 =	vmul.u32 $0xC9BF, v50  }
0x3ad: {  	v3 =	vxor.u32 v3, v4  }
0x3ae: {  	v3 =	vxor.u32 v5, v3  }
0x3af: {  	v51 =	vshra.s32 v3, $0x14  }
0x3b0: {  	v4 =	vmul.u32 $0xBDC1, v51  }
0x3b1: {  	v3 =	vand.u32 $0xFFFFF, v3  }
0x3b2: {  	v3 =	vadd.s32 v3, v4  }
0x3b3: {  	v4 =	vshra.s32 v3, $0x14  }
0x3b4: {  	v4 =	vmul.u32 $0xBDC1, v4  }
0x3b5: {  	v3 =	vand.u32 $0xFFFFF, v3  }
0x3b6: {  	v3 =	vadd.s32 v3, v4  }
0x3b7: {  	v4 =	vshra.s32 v3, $0x14  }
0x3b8: {  	v4 =	vmul.u32 $0xBDC1, v4  }
0x3b9: {  	v3 =	vand.u32 $0xFFFFF, v3  }
0x3ba: {  	v3 =	vadd.s32 v3, v4  }
0x3bb: {  	vm1 =	vlt.s32 v3, $0x0;
	v4 =	vadd.s32 $0xF423F, v3  }
0x3bc: {  	v3 =	vsel vm1, v4, v3  }
0x3bd: {  	vm1 =	vgt.s32 v3, $0xF423E;
	v4 =	vadd.s32 $0xFFF0BDC1, v3  }
0x3be: {  	v52 =	vld [tilespmem:s19+$0x97];
	v3 =	vsel vm1, v4, v3  }
0x3bf: {  	[tilespmem:s19+$0x220] =	vst v3;
	v3 =	vld [tilespmem:s19+$0x98]  }
0x3c0: {  	v53 =	vld [tilespmem:s19+$0x96];
	_ =	sdelay $0x3  }
0x3c1: {  	v4 =	vmul.u32 $0x6A37, v52;
	v3 =	vmul.u32 $0x8DD9, v3  }
0x3c2: {  	v5 =	vmul.u32 $0xC9BF, v53  }
0x3c3: {  	v3 =	vxor.u32 v3, v4  }
0x3c4: {  	v3 =	vxor.u32 v5, v3  }
0x3c5: {  	v54 =	vshra.s32 v3, $0x14  }
0x3c6: {  	v4 =	vmul.u32 $0xBDC1, v54  }
0x3c7: {  	v3 =	vand.u32 $0xFFFFF, v3  }
0x3c8: {  	v3 =	vadd.s32 v3, v4  }
0x3c9: {  	v4 =	vshra.s32 v3, $0x14  }
0x3ca: {  	v4 =	vmul.u32 $0xBDC1, v4  }
0x3cb: {  	v3 =	vand.u32 $0xFFFFF, v3  }
0x3cc: {  	v3 =	vadd.s32 v3, v4  }
0x3cd: {  	v4 =	vshra.s32 v3, $0x14  }
0x3ce: {  	v4 =	vmul.u32 $0xBDC1, v4  }
0x3cf: {  	v3 =	vand.u32 $0xFFFFF, v3  }
0x3d0: {  	v3 =	vadd.s32 v3, v4  }
0x3d1: {  	vm1 =	vlt.s32 v3, $0x0;
	v4 =	vadd.s32 $0xF423F, v3  }
0x3d2: {  	v3 =	vsel vm1, v4, v3  }
0x3d3: {  	vm1 =	vgt.s32 v3, $0xF423E;
	v4 =	vadd.s32 $0xFFF0BDC1, v3  }
0x3d4: {  	v55 =	vld [tilespmem:s19+$0xA7];
	v3 =	vsel vm1, v4, v3  }
0x3d5: {  	[tilespmem:s19+$0x230] =	vst v3;
	v3 =	vld [tilespmem:s19+$0xA8]  }
0x3d6: {  	v56 =	vld [tilespmem:s19+$0xA6];
	_ =	sdelay $0x3  }
0x3d7: {  	v4 =	vmul.u32 $0x6A37, v55;
	v3 =	vmul.u32 $0x8DD9, v3  }
0x3d8: {  	v5 =	vmul.u32 $0xC9BF, v56  }
0x3d9: {  	v3 =	vxor.u32 v3, v4  }
0x3da: {  	v3 =	vxor.u32 v5, v3  }
0x3db: {  	v57 =	vshra.s32 v3, $0x14  }
0x3dc: {  	v4 =	vmul.u32 $0xBDC1, v57  }
0x3dd: {  	v3 =	vand.u32 $0xFFFFF, v3  }
0x3de: {  	v3 =	vadd.s32 v3, v4  }
0x3df: {  	v4 =	vshra.s32 v3, $0x14  }
0x3e0: {  	v4 =	vmul.u32 $0xBDC1, v4  }
0x3e1: {  	v3 =	vand.u32 $0xFFFFF, v3  }
0x3e2: {  	v3 =	vadd.s32 v3, v4  }
0x3e3: {  	v4 =	vshra.s32 v3, $0x14  }
0x3e4: {  	v4 =	vmul.u32 $0xBDC1, v4  }
0x3e5: {  	v3 =	vand.u32 $0xFFFFF, v3  }
0x3e6: {  	v3 =	vadd.s32 v3, v4  }
0x3e7: {  	vm1 =	vlt.s32 v3, $0x0;
	v4 =	vadd.s32 $0xF423F, v3  }
0x3e8: {  	v3 =	vsel vm1, v4, v3  }
0x3e9: {  	vm1 =	vgt.s32 v3, $0xF423E;
	v4 =	vadd.s32 $0xFFF0BDC1, v3  }
0x3ea: {  	v58 =	vld [tilespmem:s19+$0xB7];
	v3 =	vsel vm1, v4, v3  }
0x3eb: {  	[tilespmem:s19+$0x240] =	vst v3;
	v3 =	vld [tilespmem:s19+$0xB8]  }
0x3ec: {  	v59 =	vld [tilespmem:s19+$0xB6];
	_ =	sdelay $0x3  }
0x3ed: {  	v4 =	vmul.u32 $0x6A37, v58;
	v3 =	vmul.u32 $0x8DD9, v3  }
0x3ee: {  	v5 =	vmul.u32 $0xC9BF, v59  }
0x3ef: {  	v3 =	vxor.u32 v3, v4  }
0x3f0: {  	v3 =	vxor.u32 v5, v3  }
0x3f1: {  	v60 =	vshra.s32 v3, $0x14  }
0x3f2: {  	v4 =	vmul.u32 $0xBDC1, v60  }
0x3f3: {  	v3 =	vand.u32 $0xFFFFF, v3  }
0x3f4: {  	v3 =	vadd.s32 v3, v4  }
0x3f5: {  	v4 =	vshra.s32 v3, $0x14  }
0x3f6: {  	v4 =	vmul.u32 $0xBDC1, v4  }
0x3f7: {  	v3 =	vand.u32 $0xFFFFF, v3  }
0x3f8: {  	v3 =	vadd.s32 v3, v4  }
0x3f9: {  	v4 =	vshra.s32 v3, $0x14  }
0x3fa: {  	v4 =	vmul.u32 $0xBDC1, v4  }
0x3fb: {  	v3 =	vand.u32 $0xFFFFF, v3  }
0x3fc: {  	v3 =	vadd.s32 v3, v4  }
0x3fd: {  	vm1 =	vlt.s32 v3, $0x0;
	v4 =	vadd.s32 $0xF423F, v3  }
0x3fe: {  	v3 =	vsel vm1, v4, v3  }
0x3ff: {  	vm1 =	vgt.s32 v3, $0xF423E;
	v4 =	vadd.s32 $0xFFF0BDC1, v3  }
0x400: {  	v61 =	vld [tilespmem:s19+$0xC7];
	v3 =	vsel vm1, v4, v3  }
0x401: {  	[tilespmem:s19+$0x250] =	vst v3;
	v3 =	vld [tilespmem:s19+$0xC8]  }
0x402: {  	v62 =	vld [tilespmem:s19+$0xC6];
	_ =	sdelay $0x3  }
0x403: {  	v4 =	vmul.u32 $0x6A37, v61;
	v3 =	vmul.u32 $0x8DD9, v3  }
0x404: {  	v5 =	vmul.u32 $0xC9BF, v62  }
0x405: {  	v3 =	vxor.u32 v3, v4  }
0x406: {  	v3 =	vxor.u32 v5, v3  }
0x407: {  	v63 =	vshra.s32 v3, $0x14  }
0x408: {  	v4 =	vmul.u32 $0xBDC1, v63  }
0x409: {  	v3 =	vand.u32 $0xFFFFF, v3  }
0x40a: {  	v3 =	vadd.s32 v3, v4  }
0x40b: {  	v4 =	vshra.s32 v3, $0x14  }
0x40c: {  	v4 =	vmul.u32 $0xBDC1, v4  }
0x40d: {  	v3 =	vand.u32 $0xFFFFF, v3  }
0x40e: {  	v3 =	vadd.s32 v3, v4  }
0x40f: {  	v4 =	vshra.s32 v3, $0x14  }
0x410: {  	v4 =	vmul.u32 $0xBDC1, v4  }
0x411: {  	v3 =	vand.u32 $0xFFFFF, v3  }
0x412: {  	p2 =	por p1, p1;
	v3 =	vadd.s32 v3, v4  }
.Ltmp4:
0x413: {  	vm1 =	vlt.s32 v3, $0x0;
	v4 =	vadd.s32 $0xF423F, v3;
	(pc) =	sbr.rel @p2 .LBB2_10-.Ltmp4, $4  }
0x414: {  	v3 =	vsel vm1, v4, v3  }
0x415: {  	vm1 =	vgt.s32 v3, $0xF423E;
	v4 =	vadd.s32 $0xFFF0BDC1, v3  }
0x416: {  	v3 =	vsel vm1, v4, v3  }
0x417: {  	p1 =	por $0x0, $0x0;
	[tilespmem:s19+$0x260] =	vst v3;
	s19 =	simm.s32 $0xC8  }
0x418: {  	s19 =	simm.s32 $0x1A0;
	s20 =	simm.s32 $0x4D0  }
0x419: {  	[tilespmem:s20], [sflag:$0x1] =	stream.indirect.gather [hbm4b:s5+s15], $0x40, s19, s15, $0xb8;
	[tilespmem:$0x194E0] =	vst v63  }
0x41a: {  	s21 =	simm.s32 $0x220;
	s23 =	simm.s32 $0x24D0  }
0x41b: {  	[tilespmem:s23], [sflag:$0x1] =	stream.indirect.gather [hbm4b:s5+s15], $0x40, s21, s15, $0xb8;
	[tilespmem:$0x194E0] =	vst v63  }
0x41c: {  	s20 =	simm.s32 $0x2A0;
	s21 =	simm.s32 $0x44D0  }
0x41d: {  	[tilespmem:s21], [sflag:$0x1] =	stream.indirect.gather [hbm4b:s5+s15], $0x40, s20, s15, $0xb8;
	[tilespmem:$0x194E0] =	vst v63  }
0x41e: {  	s23 =	simm.s32 $0x320  }
0x41f: {  	[tilespmem:s24], [sflag:$0x1] =	stream.indirect.gather [hbm4b:s5+s22], $0x40, s23, s22, $0xb8;
	[tilespmem:$0x194E0] =	vst v63  }
.LBB2_12:
0x420: {  	_ =	swait.ge [sflag:s8], $0x2000  }
0x421: {  	[sflag:s8] =	ssyncset.done $0x0  }
0x422: {  	[sflag:s8] =	ssyncadd.s32 $0xFFFFE000  }
0x423: {  	_ =	swait.ge [sflag:s8], $0x2000  }
0x424: {  	[sflag:s8] =	ssyncset.done $0x0  }
0x425: {  	[sflag:s8] =	ssyncadd.s32 $0xFFFFE000  }
0x426: {  	_ =	swait.ge [sflag:s8], $0x2000  }
0x427: {  	[sflag:s8] =	ssyncset.done $0x0  }
0x428: {  	[sflag:s8] =	ssyncadd.s32 $0xFFFFE000  }
0x429: {  	_ =	swait.ge [sflag:s8], $0x400  }
0x42a: {  	[sflag:s8] =	ssyncset.done $0x0  }
0x42b: {  	s19 =	simm.s32 @!p0 $0x4;
	[sflag:s8] =	ssyncadd.s32 $0xFFFFFC00  }
0x42c: {  	_ =	swait.ge @!p0 [sflag:s19], $0x6400  }
0x42d: {  	[sflag:s19] =	ssyncset.done @!p0 $0x0  }
0x42e: {  	s20 =	simm.s32 $0x6950;
	[sflag:s19] =	ssyncadd.s32 @!p0 $0xFFFF9C00  }
0x42f: {  	v3 =	vld [tilespmem:s20+$0xFFFFFF80];
	_ =	sdelay $0x4  }
0x430: {  	v3 =	vmul.f32 v3, v2  }
0x431: {  	s19 =	simm.s32 $0x13150  }
0x432: {  	[tilespmem:s19+$0xFFFFFF80] =	vst v3  }
0x433: {  	v3 =	vld [tilespmem:s20+$0xFFFFFF90];
	_ =	sdelay $0x4  }
0x434: {  	v3 =	vmul.f32 v3, v2;
	_ =	sdelay $0x1  }
0x435: {  	[tilespmem:s19+$0xFFFFFF90] =	vst v3  }
0x436: {  	v3 =	vld [tilespmem:s20+$0xFFFFFFA0];
	_ =	sdelay $0x4  }
0x437: {  	v3 =	vmul.f32 v3, v2;
	_ =	sdelay $0x1  }
0x438: {  	[tilespmem:s19+$0xFFFFFFA0] =	vst v3  }
0x439: {  	v3 =	vld [tilespmem:s20+$0xFFFFFFB0];
	_ =	sdelay $0x4  }
0x43a: {  	v3 =	vmul.f32 v3, v2;
	_ =	sdelay $0x1  }
0x43b: {  	[tilespmem:s19+$0xFFFFFFB0] =	vst v3  }
0x43c: {  	v3 =	vld [tilespmem:s20+$0xFFFFFFC0];
	_ =	sdelay $0x4  }
0x43d: {  	v3 =	vmul.f32 v3, v2;
	_ =	sdelay $0x1  }
0x43e: {  	[tilespmem:s19+$0xFFFFFFC0] =	vst v3  }
0x43f: {  	v3 =	vld [tilespmem:s20+$0xFFFFFFD0];
	_ =	sdelay $0x4  }
0x440: {  	v3 =	vmul.f32 v3, v2;
	_ =	sdelay $0x1  }
0x441: {  	[tilespmem:s19+$0xFFFFFFD0] =	vst v3  }
0x442: {  	v3 =	vld [tilespmem:s20+$0xFFFFFFE0];
	_ =	sdelay $0x4  }
0x443: {  	v3 =	vmul.f32 v3, v2;
	_ =	sdelay $0x1  }
0x444: {  	[tilespmem:s19+$0xFFFFFFE0] =	vst v3  }
0x445: {  	v3 =	vld [tilespmem:s20+$0xFFFFFFF0];
	_ =	sdelay $0x4  }
0x446: {  	v3 =	vmul.f32 v3, v2;
	_ =	sdelay $0x1  }
0x447: {  	[tilespmem:s19+$0xFFFFFFF0] =	vst v3  }
0x448: {  	v3 =	vld [tilespmem:s20+$0x0];
	_ =	sdelay $0x4  }
0x449: {  	v3 =	vmul.f32 v3, v2;
	_ =	sdelay $0x1  }
0x44a: {  	[tilespmem:s19+$0x0] =	vst v3  }
0x44b: {  	v3 =	vld [tilespmem:s20+$0x10];
	_ =	sdelay $0x4  }
0x44c: {  	v3 =	vmul.f32 v3, v2;
	_ =	sdelay $0x1  }
0x44d: {  	[tilespmem:s19+$0x10] =	vst v3  }
0x44e: {  	v3 =	vld [tilespmem:s20+$0x20];
	_ =	sdelay $0x4  }
0x44f: {  	v3 =	vmul.f32 v3, v2;
	_ =	sdelay $0x1  }
0x450: {  	[tilespmem:s19+$0x20] =	vst v3  }
0x451: {  	v3 =	vld [tilespmem:s20+$0x30];
	_ =	sdelay $0x4  }
0x452: {  	v3 =	vmul.f32 v3, v2;
	_ =	sdelay $0x1  }
0x453: {  	[tilespmem:s19+$0x30] =	vst v3  }
0x454: {  	v3 =	vld [tilespmem:s20+$0x40];
	_ =	sdelay $0x4  }
0x455: {  	v3 =	vmul.f32 v3, v2;
	_ =	sdelay $0x1  }
0x456: {  	[tilespmem:s19+$0x40] =	vst v3  }
0x457: {  	v3 =	vld [tilespmem:s20+$0x50];
	_ =	sdelay $0x4  }
0x458: {  	v3 =	vmul.f32 v3, v2;
	_ =	sdelay $0x1  }
0x459: {  	[tilespmem:s19+$0x50] =	vst v3  }
0x45a: {  	v3 =	vld [tilespmem:s20+$0x60];
	_ =	sdelay $0x4  }
0x45b: {  	v3 =	vmul.f32 v3, v2;
	_ =	sdelay $0x1  }
0x45c: {  	[tilespmem:s19+$0x60] =	vst v3  }
0x45d: {  	v3 =	vld [tilespmem:s20+$0x70];
	_ =	sdelay $0x4  }
0x45e: {  	v3 =	vmul.f32 v3, v2;
	_ =	sdelay $0x1  }
0x45f: {  	s21 =	simm.s32 $0x6A50;
	s20 =	simm.s32 $0x0;
	[tilespmem:s19+$0x70] =	vst v3  }
.LBB2_13:
0x460: {  	v3 =	vld [tilespmem:s21+$0xFFFFFF80];
	s20 =	sadd.s32 $0x4, s20  }
0x461: {  	p0 =	slt.u32 s20, $0x18C;
	_ =	sdelay $0x3  }
0x462: {  	v3 =	vmul.f32 v3, v2  }
0x463: {  	s19 =	sadd.s32 $0x100, s19  }
0x464: {  	[tilespmem:s19+$0xFFFFFF80] =	vst v3  }
0x465: {  	v3 =	vld [tilespmem:s21+$0xFFFFFF90];
	_ =	sdelay $0x4  }
0x466: {  	v3 =	vmul.f32 v3, v2;
	_ =	sdelay $0x1  }
0x467: {  	[tilespmem:s19+$0xFFFFFF90] =	vst v3  }
0x468: {  	v3 =	vld [tilespmem:s21+$0xFFFFFFA0];
	_ =	sdelay $0x4  }
0x469: {  	v3 =	vmul.f32 v3, v2;
	_ =	sdelay $0x1  }
0x46a: {  	[tilespmem:s19+$0xFFFFFFA0] =	vst v3  }
0x46b: {  	v3 =	vld [tilespmem:s21+$0xFFFFFFB0];
	_ =	sdelay $0x4  }
0x46c: {  	v3 =	vmul.f32 v3, v2;
	_ =	sdelay $0x1  }
0x46d: {  	[tilespmem:s19+$0xFFFFFFB0] =	vst v3  }
0x46e: {  	v3 =	vld [tilespmem:s21+$0xFFFFFFC0];
	_ =	sdelay $0x4  }
0x46f: {  	v3 =	vmul.f32 v3, v2;
	_ =	sdelay $0x1  }
0x470: {  	[tilespmem:s19+$0xFFFFFFC0] =	vst v3  }
0x471: {  	v3 =	vld [tilespmem:s21+$0xFFFFFFD0];
	_ =	sdelay $0x4  }
0x472: {  	v3 =	vmul.f32 v3, v2;
	_ =	sdelay $0x1  }
0x473: {  	[tilespmem:s19+$0xFFFFFFD0] =	vst v3  }
0x474: {  	v3 =	vld [tilespmem:s21+$0xFFFFFFE0];
	_ =	sdelay $0x4  }
0x475: {  	v3 =	vmul.f32 v3, v2;
	_ =	sdelay $0x1  }
0x476: {  	[tilespmem:s19+$0xFFFFFFE0] =	vst v3  }
0x477: {  	v3 =	vld [tilespmem:s21+$0xFFFFFFF0];
	_ =	sdelay $0x4  }
0x478: {  	v3 =	vmul.f32 v3, v2;
	_ =	sdelay $0x1  }
0x479: {  	[tilespmem:s19+$0xFFFFFFF0] =	vst v3  }
0x47a: {  	v3 =	vld [tilespmem:s21+$0x0];
	_ =	sdelay $0x4  }
0x47b: {  	v3 =	vmul.f32 v3, v2;
	_ =	sdelay $0x1  }
0x47c: {  	[tilespmem:s19+$0x0] =	vst v3  }
0x47d: {  	v3 =	vld [tilespmem:s21+$0x10];
	_ =	sdelay $0x4  }
0x47e: {  	v3 =	vmul.f32 v3, v2;
	_ =	sdelay $0x1  }
0x47f: {  	[tilespmem:s19+$0x10] =	vst v3  }
0x480: {  	v3 =	vld [tilespmem:s21+$0x20];
	_ =	sdelay $0x4  }
0x481: {  	v3 =	vmul.f32 v3, v2;
	_ =	sdelay $0x1  }
0x482: {  	[tilespmem:s19+$0x20] =	vst v3  }
0x483: {  	v3 =	vld [tilespmem:s21+$0x30];
	_ =	sdelay $0x4  }
0x484: {  	v3 =	vmul.f32 v3, v2;
	_ =	sdelay $0x1  }
0x485: {  	[tilespmem:s19+$0x30] =	vst v3  }
0x486: {  	v3 =	vld [tilespmem:s21+$0x40];
	_ =	sdelay $0x4  }
0x487: {  	v3 =	vmul.f32 v3, v2;
	_ =	sdelay $0x1  }
0x488: {  	[tilespmem:s19+$0x40] =	vst v3  }
0x489: {  	v3 =	vld [tilespmem:s21+$0x50];
	_ =	sdelay $0x4  }
0x48a: {  	v3 =	vmul.f32 v3, v2;
	_ =	sdelay $0x1  }
0x48b: {  	[tilespmem:s19+$0x50] =	vst v3  }
0x48c: {  	v3 =	vld [tilespmem:s21+$0x60];
	_ =	sdelay $0x4  }
0x48d: {  	v3 =	vmul.f32 v3, v2;
	_ =	sdelay $0x1  }
0x48e: {  	[tilespmem:s19+$0x60] =	vst v3  }
0x48f: {  	v3 =	vld [tilespmem:s21+$0x70];
	_ =	sdelay $0x2  }
.Ltmp5:
0x490: {  	(pc) =	sbr.rel @p0 .LBB2_13-.Ltmp5, $3  }
0x491: {  	_ = 	snop  }
0x492: {  	v3 =	vmul.f32 v3, v2;
	_ =	sdelay $0x1  }
0x493: {  	s21 =	sadd.s32 $0x100, s21;
	[tilespmem:s19+$0x70] =	vst v3  }
0x494: {  	s17 =	sadd.s32 $0x1, s17  }
0x495: {  	p0 =	sne.s32 s17, $0x20  }
.Ltmp6:
0x496: {  	_ = 	snop;
	(pc) =	sbr.rel @p0 .LBB2_4-.Ltmp6, $3  }
0x497: {  	s18 =	smul.u32 $0x640, s18;
	_ =	sdelay $0x1  }
0x498: {  	s18 =	sadd.s32 s2, s18  }
0x499: {  	[hbm4b:s18+s3] =	stream.linear.scatter [tilespmem:s10], [sflag:$0x4], $0x6400, $0x38;
	[tilespmem:$0x194E0] =	vst v63  }
0x49a: {  	s16 =	simm.s32 $0x3  }
0x49b: {  	_ =	swait.ge [sflag:s16], $0x6400  }
0x49c: {  	[sflag:s16] =	ssyncset.done $0x0  }
0x49d: {  	s17 =	simm.s32 $0x4;
	[sflag:s16] =	ssyncadd.s32 $0xFFFF9C00  }
0x49e: {  	_ =	swait.ge [sflag:s17], $0x6400  }
0x49f: {  	s18 =	rddreg [dreg:$0x6]  }
0x4a0: {  	s23 =	rddreg [dreg:$0x5];
	s18 =	sadd.s32 $0x1, s18  }
0x4a1: {  	p0 =	sne.s32 s18, s23  }
.Ltmp7:
0x4a2: {  	_ = 	snop;
	(pc) =	sbr.rel @p0 .LBB2_1-.Ltmp7, $3  }
0x4a3: {  	_ =	sdelay $0x1  }
0x4a4: {  	[sflag:s17] =	ssyncset.done $0x0  }
0x4a5: {  	[sflag:s17] =	ssyncadd.s32 $0xFFFF9C00  }
0x4a6: {  	_ =	sfence.sel $0x180000  }
0x4a7: {  	[bflag:$0x0] =	sbarrier.arrive $0xFFFF  }
0x4a8: {  	_ =	strace $0x90000047  }
0x4a9: {  	s0 =	stileid.u32;
	[bflag:$0x2] =	sbarrier.arrive $0xFFFF  }
0x4aa: {  	p0 =	sne.s32 s0, $0x0;
	s0 =	rddreg [dreg:$0x2]  }
0x4ab: {  	s0 =	sadd.s32 @!p0 $0x100000, s0  }
0x4ac: {  	[sflag:s0] =	ssyncadd.tile.s32 @!p0 $0x1;
	_ =	shalt  }
.Lfunc_end2:
_tile_overlayer_lowered:
.L_overlay_start_2:
0x4ad: {  	(tag) =	ssettag $0x2  }
0x4ae: {  	s0 =	rddreg [dreg:$0x0];
	s2 =	stileid.u32  }
0x4af: {  	s1 =	rddreg [dreg:$0x1];
	p0 =	sne.s32 s2, $0x0  }
0x4b0: {  	s3 =	rddreg [dreg:$0x2];
	[bflag:$0x3] =	sbarrier.arrive $0xFFFF;
	s2 =	simm.s32 @!p0 $0x1C05  }
0x4b1: {  	[timem:s3], [sflag:s2] =	dma.local @!p0 [hbm:s0], s1  }
0x4b2: {  	s0 =	simm.s32 @!p0 $0x5  }
0x4b3: {  	_ =	swait.ge @!p0 [sflag:s0], s1  }
0x4b4: {  	s1 =	ssub.s32 @!p0 $0x0, s1;
	[sflag:s0] =	ssyncset.done @!p0 $0x0  }
0x4b5: {  	[sflag:s0] =	ssyncadd.s32 @!p0 s1  }
0x4b6: {  	[bflag:$0x3] =	sbarrier.arrive $0xFFFF  }
0x4b7: {  	_ =	shalt  }

// kernel: sparse-core-data-format-call.cloned.1.call-start
scs
called_computation_lowered:
.L_overlay_start_0:
0x0: {  	s2 =	sld [smem:$0x3FD9]  }
0x1: {  	s3 =	sld [smem:$0x3FFE];
	_ =	sdelay $0x1  }
0x2: {  	s1 =	srdreg.scid  }
0x3: {  	s0 =	sand.u32 $0x1, s1  }
0x4: {  	s18 =	sshll.u32 s0, $0xA;
	s2 =	sadd.s32 s3, s2  }
0x5: {  	s2 =	sadd.s32 s2, s18  }
0x6: {  	[smem:$0x3FC5] =	sst s2  }
0x7: {  	_ = 	snop  }
0x8: {  	s2 =	sld [smem:$0x3FD0];
	(tm) =	ssettm $0x1  }
0x9: {  	s19 =	sld [smem:$0x3FFB];
	_ =	sdelay $0x3  }
0xa: {  	_ =	strace s19  }
0xb: {  	s3 =	sld [smem:$0x3FFC];
	_ =	sdelay $0x3  }
0xc: {  	_ =	strace s3  }
0xd: {  	s3 =	sld [smem:$0x3FFD];
	_ =	sdelay $0x3  }
0xe: {  	_ =	strace s3  }
0xf: {  	_ =	strace $0x8FFFFFFF  }
0x10: {  	s20 =	sld [smem:$0x3FDB];
	_ =	sdelay $0x1  }
0x11: {  	s4 =	simm.s32 $_scs_section_size  }
0x12: {  	s5 =	simm.s32 $_size__tile_overlayer_lowered;
	s6 =	simm.s32 $_tile_overlayer_lowered  }
0x13: {  	s23 =	simm.s32 $0x1BFF;
	s22 =	sshll.u32 s6, $0x1;
	s3 =	sadd.s32 s4, s20  }
0x14: {  	s7 =	simm.s32 $0x0;
	s21 =	sshll.u32 s5, $0x1;
	s5 =	sadd.s32 s22, s3  }
0x15: {  	[timem:s7], [sflag:s23] =	dma.local [hbm:s5], s21  }
0x16: {  	_ =	swait.ge [sflag:s23], s21  }
0x17: {  	s4 =	ssub.s32 $0x0, s21;
	[sflag:s23] =	ssyncset.done $0x0  }
0x18: {  	[sflag:s23] =	ssyncadd.s32 s4;
	_ =	sdelay $0x1  }
0x19: {  	s24 =	simm.s32 $0x1B8B  }
0x1a: {  	_ =	swait.ge [sflag:s24], $0x1  }
0x1b: {  	[sflag:s24] =	ssyncset.done $0x0  }
0x1c: {  	s26 =	simm.s32 $0x1B8E;
	s25 =	sld [smem:$0x3FFE];
	[sflag:s24] =	ssyncadd.s32 $0xFFFFFFFF  }
0x1d: {  	s27 =	simm.s32 $execute0_lowered;
	[smem:$0x3FD2] =	sst s26  }
0x1e: {  	s5 =	sshll.u32 s27, $0x1;
	_ =	strace $0x80000049;
	[dreg:$0x1] =	wrdreg $0xFFFFFFFF  }
0x1f: {  	s28 =	simm.s32 $_size_execute0_lowered;
	s3 =	sadd.s32 s3, s5;
	[dreg:$0x0] =	wrdreg $0x0  }
0x20: {  	s5 =	sshll.u32 s28, $0x1;
	[dreg:$0x2] =	wrdreg s3  }
0x21: {  	[dreg:$0x3] =	wrdreg s5  }
0x22: {  	[dreg:$0x4] =	wrdreg $0xC0  }
0x23: {  	_ =	task [dreg:s7], $0x5FFFF  }
0x24: {  	[dreg:$0x1] =	wrdreg $0xFFFFFFFF  }
0x25: {  	[dreg:$0x0] =	wrdreg $0x60  }
0x26: {  	[dreg:$0x2] =	wrdreg s25  }
0x27: {  	[dreg:$0x3] =	wrdreg s2  }
0x28: {  	[dreg:$0x4] =	wrdreg $0x9  }
0x29: {  	_ =	task.clear_ibuf [dreg:s7], $0x5FFFF;
	_ =	strace $0x90000049  }
0x2a: {  	s29 =	simm.s32 $0x9;
	_ =	strace $0x8000004B  }
0x2b: {  	_ =	swait.ge [sflag:s29], $0x1  }
0x2c: {  	[sflag:s29] =	ssyncadd.s32 $0xFFFFFFFF  }
0x2d: {  	_ =	strace $0x9000004B  }
0x2e: {  	_ =	sfence  }
0x2f: {  	s30 =	sld [smem:$0x0];
	_ =	sdelay $0x2  }
0x30: {  	s31 =	sshll.u32 s1, $0xD;
	s1 =	sshrl.u32 s1, $0x2  }
0x31: {  	s3 =	sand.u32 $0x4000, s31;
	s1 =	sadd.s32 s1, s30  }
0x32: {  	s0 =	sor.u32 s3, s0;
	s1 =	sshll.u32 s1, $0x11  }
0x33: {  	s0 =	sor.u32 s1, s0  }
0x34: {  	s0 =	sadd.s32 $0x8F2B, s0  }
0x35: {  	[sflag:s0] =	ssyncadd.remote.s32 $0x1  }
0x36: {  	_ =	sfence.sel $0xFFFF  }
0x37: {  	[dreg:$0x0] =	wrdreg $0xFFFFFFFF;
	(pc) =	sbr.abs _section_cstart, $3  }
0x38: {  	[dreg:$0x1] =	wrdreg $0xFFFFFFFF  }
0x39: {  	_ =	task.clear_ibuf [dreg:s7], $0x2FFFF;
	_ =	strace $0x9FFFFFFF  }
0x3a: {  	(tm) =	ssettm $0x7FFFFFFF  }
0x3b: {  	_ =	shalt  }
tec
execute0_lowered:
.L_overlay_start_1:
0x0: {  	(tag) =	ssettag $0x1  }
0x1: {  	s0 =	srdreg.scid  }
0x2: {  	s1 =	sshll.u32 s0, $0x4  }
0x3: {  	s0 =	stileid.u32;
	s1 =	sand.u32 $0x10, s1  }
0x4: {  	s1 =	sor.u32 s0, s1  }
0x5: {  	s6 =	rddreg [dreg:$0x0];
	s4 =	simm.s32 $0x1;
	s2 =	sshll.u32 s1, $0x7  }
0x6: {  	s7 =	simm.s32 $0x2;
	s12 =	simm.s32 $0x0;
	s1 =	ssub.s32 $0x1000, s2  }
0x7: {  	s8 =	simm.s32 $0x8000;
	s13 =	simm.s32 $0x0;
	s3 =	sand.u32 $0xF80, s1  }
0x8: {  	s9 =	simm.s32 $0x0;
	s5 =	sshrl.u32 s1, $0xC;
	p0 =	sne.s32 s3, $0x0  }
.Ltmp0:
0x9: {  	s1 =	rddreg [dreg:$0x2];
	s4 =	simm.s32 @!p0 $0x0;
	(pc) =	sbr.rel .LBB1_1-.Ltmp0, $4  }
0xa: {  	s11 =	simm.s32 $0x0;
	s3 =	rddreg [dreg:$0x1];
	s5 =	sadd.s32 s4, s5  }
0xb: {  	_ =	strace $0x8000004A;
	s4 =	simm.s32 $0x1;
	s5 =	smul.u32 $0xC8, s5  }
0xc: {  	s6 =	sadd.s32 $0xA00, s6;
	s10 =	smov.u32 s2;
	[sflag:s4] =	ssyncpa.u1 $0x0  }
0xd: {  	p0 =	por $0x0, $0x0;
	[sflag:s7] =	ssyncpa.u1 $0x0;
	s7 =	sor.u32 $0x1, s5  }
.LBB1_4:
0xe: {  	s16 =	sshll.u32 s13, $0x3;
	s17 =	sand.u32 $0x78, s13  }
0xf: {  	s30 =	sand.u32 $0x7E00, s13;
	s12 =	sshll.u32 s12, $0xF;
	s16 =	sand.u32 $0xC00, s16  }
0x10: {  	[tilespmem:s15+$0x810 ss:$0x81] =	vst.msk $0xffff, v2;
	s31 =	sand.u32 $0x7, s13;
	s16 =	sor.u32 s17, s16;
	s17 =	sadd.s32 s3, s30  }
0x11: {  	[tilespmem:s15+$0x1020 ss:$0x81] =	vst.msk $0xffff, v0;
	s13 =	sshll.u32 s31, $0x12;
	s12 =	sadd.s32 s12, s17;
	s16 =	sshrl.u32 s16, $0x3  }
0x12: {  	[tilespmem:s15+$0x0 ss:$0x81] =	vst.msk $0xffff, v1;
	s13 =	sor.u32 $0x400, s13;
	s12 =	sadd.s32 s16, s12  }
0x13: {  	[hbm4b:s12+s13] =	stream.strided.scatter [tilespmem:s14], [sflag:$0x2], $0x2000, s8, s13, $0x20;
	[tilespmem:$0x8080] =	vst v63  }
.LBB1_5:
0x14: {  	s14 =	sadd.s32 $0x1, s9  }
0x15: {  	s12 =	sadd.s32 $0x1000, s10;
	s16 =	smov.u32 s10;
	p2 =	sgt.s32 s14, $0xC7  }
0x16: {  	s16 =	smov.u32 @p2 s12  }
0x17: {  	s14 =	simm.s32 @p2 $0x0;
	p2 =	sgt.s32 s16, $0xFFF  }
0x18: {  	s16 =	smov.u32 @p2 s2;
	p2 =	sne.s32 s11, s7  }
.Ltmp1:
0x19: {  	p1 =	slt.u32 s11, $0x2;
	(pc) =	sbr.rel @!p2 .LBB1_6-.Ltmp1, $4  }
0x1a: {  	s15 =	simm.s32 @!p1 $0x2  }
0x1b: {  	s13 =	smov.u32 s10;
	p0 =	por !p0, !p0;
	_ =	swait.ge @!p1 [sflag:s15], $0x2000  }
0x1c: {  	s12 =	smov.u32 s9;
	[sflag:s15] =	ssyncset.done @!p1 $0x0;
	s9 =	smov.u32 s14  }
0x1d: {  	s11 =	sadd.s32 $0x1, s11;
	[sflag:s15] =	ssyncadd.s32 @!p1 $0xFFFFE000;
	s10 =	smov.u32 s16  }
.LBB1_1:
0x1e: {  	p1 =	sge.u32 s11, s5  }
0x1f: {  	s14 =	sand.u32 @!p1 $0x1FFFFFF, s9  }
0x20: {  	s15 =	smulhi.u32 @!p1 $0x147AE15, s14;
	_ =	sdelay $0x1  }
0x21: {  	s15 =	smul.u32 @!p1 $0xC8, s15  }
0x22: {  	s16 =	sxor.u32 @!p1 $0xFFFFFFFF, s11;
	s17 =	smul.u32 @!p1 $0xC80, s10  }
0x23: {  	s31 =	sadd.s32 $0xFFFFFFFF, s11;
	s16 =	sshll.u32 @!p1 s16, $0xD;
	s14 =	ssub.s32 @!p1 s14, s15  }
0x24: {  	s15 =	sand.u32 @!p1 $0x2000, s16;
	s16 =	sadd.s32 @!p1 s6, s17;
	s14 =	sshll.u32 @!p1 s14, $0x4  }
0x25: {  	s17 =	simm.s32 @!p1 $0x6400;
	s14 =	sadd.s32 @!p1 s14, s16;
	s16 =	simm.s32 @!p1 $0x40  }
0x26: {  	[tilespmem:s15], [sflag:$0x1] =	stream.strided.gather @!p1 [hbm4b:s14+s16], $0x2000, s17, s16, $0x38;
	[tilespmem:$0x8080] =	vst v63  }
0x27: {  	p1 =	sge.u32 s31, s5  }
.Ltmp2:
0x28: {  	_ = 	snop;
	(pc) =	sbr.rel @p1 .LBB1_5-.Ltmp2, $1  }
0x29: {  	_ =	sdelay $0x3  }
0x2a: {  	s14 =	simm.s32 $0x1  }
0x2b: {  	_ =	swait.ge [sflag:s4], $0x2000;
	s14 =	simm.s32 @!p0 $0x0  }
0x2c: {  	[sflag:s4] =	ssyncset.done $0x0;
	s15 =	sshll.u32 s14, $0xD  }
0x2d: {  	[sflag:s4] =	ssyncadd.s32 $0xFFFFE000;
	s18 =	sor.u32 $0x20, s15  }
0x2e: {  	s14 =	smul.u32 $0x8100, s14;
	v3 =	vld [tilespmem:s18+$0x10]  }
0x2f: {  	s30 =	sand.u32 $0x1, s11;
	v2 =	vld [tilespmem:s18+$0xFFFFFFF0]  }
0x30: {  	s15 =	smul.u32 $0x8100, s30;
	s14 =	sshrl.u32 s14, $0x2;
	v0 =	vld [tilespmem:s18+$0x0]  }
0x31: {  	v1 =	vld [tilespmem:s18+$0xFFFFFFE0];
	s16 =	sor.u32 $0x4000, s14  }
0x32: {  	s31 =	sshrl.u32 s15, $0x2;
	s15 =	sadd.s32 $0x0, s16  }
0x33: {  	s17 =	simm.s32 $0x4;
	s18 =	sadd.s32 $0x40, s18;
	s14 =	sor.u32 $0x4000, s31;
	[tilespmem:s15+$0x1830 ss:$0x81] =	vst.msk $0xffff, v3  }
.LBB1_3:
0x34: {  	v3 =	vld [tilespmem:s18+$0x10];
	p1 =	sne.s32 s17, $0x1FC;
	[tilespmem:s15+$0x810 ss:$0x81] =	vst.msk $0xffff, v2;
	s19 =	smov.u32 s17;
	s17 =	sadd.s32 $0x4, s17  }
.Ltmp3:
0x35: {  	v2 =	vld [tilespmem:s18+$0xFFFFFFF0];
	[tilespmem:s15+$0x1020 ss:$0x81] =	vst.msk $0xffff, v0;
	(pc) =	sbr.rel @p1 .LBB1_3-.Ltmp3, $4  }
0x36: {  	v0 =	vld [tilespmem:s18+$0x0];
	[tilespmem:s15+$0x0 ss:$0x81] =	vst.msk $0xffff, v1  }
0x37: {  	s15 =	sshra.s32 s19, $0x2;
	v1 =	vld [tilespmem:s18+$0xFFFFFFE0]  }
0x38: {  	s15 =	sadd.s32 s15, s16  }
0x39: {  	s18 =	sadd.s32 $0x40, s18;
	[tilespmem:s15+$0x1830 ss:$0x81] =	vst.msk $0xffff, v3  }
.Ltmp4:
0x3a: {  	_ = 	snop;
	(pc) =	sbr.rel .LBB1_4-.Ltmp4, $1  }
0x3b: {  	_ =	sdelay $0x3  }
.LBB1_6:
0x3c: {  	_ =	sfence.sel $0x180000  }
0x3d: {  	s2 =	simm.s32 $0x1;
	[bflag:$0x0] =	sbarrier.arrive $0xFFFF  }
0x3e: {  	s31 =	simm.s32 $0x2;
	[sflag:s2] =	ssyncpa.u1 $0x1  }
0x3f: {  	[sflag:s31] =	ssyncpa.u1 $0x1  }
0x40: {  	p0 =	sne.s32 s0, $0x0;
	_ =	strace $0x9000004A  }
0x41: {  	s0 =	sadd.s32 @!p0 $0x100000, s1;
	[bflag:$0x2] =	sbarrier.arrive $0xFFFF  }
0x42: {  	[sflag:s0] =	ssyncadd.tile.s32 @!p0 $0x1;
	_ =	shalt  }
.Lfunc_end1:
_tile_overlayer_lowered:
.L_overlay_start_2:
0x43: {  	(tag) =	ssettag $0x2  }
0x44: {  	s0 =	rddreg [dreg:$0x0];
	s2 =	stileid.u32  }
0x45: {  	s1 =	rddreg [dreg:$0x1];
	p0 =	sne.s32 s2, $0x0  }
0x46: {  	s3 =	rddreg [dreg:$0x2];
	[bflag:$0x3] =	sbarrier.arrive $0xFFFF;
	s2 =	simm.s32 @!p0 $0x1C01  }
0x47: {  	[timem:s3], [sflag:s2] =	dma.local @!p0 [hbm:s0], s1  }
0x48: {  	s0 =	simm.s32 @!p0 $0x1  }
0x49: {  	_ =	swait.ge @!p0 [sflag:s0], s1  }
0x4a: {  	s1 =	ssub.s32 @!p0 $0x0, s1;
	[sflag:s0] =	ssyncset.done @!p0 $0x0  }
0x4b: {  	[sflag:s0] =	ssyncadd.s32 @!p0 s1  }
0x4c: {  	[bflag:$0x3] =	sbarrier.arrive $0xFFFF  }
0x4d: {  	_ =	shalt  }

</sc_bundles>
